<compile_context>
chip_gen: v7x
topology: tpu7x:2x2x1
jax: 0.10.2.dev20260603
libtpu: 0.0.44.dev20260713+nightly
codegen_flags: <defaults>
</compile_context>

<pallas_src>
import jax
import jax.numpy as jnp
from jax import lax
from jax.experimental import pallas as pl
from jax.experimental.pallas import tpu as pltpu
from jax.experimental.pallas import tpu_sc as plsc

T = 2048
D = 1024
E = 64
F = 512
K = 2

BT_R = 512
BX = 128
NB = (T * K + E * BX) // BX
R_PAD = NB * BX

NC = 2
NS = 16
NW = NC * NS
TOK_W = T // NW
LANES = 16



def _router_body(x_ref, rw_ref, idx0_ref, idx1_ref, rank0_ref, rank1_ref,
                 w0_ref, w1_ref, offs_ref, eot_ref, work_ref, lrt_ref, acc_ref):
    t = pl.program_id(0)
    nb_t = pl.num_programs(0)
    x = x_ref[...]
    logits = jnp.dot(x, rw_ref[...], preferred_element_type=jnp.float32)
    bt, n_e = logits.shape
    e_iota = lax.broadcasted_iota(jnp.int32, (bt, n_e), 1)

    i1 = jnp.argmax(logits, axis=-1)[:, None]
    l1 = jnp.max(logits, axis=-1, keepdims=True)
    masked = jnp.where(e_iota == i1, -jnp.inf, logits)
    i2 = jnp.argmax(masked, axis=-1)[:, None]
    l2 = jnp.max(masked, axis=-1, keepdims=True)
    w_top = 1.0 / (1.0 + jnp.exp(l2 - l1))

    oh0 = (e_iota == i1).astype(jnp.float32)
    oh1 = (e_iota == i2).astype(jnp.float32)
    hist = oh0 + oh1

    @pl.when(t == 0)
    def _():
        acc_ref[...] = jnp.zeros_like(acc_ref)

    tri = (lax.broadcasted_iota(jnp.int32, (bt, bt), 0)
           > lax.broadcasted_iota(jnp.int32, (bt, bt), 1)).astype(jnp.float32)
    excl = jnp.dot(tri, hist, preferred_element_type=jnp.float32)
    g = excl + acc_ref[...]

    idx0_ref[...] = i1[:, 0]
    idx1_ref[...] = i2[:, 0]
    rank0_ref[...] = jnp.sum(oh0 * g, axis=1).astype(jnp.int32)
    rank1_ref[...] = jnp.sum(oh1 * g, axis=1).astype(jnp.int32)
    w0_ref[...] = w_top[:, 0]
    w1_ref[...] = 1.0 - w_top[:, 0]
    acc_ref[...] += jnp.sum(hist, axis=0, keepdims=True)

    @pl.when(t == nb_t - 1)
    def _():
        cnt = acc_ref[...]
        aligned = jnp.ceil(cnt / BX) * BX
        lt = (lax.broadcasted_iota(jnp.int32, (n_e, n_e), 0)
              < lax.broadcasted_iota(jnp.int32, (n_e, n_e), 1)).astype(jnp.float32)
        offs = jnp.dot(aligned, lt, preferred_element_type=jnp.float32)
        offs_ref[...] = offs[0].astype(jnp.int32)

        starts = lax.broadcasted_iota(jnp.int32, (NB, 1), 0).astype(
            jnp.float32) * BX
        eot = jnp.sum((offs <= starts).astype(jnp.float32), axis=1) - 1.0
        eot_i = eot.astype(jnp.int32)
        oh_e = (lax.broadcasted_iota(jnp.int32, (NB, n_e), 1)
                == eot_i[:, None]).astype(jnp.float32)
        end_tile = jnp.sum(oh_e * (offs + cnt), axis=1)
        eot_ref[...] = eot_i
        work = (starts[:, 0] < end_tile).astype(jnp.float32)
        work_ref[...] = work.astype(jnp.int32)
        jmat = lax.broadcasted_iota(jnp.int32, (NB, NB), 1)
        keep = ((lax.broadcasted_iota(jnp.int32, (NB, NB), 0) >= jmat)
                .astype(jnp.float32)) * work[None, :]
        lrt = jnp.max(jmat.astype(jnp.float32) * keep, axis=1)
        lrt_ref[...] = lrt.astype(jnp.int32)


def _run_router(hidden_states, router_W):
    outs = pl.pallas_call(
        _router_body,
        grid=(T // BT_R,),
        in_specs=[
            pl.BlockSpec((BT_R, D), lambda t: (t, 0)),
            pl.BlockSpec((D, E), lambda t: (0, 0)),
        ],
        out_specs=[
            pl.BlockSpec((BT_R,), lambda t: (t,)),
            pl.BlockSpec((BT_R,), lambda t: (t,)),
            pl.BlockSpec((BT_R,), lambda t: (t,)),
            pl.BlockSpec((BT_R,), lambda t: (t,)),
            pl.BlockSpec((BT_R,), lambda t: (t,)),
            pl.BlockSpec((BT_R,), lambda t: (t,)),
            pl.BlockSpec((E,), lambda t: (0,)),
            pl.BlockSpec((NB,), lambda t: (0,)),
            pl.BlockSpec((NB,), lambda t: (0,)),
            pl.BlockSpec((NB,), lambda t: (0,)),
        ],
        out_shape=[
            jax.ShapeDtypeStruct((T,), jnp.int32),
            jax.ShapeDtypeStruct((T,), jnp.int32),
            jax.ShapeDtypeStruct((T,), jnp.int32),
            jax.ShapeDtypeStruct((T,), jnp.int32),
            jax.ShapeDtypeStruct((T,), jnp.float32),
            jax.ShapeDtypeStruct((T,), jnp.float32),
            jax.ShapeDtypeStruct((E,), jnp.int32),
            jax.ShapeDtypeStruct((NB,), jnp.int32),
            jax.ShapeDtypeStruct((NB,), jnp.int32),
            jax.ShapeDtypeStruct((NB,), jnp.int32),
        ],
        scratch_shapes=[pltpu.VMEM((1, E), jnp.float32)],
    )(hidden_states, router_W)
    return outs



def _sc_scatter_body(x_hbm, idx0_hbm, idx1_hbm, rank0_hbm, rank1_hbm, offs_hbm,
                     xs_hbm, pos0_hbm, pos1_hbm,
                     rows_v, i0_v, i1_v, r0_v, r1_v, offs_v, p0_v, p1_v,
                     sem0, sem1):
    wid = lax.axis_index("s") * NC + lax.axis_index("c")
    base = wid * TOK_W
    pltpu.sync_copy(x_hbm.at[pl.ds(base, TOK_W)], rows_v)
    pltpu.sync_copy(idx0_hbm.at[pl.ds(base, TOK_W)], i0_v)
    pltpu.sync_copy(idx1_hbm.at[pl.ds(base, TOK_W)], i1_v)
    pltpu.sync_copy(rank0_hbm.at[pl.ds(base, TOK_W)], r0_v)
    pltpu.sync_copy(rank1_hbm.at[pl.ds(base, TOK_W)], r1_v)
    pltpu.sync_copy(offs_hbm, offs_v)
    for c in range(TOK_W // LANES):
        s = pl.ds(c * LANES, LANES)
        p0_v[s] = plsc.load_gather(offs_v, [i0_v[s]]) + r0_v[s]
        p1_v[s] = plsc.load_gather(offs_v, [i1_v[s]]) + r1_v[s]
    c0 = pltpu.async_copy(rows_v, xs_hbm.at[p0_v], sem0)
    c1 = pltpu.async_copy(rows_v, xs_hbm.at[p1_v], sem1)
    c0.wait()
    c1.wait()
    pltpu.sync_copy(p0_v, pos0_hbm.at[pl.ds(base, TOK_W)])
    pltpu.sync_copy(p1_v, pos1_hbm.at[pl.ds(base, TOK_W)])


def _run_scatter(hidden_states, idx0, idx1, rank0, rank1, offs):
    return pl.kernel(
        _sc_scatter_body,
        out_type=[
            jax.ShapeDtypeStruct((R_PAD, D), jnp.float32),
            jax.ShapeDtypeStruct((T,), jnp.int32),
            jax.ShapeDtypeStruct((T,), jnp.int32),
        ],
        mesh=plsc.VectorSubcoreMesh(core_axis_name="c", subcore_axis_name="s"),
        compiler_params=pltpu.CompilerParams(needs_layout_passes=False),
        scratch_types=[
            pltpu.VMEM((TOK_W, D), jnp.float32),
            pltpu.VMEM((TOK_W,), jnp.int32),
            pltpu.VMEM((TOK_W,), jnp.int32),
            pltpu.VMEM((TOK_W,), jnp.int32),
            pltpu.VMEM((TOK_W,), jnp.int32),
            pltpu.VMEM((E,), jnp.int32),
            pltpu.VMEM((TOK_W,), jnp.int32),
            pltpu.VMEM((TOK_W,), jnp.int32),
            pltpu.SemaphoreType.DMA,
            pltpu.SemaphoreType.DMA,
        ],
    )(hidden_states, idx0, idx1, rank0, rank1, offs)



def _expert_body(eot_ref, work_ref, lrt_ref, xs_ref, wg_ref, wu_ref, wd_ref,
                 os_ref):
    i = pl.program_id(0)

    @pl.when(work_ref[i] == 1)
    def _():
        x = xs_ref[...]
        h = jax.nn.silu(jnp.dot(x, wg_ref[0], preferred_element_type=jnp.float32))
        h = h * jnp.dot(x, wu_ref[0], preferred_element_type=jnp.float32)
        os_ref[...] = jnp.dot(h, wd_ref[0], preferred_element_type=jnp.float32)


def _run_experts(eot, work, lrt, xs, w_gate, w_up, w_down):
    grid_spec = pltpu.PrefetchScalarGridSpec(
        num_scalar_prefetch=3,
        grid=(NB,),
        in_specs=[
            pl.BlockSpec((BX, D), lambda i, eot, wk, lrt: (lrt[i], 0)),
            pl.BlockSpec((1, D, F), lambda i, eot, wk, lrt: (eot[i], 0, 0)),
            pl.BlockSpec((1, D, F), lambda i, eot, wk, lrt: (eot[i], 0, 0)),
            pl.BlockSpec((1, F, D), lambda i, eot, wk, lrt: (eot[i], 0, 0)),
        ],
        out_specs=pl.BlockSpec((BX, D), lambda i, eot, wk, lrt: (lrt[i], 0)),
    )
    return pl.pallas_call(
        _expert_body,
        grid_spec=grid_spec,
        out_shape=jax.ShapeDtypeStruct((R_PAD, D), jnp.float32),
    )(eot, work, lrt, xs, w_gate, w_up, w_down)



CH = 16
NCH = TOK_W // CH


def _sc_gather_body(os_hbm, pos0_hbm, pos1_hbm, w0_hbm, w1_hbm, y_hbm,
                    r0a_v, r1a_v, p0a_v, p1a_v,
                    r0b_v, r1b_v, p0b_v, p1b_v,
                    w0_v, w1_v,
                    sg0a, sg1a, soa, sg0b, sg1b, sob):
    wid = lax.axis_index("s") * NC + lax.axis_index("c")
    base = wid * TOK_W
    pltpu.sync_copy(w0_hbm.at[pl.ds(base, TOK_W)], w0_v)
    pltpu.sync_copy(w1_hbm.at[pl.ds(base, TOK_W)], w1_v)
    bufs = [(r0a_v, r1a_v, p0a_v, p1a_v, sg0a, sg1a, soa),
            (r0b_v, r1b_v, p0b_v, p1b_v, sg0b, sg1b, sob)]
    prev_out = [None, None]

    def fire(c):
        r0_v, r1_v, p0c, p1c, s0, s1, _ = bufs[c % 2]
        hb = base + c * CH
        pltpu.sync_copy(pos0_hbm.at[pl.ds(hb, CH)], p0c)
        pltpu.sync_copy(pos1_hbm.at[pl.ds(hb, CH)], p1c)
        if prev_out[c % 2] is not None:
            prev_out[c % 2].wait()
        g0 = pltpu.async_copy(os_hbm.at[p0c], r0_v, s0)
        g1 = pltpu.async_copy(os_hbm.at[p1c], r1_v, s1)
        return g0, g1

    pend = fire(0)
    for c in range(NCH):
        nxt = fire(c + 1) if c + 1 < NCH else None
        g0, g1 = pend
        g0.wait()
        g1.wait()
        r0_v, r1_v, _, _, _, _, so = bufs[c % 2]

        def row_body(r, _, c=c, r0_v=r0_v, r1_v=r1_v):
            iv = jnp.full((LANES,), c * CH + r, jnp.int32)
            w0b = plsc.load_gather(w0_v, [iv])
            w1b = plsc.load_gather(w1_v, [iv])
            for u in range(D // LANES):
                su = pl.ds(u * LANES, LANES)
                r0_v[r, su] = r0_v[r, su] * w0b + r1_v[r, su] * w1b
            return 0

        lax.fori_loop(0, CH, row_body, 0)
        prev_out[c % 2] = pltpu.async_copy(
            r0_v, y_hbm.at[pl.ds(base + c * CH, CH)], so)
        pend = nxt
    prev_out[0].wait()
    prev_out[1].wait()


def _run_gather_combine(os_arr, pos0, pos1, w0, w1):
    return pl.kernel(
        _sc_gather_body,
        out_type=jax.ShapeDtypeStruct((T, D), jnp.float32),
        mesh=plsc.VectorSubcoreMesh(core_axis_name="c", subcore_axis_name="s"),
        compiler_params=pltpu.CompilerParams(needs_layout_passes=False),
        scratch_types=[
            pltpu.VMEM((CH, D), jnp.float32),
            pltpu.VMEM((CH, D), jnp.float32),
            pltpu.VMEM((CH,), jnp.int32),
            pltpu.VMEM((CH,), jnp.int32),
            pltpu.VMEM((CH, D), jnp.float32),
            pltpu.VMEM((CH, D), jnp.float32),
            pltpu.VMEM((CH,), jnp.int32),
            pltpu.VMEM((CH,), jnp.int32),
            pltpu.VMEM((TOK_W,), jnp.float32),
            pltpu.VMEM((TOK_W,), jnp.float32),
            pltpu.SemaphoreType.DMA,
            pltpu.SemaphoreType.DMA,
            pltpu.SemaphoreType.DMA,
            pltpu.SemaphoreType.DMA,
            pltpu.SemaphoreType.DMA,
            pltpu.SemaphoreType.DMA,
        ],
    )(os_arr, pos0, pos1, w0, w1)


@jax.jit
def kernel(hidden_states, router_W, w_gate, w_up, w_down):
    assert hidden_states.shape == (T, D)
    assert router_W.shape == (D, E)
    assert w_gate.shape == (E, D, F)
    idx0, idx1, rank0, rank1, w0, w1, offs, eot, work, lrt = _run_router(
        hidden_states, router_W)
    xs, pos0, pos1 = _run_scatter(hidden_states, idx0, idx1, rank0, rank1, offs)
    os_arr = _run_experts(eot, work, lrt, xs, w_gate, w_up, w_down)
    return _run_gather_combine(os_arr, pos0, pos1, w0, w1)

# --- scband reference (transcript-rebuilt; emitter-appended) ---
"""Pipeline reference for scband-gemma4-sparse-moe-block-6253472383792 (READ-ONLY COPY).

The authoritative reference and input builder live on the scoring server;
editing this copy changes nothing except your own understanding.
"""

import jax, jax.numpy as jnp
import numpy as np

T = 2048
D = 1024
E = 64
F = 512
K = 2


def setup_inputs(seed: int = 0) -> dict:
    key = jax.random.key(seed)
    ks = jax.random.split(key, 5)
    hidden_states = jax.random.normal(ks[0], (T, D), dtype=jnp.float32)
    router_W = jax.random.normal(ks[1], (D, E), dtype=jnp.float32) * (1.0 / np.sqrt(D))
    w_gate = jax.random.normal(ks[2], (E, D, F), dtype=jnp.float32) * (1.0 / np.sqrt(D))
    w_up = jax.random.normal(ks[3], (E, D, F), dtype=jnp.float32) * (1.0 / np.sqrt(D))
    w_down = jax.random.normal(ks[4], (E, F, D), dtype=jnp.float32) * (1.0 / np.sqrt(F))
    return {
        "hidden_states": hidden_states,
        "router_W": router_W,
        "w_gate": w_gate,
        "w_up": w_up,
        "w_down": w_down,
    }


def reference(hidden_states, router_W, w_gate, w_up, w_down):
    # Router: linear (no bias) -> softmax -> top-k -> renormalize (FusedMoE semantics)
    router_logits = hidden_states @ router_W                       # [T, E]
    probs = jax.nn.softmax(router_logits, axis=-1)                 # [T, E]
    topk_w, topk_idx = jax.lax.top_k(probs, K)                     # [T, K]
    topk_w = topk_w / jnp.sum(topk_w, axis=-1, keepdims=True)      # renormalize
    # Scatter top-k weights back into a dense [T, E] combine matrix
    one_hot = jax.nn.one_hot(topk_idx, E, dtype=topk_w.dtype)      # [T, K, E]
    full_w = jnp.einsum("tk,tke->te", topk_w, one_hot).astype(hidden_states.dtype)

    # Expert computation: SiLU gate * up, then down projection; combine weighted
    def body(acc, ws):
        wg, wu, wd, we = ws                                        # per-expert slices
        h = jax.nn.silu(hidden_states @ wg) * (hidden_states @ wu)  # [T, F]
        return acc + we[:, None] * (h @ wd), None

    init = jnp.zeros_like(hidden_states)
    out, _ = jax.lax.scan(body, init, (w_gate, w_up, w_down, full_w.T))
    return out

if __name__ == "__main__":
    import jax
    _d = setup_inputs()
    print(jax.jit(kernel)(*tuple(_d.values())))

</pallas_src>

<mosaic_0001>
#map = affine_map<(d0, d1) -> (0, 0)>
#map1 = affine_map<(d0, d1) -> (0)>
module attributes {stable_mosaic.version = 14 : i64} {
  func.func @_sc_scatter_body(%arg0: i32, %arg1: i32, %arg2: memref<2048x1024xf32, #tpu.memory_space<hbm>>, %arg3: memref<2048xi32, #tpu.memory_space<hbm>>, %arg4: memref<2048xi32, #tpu.memory_space<hbm>>, %arg5: memref<2048xi32, #tpu.memory_space<hbm>>, %arg6: memref<2048xi32, #tpu.memory_space<hbm>>, %arg7: memref<64xi32, #tpu.memory_space<hbm>>, %arg8: memref<12288x1024xf32, #tpu.memory_space<hbm>>, %arg9: memref<2048xi32, #tpu.memory_space<hbm>>, %arg10: memref<2048xi32, #tpu.memory_space<hbm>>, %arg11: memref<64x1024xf32, #tpu.memory_space<vmem>>, %arg12: memref<64xi32, #tpu.memory_space<vmem>>, %arg13: memref<64xi32, #tpu.memory_space<vmem>>, %arg14: memref<64xi32, #tpu.memory_space<vmem>>, %arg15: memref<64xi32, #tpu.memory_space<vmem>>, %arg16: memref<64xi32, #tpu.memory_space<vmem>>, %arg17: memref<64xi32, #tpu.memory_space<vmem>>, %arg18: memref<64xi32, #tpu.memory_space<vmem>>, %arg19: memref<!tpu.dma_semaphore, #tpu.memory_space<semaphore_mem>>, %arg20: memref<!tpu.dma_semaphore, #tpu.memory_space<semaphore_mem>>) attributes {dimension_semantics = [#tpu.dimension_semantics<core_parallel>, #tpu.dimension_semantics<subcore_parallel>], iteration_bounds = array<i64: 2, 16>, scalar_prefetch = 0 : i64, scratch_operands = 10 : i64, tpu.core_type = #tpu.core_type<sc_vector_subcore>, window_params = [{transform_indices = #map}, {transform_indices = #map1}, {transform_indices = #map1}, {transform_indices = #map1}, {transform_indices = #map1}, {transform_indices = #map1}, {transform_indices = #map}, {transform_indices = #map1}, {transform_indices = #map1}]} {
    %mul3A = arith.constant 2 : i32
    %mul3A_0 = arith.muli %arg1, %mul3A : i32
    %add3A = arith.addi %mul3A_0, %arg0 : i32
    %mul3A_1 = arith.constant 64 : i32
    %mul3A_2 = arith.muli %add3A, %mul3A_1 : i32
    "tpu.region"() ({
      %run_scoped3A = tpu.sem_alloc : memref<!tpu.dma_semaphore, #tpu.memory_space<semaphore_mem>>
      %dma_start3A_74 = arith.constant 0 : i32
      %dma_start3A_75 = tpu.memref_slice %arg2[%mul3A_2, %dma_start3A_74] : memref<2048x1024xf32, #tpu.memory_space<hbm>> -> memref<64x1024xf32, #tpu.memory_space<hbm>>
      %dma_start3A_76 = arith.constant 0 : i32
      %dma_start3A_77 = tpu.memref_slice %arg2[%mul3A_2, %dma_start3A_76] : memref<2048x1024xf32, #tpu.memory_space<hbm>> -> memref<64x1024xf32, #tpu.memory_space<hbm>>
      tpu.enqueue_dma source(%dma_start3A_77 : memref<64x1024xf32, #tpu.memory_space<hbm>>) target(%arg11 : memref<64x1024xf32, #tpu.memory_space<vmem>>) target_semaphore(%run_scoped3A : memref<!tpu.dma_semaphore, #tpu.memory_space<semaphore_mem>>)
      %dma_wait3A_78 = arith.constant 0 : i32
      %dma_wait3A_79 = tpu.memref_slice %arg2[%mul3A_2, %dma_wait3A_78] : memref<2048x1024xf32, #tpu.memory_space<hbm>> -> memref<64x1024xf32, #tpu.memory_space<hbm>>
      %dma_wait3A_80 = arith.constant 0 : i32
      %dma_wait3A_81 = tpu.memref_slice %arg2[%mul3A_2, %dma_wait3A_80] : memref<2048x1024xf32, #tpu.memory_space<hbm>> -> memref<64x1024xf32, #tpu.memory_space<hbm>>
      tpu.wait_dma2 semaphore(%run_scoped3A : memref<!tpu.dma_semaphore, #tpu.memory_space<semaphore_mem>>) src(%dma_wait3A_81 : memref<64x1024xf32, #tpu.memory_space<hbm>>) dst(%arg11 : memref<64x1024xf32, #tpu.memory_space<vmem>>)
      tpu.yield
    }) : () -> ()
    "tpu.region"() ({
      %run_scoped3A = tpu.sem_alloc : memref<!tpu.dma_semaphore, #tpu.memory_space<semaphore_mem>>
      %dma_start3A_74 = tpu.memref_slice %arg3[%mul3A_2] : memref<2048xi32, #tpu.memory_space<hbm>> -> memref<64xi32, #tpu.memory_space<hbm>>
      %dma_start3A_75 = tpu.memref_slice %arg3[%mul3A_2] : memref<2048xi32, #tpu.memory_space<hbm>> -> memref<64xi32, #tpu.memory_space<hbm>>
      tpu.enqueue_dma source(%dma_start3A_75 : memref<64xi32, #tpu.memory_space<hbm>>) target(%arg12 : memref<64xi32, #tpu.memory_space<vmem>>) target_semaphore(%run_scoped3A : memref<!tpu.dma_semaphore, #tpu.memory_space<semaphore_mem>>)
      %dma_wait3A_76 = tpu.memref_slice %arg3[%mul3A_2] : memref<2048xi32, #tpu.memory_space<hbm>> -> memref<64xi32, #tpu.memory_space<hbm>>
      %dma_wait3A_77 = tpu.memref_slice %arg3[%mul3A_2] : memref<2048xi32, #tpu.memory_space<hbm>> -> memref<64xi32, #tpu.memory_space<hbm>>
      tpu.wait_dma2 semaphore(%run_scoped3A : memref<!tpu.dma_semaphore, #tpu.memory_space<semaphore_mem>>) src(%dma_wait3A_77 : memref<64xi32, #tpu.memory_space<hbm>>) dst(%arg12 : memref<64xi32, #tpu.memory_space<vmem>>)
      tpu.yield
    }) : () -> ()
    "tpu.region"() ({
      %run_scoped3A = tpu.sem_alloc : memref<!tpu.dma_semaphore, #tpu.memory_space<semaphore_mem>>
      %dma_start3A_74 = tpu.memref_slice %arg4[%mul3A_2] : memref<2048xi32, #tpu.memory_space<hbm>> -> memref<64xi32, #tpu.memory_space<hbm>>
      %dma_start3A_75 = tpu.memref_slice %arg4[%mul3A_2] : memref<2048xi32, #tpu.memory_space<hbm>> -> memref<64xi32, #tpu.memory_space<hbm>>
      tpu.enqueue_dma source(%dma_start3A_75 : memref<64xi32, #tpu.memory_space<hbm>>) target(%arg13 : memref<64xi32, #tpu.memory_space<vmem>>) target_semaphore(%run_scoped3A : memref<!tpu.dma_semaphore, #tpu.memory_space<semaphore_mem>>)
      %dma_wait3A_76 = tpu.memref_slice %arg4[%mul3A_2] : memref<2048xi32, #tpu.memory_space<hbm>> -> memref<64xi32, #tpu.memory_space<hbm>>
      %dma_wait3A_77 = tpu.memref_slice %arg4[%mul3A_2] : memref<2048xi32, #tpu.memory_space<hbm>> -> memref<64xi32, #tpu.memory_space<hbm>>
      tpu.wait_dma2 semaphore(%run_scoped3A : memref<!tpu.dma_semaphore, #tpu.memory_space<semaphore_mem>>) src(%dma_wait3A_77 : memref<64xi32, #tpu.memory_space<hbm>>) dst(%arg13 : memref<64xi32, #tpu.memory_space<vmem>>)
      tpu.yield
    }) : () -> ()
    "tpu.region"() ({
      %run_scoped3A = tpu.sem_alloc : memref<!tpu.dma_semaphore, #tpu.memory_space<semaphore_mem>>
      %dma_start3A_74 = tpu.memref_slice %arg5[%mul3A_2] : memref<2048xi32, #tpu.memory_space<hbm>> -> memref<64xi32, #tpu.memory_space<hbm>>
      %dma_start3A_75 = tpu.memref_slice %arg5[%mul3A_2] : memref<2048xi32, #tpu.memory_space<hbm>> -> memref<64xi32, #tpu.memory_space<hbm>>
      tpu.enqueue_dma source(%dma_start3A_75 : memref<64xi32, #tpu.memory_space<hbm>>) target(%arg14 : memref<64xi32, #tpu.memory_space<vmem>>) target_semaphore(%run_scoped3A : memref<!tpu.dma_semaphore, #tpu.memory_space<semaphore_mem>>)
      %dma_wait3A_76 = tpu.memref_slice %arg5[%mul3A_2] : memref<2048xi32, #tpu.memory_space<hbm>> -> memref<64xi32, #tpu.memory_space<hbm>>
      %dma_wait3A_77 = tpu.memref_slice %arg5[%mul3A_2] : memref<2048xi32, #tpu.memory_space<hbm>> -> memref<64xi32, #tpu.memory_space<hbm>>
      tpu.wait_dma2 semaphore(%run_scoped3A : memref<!tpu.dma_semaphore, #tpu.memory_space<semaphore_mem>>) src(%dma_wait3A_77 : memref<64xi32, #tpu.memory_space<hbm>>) dst(%arg14 : memref<64xi32, #tpu.memory_space<vmem>>)
      tpu.yield
    }) : () -> ()
    "tpu.region"() ({
      %run_scoped3A = tpu.sem_alloc : memref<!tpu.dma_semaphore, #tpu.memory_space<semaphore_mem>>
      %dma_start3A_74 = tpu.memref_slice %arg6[%mul3A_2] : memref<2048xi32, #tpu.memory_space<hbm>> -> memref<64xi32, #tpu.memory_space<hbm>>
      %dma_start3A_75 = tpu.memref_slice %arg6[%mul3A_2] : memref<2048xi32, #tpu.memory_space<hbm>> -> memref<64xi32, #tpu.memory_space<hbm>>
      tpu.enqueue_dma source(%dma_start3A_75 : memref<64xi32, #tpu.memory_space<hbm>>) target(%arg15 : memref<64xi32, #tpu.memory_space<vmem>>) target_semaphore(%run_scoped3A : memref<!tpu.dma_semaphore, #tpu.memory_space<semaphore_mem>>)
      %dma_wait3A_76 = tpu.memref_slice %arg6[%mul3A_2] : memref<2048xi32, #tpu.memory_space<hbm>> -> memref<64xi32, #tpu.memory_space<hbm>>
      %dma_wait3A_77 = tpu.memref_slice %arg6[%mul3A_2] : memref<2048xi32, #tpu.memory_space<hbm>> -> memref<64xi32, #tpu.memory_space<hbm>>
      tpu.wait_dma2 semaphore(%run_scoped3A : memref<!tpu.dma_semaphore, #tpu.memory_space<semaphore_mem>>) src(%dma_wait3A_77 : memref<64xi32, #tpu.memory_space<hbm>>) dst(%arg15 : memref<64xi32, #tpu.memory_space<vmem>>)
      tpu.yield
    }) : () -> ()
    "tpu.region"() ({
      %run_scoped3A = tpu.sem_alloc : memref<!tpu.dma_semaphore, #tpu.memory_space<semaphore_mem>>
      tpu.enqueue_dma source(%arg7 : memref<64xi32, #tpu.memory_space<hbm>>) target(%arg16 : memref<64xi32, #tpu.memory_space<vmem>>) target_semaphore(%run_scoped3A : memref<!tpu.dma_semaphore, #tpu.memory_space<semaphore_mem>>)
      tpu.wait_dma2 semaphore(%run_scoped3A : memref<!tpu.dma_semaphore, #tpu.memory_space<semaphore_mem>>) src(%arg7 : memref<64xi32, #tpu.memory_space<hbm>>) dst(%arg16 : memref<64xi32, #tpu.memory_space<vmem>>)
      tpu.yield
    }) : () -> ()
    %get3A = arith.constant 0 : index
    %get3A_3 = tpu.vector_load %arg12[%get3A] {strides = array<i32>} : memref<64xi32, #tpu.memory_space<vmem>>, vector<16xi32>,
    %gather3A = tpu.vector_load_idx %arg16[%get3A_3] : memref<64xi32, #tpu.memory_space<vmem>>[vector<16xi32>], vector<16xi32>,
    %get3A_4 = arith.constant 0 : index
    %get3A_5 = tpu.vector_load %arg14[%get3A_4] {strides = array<i32>} : memref<64xi32, #tpu.memory_space<vmem>>, vector<16xi32>,
    %add3A_6 = arith.addi %gather3A, %get3A_5 : vector<16xi32>
    %swap3A = arith.constant 0 : index
    %swap3A_7 = tpu.vector_load %arg17[%swap3A] {strides = array<i32>} : memref<64xi32, #tpu.memory_space<vmem>>, vector<16xi32>,
    tpu.vector_store %arg17[%swap3A], %add3A_6 {strides = array<i32>} : memref<64xi32, #tpu.memory_space<vmem>>, vector<16xi32>,
    %get3A_8 = arith.constant 0 : index
    %get3A_9 = tpu.vector_load %arg13[%get3A_8] {strides = array<i32>} : memref<64xi32, #tpu.memory_space<vmem>>, vector<16xi32>,
    %gather3A_10 = tpu.vector_load_idx %arg16[%get3A_9] : memref<64xi32, #tpu.memory_space<vmem>>[vector<16xi32>], vector<16xi32>,
    %get3A_11 = arith.constant 0 : index
    %get3A_12 = tpu.vector_load %arg15[%get3A_11] {strides = array<i32>} : memref<64xi32, #tpu.memory_space<vmem>>, vector<16xi32>,
    %add3A_13 = arith.addi %gather3A_10, %get3A_12 : vector<16xi32>
    %swap3A_14 = arith.constant 0 : index
    %swap3A_15 = tpu.vector_load %arg18[%swap3A_14] {strides = array<i32>} : memref<64xi32, #tpu.memory_space<vmem>>, vector<16xi32>,
    tpu.vector_store %arg18[%swap3A_14], %add3A_13 {strides = array<i32>} : memref<64xi32, #tpu.memory_space<vmem>>, vector<16xi32>,
    %get3A_16 = arith.constant 16 : index
    %get3A_17 = tpu.vector_load %arg12[%get3A_16] {strides = array<i32>} : memref<64xi32, #tpu.memory_space<vmem>>, vector<16xi32>,
    %gather3A_18 = tpu.vector_load_idx %arg16[%get3A_17] : memref<64xi32, #tpu.memory_space<vmem>>[vector<16xi32>], vector<16xi32>,
    %get3A_19 = arith.constant 16 : index
    %get3A_20 = tpu.vector_load %arg14[%get3A_19] {strides = array<i32>} : memref<64xi32, #tpu.memory_space<vmem>>, vector<16xi32>,
    %add3A_21 = arith.addi %gather3A_18, %get3A_20 : vector<16xi32>
    %swap3A_22 = arith.constant 16 : index
    %swap3A_23 = tpu.vector_load %arg17[%swap3A_22] {strides = array<i32>} : memref<64xi32, #tpu.memory_space<vmem>>, vector<16xi32>,
    tpu.vector_store %arg17[%swap3A_22], %add3A_21 {strides = array<i32>} : memref<64xi32, #tpu.memory_space<vmem>>, vector<16xi32>,
    %get3A_24 = arith.constant 16 : index
    %get3A_25 = tpu.vector_load %arg13[%get3A_24] {strides = array<i32>} : memref<64xi32, #tpu.memory_space<vmem>>, vector<16xi32>,
    %gather3A_26 = tpu.vector_load_idx %arg16[%get3A_25] : memref<64xi32, #tpu.memory_space<vmem>>[vector<16xi32>], vector<16xi32>,
    %get3A_27 = arith.constant 16 : index
    %get3A_28 = tpu.vector_load %arg15[%get3A_27] {strides = array<i32>} : memref<64xi32, #tpu.memory_space<vmem>>, vector<16xi32>,
    %add3A_29 = arith.addi %gather3A_26, %get3A_28 : vector<16xi32>
    %swap3A_30 = arith.constant 16 : index
    %swap3A_31 = tpu.vector_load %arg18[%swap3A_30] {strides = array<i32>} : memref<64xi32, #tpu.memory_space<vmem>>, vector<16xi32>,
    tpu.vector_store %arg18[%swap3A_30], %add3A_29 {strides = array<i32>} : memref<64xi32, #tpu.memory_space<vmem>>, vector<16xi32>,
    %get3A_32 = arith.constant 32 : index
    %get3A_33 = tpu.vector_load %arg12[%get3A_32] {strides = array<i32>} : memref<64xi32, #tpu.memory_space<vmem>>, vector<16xi32>,
    %gather3A_34 = tpu.vector_load_idx %arg16[%get3A_33] : memref<64xi32, #tpu.memory_space<vmem>>[vector<16xi32>], vector<16xi32>,
    %get3A_35 = arith.constant 32 : index
    %get3A_36 = tpu.vector_load %arg14[%get3A_35] {strides = array<i32>} : memref<64xi32, #tpu.memory_space<vmem>>, vector<16xi32>,
    %add3A_37 = arith.addi %gather3A_34, %get3A_36 : vector<16xi32>
    %swap3A_38 = arith.constant 32 : index
    %swap3A_39 = tpu.vector_load %arg17[%swap3A_38] {strides = array<i32>} : memref<64xi32, #tpu.memory_space<vmem>>, vector<16xi32>,
    tpu.vector_store %arg17[%swap3A_38], %add3A_37 {strides = array<i32>} : memref<64xi32, #tpu.memory_space<vmem>>, vector<16xi32>,
    %get3A_40 = arith.constant 32 : index
    %get3A_41 = tpu.vector_load %arg13[%get3A_40] {strides = array<i32>} : memref<64xi32, #tpu.memory_space<vmem>>, vector<16xi32>,
    %gather3A_42 = tpu.vector_load_idx %arg16[%get3A_41] : memref<64xi32, #tpu.memory_space<vmem>>[vector<16xi32>], vector<16xi32>,
    %get3A_43 = arith.constant 32 : index
    %get3A_44 = tpu.vector_load %arg15[%get3A_43] {strides = array<i32>} : memref<64xi32, #tpu.memory_space<vmem>>, vector<16xi32>,
    %add3A_45 = arith.addi %gather3A_42, %get3A_44 : vector<16xi32>
    %swap3A_46 = arith.constant 32 : index
    %swap3A_47 = tpu.vector_load %arg18[%swap3A_46] {strides = array<i32>} : memref<64xi32, #tpu.memory_space<vmem>>, vector<16xi32>,
    tpu.vector_store %arg18[%swap3A_46], %add3A_45 {strides = array<i32>} : memref<64xi32, #tpu.memory_space<vmem>>, vector<16xi32>,
    %get3A_48 = arith.constant 48 : index
    %get3A_49 = tpu.vector_load %arg12[%get3A_48] {strides = array<i32>} : memref<64xi32, #tpu.memory_space<vmem>>, vector<16xi32>,
    %gather3A_50 = tpu.vector_load_idx %arg16[%get3A_49] : memref<64xi32, #tpu.memory_space<vmem>>[vector<16xi32>], vector<16xi32>,
    %get3A_51 = arith.constant 48 : index
    %get3A_52 = tpu.vector_load %arg14[%get3A_51] {strides = array<i32>} : memref<64xi32, #tpu.memory_space<vmem>>, vector<16xi32>,
    %add3A_53 = arith.addi %gather3A_50, %get3A_52 : vector<16xi32>
    %swap3A_54 = arith.constant 48 : index
    %swap3A_55 = tpu.vector_load %arg17[%swap3A_54] {strides = array<i32>} : memref<64xi32, #tpu.memory_space<vmem>>, vector<16xi32>,
    tpu.vector_store %arg17[%swap3A_54], %add3A_53 {strides = array<i32>} : memref<64xi32, #tpu.memory_space<vmem>>, vector<16xi32>,
    %get3A_56 = arith.constant 48 : index
    %get3A_57 = tpu.vector_load %arg13[%get3A_56] {strides = array<i32>} : memref<64xi32, #tpu.memory_space<vmem>>, vector<16xi32>,
    %gather3A_58 = tpu.vector_load_idx %arg16[%get3A_57] : memref<64xi32, #tpu.memory_space<vmem>>[vector<16xi32>], vector<16xi32>,
    %get3A_59 = arith.constant 48 : index
    %get3A_60 = tpu.vector_load %arg15[%get3A_59] {strides = array<i32>} : memref<64xi32, #tpu.memory_space<vmem>>, vector<16xi32>,
    %add3A_61 = arith.addi %gather3A_58, %get3A_60 : vector<16xi32>
    %swap3A_62 = arith.constant 48 : index
    %swap3A_63 = tpu.vector_load %arg18[%swap3A_62] {strides = array<i32>} : memref<64xi32, #tpu.memory_space<vmem>>, vector<16xi32>,
    tpu.vector_store %arg18[%swap3A_62], %add3A_61 {strides = array<i32>} : memref<64xi32, #tpu.memory_space<vmem>>, vector<16xi32>,
    %dma_start3A = arith.constant 0 : i32
    %dma_start3A_64 = arith.constant 0 : i32
    %dma_start3A_65 = tpu.memref_slice %arg8[%dma_start3A, %dma_start3A_64] : memref<12288x1024xf32, #tpu.memory_space<hbm>> -> memref<12288x1024xf32, #tpu.memory_space<hbm>>
    tpu.enqueue_indirect_dma source(%arg11 : memref<64x1024xf32, #tpu.memory_space<vmem>>) target(%dma_start3A_65 : memref<12288x1024xf32, #tpu.memory_space<hbm>>) offsets(%arg17 : memref<64xi32, #tpu.memory_space<vmem>>) semaphore(%arg19 : memref<!tpu.dma_semaphore, #tpu.memory_space<semaphore_mem>>)
    %dma_start3A_66 = arith.constant 0 : i32
    %dma_start3A_67 = arith.constant 0 : i32
    %dma_start3A_68 = tpu.memref_slice %arg8[%dma_start3A_66, %dma_start3A_67] : memref<12288x1024xf32, #tpu.memory_space<hbm>> -> memref<12288x1024xf32, #tpu.memory_space<hbm>>
    tpu.enqueue_indirect_dma source(%arg11 : memref<64x1024xf32, #tpu.memory_space<vmem>>) target(%dma_start3A_68 : memref<12288x1024xf32, #tpu.memory_space<hbm>>) offsets(%arg18 : memref<64xi32, #tpu.memory_space<vmem>>) semaphore(%arg20 : memref<!tpu.dma_semaphore, #tpu.memory_space<semaphore_mem>>)
    %dma_wait3A = arith.constant 0 : i32
    %dma_wait3A_69 = arith.constant 0 : i32
    %dma_wait3A_70 = tpu.memref_slice %arg8[%dma_wait3A, %dma_wait3A_69] : memref<12288x1024xf32, #tpu.memory_space<hbm>> -> memref<12288x1024xf32, #tpu.memory_space<hbm>>
    tpu.wait_indirect_dma semaphore(%arg19 : memref<!tpu.dma_semaphore, #tpu.memory_space<semaphore_mem>>) src(%arg11 : memref<64x1024xf32, #tpu.memory_space<vmem>>) dst(%dma_wait3A_70 : memref<12288x1024xf32, #tpu.memory_space<hbm>>)
    %dma_wait3A_71 = arith.constant 0 : i32
    %dma_wait3A_72 = arith.constant 0 : i32
    %dma_wait3A_73 = tpu.memref_slice %arg8[%dma_wait3A_71, %dma_wait3A_72] : memref<12288x1024xf32, #tpu.memory_space<hbm>> -> memref<12288x1024xf32, #tpu.memory_space<hbm>>
    tpu.wait_indirect_dma semaphore(%arg20 : memref<!tpu.dma_semaphore, #tpu.memory_space<semaphore_mem>>) src(%arg11 : memref<64x1024xf32, #tpu.memory_space<vmem>>) dst(%dma_wait3A_73 : memref<12288x1024xf32, #tpu.memory_space<hbm>>)
    "tpu.region"() ({
      %run_scoped3A = tpu.sem_alloc : memref<!tpu.dma_semaphore, #tpu.memory_space<semaphore_mem>>
      %dma_start3A_74 = tpu.memref_slice %arg9[%mul3A_2] : memref<2048xi32, #tpu.memory_space<hbm>> -> memref<64xi32, #tpu.memory_space<hbm>>
      %dma_start3A_75 = tpu.memref_slice %arg9[%mul3A_2] : memref<2048xi32, #tpu.memory_space<hbm>> -> memref<64xi32, #tpu.memory_space<hbm>>
      tpu.enqueue_dma source(%arg17 : memref<64xi32, #tpu.memory_space<vmem>>) target(%dma_start3A_75 : memref<64xi32, #tpu.memory_space<hbm>>) target_semaphore(%run_scoped3A : memref<!tpu.dma_semaphore, #tpu.memory_space<semaphore_mem>>)
      %dma_wait3A_76 = tpu.memref_slice %arg9[%mul3A_2] : memref<2048xi32, #tpu.memory_space<hbm>> -> memref<64xi32, #tpu.memory_space<hbm>>
      %dma_wait3A_77 = tpu.memref_slice %arg9[%mul3A_2] : memref<2048xi32, #tpu.memory_space<hbm>> -> memref<64xi32, #tpu.memory_space<hbm>>
      tpu.wait_dma2 semaphore(%run_scoped3A : memref<!tpu.dma_semaphore, #tpu.memory_space<semaphore_mem>>) src(%arg17 : memref<64xi32, #tpu.memory_space<vmem>>) dst(%dma_wait3A_77 : memref<64xi32, #tpu.memory_space<hbm>>)
      tpu.yield
    }) : () -> ()
    "tpu.region"() ({
      %run_scoped3A = tpu.sem_alloc : memref<!tpu.dma_semaphore, #tpu.memory_space<semaphore_mem>>
      %dma_start3A_74 = tpu.memref_slice %arg10[%mul3A_2] : memref<2048xi32, #tpu.memory_space<hbm>> -> memref<64xi32, #tpu.memory_space<hbm>>
      %dma_start3A_75 = tpu.memref_slice %arg10[%mul3A_2] : memref<2048xi32, #tpu.memory_space<hbm>> -> memref<64xi32, #tpu.memory_space<hbm>>
      tpu.enqueue_dma source(%arg18 : memref<64xi32, #tpu.memory_space<vmem>>) target(%dma_start3A_75 : memref<64xi32, #tpu.memory_space<hbm>>) target_semaphore(%run_scoped3A : memref<!tpu.dma_semaphore, #tpu.memory_space<semaphore_mem>>)
      %dma_wait3A_76 = tpu.memref_slice %arg10[%mul3A_2] : memref<2048xi32, #tpu.memory_space<hbm>> -> memref<64xi32, #tpu.memory_space<hbm>>
      %dma_wait3A_77 = tpu.memref_slice %arg10[%mul3A_2] : memref<2048xi32, #tpu.memory_space<hbm>> -> memref<64xi32, #tpu.memory_space<hbm>>
      tpu.wait_dma2 semaphore(%run_scoped3A : memref<!tpu.dma_semaphore, #tpu.memory_space<semaphore_mem>>) src(%arg18 : memref<64xi32, #tpu.memory_space<vmem>>) dst(%dma_wait3A_77 : memref<64xi32, #tpu.memory_space<hbm>>)
      tpu.yield
    }) : () -> ()
    return
  }
}

#map = affine_map<(d0, d1) -> (0, 0)>
#map1 = affine_map<(d0, d1) -> (0)>
module attributes {stable_mosaic.version = 14 : i64} {
  func.func @_sc_gather_body(%arg0: i32, %arg1: i32, %arg2: memref<12288x1024xf32, #tpu.memory_space<hbm>>, %arg3: memref<2048xi32, #tpu.memory_space<hbm>>, %arg4: memref<2048xi32, #tpu.memory_space<hbm>>, %arg5: memref<2048xf32, #tpu.memory_space<hbm>>, %arg6: memref<2048xf32, #tpu.memory_space<hbm>>, %arg7: memref<2048x1024xf32, #tpu.memory_space<hbm>>, %arg8: memref<16x1024xf32, #tpu.memory_space<vmem>>, %arg9: memref<16x1024xf32, #tpu.memory_space<vmem>>, %arg10: memref<16xi32, #tpu.memory_space<vmem>>, %arg11: memref<16xi32, #tpu.memory_space<vmem>>, %arg12: memref<16x1024xf32, #tpu.memory_space<vmem>>, %arg13: memref<16x1024xf32, #tpu.memory_space<vmem>>, %arg14: memref<16xi32, #tpu.memory_space<vmem>>, %arg15: memref<16xi32, #tpu.memory_space<vmem>>, %arg16: memref<64xf32, #tpu.memory_space<vmem>>, %arg17: memref<64xf32, #tpu.memory_space<vmem>>, %arg18: memref<!tpu.dma_semaphore, #tpu.memory_space<semaphore_mem>>, %arg19: memref<!tpu.dma_semaphore, #tpu.memory_space<semaphore_mem>>, %arg20: memref<!tpu.dma_semaphore, #tpu.memory_space<semaphore_mem>>, %arg21: memref<!tpu.dma_semaphore, #tpu.memory_space<semaphore_mem>>, %arg22: memref<!tpu.dma_semaphore, #tpu.memory_space<semaphore_mem>>, %arg23: memref<!tpu.dma_semaphore, #tpu.memory_space<semaphore_mem>>) attributes {dimension_semantics = [#tpu.dimension_semantics<core_parallel>, #tpu.dimension_semantics<subcore_parallel>], iteration_bounds = array<i64: 2, 16>, scalar_prefetch = 0 : i64, scratch_operands = 16 : i64, tpu.core_type = #tpu.core_type<sc_vector_subcore>, window_params = [{transform_indices = #map}, {transform_indices = #map1}, {transform_indices = #map1}, {transform_indices = #map1}, {transform_indices = #map1}, {transform_indices = #map}]} {
    %mul3A = arith.constant 2 : i32
    %mul3A_0 = arith.muli %arg1, %mul3A : i32
    %add3A = arith.addi %mul3A_0, %arg0 : i32
    %mul3A_1 = arith.constant 64 : i32
    %mul3A_2 = arith.muli %add3A, %mul3A_1 : i32
    "tpu.region"() ({
      %run_scoped3A = tpu.sem_alloc : memref<!tpu.dma_semaphore, #tpu.memory_space<semaphore_mem>>
      %dma_start3A_124 = tpu.memref_slice %arg5[%mul3A_2] : memref<2048xf32, #tpu.memory_space<hbm>> -> memref<64xf32, #tpu.memory_space<hbm>>
      %dma_start3A_125 = tpu.memref_slice %arg5[%mul3A_2] : memref<2048xf32, #tpu.memory_space<hbm>> -> memref<64xf32, #tpu.memory_space<hbm>>
      tpu.enqueue_dma source(%dma_start3A_125 : memref<64xf32, #tpu.memory_space<hbm>>) target(%arg16 : memref<64xf32, #tpu.memory_space<vmem>>) target_semaphore(%run_scoped3A : memref<!tpu.dma_semaphore, #tpu.memory_space<semaphore_mem>>)
      %dma_wait3A_126 = tpu.memref_slice %arg5[%mul3A_2] : memref<2048xf32, #tpu.memory_space<hbm>> -> memref<64xf32, #tpu.memory_space<hbm>>
      %dma_wait3A_127 = tpu.memref_slice %arg5[%mul3A_2] : memref<2048xf32, #tpu.memory_space<hbm>> -> memref<64xf32, #tpu.memory_space<hbm>>
      tpu.wait_dma2 semaphore(%run_scoped3A : memref<!tpu.dma_semaphore, #tpu.memory_space<semaphore_mem>>) src(%dma_wait3A_127 : memref<64xf32, #tpu.memory_space<hbm>>) dst(%arg16 : memref<64xf32, #tpu.memory_space<vmem>>)
      tpu.yield
    }) : () -> ()
    "tpu.region"() ({
      %run_scoped3A = tpu.sem_alloc : memref<!tpu.dma_semaphore, #tpu.memory_space<semaphore_mem>>
      %dma_start3A_124 = tpu.memref_slice %arg6[%mul3A_2] : memref<2048xf32, #tpu.memory_space<hbm>> -> memref<64xf32, #tpu.memory_space<hbm>>
      %dma_start3A_125 = tpu.memref_slice %arg6[%mul3A_2] : memref<2048xf32, #tpu.memory_space<hbm>> -> memref<64xf32, #tpu.memory_space<hbm>>
      tpu.enqueue_dma source(%dma_start3A_125 : memref<64xf32, #tpu.memory_space<hbm>>) target(%arg17 : memref<64xf32, #tpu.memory_space<vmem>>) target_semaphore(%run_scoped3A : memref<!tpu.dma_semaphore, #tpu.memory_space<semaphore_mem>>)
      %dma_wait3A_126 = tpu.memref_slice %arg6[%mul3A_2] : memref<2048xf32, #tpu.memory_space<hbm>> -> memref<64xf32, #tpu.memory_space<hbm>>
      %dma_wait3A_127 = tpu.memref_slice %arg6[%mul3A_2] : memref<2048xf32, #tpu.memory_space<hbm>> -> memref<64xf32, #tpu.memory_space<hbm>>
      tpu.wait_dma2 semaphore(%run_scoped3A : memref<!tpu.dma_semaphore, #tpu.memory_space<semaphore_mem>>) src(%dma_wait3A_127 : memref<64xf32, #tpu.memory_space<hbm>>) dst(%arg17 : memref<64xf32, #tpu.memory_space<vmem>>)
      tpu.yield
    }) : () -> ()
    %add3A_3 = arith.constant 0 : i32
    %add3A_4 = arith.addi %mul3A_2, %add3A_3 : i32
    "tpu.region"() ({
      %run_scoped3A = tpu.sem_alloc : memref<!tpu.dma_semaphore, #tpu.memory_space<semaphore_mem>>
      %dma_start3A_124 = tpu.memref_slice %arg3[%add3A_4] : memref<2048xi32, #tpu.memory_space<hbm>> -> memref<16xi32, #tpu.memory_space<hbm>>
      %dma_start3A_125 = tpu.memref_slice %arg3[%add3A_4] : memref<2048xi32, #tpu.memory_space<hbm>> -> memref<16xi32, #tpu.memory_space<hbm>>
      tpu.enqueue_dma source(%dma_start3A_125 : memref<16xi32, #tpu.memory_space<hbm>>) target(%arg10 : memref<16xi32, #tpu.memory_space<vmem>>) target_semaphore(%run_scoped3A : memref<!tpu.dma_semaphore, #tpu.memory_space<semaphore_mem>>)
      %dma_wait3A_126 = tpu.memref_slice %arg3[%add3A_4] : memref<2048xi32, #tpu.memory_space<hbm>> -> memref<16xi32, #tpu.memory_space<hbm>>
      %dma_wait3A_127 = tpu.memref_slice %arg3[%add3A_4] : memref<2048xi32, #tpu.memory_space<hbm>> -> memref<16xi32, #tpu.memory_space<hbm>>
      tpu.wait_dma2 semaphore(%run_scoped3A : memref<!tpu.dma_semaphore, #tpu.memory_space<semaphore_mem>>) src(%dma_wait3A_127 : memref<16xi32, #tpu.memory_space<hbm>>) dst(%arg10 : memref<16xi32, #tpu.memory_space<vmem>>)
      tpu.yield
    }) : () -> ()
    "tpu.region"() ({
      %run_scoped3A = tpu.sem_alloc : memref<!tpu.dma_semaphore, #tpu.memory_space<semaphore_mem>>
      %dma_start3A_124 = tpu.memref_slice %arg4[%add3A_4] : memref<2048xi32, #tpu.memory_space<hbm>> -> memref<16xi32, #tpu.memory_space<hbm>>
      %dma_start3A_125 = tpu.memref_slice %arg4[%add3A_4] : memref<2048xi32, #tpu.memory_space<hbm>> -> memref<16xi32, #tpu.memory_space<hbm>>
      tpu.enqueue_dma source(%dma_start3A_125 : memref<16xi32, #tpu.memory_space<hbm>>) target(%arg11 : memref<16xi32, #tpu.memory_space<vmem>>) target_semaphore(%run_scoped3A : memref<!tpu.dma_semaphore, #tpu.memory_space<semaphore_mem>>)
      %dma_wait3A_126 = tpu.memref_slice %arg4[%add3A_4] : memref<2048xi32, #tpu.memory_space<hbm>> -> memref<16xi32, #tpu.memory_space<hbm>>
      %dma_wait3A_127 = tpu.memref_slice %arg4[%add3A_4] : memref<2048xi32, #tpu.memory_space<hbm>> -> memref<16xi32, #tpu.memory_space<hbm>>
      tpu.wait_dma2 semaphore(%run_scoped3A : memref<!tpu.dma_semaphore, #tpu.memory_space<semaphore_mem>>) src(%dma_wait3A_127 : memref<16xi32, #tpu.memory_space<hbm>>) dst(%arg11 : memref<16xi32, #tpu.memory_space<vmem>>)
      tpu.yield
    }) : () -> ()
    %dma_start3A = arith.constant 0 : i32
    %dma_start3A_5 = arith.constant 0 : i32
    %dma_start3A_6 = tpu.memref_slice %arg2[%dma_start3A, %dma_start3A_5] : memref<12288x1024xf32, #tpu.memory_space<hbm>> -> memref<12288x1024xf32, #tpu.memory_space<hbm>>
    tpu.enqueue_indirect_dma source(%dma_start3A_6 : memref<12288x1024xf32, #tpu.memory_space<hbm>>) target(%arg8 : memref<16x1024xf32, #tpu.memory_space<vmem>>) offsets(%arg10 : memref<16xi32, #tpu.memory_space<vmem>>) semaphore(%arg18 : memref<!tpu.dma_semaphore, #tpu.memory_space<semaphore_mem>>)
    %dma_start3A_7 = arith.constant 0 : i32
    %dma_start3A_8 = arith.constant 0 : i32
    %dma_start3A_9 = tpu.memref_slice %arg2[%dma_start3A_7, %dma_start3A_8] : memref<12288x1024xf32, #tpu.memory_space<hbm>> -> memref<12288x1024xf32, #tpu.memory_space<hbm>>
    tpu.enqueue_indirect_dma source(%dma_start3A_9 : memref<12288x1024xf32, #tpu.memory_space<hbm>>) target(%arg9 : memref<16x1024xf32, #tpu.memory_space<vmem>>) offsets(%arg11 : memref<16xi32, #tpu.memory_space<vmem>>) semaphore(%arg19 : memref<!tpu.dma_semaphore, #tpu.memory_space<semaphore_mem>>)
    %add3A_10 = arith.constant 16 : i32
    %add3A_11 = arith.addi %mul3A_2, %add3A_10 : i32
    "tpu.region"() ({
      %run_scoped3A = tpu.sem_alloc : memref<!tpu.dma_semaphore, #tpu.memory_space<semaphore_mem>>
      %dma_start3A_124 = tpu.memref_slice %arg3[%add3A_11] : memref<2048xi32, #tpu.memory_space<hbm>> -> memref<16xi32, #tpu.memory_space<hbm>>
      %dma_start3A_125 = tpu.memref_slice %arg3[%add3A_11] : memref<2048xi32, #tpu.memory_space<hbm>> -> memref<16xi32, #tpu.memory_space<hbm>>
      tpu.enqueue_dma source(%dma_start3A_125 : memref<16xi32, #tpu.memory_space<hbm>>) target(%arg14 : memref<16xi32, #tpu.memory_space<vmem>>) target_semaphore(%run_scoped3A : memref<!tpu.dma_semaphore, #tpu.memory_space<semaphore_mem>>)
      %dma_wait3A_126 = tpu.memref_slice %arg3[%add3A_11] : memref<2048xi32, #tpu.memory_space<hbm>> -> memref<16xi32, #tpu.memory_space<hbm>>
      %dma_wait3A_127 = tpu.memref_slice %arg3[%add3A_11] : memref<2048xi32, #tpu.memory_space<hbm>> -> memref<16xi32, #tpu.memory_space<hbm>>
      tpu.wait_dma2 semaphore(%run_scoped3A : memref<!tpu.dma_semaphore, #tpu.memory_space<semaphore_mem>>) src(%dma_wait3A_127 : memref<16xi32, #tpu.memory_space<hbm>>) dst(%arg14 : memref<16xi32, #tpu.memory_space<vmem>>)
      tpu.yield
    }) : () -> ()
    "tpu.region"() ({
      %run_scoped3A = tpu.sem_alloc : memref<!tpu.dma_semaphore, #tpu.memory_space<semaphore_mem>>
      %dma_start3A_124 = tpu.memref_slice %arg4[%add3A_11] : memref<2048xi32, #tpu.memory_space<hbm>> -> memref<16xi32, #tpu.memory_space<hbm>>
      %dma_start3A_125 = tpu.memref_slice %arg4[%add3A_11] : memref<2048xi32, #tpu.memory_space<hbm>> -> memref<16xi32, #tpu.memory_space<hbm>>
      tpu.enqueue_dma source(%dma_start3A_125 : memref<16xi32, #tpu.memory_space<hbm>>) target(%arg15 : memref<16xi32, #tpu.memory_space<vmem>>) target_semaphore(%run_scoped3A : memref<!tpu.dma_semaphore, #tpu.memory_space<semaphore_mem>>)
      %dma_wait3A_126 = tpu.memref_slice %arg4[%add3A_11] : memref<2048xi32, #tpu.memory_space<hbm>> -> memref<16xi32, #tpu.memory_space<hbm>>
      %dma_wait3A_127 = tpu.memref_slice %arg4[%add3A_11] : memref<2048xi32, #tpu.memory_space<hbm>> -> memref<16xi32, #tpu.memory_space<hbm>>
      tpu.wait_dma2 semaphore(%run_scoped3A : memref<!tpu.dma_semaphore, #tpu.memory_space<semaphore_mem>>) src(%dma_wait3A_127 : memref<16xi32, #tpu.memory_space<hbm>>) dst(%arg15 : memref<16xi32, #tpu.memory_space<vmem>>)
      tpu.yield
    }) : () -> ()
    %dma_start3A_12 = arith.constant 0 : i32
    %dma_start3A_13 = arith.constant 0 : i32
    %dma_start3A_14 = tpu.memref_slice %arg2[%dma_start3A_12, %dma_start3A_13] : memref<12288x1024xf32, #tpu.memory_space<hbm>> -> memref<12288x1024xf32, #tpu.memory_space<hbm>>
    tpu.enqueue_indirect_dma source(%dma_start3A_14 : memref<12288x1024xf32, #tpu.memory_space<hbm>>) target(%arg12 : memref<16x1024xf32, #tpu.memory_space<vmem>>) offsets(%arg14 : memref<16xi32, #tpu.memory_space<vmem>>) semaphore(%arg21 : memref<!tpu.dma_semaphore, #tpu.memory_space<semaphore_mem>>)
    %dma_start3A_15 = arith.constant 0 : i32
    %dma_start3A_16 = arith.constant 0 : i32
    %dma_start3A_17 = tpu.memref_slice %arg2[%dma_start3A_15, %dma_start3A_16] : memref<12288x1024xf32, #tpu.memory_space<hbm>> -> memref<12288x1024xf32, #tpu.memory_space<hbm>>
    tpu.enqueue_indirect_dma source(%dma_start3A_17 : memref<12288x1024xf32, #tpu.memory_space<hbm>>) target(%arg13 : memref<16x1024xf32, #tpu.memory_space<vmem>>) offsets(%arg15 : memref<16xi32, #tpu.memory_space<vmem>>) semaphore(%arg22 : memref<!tpu.dma_semaphore, #tpu.memory_space<semaphore_mem>>)
    %dma_wait3A = arith.constant 0 : i32
    %dma_wait3A_18 = arith.constant 0 : i32
    %dma_wait3A_19 = tpu.memref_slice %arg2[%dma_wait3A, %dma_wait3A_18] : memref<12288x1024xf32, #tpu.memory_space<hbm>> -> memref<12288x1024xf32, #tpu.memory_space<hbm>>
    tpu.wait_indirect_dma semaphore(%arg18 : memref<!tpu.dma_semaphore, #tpu.memory_space<semaphore_mem>>) src(%dma_wait3A_19 : memref<12288x1024xf32, #tpu.memory_space<hbm>>) dst(%arg8 : memref<16x1024xf32, #tpu.memory_space<vmem>>)
    %dma_wait3A_20 = arith.constant 0 : i32
    %dma_wait3A_21 = arith.constant 0 : i32
    %dma_wait3A_22 = tpu.memref_slice %arg2[%dma_wait3A_20, %dma_wait3A_21] : memref<12288x1024xf32, #tpu.memory_space<hbm>> -> memref<12288x1024xf32, #tpu.memory_space<hbm>>
    tpu.wait_indirect_dma semaphore(%arg19 : memref<!tpu.dma_semaphore, #tpu.memory_space<semaphore_mem>>) src(%dma_wait3A_22 : memref<12288x1024xf32, #tpu.memory_space<hbm>>) dst(%arg9 : memref<16x1024xf32, #tpu.memory_space<vmem>>)
    %scan3A = arith.constant 0 : i32
    %scan3A_23 = arith.constant 0 : i32
    %scan3A_24 = arith.constant 16 : i32
    %scan3A_25 = arith.addi %scan3A_23, %scan3A_24 : i32
    %scan3A_26 = arith.constant 1 : i32
    %scan3A_27 = scf.for %scan3A_124 = %scan3A_23 to %scan3A_25 step %scan3A_26 iter_args(%scan3A_125 = %scan3A) -> (i32)  : i32 {
      %add3A_126 = arith.constant 0 : i32
      %add3A_127 = arith.addi %add3A_126, %scan3A_124 : i32
      %broadcast_in_dim3A = vector.broadcast %add3A_127 : i32 to vector<16xi32>
      %gather3A = tpu.vector_load_idx %arg16[%broadcast_in_dim3A] : memref<64xf32, #tpu.memory_space<vmem>>[vector<16xi32>], vector<16xf32>,
      %gather3A_128 = tpu.vector_load_idx %arg17[%broadcast_in_dim3A] : memref<64xf32, #tpu.memory_space<vmem>>[vector<16xi32>], vector<16xf32>,
      %get3A = arith.index_cast %scan3A_124 : i32 to index
      %get3A_129 = arith.constant 0 : index
      %get3A_130 = tpu.vector_load %arg8[%get3A, %get3A_129] {strides = array<i32>} : memref<16x1024xf32, #tpu.memory_space<vmem>>, vector<16xf32>,
      %mul3A_131 = arith.mulf %get3A_130, %gather3A : vector<16xf32>
      %get3A_132 = arith.index_cast %scan3A_124 : i32 to index
      %get3A_133 = arith.constant 0 : index
      %get3A_134 = tpu.vector_load %arg9[%get3A_132, %get3A_133] {strides = array<i32>} : memref<16x1024xf32, #tpu.memory_space<vmem>>, vector<16xf32>,
      %mul3A_135 = arith.mulf %get3A_134, %gather3A_128 : vector<16xf32>
      %add3A_136 = arith.addf %mul3A_131, %mul3A_135 : vector<16xf32>
      %swap3A = arith.index_cast %scan3A_124 : i32 to index
      %swap3A_137 = arith.constant 0 : index
      %swap3A_138 = tpu.vector_load %arg8[%swap3A, %swap3A_137] {strides = array<i32>} : memref<16x1024xf32, #tpu.memory_space<vmem>>, vector<16xf32>,
      tpu.vector_store %arg8[%swap3A, %swap3A_137], %add3A_136 {strides = array<i32>} : memref<16x1024xf32, #tpu.memory_space<vmem>>, vector<16xf32>,
      %get3A_139 = arith.index_cast %scan3A_124 : i32 to index
      %get3A_140 = arith.constant 16 : index
      %get3A_141 = tpu.vector_load %arg8[%get3A_139, %get3A_140] {strides = array<i32>} : memref<16x1024xf32, #tpu.memory_space<vmem>>, vector<16xf32>,
      %mul3A_142 = arith.mulf %get3A_141, %gather3A : vector<16xf32>
      %get3A_143 = arith.index_cast %scan3A_124 : i32 to index
      %get3A_144 = arith.constant 16 : index
      %get3A_145 = tpu.vector_load %arg9[%get3A_143, %get3A_144] {strides = array<i32>} : memref<16x1024xf32, #tpu.memory_space<vmem>>, vector<16xf32>,
      %mul3A_146 = arith.mulf %get3A_145, %gather3A_128 : vector<16xf32>
      %add3A_147 = arith.addf %mul3A_142, %mul3A_146 : vector<16xf32>
      %swap3A_148 = arith.index_cast %scan3A_124 : i32 to index
      %swap3A_149 = arith.constant 16 : index
      %swap3A_150 = tpu.vector_load %arg8[%swap3A_148, %swap3A_149] {strides = array<i32>} : memref<16x1024xf32, #tpu.memory_space<vmem>>, vector<16xf32>,
      tpu.vector_store %arg8[%swap3A_148, %swap3A_149], %add3A_147 {strides = array<i32>} : memref<16x1024xf32, #tpu.memory_space<vmem>>, vector<16xf32>,
      %get3A_151 = arith.index_cast %scan3A_124 : i32 to index
      %get3A_152 = arith.constant 32 : index
      %get3A_153 = tpu.vector_load %arg8[%get3A_151, %get3A_152] {strides = array<i32>} : memref<16x1024xf32, #tpu.memory_space<vmem>>, vector<16xf32>,
      %mul3A_154 = arith.mulf %get3A_153, %gather3A : vector<16xf32>
      %get3A_155 = arith.index_cast %scan3A_124 : i32 to index
      %get3A_156 = arith.constant 32 : index
      %get3A_157 = tpu.vector_load %arg9[%get3A_155, %get3A_156] {strides = array<i32>} : memref<16x1024xf32, #tpu.memory_space<vmem>>, vector<16xf32>,
      %mul3A_158 = arith.mulf %get3A_157, %gather3A_128 : vector<16xf32>
      %add3A_159 = arith.addf %mul3A_154, %mul3A_158 : vector<16xf32>
      %swap3A_160 = arith.index_cast %scan3A_124 : i32 to index
      %swap3A_161 = arith.constant 32 : index
      %swap3A_162 = tpu.vector_load %arg8[%swap3A_160, %swap3A_161] {strides = array<i32>} : memref<16x1024xf32, #tpu.memory_space<vmem>>, vector<16xf32>,
      tpu.vector_store %arg8[%swap3A_160, %swap3A_161], %add3A_159 {strides = array<i32>} : memref<16x1024xf32, #tpu.memory_space<vmem>>, vector<16xf32>,
      %get3A_163 = arith.index_cast %scan3A_124 : i32 to index
      %get3A_164 = arith.constant 48 : index
      %get3A_165 = tpu.vector_load %arg8[%get3A_163, %get3A_164] {strides = array<i32>} : memref<16x1024xf32, #tpu.memory_space<vmem>>, vector<16xf32>,
      %mul3A_166 = arith.mulf %get3A_165, %gather3A : vector<16xf32>
      %get3A_167 = arith.index_cast %scan3A_124 : i32 to index
      %get3A_168 = arith.constant 48 : index
      %get3A_169 = tpu.vector_load %arg9[%get3A_167, %get3A_168] {strides = array<i32>} : memref<16x1024xf32, #tpu.memory_space<vmem>>, vector<16xf32>,
      %mul3A_170 = arith.mulf %get3A_169, %gather3A_128 : vector<16xf32>
      %add3A_171 = arith.addf %mul3A_166, %mul3A_170 : vector<16xf32>
      %swap3A_172 = arith.index_cast %scan3A_124 : i32 to index
      %swap3A_173 = arith.constant 48 : index
      %swap3A_174 = tpu.vector_load %arg8[%swap3A_172, %swap3A_173] {strides = array<i32>} : memref<16x1024xf32, #tpu.memory_space<vmem>>, vector<16xf32>,
      tpu.vector_store %arg8[%swap3A_172, %swap3A_173], %add3A_171 {strides = array<i32>} : memref<16x1024xf32, #tpu.memory_space<vmem>>, vector<16xf32>,
      %get3A_175 = arith.index_cast %scan3A_124 : i32 to index
      %get3A_176 = arith.constant 64 : index
      %get3A_177 = tpu.vector_load %arg8[%get3A_175, %get3A_176] {strides = array<i32>} : memref<16x1024xf32, #tpu.memory_space<vmem>>, vector<16xf32>,
      %mul3A_178 = arith.mulf %get3A_177, %gather3A : vector<16xf32>
      %get3A_179 = arith.index_cast %scan3A_124 : i32 to index
      %get3A_180 = arith.constant 64 : index
      %get3A_181 = tpu.vector_load %arg9[%get3A_179, %get3A_180] {strides = array<i32>} : memref<16x1024xf32, #tpu.memory_space<vmem>>, vector<16xf32>,
      %mul3A_182 = arith.mulf %get3A_181, %gather3A_128 : vector<16xf32>
      %add3A_183 = arith.addf %mul3A_178, %mul3A_182 : vector<16xf32>
      %swap3A_184 = arith.index_cast %scan3A_124 : i32 to index
      %swap3A_185 = arith.constant 64 : index
      %swap3A_186 = tpu.vector_load %arg8[%swap3A_184, %swap3A_185] {strides = array<i32>} : memref<16x1024xf32, #tpu.memory_space<vmem>>, vector<16xf32>,
      tpu.vector_store %arg8[%swap3A_184, %swap3A_185], %add3A_183 {strides = array<i32>} : memref<16x1024xf32, #tpu.memory_space<vmem>>, vector<16xf32>,
      %get3A_187 = arith.index_cast %scan3A_124 : i32 to index
      %get3A_188 = arith.constant 80 : index
      %get3A_189 = tpu.vector_load %arg8[%get3A_187, %get3A_188] {strides = array<i32>} : memref<16x1024xf32, #tpu.memory_space<vmem>>, vector<16xf32>,
      %mul3A_190 = arith.mulf %get3A_189, %gather3A : vector<16xf32>
      %get3A_191 = arith.index_cast %scan3A_124 : i32 to index
      %get3A_192 = arith.constant 80 : index
      %get3A_193 = tpu.vector_load %arg9[%get3A_191, %get3A_192] {strides = array<i32>} : memref<16x1024xf32, #tpu.memory_space<vmem>>, vector<16xf32>,
      %mul3A_194 = arith.mulf %get3A_193, %gather3A_128 : vector<16xf32>
      %add3A_195 = arith.addf %mul3A_190, %mul3A_194 : vector<16xf32>
      %swap3A_196 = arith.index_cast %scan3A_124 : i32 to index
      %swap3A_197 = arith.constant 80 : index
      %swap3A_198 = tpu.vector_load %arg8[%swap3A_196, %swap3A_197] {strides = array<i32>} : memref<16x1024xf32, #tpu.memory_space<vmem>>, vector<16xf32>,
      tpu.vector_store %arg8[%swap3A_196, %swap3A_197], %add3A_195 {strides = array<i32>} : memref<16x1024xf32, #tpu.memory_space<vmem>>, vector<16xf32>,
      %get3A_199 = arith.index_cast %scan3A_124 : i32 to index
      %get3A_200 = arith.constant 96 : index
      %get3A_201 = tpu.vector_load %arg8[%get3A_199, %get3A_200] {strides = array<i32>} : memref<16x1024xf32, #tpu.memory_space<vmem>>, vector<16xf32>,
      %mul3A_202 = arith.mulf %get3A_201, %gather3A : vector<16xf32>
      %get3A_203 = arith.index_cast %scan3A_124 : i32 to index
      %get3A_204 = arith.constant 96 : index
      %get3A_205 = tpu.vector_load %arg9[%get3A_203, %get3A_204] {strides = array<i32>} : memref<16x1024xf32, #tpu.memory_space<vmem>>, vector<16xf32>,
      %mul3A_206 = arith.mulf %get3A_205, %gather3A_128 : vector<16xf32>
      %add3A_207 = arith.addf %mul3A_202, %mul3A_206 : vector<16xf32>
      %swap3A_208 = arith.index_cast %scan3A_124 : i32 to index
      %swap3A_209 = arith.constant 96 : index
      %swap3A_210 = tpu.vector_load %arg8[%swap3A_208, %swap3A_209] {strides = array<i32>} : memref<16x1024xf32, #tpu.memory_space<vmem>>, vector<16xf32>,
      tpu.vector_store %arg8[%swap3A_208, %swap3A_209], %add3A_207 {strides = array<i32>} : memref<16x1024xf32, #tpu.memory_space<vmem>>, vector<16xf32>,
      %get3A_211 = arith.index_cast %scan3A_124 : i32 to index
      %get3A_212 = arith.constant 112 : index
      %get3A_213 = tpu.vector_load %arg8[%get3A_211, %get3A_212] {strides = array<i32>} : memref<16x1024xf32, #tpu.memory_space<vmem>>, vector<16xf32>,
      %mul3A_214 = arith.mulf %get3A_213, %gather3A : vector<16xf32>
      %get3A_215 = arith.index_cast %scan3A_124 : i32 to index
      %get3A_216 = arith.constant 112 : index
      %get3A_217 = tpu.vector_load %arg9[%get3A_215, %get3A_216] {strides = array<i32>} : memref<16x1024xf32, #tpu.memory_space<vmem>>, vector<16xf32>,
      %mul3A_218 = arith.mulf %get3A_217, %gather3A_128 : vector<16xf32>
      %add3A_219 = arith.addf %mul3A_214, %mul3A_218 : vector<16xf32>
      %swap3A_220 = arith.index_cast %scan3A_124 : i32 to index
      %swap3A_221 = arith.constant 112 : index
      %swap3A_222 = tpu.vector_load %arg8[%swap3A_220, %swap3A_221] {strides = array<i32>} : memref<16x1024xf32, #tpu.memory_space<vmem>>, vector<16xf32>,
      tpu.vector_store %arg8[%swap3A_220, %swap3A_221], %add3A_219 {strides = array<i32>} : memref<16x1024xf32, #tpu.memory_space<vmem>>, vector<16xf32>,
      %get3A_223 = arith.index_cast %scan3A_124 : i32 to index
      %get3A_224 = arith.constant 128 : index
      %get3A_225 = tpu.vector_load %arg8[%get3A_223, %get3A_224] {strides = array<i32>} : memref<16x1024xf32, #tpu.memory_space<vmem>>, vector<16xf32>,
      %mul3A_226 = arith.mulf %get3A_225, %gather3A : vector<16xf32>
      %get3A_227 = arith.index_cast %scan3A_124 : i32 to index
      %get3A_228 = arith.constant 128 : index
      %get3A_229 = tpu.vector_load %arg9[%get3A_227, %get3A_228] {strides = array<i32>} : memref<16x1024xf32, #tpu.memory_space<vmem>>, vector<16xf32>,
      %mul3A_230 = arith.mulf %get3A_229, %gather3A_128 : vector<16xf32>
      %add3A_231 = arith.addf %mul3A_226, %mul3A_230 : vector<16xf32>
      %swap3A_232 = arith.index_cast %scan3A_124 : i32 to index
      %swap3A_233 = arith.constant 128 : index
      %swap3A_234 = tpu.vector_load %arg8[%swap3A_232, %swap3A_233] {strides = array<i32>} : memref<16x1024xf32, #tpu.memory_space<vmem>>, vector<16xf32>,
      tpu.vector_store %arg8[%swap3A_232, %swap3A_233], %add3A_231 {strides = array<i32>} : memref<16x1024xf32, #tpu.memory_space<vmem>>, vector<16xf32>,
      %get3A_235 = arith.index_cast %scan3A_124 : i32 to index
      %get3A_236 = arith.constant 144 : index
      %get3A_237 = tpu.vector_load %arg8[%get3A_235, %get3A_236] {strides = array<i32>} : memref<16x1024xf32, #tpu.memory_space<vmem>>, vector<16xf32>,
      %mul3A_238 = arith.mulf %get3A_237, %gather3A : vector<16xf32>
      %get3A_239 = arith.index_cast %scan3A_124 : i32 to index
      %get3A_240 = arith.constant 144 : index
      %get3A_241 = tpu.vector_load %arg9[%get3A_239, %get3A_240] {strides = array<i32>} : memref<16x1024xf32, #tpu.memory_space<vmem>>, vector<16xf32>,
      %mul3A_242 = arith.mulf %get3A_241, %gather3A_128 : vector<16xf32>
      %add3A_243 = arith.addf %mul3A_238, %mul3A_242 : vector<16xf32>
      %swap3A_244 = arith.index_cast %scan3A_124 : i32 to index
      %swap3A_245 = arith.constant 144 : index
      %swap3A_246 = tpu.vector_load %arg8[%swap3A_244, %swap3A_245] {strides = array<i32>} : memref<16x1024xf32, #tpu.memory_space<vmem>>, vector<16xf32>,
      tpu.vector_store %arg8[%swap3A_244, %swap3A_245], %add3A_243 {strides = array<i32>} : memref<16x1024xf32, #tpu.memory_space<vmem>>, vector<16xf32>,
      %get3A_247 = arith.index_cast %scan3A_124 : i32 to index
      %get3A_248 = arith.constant 160 : index
      %get3A_249 = tpu.vector_load %arg8[%get3A_247, %get3A_248] {strides = array<i32>} : memref<16x1024xf32, #tpu.memory_space<vmem>>, vector<16xf32>,
      %mul3A_250 = arith.mulf %get3A_249, %gather3A : vector<16xf32>
      %get3A_251 = arith.index_cast %scan3A_124 : i32 to index
      %get3A_252 = arith.constant 160 : index
      %get3A_253 = tpu.vector_load %arg9[%get3A_251, %get3A_252] {strides = array<i32>} : memref<16x1024xf32, #tpu.memory_space<vmem>>, vector<16xf32>,
      %mul3A_254 = arith.mulf %get3A_253, %gather3A_128 : vector<16xf32>
      %add3A_255 = arith.addf %mul3A_250, %mul3A_254 : vector<16xf32>
      %swap3A_256 = arith.index_cast %scan3A_124 : i32 to index
      %swap3A_257 = arith.constant 160 : index
      %swap3A_258 = tpu.vector_load %arg8[%swap3A_256, %swap3A_257] {strides = array<i32>} : memref<16x1024xf32, #tpu.memory_space<vmem>>, vector<16xf32>,
      tpu.vector_store %arg8[%swap3A_256, %swap3A_257], %add3A_255 {strides = array<i32>} : memref<16x1024xf32, #tpu.memory_space<vmem>>, vector<16xf32>,
      %get3A_259 = arith.index_cast %scan3A_124 : i32 to index
      %get3A_260 = arith.constant 176 : index
      %get3A_261 = tpu.vector_load %arg8[%get3A_259, %get3A_260] {strides = array<i32>} : memref<16x1024xf32, #tpu.memory_space<vmem>>, vector<16xf32>,
      %mul3A_262 = arith.mulf %get3A_261, %gather3A : vector<16xf32>
      %get3A_263 = arith.index_cast %scan3A_124 : i32 to index
      %get3A_264 = arith.constant 176 : index
      %get3A_265 = tpu.vector_load %arg9[%get3A_263, %get3A_264] {strides = array<i32>} : memref<16x1024xf32, #tpu.memory_space<vmem>>, vector<16xf32>,
      %mul3A_266 = arith.mulf %get3A_265, %gather3A_128 : vector<16xf32>
      %add3A_267 = arith.addf %mul3A_262, %mul3A_266 : vector<16xf32>
      %swap3A_268 = arith.index_cast %scan3A_124 : i32 to index
      %swap3A_269 = arith.constant 176 : index
      %swap3A_270 = tpu.vector_load %arg8[%swap3A_268, %swap3A_269] {strides = array<i32>} : memref<16x1024xf32, #tpu.memory_space<vmem>>, vector<16xf32>,
      tpu.vector_store %arg8[%swap3A_268, %swap3A_269], %add3A_267 {strides = array<i32>} : memref<16x1024xf32, #tpu.memory_space<vmem>>, vector<16xf32>,
      %get3A_271 = arith.index_cast %scan3A_124 : i32 to index
      %get3A_272 = arith.constant 192 : index
      %get3A_273 = tpu.vector_load %arg8[%get3A_271, %get3A_272] {strides = array<i32>} : memref<16x1024xf32, #tpu.memory_space<vmem>>, vector<16xf32>,
      %mul3A_274 = arith.mulf %get3A_273, %gather3A : vector<16xf32>
      %get3A_275 = arith.index_cast %scan3A_124 : i32 to index
      %get3A_276 = arith.constant 192 : index
      %get3A_277 = tpu.vector_load %arg9[%get3A_275, %get3A_276] {strides = array<i32>} : memref<16x1024xf32, #tpu.memory_space<vmem>>, vector<16xf32>,
      %mul3A_278 = arith.mulf %get3A_277, %gather3A_128 : vector<16xf32>
      %add3A_279 = arith.addf %mul3A_274, %mul3A_278 : vector<16xf32>
      %swap3A_280 = arith.index_cast %scan3A_124 : i32 to index
      %swap3A_281 = arith.constant 192 : index
      %swap3A_282 = tpu.vector_load %arg8[%swap3A_280, %swap3A_281] {strides = array<i32>} : memref<16x1024xf32, #tpu.memory_space<vmem>>, vector<16xf32>,
      tpu.vector_store %arg8[%swap3A_280, %swap3A_281], %add3A_279 {strides = array<i32>} : memref<16x1024xf32, #tpu.memory_space<vmem>>, vector<16xf32>,
      %get3A_283 = arith.index_cast %scan3A_124 : i32 to index
      %get3A_284 = arith.constant 208 : index
      %get3A_285 = tpu.vector_load %arg8[%get3A_283, %get3A_284] {strides = array<i32>} : memref<16x1024xf32, #tpu.memory_space<vmem>>, vector<16xf32>,
      %mul3A_286 = arith.mulf %get3A_285, %gather3A : vector<16xf32>
      %get3A_287 = arith.index_cast %scan3A_124 : i32 to index
      %get3A_288 = arith.constant 208 : index
      %get3A_289 = tpu.vector_load %arg9[%get3A_287, %get3A_288] {strides = array<i32>} : memref<16x1024xf32, #tpu.memory_space<vmem>>, vector<16xf32>,
      %mul3A_290 = arith.mulf %get3A_289, %gather3A_128 : vector<16xf32>
      %add3A_291 = arith.addf %mul3A_286, %mul3A_290 : vector<16xf32>
      %swap3A_292 = arith.index_cast %scan3A_124 : i32 to index
      %swap3A_293 = arith.constant 208 : index
      %swap3A_294 = tpu.vector_load %arg8[%swap3A_292, %swap3A_293] {strides = array<i32>} : memref<16x1024xf32, #tpu.memory_space<vmem>>, vector<16xf32>,
      tpu.vector_store %arg8[%swap3A_292, %swap3A_293], %add3A_291 {strides = array<i32>} : memref<16x1024xf32, #tpu.memory_space<vmem>>, vector<16xf32>,
      %get3A_295 = arith.index_cast %scan3A_124 : i32 to index
      %get3A_296 = arith.constant 224 : index
      %get3A_297 = tpu.vector_load %arg8[%get3A_295, %get3A_296] {strides = array<i32>} : memref<16x1024xf32, #tpu.memory_space<vmem>>, vector<16xf32>,
      %mul3A_298 = arith.mulf %get3A_297, %gather3A : vector<16xf32>
      %get3A_299 = arith.index_cast %scan3A_124 : i32 to index
      %get3A_300 = arith.constant 224 : index
      %get3A_301 = tpu.vector_load %arg9[%get3A_299, %get3A_300] {strides = array<i32>} : memref<16x1024xf32, #tpu.memory_space<vmem>>, vector<16xf32>,
      %mul3A_302 = arith.mulf %get3A_301, %gather3A_128 : vector<16xf32>
      %add3A_303 = arith.addf %mul3A_298, %mul3A_302 : vector<16xf32>
      %swap3A_304 = arith.index_cast %scan3A_124 : i32 to index
      %swap3A_305 = arith.constant 224 : index
      %swap3A_306 = tpu.vector_load %arg8[%swap3A_304, %swap3A_305] {strides = array<i32>} : memref<16x1024xf32, #tpu.memory_space<vmem>>, vector<16xf32>,
      tpu.vector_store %arg8[%swap3A_304, %swap3A_305], %add3A_303 {strides = array<i32>} : memref<16x1024xf32, #tpu.memory_space<vmem>>, vector<16xf32>,
      %get3A_307 = arith.index_cast %scan3A_124 : i32 to index
      %get3A_308 = arith.constant 240 : index
      %get3A_309 = tpu.vector_load %arg8[%get3A_307, %get3A_308] {strides = array<i32>} : memref<16x1024xf32, #tpu.memory_space<vmem>>, vector<16xf32>,
      %mul3A_310 = arith.mulf %get3A_309, %gather3A : vector<16xf32>
      %get3A_311 = arith.index_cast %scan3A_124 : i32 to index
      %get3A_312 = arith.constant 240 : index
      %get3A_313 = tpu.vector_load %arg9[%get3A_311, %get3A_312] {strides = array<i32>} : memref<16x1024xf32, #tpu.memory_space<vmem>>, vector<16xf32>,
      %mul3A_314 = arith.mulf %get3A_313, %gather3A_128 : vector<16xf32>
      %add3A_315 = arith.addf %mul3A_310, %mul3A_314 : vector<16xf32>
      %swap3A_316 = arith.index_cast %scan3A_124 : i32 to index
      %swap3A_317 = arith.constant 240 : index
      %swap3A_318 = tpu.vector_load %arg8[%swap3A_316, %swap3A_317] {strides = array<i32>} : memref<16x1024xf32, #tpu.memory_space<vmem>>, vector<16xf32>,
      tpu.vector_store %arg8[%swap3A_316, %swap3A_317], %add3A_315 {strides = array<i32>} : memref<16x1024xf32, #tpu.memory_space<vmem>>, vector<16xf32>,
      %get3A_319 = arith.index_cast %scan3A_124 : i32 to index
      %get3A_320 = arith.constant 256 : index
      %get3A_321 = tpu.vector_load %arg8[%get3A_319, %get3A_320] {strides = array<i32>} : memref<16x1024xf32, #tpu.memory_space<vmem>>, vector<16xf32>,
      %mul3A_322 = arith.mulf %get3A_321, %gather3A : vector<16xf32>
      %get3A_323 = arith.index_cast %scan3A_124 : i32 to index
      %get3A_324 = arith.constant 256 : index
      %get3A_325 = tpu.vector_load %arg9[%get3A_323, %get3A_324] {strides = array<i32>} : memref<16x1024xf32, #tpu.memory_space<vmem>>, vector<16xf32>,
      %mul3A_326 = arith.mulf %get3A_325, %gather3A_128 : vector<16xf32>
      %add3A_327 = arith.addf %mul3A_322, %mul3A_326 : vector<16xf32>
      %swap3A_328 = arith.index_cast %scan3A_124 : i32 to index
      %swap3A_329 = arith.constant 256 : index
      %swap3A_330 = tpu.vector_load %arg8[%swap3A_328, %swap3A_329] {strides = array<i32>} : memref<16x1024xf32, #tpu.memory_space<vmem>>, vector<16xf32>,
      tpu.vector_store %arg8[%swap3A_328, %swap3A_329], %add3A_327 {strides = array<i32>} : memref<16x1024xf32, #tpu.memory_space<vmem>>, vector<16xf32>,
      %get3A_331 = arith.index_cast %scan3A_124 : i32 to index
      %get3A_332 = arith.constant 272 : index
      %get3A_333 = tpu.vector_load %arg8[%get3A_331, %get3A_332] {strides = array<i32>} : memref<16x1024xf32, #tpu.memory_space<vmem>>, vector<16xf32>,
      %mul3A_334 = arith.mulf %get3A_333, %gather3A : vector<16xf32>
      %get3A_335 = arith.index_cast %scan3A_124 : i32 to index
      %get3A_336 = arith.constant 272 : index
      %get3A_337 = tpu.vector_load %arg9[%get3A_335, %get3A_336] {strides = array<i32>} : memref<16x1024xf32, #tpu.memory_space<vmem>>, vector<16xf32>,
      %mul3A_338 = arith.mulf %get3A_337, %gather3A_128 : vector<16xf32>
      %add3A_339 = arith.addf %mul3A_334, %mul3A_338 : vector<16xf32>
      %swap3A_340 = arith.index_cast %scan3A_124 : i32 to index
      %swap3A_341 = arith.constant 272 : index
      %swap3A_342 = tpu.vector_load %arg8[%swap3A_340, %swap3A_341] {strides = array<i32>} : memref<16x1024xf32, #tpu.memory_space<vmem>>, vector<16xf32>,
      tpu.vector_store %arg8[%swap3A_340, %swap3A_341], %add3A_339 {strides = array<i32>} : memref<16x1024xf32, #tpu.memory_space<vmem>>, vector<16xf32>,
      %get3A_343 = arith.index_cast %scan3A_124 : i32 to index
      %get3A_344 = arith.constant 288 : index
      %get3A_345 = tpu.vector_load %arg8[%get3A_343, %get3A_344] {strides = array<i32>} : memref<16x1024xf32, #tpu.memory_space<vmem>>, vector<16xf32>,
      %mul3A_346 = arith.mulf %get3A_345, %gather3A : vector<16xf32>
      %get3A_347 = arith.index_cast %scan3A_124 : i32 to index
      %get3A_348 = arith.constant 288 : index
      %get3A_349 = tpu.vector_load %arg9[%get3A_347, %get3A_348] {strides = array<i32>} : memref<16x1024xf32, #tpu.memory_space<vmem>>, vector<16xf32>,
      %mul3A_350 = arith.mulf %get3A_349, %gather3A_128 : vector<16xf32>
      %add3A_351 = arith.addf %mul3A_346, %mul3A_350 : vector<16xf32>
      %swap3A_352 = arith.index_cast %scan3A_124 : i32 to index
      %swap3A_353 = arith.constant 288 : index
      %swap3A_354 = tpu.vector_load %arg8[%swap3A_352, %swap3A_353] {strides = array<i32>} : memref<16x1024xf32, #tpu.memory_space<vmem>>, vector<16xf32>,
      tpu.vector_store %arg8[%swap3A_352, %swap3A_353], %add3A_351 {strides = array<i32>} : memref<16x1024xf32, #tpu.memory_space<vmem>>, vector<16xf32>,
      %get3A_355 = arith.index_cast %scan3A_124 : i32 to index
      %get3A_356 = arith.constant 304 : index
      %get3A_357 = tpu.vector_load %arg8[%get3A_355, %get3A_356] {strides = array<i32>} : memref<16x1024xf32, #tpu.memory_space<vmem>>, vector<16xf32>,
      %mul3A_358 = arith.mulf %get3A_357, %gather3A : vector<16xf32>
      %get3A_359 = arith.index_cast %scan3A_124 : i32 to index
      %get3A_360 = arith.constant 304 : index
      %get3A_361 = tpu.vector_load %arg9[%get3A_359, %get3A_360] {strides = array<i32>} : memref<16x1024xf32, #tpu.memory_space<vmem>>, vector<16xf32>,
      %mul3A_362 = arith.mulf %get3A_361, %gather3A_128 : vector<16xf32>
      %add3A_363 = arith.addf %mul3A_358, %mul3A_362 : vector<16xf32>
      %swap3A_364 = arith.index_cast %scan3A_124 : i32 to index
      %swap3A_365 = arith.constant 304 : index
      %swap3A_366 = tpu.vector_load %arg8[%swap3A_364, %swap3A_365] {strides = array<i32>} : memref<16x1024xf32, #tpu.memory_space<vmem>>, vector<16xf32>,
      tpu.vector_store %arg8[%swap3A_364, %swap3A_365], %add3A_363 {strides = array<i32>} : memref<16x1024xf32, #tpu.memory_space<vmem>>, vector<16xf32>,
      %get3A_367 = arith.index_cast %scan3A_124 : i32 to index
      %get3A_368 = arith.constant 320 : index
      %get3A_369 = tpu.vector_load %arg8[%get3A_367, %get3A_368] {strides = array<i32>} : memref<16x1024xf32, #tpu.memory_space<vmem>>, vector<16xf32>,
      %mul3A_370 = arith.mulf %get3A_369, %gather3A : vector<16xf32>
      %get3A_371 = arith.index_cast %scan3A_124 : i32 to index
      %get3A_372 = arith.constant 320 : index
      %get3A_373 = tpu.vector_load %arg9[%get3A_371, %get3A_372] {strides = array<i32>} : memref<16x1024xf32, #tpu.memory_space<vmem>>, vector<16xf32>,
      %mul3A_374 = arith.mulf %get3A_373, %gather3A_128 : vector<16xf32>
      %add3A_375 = arith.addf %mul3A_370, %mul3A_374 : vector<16xf32>
      %swap3A_376 = arith.index_cast %scan3A_124 : i32 to index
      %swap3A_377 = arith.constant 320 : index
      %swap3A_378 = tpu.vector_load %arg8[%swap3A_376, %swap3A_377] {strides = array<i32>} : memref<16x1024xf32, #tpu.memory_space<vmem>>, vector<16xf32>,
      tpu.vector_store %arg8[%swap3A_376, %swap3A_377], %add3A_375 {strides = array<i32>} : memref<16x1024xf32, #tpu.memory_space<vmem>>, vector<16xf32>,
      %get3A_379 = arith.index_cast %scan3A_124 : i32 to index
      %get3A_380 = arith.constant 336 : index
      %get3A_381 = tpu.vector_load %arg8[%get3A_379, %get3A_380] {strides = array<i32>} : memref<16x1024xf32, #tpu.memory_space<vmem>>, vector<16xf32>,
      %mul3A_382 = arith.mulf %get3A_381, %gather3A : vector<16xf32>
      %get3A_383 = arith.index_cast %scan3A_124 : i32 to index
      %get3A_384 = arith.constant 336 : index
      %get3A_385 = tpu.vector_load %arg9[%get3A_383, %get3A_384] {strides = array<i32>} : memref<16x1024xf32, #tpu.memory_space<vmem>>, vector<16xf32>,
      %mul3A_386 = arith.mulf %get3A_385, %gather3A_128 : vector<16xf32>
      %add3A_387 = arith.addf %mul3A_382, %mul3A_386 : vector<16xf32>
      %swap3A_388 = arith.index_cast %scan3A_124 : i32 to index
      %swap3A_389 = arith.constant 336 : index
      %swap3A_390 = tpu.vector_load %arg8[%swap3A_388, %swap3A_389] {strides = array<i32>} : memref<16x1024xf32, #tpu.memory_space<vmem>>, vector<16xf32>,
      tpu.vector_store %arg8[%swap3A_388, %swap3A_389], %add3A_387 {strides = array<i32>} : memref<16x1024xf32, #tpu.memory_space<vmem>>, vector<16xf32>,
      %get3A_391 = arith.index_cast %scan3A_124 : i32 to index
      %get3A_392 = arith.constant 352 : index
      %get3A_393 = tpu.vector_load %arg8[%get3A_391, %get3A_392] {strides = array<i32>} : memref<16x1024xf32, #tpu.memory_space<vmem>>, vector<16xf32>,
      %mul3A_394 = arith.mulf %get3A_393, %gather3A : vector<16xf32>
      %get3A_395 = arith.index_cast %scan3A_124 : i32 to index
      %get3A_396 = arith.constant 352 : index
      %get3A_397 = tpu.vector_load %arg9[%get3A_395, %get3A_396] {strides = array<i32>} : memref<16x1024xf32, #tpu.memory_space<vmem>>, vector<16xf32>,
      %mul3A_398 = arith.mulf %get3A_397, %gather3A_128 : vector<16xf32>
      %add3A_399 = arith.addf %mul3A_394, %mul3A_398 : vector<16xf32>
      %swap3A_400 = arith.index_cast %scan3A_124 : i32 to index
      %swap3A_401 = arith.constant 352 : index
      %swap3A_402 = tpu.vector_load %arg8[%swap3A_400, %swap3A_401] {strides = array<i32>} : memref<16x1024xf32, #tpu.memory_space<vmem>>, vector<16xf32>,
      tpu.vector_store %arg8[%swap3A_400, %swap3A_401], %add3A_399 {strides = array<i32>} : memref<16x1024xf32, #tpu.memory_space<vmem>>, vector<16xf32>,
      %get3A_403 = arith.index_cast %scan3A_124 : i32 to index
      %get3A_404 = arith.constant 368 : index
      %get3A_405 = tpu.vector_load %arg8[%get3A_403, %get3A_404] {strides = array<i32>} : memref<16x1024xf32, #tpu.memory_space<vmem>>, vector<16xf32>,
      %mul3A_406 = arith.mulf %get3A_405, %gather3A : vector<16xf32>
      %get3A_407 = arith.index_cast %scan3A_124 : i32 to index
      %get3A_408 = arith.constant 368 : index
      %get3A_409 = tpu.vector_load %arg9[%get3A_407, %get3A_408] {strides = array<i32>} : memref<16x1024xf32, #tpu.memory_space<vmem>>, vector<16xf32>,
      %mul3A_410 = arith.mulf %get3A_409, %gather3A_128 : vector<16xf32>
      %add3A_411 = arith.addf %mul3A_406, %mul3A_410 : vector<16xf32>
      %swap3A_412 = arith.index_cast %scan3A_124 : i32 to index
      %swap3A_413 = arith.constant 368 : index
      %swap3A_414 = tpu.vector_load %arg8[%swap3A_412, %swap3A_413] {strides = array<i32>} : memref<16x1024xf32, #tpu.memory_space<vmem>>, vector<16xf32>,
      tpu.vector_store %arg8[%swap3A_412, %swap3A_413], %add3A_411 {strides = array<i32>} : memref<16x1024xf32, #tpu.memory_space<vmem>>, vector<16xf32>,
      %get3A_415 = arith.index_cast %scan3A_124 : i32 to index
      %get3A_416 = arith.constant 384 : index
      %get3A_417 = tpu.vector_load %arg8[%get3A_415, %get3A_416] {strides = array<i32>} : memref<16x1024xf32, #tpu.memory_space<vmem>>, vector<16xf32>,
      %mul3A_418 = arith.mulf %get3A_417, %gather3A : vector<16xf32>
      %get3A_419 = arith.index_cast %scan3A_124 : i32 to index
      %get3A_420 = arith.constant 384 : index
      %get3A_421 = tpu.vector_load %arg9[%get3A_419, %get3A_420] {strides = array<i32>} : memref<16x1024xf32, #tpu.memory_space<vmem>>, vector<16xf32>,
      %mul3A_422 = arith.mulf %get3A_421, %gather3A_128 : vector<16xf32>
      %add3A_423 = arith.addf %mul3A_418, %mul3A_422 : vector<16xf32>
      %swap3A_424 = arith.index_cast %scan3A_124 : i32 to index
      %swap3A_425 = arith.constant 384 : index
      %swap3A_426 = tpu.vector_load %arg8[%swap3A_424, %swap3A_425] {strides = array<i32>} : memref<16x1024xf32, #tpu.memory_space<vmem>>, vector<16xf32>,
      tpu.vector_store %arg8[%swap3A_424, %swap3A_425], %add3A_423 {strides = array<i32>} : memref<16x1024xf32, #tpu.memory_space<vmem>>, vector<16xf32>,
      %get3A_427 = arith.index_cast %scan3A_124 : i32 to index
      %get3A_428 = arith.constant 400 : index
      %get3A_429 = tpu.vector_load %arg8[%get3A_427, %get3A_428] {strides = array<i32>} : memref<16x1024xf32, #tpu.memory_space<vmem>>, vector<16xf32>,
      %mul3A_430 = arith.mulf %get3A_429, %gather3A : vector<16xf32>
      %get3A_431 = arith.index_cast %scan3A_124 : i32 to index
      %get3A_432 = arith.constant 400 : index
      %get3A_433 = tpu.vector_load %arg9[%get3A_431, %get3A_432] {strides = array<i32>} : memref<16x1024xf32, #tpu.memory_space<vmem>>, vector<16xf32>,
      %mul3A_434 = arith.mulf %get3A_433, %gather3A_128 : vector<16xf32>
      %add3A_435 = arith.addf %mul3A_430, %mul3A_434 : vector<16xf32>
      %swap3A_436 = arith.index_cast %scan3A_124 : i32 to index
      %swap3A_437 = arith.constant 400 : index
      %swap3A_438 = tpu.vector_load %arg8[%swap3A_436, %swap3A_437] {strides = array<i32>} : memref<16x1024xf32, #tpu.memory_space<vmem>>, vector<16xf32>,
      tpu.vector_store %arg8[%swap3A_436, %swap3A_437], %add3A_435 {strides = array<i32>} : memref<16x1024xf32, #tpu.memory_space<vmem>>, vector<16xf32>,
      %get3A_439 = arith.index_cast %scan3A_124 : i32 to index
      %get3A_440 = arith.constant 416 : index
      %get3A_441 = tpu.vector_load %arg8[%get3A_439, %get3A_440] {strides = array<i32>} : memref<16x1024xf32, #tpu.memory_space<vmem>>, vector<16xf32>,
      %mul3A_442 = arith.mulf %get3A_441, %gather3A : vector<16xf32>
      %get3A_443 = arith.index_cast %scan3A_124 : i32 to index
      %get3A_444 = arith.constant 416 : index
      %get3A_445 = tpu.vector_load %arg9[%get3A_443, %get3A_444] {strides = array<i32>} : memref<16x1024xf32, #tpu.memory_space<vmem>>, vector<16xf32>,
      %mul3A_446 = arith.mulf %get3A_445, %gather3A_128 : vector<16xf32>
      %add3A_447 = arith.addf %mul3A_442, %mul3A_446 : vector<16xf32>
      %swap3A_448 = arith.index_cast %scan3A_124 : i32 to index
      %swap3A_449 = arith.constant 416 : index
      %swap3A_450 = tpu.vector_load %arg8[%swap3A_448, %swap3A_449] {strides = array<i32>} : memref<16x1024xf32, #tpu.memory_space<vmem>>, vector<16xf32>,
      tpu.vector_store %arg8[%swap3A_448, %swap3A_449], %add3A_447 {strides = array<i32>} : memref<16x1024xf32, #tpu.memory_space<vmem>>, vector<16xf32>,
      %get3A_451 = arith.index_cast %scan3A_124 : i32 to index
      %get3A_452 = arith.constant 432 : index
      %get3A_453 = tpu.vector_load %arg8[%get3A_451, %get3A_452] {strides = array<i32>} : memref<16x1024xf32, #tpu.memory_space<vmem>>, vector<16xf32>,
      %mul3A_454 = arith.mulf %get3A_453, %gather3A : vector<16xf32>
      %get3A_455 = arith.index_cast %scan3A_124 : i32 to index
      %get3A_456 = arith.constant 432 : index
      %get3A_457 = tpu.vector_load %arg9[%get3A_455, %get3A_456] {strides = array<i32>} : memref<16x1024xf32, #tpu.memory_space<vmem>>, vector<16xf32>,
      %mul3A_458 = arith.mulf %get3A_457, %gather3A_128 : vector<16xf32>
      %add3A_459 = arith.addf %mul3A_454, %mul3A_458 : vector<16xf32>
      %swap3A_460 = arith.index_cast %scan3A_124 : i32 to index
      %swap3A_461 = arith.constant 432 : index
      %swap3A_462 = tpu.vector_load %arg8[%swap3A_460, %swap3A_461] {strides = array<i32>} : memref<16x1024xf32, #tpu.memory_space<vmem>>, vector<16xf32>,
      tpu.vector_store %arg8[%swap3A_460, %swap3A_461], %add3A_459 {strides = array<i32>} : memref<16x1024xf32, #tpu.memory_space<vmem>>, vector<16xf32>,
      %get3A_463 = arith.index_cast %scan3A_124 : i32 to index
      %get3A_464 = arith.constant 448 : index
      %get3A_465 = tpu.vector_load %arg8[%get3A_463, %get3A_464] {strides = array<i32>} : memref<16x1024xf32, #tpu.memory_space<vmem>>, vector<16xf32>,
      %mul3A_466 = arith.mulf %get3A_465, %gather3A : vector<16xf32>
      %get3A_467 = arith.index_cast %scan3A_124 : i32 to index
      %get3A_468 = arith.constant 448 : index
      %get3A_469 = tpu.vector_load %arg9[%get3A_467, %get3A_468] {strides = array<i32>} : memref<16x1024xf32, #tpu.memory_space<vmem>>, vector<16xf32>,
      %mul3A_470 = arith.mulf %get3A_469, %gather3A_128 : vector<16xf32>
      %add3A_471 = arith.addf %mul3A_466, %mul3A_470 : vector<16xf32>
      %swap3A_472 = arith.index_cast %scan3A_124 : i32 to index
      %swap3A_473 = arith.constant 448 : index
      %swap3A_474 = tpu.vector_load %arg8[%swap3A_472, %swap3A_473] {strides = array<i32>} : memref<16x1024xf32, #tpu.memory_space<vmem>>, vector<16xf32>,
      tpu.vector_store %arg8[%swap3A_472, %swap3A_473], %add3A_471 {strides = array<i32>} : memref<16x1024xf32, #tpu.memory_space<vmem>>, vector<16xf32>,
      %get3A_475 = arith.index_cast %scan3A_124 : i32 to index
      %get3A_476 = arith.constant 464 : index
      %get3A_477 = tpu.vector_load %arg8[%get3A_475, %get3A_476] {strides = array<i32>} : memref<16x1024xf32, #tpu.memory_space<vmem>>, vector<16xf32>,
      %mul3A_478 = arith.mulf %get3A_477, %gather3A : vector<16xf32>
      %get3A_479 = arith.index_cast %scan3A_124 : i32 to index
      %get3A_480 = arith.constant 464 : index
      %get3A_481 = tpu.vector_load %arg9[%get3A_479, %get3A_480] {strides = array<i32>} : memref<16x1024xf32, #tpu.memory_space<vmem>>, vector<16xf32>,
      %mul3A_482 = arith.mulf %get3A_481, %gather3A_128 : vector<16xf32>
      %add3A_483 = arith.addf %mul3A_478, %mul3A_482 : vector<16xf32>
      %swap3A_484 = arith.index_cast %scan3A_124 : i32 to index
      %swap3A_485 = arith.constant 464 : index
      %swap3A_486 = tpu.vector_load %arg8[%swap3A_484, %swap3A_485] {strides = array<i32>} : memref<16x1024xf32, #tpu.memory_space<vmem>>, vector<16xf32>,
      tpu.vector_store %arg8[%swap3A_484, %swap3A_485], %add3A_483 {strides = array<i32>} : memref<16x1024xf32, #tpu.memory_space<vmem>>, vector<16xf32>,
      %get3A_487 = arith.index_cast %scan3A_124 : i32 to index
      %get3A_488 = arith.constant 480 : index
      %get3A_489 = tpu.vector_load %arg8[%get3A_487, %get3A_488] {strides = array<i32>} : memref<16x1024xf32, #tpu.memory_space<vmem>>, vector<16xf32>,
      %mul3A_490 = arith.mulf %get3A_489, %gather3A : vector<16xf32>
      %get3A_491 = arith.index_cast %scan3A_124 : i32 to index
      %get3A_492 = arith.constant 480 : index
      %get3A_493 = tpu.vector_load %arg9[%get3A_491, %get3A_492] {strides = array<i32>} : memref<16x1024xf32, #tpu.memory_space<vmem>>, vector<16xf32>,
      %mul3A_494 = arith.mulf %get3A_493, %gather3A_128 : vector<16xf32>
      %add3A_495 = arith.addf %mul3A_490, %mul3A_494 : vector<16xf32>
      %swap3A_496 = arith.index_cast %scan3A_124 : i32 to index
      %swap3A_497 = arith.constant 480 : index
      %swap3A_498 = tpu.vector_load %arg8[%swap3A_496, %swap3A_497] {strides = array<i32>} : memref<16x1024xf32, #tpu.memory_space<vmem>>, vector<16xf32>,
      tpu.vector_store %arg8[%swap3A_496, %swap3A_497], %add3A_495 {strides = array<i32>} : memref<16x1024xf32, #tpu.memory_space<vmem>>, vector<16xf32>,
      %get3A_499 = arith.index_cast %scan3A_124 : i32 to index
      %get3A_500 = arith.constant 496 : index
      %get3A_501 = tpu.vector_load %arg8[%get3A_499, %get3A_500] {strides = array<i32>} : memref<16x1024xf32, #tpu.memory_space<vmem>>, vector<16xf32>,
      %mul3A_502 = arith.mulf %get3A_501, %gather3A : vector<16xf32>
      %get3A_503 = arith.index_cast %scan3A_124 : i32 to index
      %get3A_504 = arith.constant 496 : index
      %get3A_505 = tpu.vector_load %arg9[%get3A_503, %get3A_504] {strides = array<i32>} : memref<16x1024xf32, #tpu.memory_space<vmem>>, vector<16xf32>,
      %mul3A_506 = arith.mulf %get3A_505, %gather3A_128 : vector<16xf32>
      %add3A_507 = arith.addf %mul3A_502, %mul3A_506 : vector<16xf32>
      %swap3A_508 = arith.index_cast %scan3A_124 : i32 to index
      %swap3A_509 = arith.constant 496 : index
      %swap3A_510 = tpu.vector_load %arg8[%swap3A_508, %swap3A_509] {strides = array<i32>} : memref<16x1024xf32, #tpu.memory_space<vmem>>, vector<16xf32>,
      tpu.vector_store %arg8[%swap3A_508, %swap3A_509], %add3A_507 {strides = array<i32>} : memref<16x1024xf32, #tpu.memory_space<vmem>>, vector<16xf32>,
      %get3A_511 = arith.index_cast %scan3A_124 : i32 to index
      %get3A_512 = arith.constant 512 : index
      %get3A_513 = tpu.vector_load %arg8[%get3A_511, %get3A_512] {strides = array<i32>} : memref<16x1024xf32, #tpu.memory_space<vmem>>, vector<16xf32>,
      %mul3A_514 = arith.mulf %get3A_513, %gather3A : vector<16xf32>
      %get3A_515 = arith.index_cast %scan3A_124 : i32 to index
      %get3A_516 = arith.constant 512 : index
      %get3A_517 = tpu.vector_load %arg9[%get3A_515, %get3A_516] {strides = array<i32>} : memref<16x1024xf32, #tpu.memory_space<vmem>>, vector<16xf32>,
      %mul3A_518 = arith.mulf %get3A_517, %gather3A_128 : vector<16xf32>
      %add3A_519 = arith.addf %mul3A_514, %mul3A_518 : vector<16xf32>
      %swap3A_520 = arith.index_cast %scan3A_124 : i32 to index
      %swap3A_521 = arith.constant 512 : index
      %swap3A_522 = tpu.vector_load %arg8[%swap3A_520, %swap3A_521] {strides = array<i32>} : memref<16x1024xf32, #tpu.memory_space<vmem>>, vector<16xf32>,
      tpu.vector_store %arg8[%swap3A_520, %swap3A_521], %add3A_519 {strides = array<i32>} : memref<16x1024xf32, #tpu.memory_space<vmem>>, vector<16xf32>,
      %get3A_523 = arith.index_cast %scan3A_124 : i32 to index
      %get3A_524 = arith.constant 528 : index
      %get3A_525 = tpu.vector_load %arg8[%get3A_523, %get3A_524] {strides = array<i32>} : memref<16x1024xf32, #tpu.memory_space<vmem>>, vector<16xf32>,
      %mul3A_526 = arith.mulf %get3A_525, %gather3A : vector<16xf32>
      %get3A_527 = arith.index_cast %scan3A_124 : i32 to index
      %get3A_528 = arith.constant 528 : index
      %get3A_529 = tpu.vector_load %arg9[%get3A_527, %get3A_528] {strides = array<i32>} : memref<16x1024xf32, #tpu.memory_space<vmem>>, vector<16xf32>,
      %mul3A_530 = arith.mulf %get3A_529, %gather3A_128 : vector<16xf32>
      %add3A_531 = arith.addf %mul3A_526, %mul3A_530 : vector<16xf32>
      %swap3A_532 = arith.index_cast %scan3A_124 : i32 to index
      %swap3A_533 = arith.constant 528 : index
      %swap3A_534 = tpu.vector_load %arg8[%swap3A_532, %swap3A_533] {strides = array<i32>} : memref<16x1024xf32, #tpu.memory_space<vmem>>, vector<16xf32>,
      tpu.vector_store %arg8[%swap3A_532, %swap3A_533], %add3A_531 {strides = array<i32>} : memref<16x1024xf32, #tpu.memory_space<vmem>>, vector<16xf32>,
      %get3A_535 = arith.index_cast %scan3A_124 : i32 to index
      %get3A_536 = arith.constant 544 : index
      %get3A_537 = tpu.vector_load %arg8[%get3A_535, %get3A_536] {strides = array<i32>} : memref<16x1024xf32, #tpu.memory_space<vmem>>, vector<16xf32>,
      %mul3A_538 = arith.mulf %get3A_537, %gather3A : vector<16xf32>
      %get3A_539 = arith.index_cast %scan3A_124 : i32 to index
      %get3A_540 = arith.constant 544 : index
      %get3A_541 = tpu.vector_load %arg9[%get3A_539, %get3A_540] {strides = array<i32>} : memref<16x1024xf32, #tpu.memory_space<vmem>>, vector<16xf32>,
      %mul3A_542 = arith.mulf %get3A_541, %gather3A_128 : vector<16xf32>
      %add3A_543 = arith.addf %mul3A_538, %mul3A_542 : vector<16xf32>
      %swap3A_544 = arith.index_cast %scan3A_124 : i32 to index
      %swap3A_545 = arith.constant 544 : index
      %swap3A_546 = tpu.vector_load %arg8[%swap3A_544, %swap3A_545] {strides = array<i32>} : memref<16x1024xf32, #tpu.memory_space<vmem>>, vector<16xf32>,
      tpu.vector_store %arg8[%swap3A_544, %swap3A_545], %add3A_543 {strides = array<i32>} : memref<16x1024xf32, #tpu.memory_space<vmem>>, vector<16xf32>,
      %get3A_547 = arith.index_cast %scan3A_124 : i32 to index
      %get3A_548 = arith.constant 560 : index
      %get3A_549 = tpu.vector_load %arg8[%get3A_547, %get3A_548] {strides = array<i32>} : memref<16x1024xf32, #tpu.memory_space<vmem>>, vector<16xf32>,
      %mul3A_550 = arith.mulf %get3A_549, %gather3A : vector<16xf32>
      %get3A_551 = arith.index_cast %scan3A_124 : i32 to index
      %get3A_552 = arith.constant 560 : index
      %get3A_553 = tpu.vector_load %arg9[%get3A_551, %get3A_552] {strides = array<i32>} : memref<16x1024xf32, #tpu.memory_space<vmem>>, vector<16xf32>,
      %mul3A_554 = arith.mulf %get3A_553, %gather3A_128 : vector<16xf32>
      %add3A_555 = arith.addf %mul3A_550, %mul3A_554 : vector<16xf32>
      %swap3A_556 = arith.index_cast %scan3A_124 : i32 to index
      %swap3A_557 = arith.constant 560 : index
      %swap3A_558 = tpu.vector_load %arg8[%swap3A_556, %swap3A_557] {strides = array<i32>} : memref<16x1024xf32, #tpu.memory_space<vmem>>, vector<16xf32>,
      tpu.vector_store %arg8[%swap3A_556, %swap3A_557], %add3A_555 {strides = array<i32>} : memref<16x1024xf32, #tpu.memory_space<vmem>>, vector<16xf32>,
      %get3A_559 = arith.index_cast %scan3A_124 : i32 to index
      %get3A_560 = arith.constant 576 : index
      %get3A_561 = tpu.vector_load %arg8[%get3A_559, %get3A_560] {strides = array<i32>} : memref<16x1024xf32, #tpu.memory_space<vmem>>, vector<16xf32>,
      %mul3A_562 = arith.mulf %get3A_561, %gather3A : vector<16xf32>
      %get3A_563 = arith.index_cast %scan3A_124 : i32 to index
      %get3A_564 = arith.constant 576 : index
      %get3A_565 = tpu.vector_load %arg9[%get3A_563, %get3A_564] {strides = array<i32>} : memref<16x1024xf32, #tpu.memory_space<vmem>>, vector<16xf32>,
      %mul3A_566 = arith.mulf %get3A_565, %gather3A_128 : vector<16xf32>
      %add3A_567 = arith.addf %mul3A_562, %mul3A_566 : vector<16xf32>
      %swap3A_568 = arith.index_cast %scan3A_124 : i32 to index
      %swap3A_569 = arith.constant 576 : index
      %swap3A_570 = tpu.vector_load %arg8[%swap3A_568, %swap3A_569] {strides = array<i32>} : memref<16x1024xf32, #tpu.memory_space<vmem>>, vector<16xf32>,
      tpu.vector_store %arg8[%swap3A_568, %swap3A_569], %add3A_567 {strides = array<i32>} : memref<16x1024xf32, #tpu.memory_space<vmem>>, vector<16xf32>,
      %get3A_571 = arith.index_cast %scan3A_124 : i32 to index
      %get3A_572 = arith.constant 592 : index
      %get3A_573 = tpu.vector_load %arg8[%get3A_571, %get3A_572] {strides = array<i32>} : memref<16x1024xf32, #tpu.memory_space<vmem>>, vector<16xf32>,
      %mul3A_574 = arith.mulf %get3A_573, %gather3A : vector<16xf32>
      %get3A_575 = arith.index_cast %scan3A_124 : i32 to index
      %get3A_576 = arith.constant 592 : index
      %get3A_577 = tpu.vector_load %arg9[%get3A_575, %get3A_576] {strides = array<i32>} : memref<16x1024xf32, #tpu.memory_space<vmem>>, vector<16xf32>,
      %mul3A_578 = arith.mulf %get3A_577, %gather3A_128 : vector<16xf32>
      %add3A_579 = arith.addf %mul3A_574, %mul3A_578 : vector<16xf32>
      %swap3A_580 = arith.index_cast %scan3A_124 : i32 to index
      %swap3A_581 = arith.constant 592 : index
      %swap3A_582 = tpu.vector_load %arg8[%swap3A_580, %swap3A_581] {strides = array<i32>} : memref<16x1024xf32, #tpu.memory_space<vmem>>, vector<16xf32>,
      tpu.vector_store %arg8[%swap3A_580, %swap3A_581], %add3A_579 {strides = array<i32>} : memref<16x1024xf32, #tpu.memory_space<vmem>>, vector<16xf32>,
      %get3A_583 = arith.index_cast %scan3A_124 : i32 to index
      %get3A_584 = arith.constant 608 : index
      %get3A_585 = tpu.vector_load %arg8[%get3A_583, %get3A_584] {strides = array<i32>} : memref<16x1024xf32, #tpu.memory_space<vmem>>, vector<16xf32>,
      %mul3A_586 = arith.mulf %get3A_585, %gather3A : vector<16xf32>
      %get3A_587 = arith.index_cast %scan3A_124 : i32 to index
      %get3A_588 = arith.constant 608 : index
      %get3A_589 = tpu.vector_load %arg9[%get3A_587, %get3A_588] {strides = array<i32>} : memref<16x1024xf32, #tpu.memory_space<vmem>>, vector<16xf32>,
      %mul3A_590 = arith.mulf %get3A_589, %gather3A_128 : vector<16xf32>
      %add3A_591 = arith.addf %mul3A_586, %mul3A_590 : vector<16xf32>
      %swap3A_592 = arith.index_cast %scan3A_124 : i32 to index
      %swap3A_593 = arith.constant 608 : index
      %swap3A_594 = tpu.vector_load %arg8[%swap3A_592, %swap3A_593] {strides = array<i32>} : memref<16x1024xf32, #tpu.memory_space<vmem>>, vector<16xf32>,
      tpu.vector_store %arg8[%swap3A_592, %swap3A_593], %add3A_591 {strides = array<i32>} : memref<16x1024xf32, #tpu.memory_space<vmem>>, vector<16xf32>,
      %get3A_595 = arith.index_cast %scan3A_124 : i32 to index
      %get3A_596 = arith.constant 624 : index
      %get3A_597 = tpu.vector_load %arg8[%get3A_595, %get3A_596] {strides = array<i32>} : memref<16x1024xf32, #tpu.memory_space<vmem>>, vector<16xf32>,
      %mul3A_598 = arith.mulf %get3A_597, %gather3A : vector<16xf32>
      %get3A_599 = arith.index_cast %scan3A_124 : i32 to index
      %get3A_600 = arith.constant 624 : index
      %get3A_601 = tpu.vector_load %arg9[%get3A_599, %get3A_600] {strides = array<i32>} : memref<16x1024xf32, #tpu.memory_space<vmem>>, vector<16xf32>,
      %mul3A_602 = arith.mulf %get3A_601, %gather3A_128 : vector<16xf32>
      %add3A_603 = arith.addf %mul3A_598, %mul3A_602 : vector<16xf32>
      %swap3A_604 = arith.index_cast %scan3A_124 : i32 to index
      %swap3A_605 = arith.constant 624 : index
      %swap3A_606 = tpu.vector_load %arg8[%swap3A_604, %swap3A_605] {strides = array<i32>} : memref<16x1024xf32, #tpu.memory_space<vmem>>, vector<16xf32>,
      tpu.vector_store %arg8[%swap3A_604, %swap3A_605], %add3A_603 {strides = array<i32>} : memref<16x1024xf32, #tpu.memory_space<vmem>>, vector<16xf32>,
      %get3A_607 = arith.index_cast %scan3A_124 : i32 to index
      %get3A_608 = arith.constant 640 : index
      %get3A_609 = tpu.vector_load %arg8[%get3A_607, %get3A_608] {strides = array<i32>} : memref<16x1024xf32, #tpu.memory_space<vmem>>, vector<16xf32>,
      %mul3A_610 = arith.mulf %get3A_609, %gather3A : vector<16xf32>
      %get3A_611 = arith.index_cast %scan3A_124 : i32 to index
      %get3A_612 = arith.constant 640 : index
      %get3A_613 = tpu.vector_load %arg9[%get3A_611, %get3A_612] {strides = array<i32>} : memref<16x1024xf32, #tpu.memory_space<vmem>>, vector<16xf32>,
      %mul3A_614 = arith.mulf %get3A_613, %gather3A_128 : vector<16xf32>
      %add3A_615 = arith.addf %mul3A_610, %mul3A_614 : vector<16xf32>
      %swap3A_616 = arith.index_cast %scan3A_124 : i32 to index
      %swap3A_617 = arith.constant 640 : index
      %swap3A_618 = tpu.vector_load %arg8[%swap3A_616, %swap3A_617] {strides = array<i32>} : memref<16x1024xf32, #tpu.memory_space<vmem>>, vector<16xf32>,
      tpu.vector_store %arg8[%swap3A_616, %swap3A_617], %add3A_615 {strides = array<i32>} : memref<16x1024xf32, #tpu.memory_space<vmem>>, vector<16xf32>,
      %get3A_619 = arith.index_cast %scan3A_124 : i32 to index
      %get3A_620 = arith.constant 656 : index
      %get3A_621 = tpu.vector_load %arg8[%get3A_619, %get3A_620] {strides = array<i32>} : memref<16x1024xf32, #tpu.memory_space<vmem>>, vector<16xf32>,
      %mul3A_622 = arith.mulf %get3A_621, %gather3A : vector<16xf32>
      %get3A_623 = arith.index_cast %scan3A_124 : i32 to index
      %get3A_624 = arith.constant 656 : index
      %get3A_625 = tpu.vector_load %arg9[%get3A_623, %get3A_624] {strides = array<i32>} : memref<16x1024xf32, #tpu.memory_space<vmem>>, vector<16xf32>,
      %mul3A_626 = arith.mulf %get3A_625, %gather3A_128 : vector<16xf32>
      %add3A_627 = arith.addf %mul3A_622, %mul3A_626 : vector<16xf32>
      %swap3A_628 = arith.index_cast %scan3A_124 : i32 to index
      %swap3A_629 = arith.constant 656 : index
      %swap3A_630 = tpu.vector_load %arg8[%swap3A_628, %swap3A_629] {strides = array<i32>} : memref<16x1024xf32, #tpu.memory_space<vmem>>, vector<16xf32>,
      tpu.vector_store %arg8[%swap3A_628, %swap3A_629], %add3A_627 {strides = array<i32>} : memref<16x1024xf32, #tpu.memory_space<vmem>>, vector<16xf32>,
      %get3A_631 = arith.index_cast %scan3A_124 : i32 to index
      %get3A_632 = arith.constant 672 : index
      %get3A_633 = tpu.vector_load %arg8[%get3A_631, %get3A_632] {strides = array<i32>} : memref<16x1024xf32, #tpu.memory_space<vmem>>, vector<16xf32>,
      %mul3A_634 = arith.mulf %get3A_633, %gather3A : vector<16xf32>
      %get3A_635 = arith.index_cast %scan3A_124 : i32 to index
      %get3A_636 = arith.constant 672 : index
      %get3A_637 = tpu.vector_load %arg9[%get3A_635, %get3A_636] {strides = array<i32>} : memref<16x1024xf32, #tpu.memory_space<vmem>>, vector<16xf32>,
      %mul3A_638 = arith.mulf %get3A_637, %gather3A_128 : vector<16xf32>
      %add3A_639 = arith.addf %mul3A_634, %mul3A_638 : vector<16xf32>
      %swap3A_640 = arith.index_cast %scan3A_124 : i32 to index
      %swap3A_641 = arith.constant 672 : index
      %swap3A_642 = tpu.vector_load %arg8[%swap3A_640, %swap3A_641] {strides = array<i32>} : memref<16x1024xf32, #tpu.memory_space<vmem>>, vector<16xf32>,
      tpu.vector_store %arg8[%swap3A_640, %swap3A_641], %add3A_639 {strides = array<i32>} : memref<16x1024xf32, #tpu.memory_space<vmem>>, vector<16xf32>,
      %get3A_643 = arith.index_cast %scan3A_124 : i32 to index
      %get3A_644 = arith.constant 688 : index
      %get3A_645 = tpu.vector_load %arg8[%get3A_643, %get3A_644] {strides = array<i32>} : memref<16x1024xf32, #tpu.memory_space<vmem>>, vector<16xf32>,
      %mul3A_646 = arith.mulf %get3A_645, %gather3A : vector<16xf32>
      %get3A_647 = arith.index_cast %scan3A_124 : i32 to index
      %get3A_648 = arith.constant 688 : index
      %get3A_649 = tpu.vector_load %arg9[%get3A_647, %get3A_648] {strides = array<i32>} : memref<16x1024xf32, #tpu.memory_space<vmem>>, vector<16xf32>,
      %mul3A_650 = arith.mulf %get3A_649, %gather3A_128 : vector<16xf32>
      %add3A_651 = arith.addf %mul3A_646, %mul3A_650 : vector<16xf32>
      %swap3A_652 = arith.index_cast %scan3A_124 : i32 to index
      %swap3A_653 = arith.constant 688 : index
      %swap3A_654 = tpu.vector_load %arg8[%swap3A_652, %swap3A_653] {strides = array<i32>} : memref<16x1024xf32, #tpu.memory_space<vmem>>, vector<16xf32>,
      tpu.vector_store %arg8[%swap3A_652, %swap3A_653], %add3A_651 {strides = array<i32>} : memref<16x1024xf32, #tpu.memory_space<vmem>>, vector<16xf32>,
      %get3A_655 = arith.index_cast %scan3A_124 : i32 to index
      %get3A_656 = arith.constant 704 : index
      %get3A_657 = tpu.vector_load %arg8[%get3A_655, %get3A_656] {strides = array<i32>} : memref<16x1024xf32, #tpu.memory_space<vmem>>, vector<16xf32>,
      %mul3A_658 = arith.mulf %get3A_657, %gather3A : vector<16xf32>
      %get3A_659 = arith.index_cast %scan3A_124 : i32 to index
      %get3A_660 = arith.constant 704 : index
      %get3A_661 = tpu.vector_load %arg9[%get3A_659, %get3A_660] {strides = array<i32>} : memref<16x1024xf32, #tpu.memory_space<vmem>>, vector<16xf32>,
      %mul3A_662 = arith.mulf %get3A_661, %gather3A_128 : vector<16xf32>
      %add3A_663 = arith.addf %mul3A_658, %mul3A_662 : vector<16xf32>
      %swap3A_664 = arith.index_cast %scan3A_124 : i32 to index
      %swap3A_665 = arith.constant 704 : index
      %swap3A_666 = tpu.vector_load %arg8[%swap3A_664, %swap3A_665] {strides = array<i32>} : memref<16x1024xf32, #tpu.memory_space<vmem>>, vector<16xf32>,
      tpu.vector_store %arg8[%swap3A_664, %swap3A_665], %add3A_663 {strides = array<i32>} : memref<16x1024xf32, #tpu.memory_space<vmem>>, vector<16xf32>,
      %get3A_667 = arith.index_cast %scan3A_124 : i32 to index
      %get3A_668 = arith.constant 720 : index
      %get3A_669 = tpu.vector_load %arg8[%get3A_667, %get3A_668] {strides = array<i32>} : memref<16x1024xf32, #tpu.memory_space<vmem>>, vector<16xf32>,
      %mul3A_670 = arith.mulf %get3A_669, %gather3A : vector<16xf32>
      %get3A_671 = arith.index_cast %scan3A_124 : i32 to index
      %get3A_672 = arith.constant 720 : index
      %get3A_673 = tpu.vector_load %arg9[%get3A_671, %get3A_672] {strides = array<i32>} : memref<16x1024xf32, #tpu.memory_space<vmem>>, vector<16xf32>,
      %mul3A_674 = arith.mulf %get3A_673, %gather3A_128 : vector<16xf32>
      %add3A_675 = arith.addf %mul3A_670, %mul3A_674 : vector<16xf32>
      %swap3A_676 = arith.index_cast %scan3A_124 : i32 to index
      %swap3A_677 = arith.constant 720 : index
      %swap3A_678 = tpu.vector_load %arg8[%swap3A_676, %swap3A_677] {strides = array<i32>} : memref<16x1024xf32, #tpu.memory_space<vmem>>, vector<16xf32>,
      tpu.vector_store %arg8[%swap3A_676, %swap3A_677], %add3A_675 {strides = array<i32>} : memref<16x1024xf32, #tpu.memory_space<vmem>>, vector<16xf32>,
      %get3A_679 = arith.index_cast %scan3A_124 : i32 to index
      %get3A_680 = arith.constant 736 : index
      %get3A_681 = tpu.vector_load %arg8[%get3A_679, %get3A_680] {strides = array<i32>} : memref<16x1024xf32, #tpu.memory_space<vmem>>, vector<16xf32>,
      %mul3A_682 = arith.mulf %get3A_681, %gather3A : vector<16xf32>
      %get3A_683 = arith.index_cast %scan3A_124 : i32 to index
      %get3A_684 = arith.constant 736 : index
      %get3A_685 = tpu.vector_load %arg9[%get3A_683, %get3A_684] {strides = array<i32>} : memref<16x1024xf32, #tpu.memory_space<vmem>>, vector<16xf32>,
      %mul3A_686 = arith.mulf %get3A_685, %gather3A_128 : vector<16xf32>
      %add3A_687 = arith.addf %mul3A_682, %mul3A_686 : vector<16xf32>
      %swap3A_688 = arith.index_cast %scan3A_124 : i32 to index
      %swap3A_689 = arith.constant 736 : index
      %swap3A_690 = tpu.vector_load %arg8[%swap3A_688, %swap3A_689] {strides = array<i32>} : memref<16x1024xf32, #tpu.memory_space<vmem>>, vector<16xf32>,
      tpu.vector_store %arg8[%swap3A_688, %swap3A_689], %add3A_687 {strides = array<i32>} : memref<16x1024xf32, #tpu.memory_space<vmem>>, vector<16xf32>,
      %get3A_691 = arith.index_cast %scan3A_124 : i32 to index
      %get3A_692 = arith.constant 752 : index
      %get3A_693 = tpu.vector_load %arg8[%get3A_691, %get3A_692] {strides = array<i32>} : memref<16x1024xf32, #tpu.memory_space<vmem>>, vector<16xf32>,
      %mul3A_694 = arith.mulf %get3A_693, %gather3A : vector<16xf32>
      %get3A_695 = arith.index_cast %scan3A_124 : i32 to index
      %get3A_696 = arith.constant 752 : index
      %get3A_697 = tpu.vector_load %arg9[%get3A_695, %get3A_696] {strides = array<i32>} : memref<16x1024xf32, #tpu.memory_space<vmem>>, vector<16xf32>,
      %mul3A_698 = arith.mulf %get3A_697, %gather3A_128 : vector<16xf32>
      %add3A_699 = arith.addf %mul3A_694, %mul3A_698 : vector<16xf32>
      %swap3A_700 = arith.index_cast %scan3A_124 : i32 to index
      %swap3A_701 = arith.constant 752 : index
      %swap3A_702 = tpu.vector_load %arg8[%swap3A_700, %swap3A_701] {strides = array<i32>} : memref<16x1024xf32, #tpu.memory_space<vmem>>, vector<16xf32>,
      tpu.vector_store %arg8[%swap3A_700, %swap3A_701], %add3A_699 {strides = array<i32>} : memref<16x1024xf32, #tpu.memory_space<vmem>>, vector<16xf32>,
      %get3A_703 = arith.index_cast %scan3A_124 : i32 to index
      %get3A_704 = arith.constant 768 : index
      %get3A_705 = tpu.vector_load %arg8[%get3A_703, %get3A_704] {strides = array<i32>} : memref<16x1024xf32, #tpu.memory_space<vmem>>, vector<16xf32>,
      %mul3A_706 = arith.mulf %get3A_705, %gather3A : vector<16xf32>
      %get3A_707 = arith.index_cast %scan3A_124 : i32 to index
      %get3A_708 = arith.constant 768 : index
      %get3A_709 = tpu.vector_load %arg9[%get3A_707, %get3A_708] {strides = array<i32>} : memref<16x1024xf32, #tpu.memory_space<vmem>>, vector<16xf32>,
      %mul3A_710 = arith.mulf %get3A_709, %gather3A_128 : vector<16xf32>
      %add3A_711 = arith.addf %mul3A_706, %mul3A_710 : vector<16xf32>
      %swap3A_712 = arith.index_cast %scan3A_124 : i32 to index
      %swap3A_713 = arith.constant 768 : index
      %swap3A_714 = tpu.vector_load %arg8[%swap3A_712, %swap3A_713] {strides = array<i32>} : memref<16x1024xf32, #tpu.memory_space<vmem>>, vector<16xf32>,
      tpu.vector_store %arg8[%swap3A_712, %swap3A_713], %add3A_711 {strides = array<i32>} : memref<16x1024xf32, #tpu.memory_space<vmem>>, vector<16xf32>,
      %get3A_715 = arith.index_cast %scan3A_124 : i32 to index
      %get3A_716 = arith.constant 784 : index
      %get3A_717 = tpu.vector_load %arg8[%get3A_715, %get3A_716] {strides = array<i32>} : memref<16x1024xf32, #tpu.memory_space<vmem>>, vector<16xf32>,
      %mul3A_718 = arith.mulf %get3A_717, %gather3A : vector<16xf32>
      %get3A_719 = arith.index_cast %scan3A_124 : i32 to index
      %get3A_720 = arith.constant 784 : index
      %get3A_721 = tpu.vector_load %arg9[%get3A_719, %get3A_720] {strides = array<i32>} : memref<16x1024xf32, #tpu.memory_space<vmem>>, vector<16xf32>,
      %mul3A_722 = arith.mulf %get3A_721, %gather3A_128 : vector<16xf32>
      %add3A_723 = arith.addf %mul3A_718, %mul3A_722 : vector<16xf32>
      %swap3A_724 = arith.index_cast %scan3A_124 : i32 to index
      %swap3A_725 = arith.constant 784 : index
      %swap3A_726 = tpu.vector_load %arg8[%swap3A_724, %swap3A_725] {strides = array<i32>} : memref<16x1024xf32, #tpu.memory_space<vmem>>, vector<16xf32>,
      tpu.vector_store %arg8[%swap3A_724, %swap3A_725], %add3A_723 {strides = array<i32>} : memref<16x1024xf32, #tpu.memory_space<vmem>>, vector<16xf32>,
      %get3A_727 = arith.index_cast %scan3A_124 : i32 to index
      %get3A_728 = arith.constant 800 : index
      %get3A_729 = tpu.vector_load %arg8[%get3A_727, %get3A_728] {strides = array<i32>} : memref<16x1024xf32, #tpu.memory_space<vmem>>, vector<16xf32>,
      %mul3A_730 = arith.mulf %get3A_729, %gather3A : vector<16xf32>
      %get3A_731 = arith.index_cast %scan3A_124 : i32 to index
      %get3A_732 = arith.constant 800 : index
      %get3A_733 = tpu.vector_load %arg9[%get3A_731, %get3A_732] {strides = array<i32>} : memref<16x1024xf32, #tpu.memory_space<vmem>>, vector<16xf32>,
      %mul3A_734 = arith.mulf %get3A_733, %gather3A_128 : vector<16xf32>
      %add3A_735 = arith.addf %mul3A_730, %mul3A_734 : vector<16xf32>
      %swap3A_736 = arith.index_cast %scan3A_124 : i32 to index
      %swap3A_737 = arith.constant 800 : index
      %swap3A_738 = tpu.vector_load %arg8[%swap3A_736, %swap3A_737] {strides = array<i32>} : memref<16x1024xf32, #tpu.memory_space<vmem>>, vector<16xf32>,
      tpu.vector_store %arg8[%swap3A_736, %swap3A_737], %add3A_735 {strides = array<i32>} : memref<16x1024xf32, #tpu.memory_space<vmem>>, vector<16xf32>,
      %get3A_739 = arith.index_cast %scan3A_124 : i32 to index
      %get3A_740 = arith.constant 816 : index
      %get3A_741 = tpu.vector_load %arg8[%get3A_739, %get3A_740] {strides = array<i32>} : memref<16x1024xf32, #tpu.memory_space<vmem>>, vector<16xf32>,
      %mul3A_742 = arith.mulf %get3A_741, %gather3A : vector<16xf32>
      %get3A_743 = arith.index_cast %scan3A_124 : i32 to index
      %get3A_744 = arith.constant 816 : index
      %get3A_745 = tpu.vector_load %arg9[%get3A_743, %get3A_744] {strides = array<i32>} : memref<16x1024xf32, #tpu.memory_space<vmem>>, vector<16xf32>,
      %mul3A_746 = arith.mulf %get3A_745, %gather3A_128 : vector<16xf32>
      %add3A_747 = arith.addf %mul3A_742, %mul3A_746 : vector<16xf32>
      %swap3A_748 = arith.index_cast %scan3A_124 : i32 to index
      %swap3A_749 = arith.constant 816 : index
      %swap3A_750 = tpu.vector_load %arg8[%swap3A_748, %swap3A_749] {strides = array<i32>} : memref<16x1024xf32, #tpu.memory_space<vmem>>, vector<16xf32>,
      tpu.vector_store %arg8[%swap3A_748, %swap3A_749], %add3A_747 {strides = array<i32>} : memref<16x1024xf32, #tpu.memory_space<vmem>>, vector<16xf32>,
      %get3A_751 = arith.index_cast %scan3A_124 : i32 to index
      %get3A_752 = arith.constant 832 : index
      %get3A_753 = tpu.vector_load %arg8[%get3A_751, %get3A_752] {strides = array<i32>} : memref<16x1024xf32, #tpu.memory_space<vmem>>, vector<16xf32>,
      %mul3A_754 = arith.mulf %get3A_753, %gather3A : vector<16xf32>
      %get3A_755 = arith.index_cast %scan3A_124 : i32 to index
      %get3A_756 = arith.constant 832 : index
      %get3A_757 = tpu.vector_load %arg9[%get3A_755, %get3A_756] {strides = array<i32>} : memref<16x1024xf32, #tpu.memory_space<vmem>>, vector<16xf32>,
      %mul3A_758 = arith.mulf %get3A_757, %gather3A_128 : vector<16xf32>
      %add3A_759 = arith.addf %mul3A_754, %mul3A_758 : vector<16xf32>
      %swap3A_760 = arith.index_cast %scan3A_124 : i32 to index
      %swap3A_761 = arith.constant 832 : index
      %swap3A_762 = tpu.vector_load %arg8[%swap3A_760, %swap3A_761] {strides = array<i32>} : memref<16x1024xf32, #tpu.memory_space<vmem>>, vector<16xf32>,
      tpu.vector_store %arg8[%swap3A_760, %swap3A_761], %add3A_759 {strides = array<i32>} : memref<16x1024xf32, #tpu.memory_space<vmem>>, vector<16xf32>,
      %get3A_763 = arith.index_cast %scan3A_124 : i32 to index
      %get3A_764 = arith.constant 848 : index
      %get3A_765 = tpu.vector_load %arg8[%get3A_763, %get3A_764] {strides = array<i32>} : memref<16x1024xf32, #tpu.memory_space<vmem>>, vector<16xf32>,
      %mul3A_766 = arith.mulf %get3A_765, %gather3A : vector<16xf32>
      %get3A_767 = arith.index_cast %scan3A_124 : i32 to index
      %get3A_768 = arith.constant 848 : index
      %get3A_769 = tpu.vector_load %arg9[%get3A_767, %get3A_768] {strides = array<i32>} : memref<16x1024xf32, #tpu.memory_space<vmem>>, vector<16xf32>,
      %mul3A_770 = arith.mulf %get3A_769, %gather3A_128 : vector<16xf32>
      %add3A_771 = arith.addf %mul3A_766, %mul3A_770 : vector<16xf32>
      %swap3A_772 = arith.index_cast %scan3A_124 : i32 to index
      %swap3A_773 = arith.constant 848 : index
      %swap3A_774 = tpu.vector_load %arg8[%swap3A_772, %swap3A_773] {strides = array<i32>} : memref<16x1024xf32, #tpu.memory_space<vmem>>, vector<16xf32>,
      tpu.vector_store %arg8[%swap3A_772, %swap3A_773], %add3A_771 {strides = array<i32>} : memref<16x1024xf32, #tpu.memory_space<vmem>>, vector<16xf32>,
      %get3A_775 = arith.index_cast %scan3A_124 : i32 to index
      %get3A_776 = arith.constant 864 : index
      %get3A_777 = tpu.vector_load %arg8[%get3A_775, %get3A_776] {strides = array<i32>} : memref<16x1024xf32, #tpu.memory_space<vmem>>, vector<16xf32>,
      %mul3A_778 = arith.mulf %get3A_777, %gather3A : vector<16xf32>
      %get3A_779 = arith.index_cast %scan3A_124 : i32 to index
      %get3A_780 = arith.constant 864 : index
      %get3A_781 = tpu.vector_load %arg9[%get3A_779, %get3A_780] {strides = array<i32>} : memref<16x1024xf32, #tpu.memory_space<vmem>>, vector<16xf32>,
      %mul3A_782 = arith.mulf %get3A_781, %gather3A_128 : vector<16xf32>
      %add3A_783 = arith.addf %mul3A_778, %mul3A_782 : vector<16xf32>
      %swap3A_784 = arith.index_cast %scan3A_124 : i32 to index
      %swap3A_785 = arith.constant 864 : index
      %swap3A_786 = tpu.vector_load %arg8[%swap3A_784, %swap3A_785] {strides = array<i32>} : memref<16x1024xf32, #tpu.memory_space<vmem>>, vector<16xf32>,
      tpu.vector_store %arg8[%swap3A_784, %swap3A_785], %add3A_783 {strides = array<i32>} : memref<16x1024xf32, #tpu.memory_space<vmem>>, vector<16xf32>,
      %get3A_787 = arith.index_cast %scan3A_124 : i32 to index
      %get3A_788 = arith.constant 880 : index
      %get3A_789 = tpu.vector_load %arg8[%get3A_787, %get3A_788] {strides = array<i32>} : memref<16x1024xf32, #tpu.memory_space<vmem>>, vector<16xf32>,
      %mul3A_790 = arith.mulf %get3A_789, %gather3A : vector<16xf32>
      %get3A_791 = arith.index_cast %scan3A_124 : i32 to index
      %get3A_792 = arith.constant 880 : index
      %get3A_793 = tpu.vector_load %arg9[%get3A_791, %get3A_792] {strides = array<i32>} : memref<16x1024xf32, #tpu.memory_space<vmem>>, vector<16xf32>,
      %mul3A_794 = arith.mulf %get3A_793, %gather3A_128 : vector<16xf32>
      %add3A_795 = arith.addf %mul3A_790, %mul3A_794 : vector<16xf32>
      %swap3A_796 = arith.index_cast %scan3A_124 : i32 to index
      %swap3A_797 = arith.constant 880 : index
      %swap3A_798 = tpu.vector_load %arg8[%swap3A_796, %swap3A_797] {strides = array<i32>} : memref<16x1024xf32, #tpu.memory_space<vmem>>, vector<16xf32>,
      tpu.vector_store %arg8[%swap3A_796, %swap3A_797], %add3A_795 {strides = array<i32>} : memref<16x1024xf32, #tpu.memory_space<vmem>>, vector<16xf32>,
      %get3A_799 = arith.index_cast %scan3A_124 : i32 to index
      %get3A_800 = arith.constant 896 : index
      %get3A_801 = tpu.vector_load %arg8[%get3A_799, %get3A_800] {strides = array<i32>} : memref<16x1024xf32, #tpu.memory_space<vmem>>, vector<16xf32>,
      %mul3A_802 = arith.mulf %get3A_801, %gather3A : vector<16xf32>
      %get3A_803 = arith.index_cast %scan3A_124 : i32 to index
      %get3A_804 = arith.constant 896 : index
      %get3A_805 = tpu.vector_load %arg9[%get3A_803, %get3A_804] {strides = array<i32>} : memref<16x1024xf32, #tpu.memory_space<vmem>>, vector<16xf32>,
      %mul3A_806 = arith.mulf %get3A_805, %gather3A_128 : vector<16xf32>
      %add3A_807 = arith.addf %mul3A_802, %mul3A_806 : vector<16xf32>
      %swap3A_808 = arith.index_cast %scan3A_124 : i32 to index
      %swap3A_809 = arith.constant 896 : index
      %swap3A_810 = tpu.vector_load %arg8[%swap3A_808, %swap3A_809] {strides = array<i32>} : memref<16x1024xf32, #tpu.memory_space<vmem>>, vector<16xf32>,
      tpu.vector_store %arg8[%swap3A_808, %swap3A_809], %add3A_807 {strides = array<i32>} : memref<16x1024xf32, #tpu.memory_space<vmem>>, vector<16xf32>,
      %get3A_811 = arith.index_cast %scan3A_124 : i32 to index
      %get3A_812 = arith.constant 912 : index
      %get3A_813 = tpu.vector_load %arg8[%get3A_811, %get3A_812] {strides = array<i32>} : memref<16x1024xf32, #tpu.memory_space<vmem>>, vector<16xf32>,
      %mul3A_814 = arith.mulf %get3A_813, %gather3A : vector<16xf32>
      %get3A_815 = arith.index_cast %scan3A_124 : i32 to index
      %get3A_816 = arith.constant 912 : index
      %get3A_817 = tpu.vector_load %arg9[%get3A_815, %get3A_816] {strides = array<i32>} : memref<16x1024xf32, #tpu.memory_space<vmem>>, vector<16xf32>,
      %mul3A_818 = arith.mulf %get3A_817, %gather3A_128 : vector<16xf32>
      %add3A_819 = arith.addf %mul3A_814, %mul3A_818 : vector<16xf32>
      %swap3A_820 = arith.index_cast %scan3A_124 : i32 to index
      %swap3A_821 = arith.constant 912 : index
      %swap3A_822 = tpu.vector_load %arg8[%swap3A_820, %swap3A_821] {strides = array<i32>} : memref<16x1024xf32, #tpu.memory_space<vmem>>, vector<16xf32>,
      tpu.vector_store %arg8[%swap3A_820, %swap3A_821], %add3A_819 {strides = array<i32>} : memref<16x1024xf32, #tpu.memory_space<vmem>>, vector<16xf32>,
      %get3A_823 = arith.index_cast %scan3A_124 : i32 to index
      %get3A_824 = arith.constant 928 : index
      %get3A_825 = tpu.vector_load %arg8[%get3A_823, %get3A_824] {strides = array<i32>} : memref<16x1024xf32, #tpu.memory_space<vmem>>, vector<16xf32>,
      %mul3A_826 = arith.mulf %get3A_825, %gather3A : vector<16xf32>
      %get3A_827 = arith.index_cast %scan3A_124 : i32 to index
      %get3A_828 = arith.constant 928 : index
      %get3A_829 = tpu.vector_load %arg9[%get3A_827, %get3A_828] {strides = array<i32>} : memref<16x1024xf32, #tpu.memory_space<vmem>>, vector<16xf32>,
      %mul3A_830 = arith.mulf %get3A_829, %gather3A_128 : vector<16xf32>
      %add3A_831 = arith.addf %mul3A_826, %mul3A_830 : vector<16xf32>
      %swap3A_832 = arith.index_cast %scan3A_124 : i32 to index
      %swap3A_833 = arith.constant 928 : index
      %swap3A_834 = tpu.vector_load %arg8[%swap3A_832, %swap3A_833] {strides = array<i32>} : memref<16x1024xf32, #tpu.memory_space<vmem>>, vector<16xf32>,
      tpu.vector_store %arg8[%swap3A_832, %swap3A_833], %add3A_831 {strides = array<i32>} : memref<16x1024xf32, #tpu.memory_space<vmem>>, vector<16xf32>,
      %get3A_835 = arith.index_cast %scan3A_124 : i32 to index
      %get3A_836 = arith.constant 944 : index
      %get3A_837 = tpu.vector_load %arg8[%get3A_835, %get3A_836] {strides = array<i32>} : memref<16x1024xf32, #tpu.memory_space<vmem>>, vector<16xf32>,
      %mul3A_838 = arith.mulf %get3A_837, %gather3A : vector<16xf32>
      %get3A_839 = arith.index_cast %scan3A_124 : i32 to index
      %get3A_840 = arith.constant 944 : index
      %get3A_841 = tpu.vector_load %arg9[%get3A_839, %get3A_840] {strides = array<i32>} : memref<16x1024xf32, #tpu.memory_space<vmem>>, vector<16xf32>,
      %mul3A_842 = arith.mulf %get3A_841, %gather3A_128 : vector<16xf32>
      %add3A_843 = arith.addf %mul3A_838, %mul3A_842 : vector<16xf32>
      %swap3A_844 = arith.index_cast %scan3A_124 : i32 to index
      %swap3A_845 = arith.constant 944 : index
      %swap3A_846 = tpu.vector_load %arg8[%swap3A_844, %swap3A_845] {strides = array<i32>} : memref<16x1024xf32, #tpu.memory_space<vmem>>, vector<16xf32>,
      tpu.vector_store %arg8[%swap3A_844, %swap3A_845], %add3A_843 {strides = array<i32>} : memref<16x1024xf32, #tpu.memory_space<vmem>>, vector<16xf32>,
      %get3A_847 = arith.index_cast %scan3A_124 : i32 to index
      %get3A_848 = arith.constant 960 : index
      %get3A_849 = tpu.vector_load %arg8[%get3A_847, %get3A_848] {strides = array<i32>} : memref<16x1024xf32, #tpu.memory_space<vmem>>, vector<16xf32>,
      %mul3A_850 = arith.mulf %get3A_849, %gather3A : vector<16xf32>
      %get3A_851 = arith.index_cast %scan3A_124 : i32 to index
      %get3A_852 = arith.constant 960 : index
      %get3A_853 = tpu.vector_load %arg9[%get3A_851, %get3A_852] {strides = array<i32>} : memref<16x1024xf32, #tpu.memory_space<vmem>>, vector<16xf32>,
      %mul3A_854 = arith.mulf %get3A_853, %gather3A_128 : vector<16xf32>
      %add3A_855 = arith.addf %mul3A_850, %mul3A_854 : vector<16xf32>
      %swap3A_856 = arith.index_cast %scan3A_124 : i32 to index
      %swap3A_857 = arith.constant 960 : index
      %swap3A_858 = tpu.vector_load %arg8[%swap3A_856, %swap3A_857] {strides = array<i32>} : memref<16x1024xf32, #tpu.memory_space<vmem>>, vector<16xf32>,
      tpu.vector_store %arg8[%swap3A_856, %swap3A_857], %add3A_855 {strides = array<i32>} : memref<16x1024xf32, #tpu.memory_space<vmem>>, vector<16xf32>,
      %get3A_859 = arith.index_cast %scan3A_124 : i32 to index
      %get3A_860 = arith.constant 976 : index
      %get3A_861 = tpu.vector_load %arg8[%get3A_859, %get3A_860] {strides = array<i32>} : memref<16x1024xf32, #tpu.memory_space<vmem>>, vector<16xf32>,
      %mul3A_862 = arith.mulf %get3A_861, %gather3A : vector<16xf32>
      %get3A_863 = arith.index_cast %scan3A_124 : i32 to index
      %get3A_864 = arith.constant 976 : index
      %get3A_865 = tpu.vector_load %arg9[%get3A_863, %get3A_864] {strides = array<i32>} : memref<16x1024xf32, #tpu.memory_space<vmem>>, vector<16xf32>,
      %mul3A_866 = arith.mulf %get3A_865, %gather3A_128 : vector<16xf32>
      %add3A_867 = arith.addf %mul3A_862, %mul3A_866 : vector<16xf32>
      %swap3A_868 = arith.index_cast %scan3A_124 : i32 to index
      %swap3A_869 = arith.constant 976 : index
      %swap3A_870 = tpu.vector_load %arg8[%swap3A_868, %swap3A_869] {strides = array<i32>} : memref<16x1024xf32, #tpu.memory_space<vmem>>, vector<16xf32>,
      tpu.vector_store %arg8[%swap3A_868, %swap3A_869], %add3A_867 {strides = array<i32>} : memref<16x1024xf32, #tpu.memory_space<vmem>>, vector<16xf32>,
      %get3A_871 = arith.index_cast %scan3A_124 : i32 to index
      %get3A_872 = arith.constant 992 : index
      %get3A_873 = tpu.vector_load %arg8[%get3A_871, %get3A_872] {strides = array<i32>} : memref<16x1024xf32, #tpu.memory_space<vmem>>, vector<16xf32>,
      %mul3A_874 = arith.mulf %get3A_873, %gather3A : vector<16xf32>
      %get3A_875 = arith.index_cast %scan3A_124 : i32 to index
      %get3A_876 = arith.constant 992 : index
      %get3A_877 = tpu.vector_load %arg9[%get3A_875, %get3A_876] {strides = array<i32>} : memref<16x1024xf32, #tpu.memory_space<vmem>>, vector<16xf32>,
      %mul3A_878 = arith.mulf %get3A_877, %gather3A_128 : vector<16xf32>
      %add3A_879 = arith.addf %mul3A_874, %mul3A_878 : vector<16xf32>
      %swap3A_880 = arith.index_cast %scan3A_124 : i32 to index
      %swap3A_881 = arith.constant 992 : index
      %swap3A_882 = tpu.vector_load %arg8[%swap3A_880, %swap3A_881] {strides = array<i32>} : memref<16x1024xf32, #tpu.memory_space<vmem>>, vector<16xf32>,
      tpu.vector_store %arg8[%swap3A_880, %swap3A_881], %add3A_879 {strides = array<i32>} : memref<16x1024xf32, #tpu.memory_space<vmem>>, vector<16xf32>,
      %get3A_883 = arith.index_cast %scan3A_124 : i32 to index
      %get3A_884 = arith.constant 1008 : index
      %get3A_885 = tpu.vector_load %arg8[%get3A_883, %get3A_884] {strides = array<i32>} : memref<16x1024xf32, #tpu.memory_space<vmem>>, vector<16xf32>,
      %mul3A_886 = arith.mulf %get3A_885, %gather3A : vector<16xf32>
      %get3A_887 = arith.index_cast %scan3A_124 : i32 to index
      %get3A_888 = arith.constant 1008 : index
      %get3A_889 = tpu.vector_load %arg9[%get3A_887, %get3A_888] {strides = array<i32>} : memref<16x1024xf32, #tpu.memory_space<vmem>>, vector<16xf32>,
      %mul3A_890 = arith.mulf %get3A_889, %gather3A_128 : vector<16xf32>
      %add3A_891 = arith.addf %mul3A_886, %mul3A_890 : vector<16xf32>
      %swap3A_892 = arith.index_cast %scan3A_124 : i32 to index
      %swap3A_893 = arith.constant 1008 : index
      %swap3A_894 = tpu.vector_load %arg8[%swap3A_892, %swap3A_893] {strides = array<i32>} : memref<16x1024xf32, #tpu.memory_space<vmem>>, vector<16xf32>,
      tpu.vector_store %arg8[%swap3A_892, %swap3A_893], %add3A_891 {strides = array<i32>} : memref<16x1024xf32, #tpu.memory_space<vmem>>, vector<16xf32>,
      %scan3A_895 = arith.constant 0 : i32
      scf.yield %scan3A_895 : i32
    }
    %scan3A_28 = arith.constant 16 : i32
    %add3A_29 = arith.constant 0 : i32
    %add3A_30 = arith.addi %mul3A_2, %add3A_29 : i32
    %dma_start3A_31 = arith.constant 0 : i32
    %dma_start3A_32 = tpu.memref_slice %arg7[%add3A_30, %dma_start3A_31] : memref<2048x1024xf32, #tpu.memory_space<hbm>> -> memref<16x1024xf32, #tpu.memory_space<hbm>>
    %dma_start3A_33 = arith.constant 0 : i32
    %dma_start3A_34 = tpu.memref_slice %arg7[%add3A_30, %dma_start3A_33] : memref<2048x1024xf32, #tpu.memory_space<hbm>> -> memref<16x1024xf32, #tpu.memory_space<hbm>>
    tpu.enqueue_dma source(%arg8 : memref<16x1024xf32, #tpu.memory_space<vmem>>) target(%dma_start3A_34 : memref<16x1024xf32, #tpu.memory_space<hbm>>) target_semaphore(%arg20 : memref<!tpu.dma_semaphore, #tpu.memory_space<semaphore_mem>>)
    %add3A_35 = arith.constant 32 : i32
    %add3A_36 = arith.addi %mul3A_2, %add3A_35 : i32
    "tpu.region"() ({
      %run_scoped3A = tpu.sem_alloc : memref<!tpu.dma_semaphore, #tpu.memory_space<semaphore_mem>>
      %dma_start3A_124 = tpu.memref_slice %arg3[%add3A_36] : memref<2048xi32, #tpu.memory_space<hbm>> -> memref<16xi32, #tpu.memory_space<hbm>>
      %dma_start3A_125 = tpu.memref_slice %arg3[%add3A_36] : memref<2048xi32, #tpu.memory_space<hbm>> -> memref<16xi32, #tpu.memory_space<hbm>>
      tpu.enqueue_dma source(%dma_start3A_125 : memref<16xi32, #tpu.memory_space<hbm>>) target(%arg10 : memref<16xi32, #tpu.memory_space<vmem>>) target_semaphore(%run_scoped3A : memref<!tpu.dma_semaphore, #tpu.memory_space<semaphore_mem>>)
      %dma_wait3A_126 = tpu.memref_slice %arg3[%add3A_36] : memref<2048xi32, #tpu.memory_space<hbm>> -> memref<16xi32, #tpu.memory_space<hbm>>
      %dma_wait3A_127 = tpu.memref_slice %arg3[%add3A_36] : memref<2048xi32, #tpu.memory_space<hbm>> -> memref<16xi32, #tpu.memory_space<hbm>>
      tpu.wait_dma2 semaphore(%run_scoped3A : memref<!tpu.dma_semaphore, #tpu.memory_space<semaphore_mem>>) src(%dma_wait3A_127 : memref<16xi32, #tpu.memory_space<hbm>>) dst(%arg10 : memref<16xi32, #tpu.memory_space<vmem>>)
      tpu.yield
    }) : () -> ()
    "tpu.region"() ({
      %run_scoped3A = tpu.sem_alloc : memref<!tpu.dma_semaphore, #tpu.memory_space<semaphore_mem>>
      %dma_start3A_124 = tpu.memref_slice %arg4[%add3A_36] : memref<2048xi32, #tpu.memory_space<hbm>> -> memref<16xi32, #tpu.memory_space<hbm>>
      %dma_start3A_125 = tpu.memref_slice %arg4[%add3A_36] : memref<2048xi32, #tpu.memory_space<hbm>> -> memref<16xi32, #tpu.memory_space<hbm>>
      tpu.enqueue_dma source(%dma_start3A_125 : memref<16xi32, #tpu.memory_space<hbm>>) target(%arg11 : memref<16xi32, #tpu.memory_space<vmem>>) target_semaphore(%run_scoped3A : memref<!tpu.dma_semaphore, #tpu.memory_space<semaphore_mem>>)
      %dma_wait3A_126 = tpu.memref_slice %arg4[%add3A_36] : memref<2048xi32, #tpu.memory_space<hbm>> -> memref<16xi32, #tpu.memory_space<hbm>>
      %dma_wait3A_127 = tpu.memref_slice %arg4[%add3A_36] : memref<2048xi32, #tpu.memory_space<hbm>> -> memref<16xi32, #tpu.memory_space<hbm>>
      tpu.wait_dma2 semaphore(%run_scoped3A : memref<!tpu.dma_semaphore, #tpu.memory_space<semaphore_mem>>) src(%dma_wait3A_127 : memref<16xi32, #tpu.memory_space<hbm>>) dst(%arg11 : memref<16xi32, #tpu.memory_space<vmem>>)
      tpu.yield
    }) : () -> ()
    %dma_wait3A_37 = arith.constant 0 : i32
    %dma_wait3A_38 = tpu.memref_slice %arg7[%add3A_30, %dma_wait3A_37] : memref<2048x1024xf32, #tpu.memory_space<hbm>> -> memref<16x1024xf32, #tpu.memory_space<hbm>>
    %dma_wait3A_39 = arith.constant 0 : i32
    %dma_wait3A_40 = tpu.memref_slice %arg7[%add3A_30, %dma_wait3A_39] : memref<2048x1024xf32, #tpu.memory_space<hbm>> -> memref<16x1024xf32, #tpu.memory_space<hbm>>
    tpu.wait_dma2 semaphore(%arg20 : memref<!tpu.dma_semaphore, #tpu.memory_space<semaphore_mem>>) src(%arg8 : memref<16x1024xf32, #tpu.memory_space<vmem>>) dst(%dma_wait3A_40 : memref<16x1024xf32, #tpu.memory_space<hbm>>)
    %dma_start3A_41 = arith.constant 0 : i32
    %dma_start3A_42 = arith.constant 0 : i32
    %dma_start3A_43 = tpu.memref_slice %arg2[%dma_start3A_41, %dma_start3A_42] : memref<12288x1024xf32, #tpu.memory_space<hbm>> -> memref<12288x1024xf32, #tpu.memory_space<hbm>>
    tpu.enqueue_indirect_dma source(%dma_start3A_43 : memref<12288x1024xf32, #tpu.memory_space<hbm>>) target(%arg8 : memref<16x1024xf32, #tpu.memory_space<vmem>>) offsets(%arg10 : memref<16xi32, #tpu.memory_space<vmem>>) semaphore(%arg18 : memref<!tpu.dma_semaphore, #tpu.memory_space<semaphore_mem>>)
    %dma_start3A_44 = arith.constant 0 : i32
    %dma_start3A_45 = arith.constant 0 : i32
    %dma_start3A_46 = tpu.memref_slice %arg2[%dma_start3A_44, %dma_start3A_45] : memref<12288x1024xf32, #tpu.memory_space<hbm>> -> memref<12288x1024xf32, #tpu.memory_space<hbm>>
    tpu.enqueue_indirect_dma source(%dma_start3A_46 : memref<12288x1024xf32, #tpu.memory_space<hbm>>) target(%arg9 : memref<16x1024xf32, #tpu.memory_space<vmem>>) offsets(%arg11 : memref<16xi32, #tpu.memory_space<vmem>>) semaphore(%arg19 : memref<!tpu.dma_semaphore, #tpu.memory_space<semaphore_mem>>)
    %dma_wait3A_47 = arith.constant 0 : i32
    %dma_wait3A_48 = arith.constant 0 : i32
    %dma_wait3A_49 = tpu.memref_slice %arg2[%dma_wait3A_47, %dma_wait3A_48] : memref<12288x1024xf32, #tpu.memory_space<hbm>> -> memref<12288x1024xf32, #tpu.memory_space<hbm>>
    tpu.wait_indirect_dma semaphore(%arg21 : memref<!tpu.dma_semaphore, #tpu.memory_space<semaphore_mem>>) src(%dma_wait3A_49 : memref<12288x1024xf32, #tpu.memory_space<hbm>>) dst(%arg12 : memref<16x1024xf32, #tpu.memory_space<vmem>>)
    %dma_wait3A_50 = arith.constant 0 : i32
    %dma_wait3A_51 = arith.constant 0 : i32
    %dma_wait3A_52 = tpu.memref_slice %arg2[%dma_wait3A_50, %dma_wait3A_51] : memref<12288x1024xf32, #tpu.memory_space<hbm>> -> memref<12288x1024xf32, #tpu.memory_space<hbm>>
    tpu.wait_indirect_dma semaphore(%arg22 : memref<!tpu.dma_semaphore, #tpu.memory_space<semaphore_mem>>) src(%dma_wait3A_52 : memref<12288x1024xf32, #tpu.memory_space<hbm>>) dst(%arg13 : memref<16x1024xf32, #tpu.memory_space<vmem>>)
    %scan3A_53 = arith.constant 0 : i32
    %scan3A_54 = arith.constant 0 : i32
    %scan3A_55 = arith.constant 16 : i32
    %scan3A_56 = arith.addi %scan3A_54, %scan3A_55 : i32
    %scan3A_57 = arith.constant 1 : i32
    %scan3A_58 = scf.for %scan3A_124 = %scan3A_54 to %scan3A_56 step %scan3A_57 iter_args(%scan3A_125 = %scan3A_53) -> (i32)  : i32 {
      %add3A_126 = arith.constant 16 : i32
      %add3A_127 = arith.addi %add3A_126, %scan3A_124 : i32
      %broadcast_in_dim3A = vector.broadcast %add3A_127 : i32 to vector<16xi32>
      %gather3A = tpu.vector_load_idx %arg16[%broadcast_in_dim3A] : memref<64xf32, #tpu.memory_space<vmem>>[vector<16xi32>], vector<16xf32>,
      %gather3A_128 = tpu.vector_load_idx %arg17[%broadcast_in_dim3A] : memref<64xf32, #tpu.memory_space<vmem>>[vector<16xi32>], vector<16xf32>,
      %get3A = arith.index_cast %scan3A_124 : i32 to index
      %get3A_129 = arith.constant 0 : index
      %get3A_130 = tpu.vector_load %arg12[%get3A, %get3A_129] {strides = array<i32>} : memref<16x1024xf32, #tpu.memory_space<vmem>>, vector<16xf32>,
      %mul3A_131 = arith.mulf %get3A_130, %gather3A : vector<16xf32>
      %get3A_132 = arith.index_cast %scan3A_124 : i32 to index
      %get3A_133 = arith.constant 0 : index
      %get3A_134 = tpu.vector_load %arg13[%get3A_132, %get3A_133] {strides = array<i32>} : memref<16x1024xf32, #tpu.memory_space<vmem>>, vector<16xf32>,
      %mul3A_135 = arith.mulf %get3A_134, %gather3A_128 : vector<16xf32>
      %add3A_136 = arith.addf %mul3A_131, %mul3A_135 : vector<16xf32>
      %swap3A = arith.index_cast %scan3A_124 : i32 to index
      %swap3A_137 = arith.constant 0 : index
      %swap3A_138 = tpu.vector_load %arg12[%swap3A, %swap3A_137] {strides = array<i32>} : memref<16x1024xf32, #tpu.memory_space<vmem>>, vector<16xf32>,
      tpu.vector_store %arg12[%swap3A, %swap3A_137], %add3A_136 {strides = array<i32>} : memref<16x1024xf32, #tpu.memory_space<vmem>>, vector<16xf32>,
      %get3A_139 = arith.index_cast %scan3A_124 : i32 to index
      %get3A_140 = arith.constant 16 : index
      %get3A_141 = tpu.vector_load %arg12[%get3A_139, %get3A_140] {strides = array<i32>} : memref<16x1024xf32, #tpu.memory_space<vmem>>, vector<16xf32>,
      %mul3A_142 = arith.mulf %get3A_141, %gather3A : vector<16xf32>
      %get3A_143 = arith.index_cast %scan3A_124 : i32 to index
      %get3A_144 = arith.constant 16 : index
      %get3A_145 = tpu.vector_load %arg13[%get3A_143, %get3A_144] {strides = array<i32>} : memref<16x1024xf32, #tpu.memory_space<vmem>>, vector<16xf32>,
      %mul3A_146 = arith.mulf %get3A_145, %gather3A_128 : vector<16xf32>
      %add3A_147 = arith.addf %mul3A_142, %mul3A_146 : vector<16xf32>
      %swap3A_148 = arith.index_cast %scan3A_124 : i32 to index
      %swap3A_149 = arith.constant 16 : index
      %swap3A_150 = tpu.vector_load %arg12[%swap3A_148, %swap3A_149] {strides = array<i32>} : memref<16x1024xf32, #tpu.memory_space<vmem>>, vector<16xf32>,
      tpu.vector_store %arg12[%swap3A_148, %swap3A_149], %add3A_147 {strides = array<i32>} : memref<16x1024xf32, #tpu.memory_space<vmem>>, vector<16xf32>,
      %get3A_151 = arith.index_cast %scan3A_124 : i32 to index
      %get3A_152 = arith.constant 32 : index
      %get3A_153 = tpu.vector_load %arg12[%get3A_151, %get3A_152] {strides = array<i32>} : memref<16x1024xf32, #tpu.memory_space<vmem>>, vector<16xf32>,
      %mul3A_154 = arith.mulf %get3A_153, %gather3A : vector<16xf32>
      %get3A_155 = arith.index_cast %scan3A_124 : i32 to index
      %get3A_156 = arith.constant 32 : index
      %get3A_157 = tpu.vector_load %arg13[%get3A_155, %get3A_156] {strides = array<i32>} : memref<16x1024xf32, #tpu.memory_space<vmem>>, vector<16xf32>,
      %mul3A_158 = arith.mulf %get3A_157, %gather3A_128 : vector<16xf32>
      %add3A_159 = arith.addf %mul3A_154, %mul3A_158 : vector<16xf32>
      %swap3A_160 = arith.index_cast %scan3A_124 : i32 to index
      %swap3A_161 = arith.constant 32 : index
      %swap3A_162 = tpu.vector_load %arg12[%swap3A_160, %swap3A_161] {strides = array<i32>} : memref<16x1024xf32, #tpu.memory_space<vmem>>, vector<16xf32>,
      tpu.vector_store %arg12[%swap3A_160, %swap3A_161], %add3A_159 {strides = array<i32>} : memref<16x1024xf32, #tpu.memory_space<vmem>>, vector<16xf32>,
      %get3A_163 = arith.index_cast %scan3A_124 : i32 to index
      %get3A_164 = arith.constant 48 : index
      %get3A_165 = tpu.vector_load %arg12[%get3A_163, %get3A_164] {strides = array<i32>} : memref<16x1024xf32, #tpu.memory_space<vmem>>, vector<16xf32>,
      %mul3A_166 = arith.mulf %get3A_165, %gather3A : vector<16xf32>
      %get3A_167 = arith.index_cast %scan3A_124 : i32 to index
      %get3A_168 = arith.constant 48 : index
      %get3A_169 = tpu.vector_load %arg13[%get3A_167, %get3A_168] {strides = array<i32>} : memref<16x1024xf32, #tpu.memory_space<vmem>>, vector<16xf32>,
      %mul3A_170 = arith.mulf %get3A_169, %gather3A_128 : vector<16xf32>
      %add3A_171 = arith.addf %mul3A_166, %mul3A_170 : vector<16xf32>
      %swap3A_172 = arith.index_cast %scan3A_124 : i32 to index
      %swap3A_173 = arith.constant 48 : index
      %swap3A_174 = tpu.vector_load %arg12[%swap3A_172, %swap3A_173] {strides = array<i32>} : memref<16x1024xf32, #tpu.memory_space<vmem>>, vector<16xf32>,
      tpu.vector_store %arg12[%swap3A_172, %swap3A_173], %add3A_171 {strides = array<i32>} : memref<16x1024xf32, #tpu.memory_space<vmem>>, vector<16xf32>,
      %get3A_175 = arith.index_cast %scan3A_124 : i32 to index
      %get3A_176 = arith.constant 64 : index
      %get3A_177 = tpu.vector_load %arg12[%get3A_175, %get3A_176] {strides = array<i32>} : memref<16x1024xf32, #tpu.memory_space<vmem>>, vector<16xf32>,
      %mul3A_178 = arith.mulf %get3A_177, %gather3A : vector<16xf32>
      %get3A_179 = arith.index_cast %scan3A_124 : i32 to index
      %get3A_180 = arith.constant 64 : index
      %get3A_181 = tpu.vector_load %arg13[%get3A_179, %get3A_180] {strides = array<i32>} : memref<16x1024xf32, #tpu.memory_space<vmem>>, vector<16xf32>,
      %mul3A_182 = arith.mulf %get3A_181, %gather3A_128 : vector<16xf32>
      %add3A_183 = arith.addf %mul3A_178, %mul3A_182 : vector<16xf32>
      %swap3A_184 = arith.index_cast %scan3A_124 : i32 to index
      %swap3A_185 = arith.constant 64 : index
      %swap3A_186 = tpu.vector_load %arg12[%swap3A_184, %swap3A_185] {strides = array<i32>} : memref<16x1024xf32, #tpu.memory_space<vmem>>, vector<16xf32>,
      tpu.vector_store %arg12[%swap3A_184, %swap3A_185], %add3A_183 {strides = array<i32>} : memref<16x1024xf32, #tpu.memory_space<vmem>>, vector<16xf32>,
      %get3A_187 = arith.index_cast %scan3A_124 : i32 to index
      %get3A_188 = arith.constant 80 : index
      %get3A_189 = tpu.vector_load %arg12[%get3A_187, %get3A_188] {strides = array<i32>} : memref<16x1024xf32, #tpu.memory_space<vmem>>, vector<16xf32>,
      %mul3A_190 = arith.mulf %get3A_189, %gather3A : vector<16xf32>
      %get3A_191 = arith.index_cast %scan3A_124 : i32 to index
      %get3A_192 = arith.constant 80 : index
      %get3A_193 = tpu.vector_load %arg13[%get3A_191, %get3A_192] {strides = array<i32>} : memref<16x1024xf32, #tpu.memory_space<vmem>>, vector<16xf32>,
      %mul3A_194 = arith.mulf %get3A_193, %gather3A_128 : vector<16xf32>
      %add3A_195 = arith.addf %mul3A_190, %mul3A_194 : vector<16xf32>
      %swap3A_196 = arith.index_cast %scan3A_124 : i32 to index
      %swap3A_197 = arith.constant 80 : index
      %swap3A_198 = tpu.vector_load %arg12[%swap3A_196, %swap3A_197] {strides = array<i32>} : memref<16x1024xf32, #tpu.memory_space<vmem>>, vector<16xf32>,
      tpu.vector_store %arg12[%swap3A_196, %swap3A_197], %add3A_195 {strides = array<i32>} : memref<16x1024xf32, #tpu.memory_space<vmem>>, vector<16xf32>,
      %get3A_199 = arith.index_cast %scan3A_124 : i32 to index
      %get3A_200 = arith.constant 96 : index
      %get3A_201 = tpu.vector_load %arg12[%get3A_199, %get3A_200] {strides = array<i32>} : memref<16x1024xf32, #tpu.memory_space<vmem>>, vector<16xf32>,
      %mul3A_202 = arith.mulf %get3A_201, %gather3A : vector<16xf32>
      %get3A_203 = arith.index_cast %scan3A_124 : i32 to index
      %get3A_204 = arith.constant 96 : index
      %get3A_205 = tpu.vector_load %arg13[%get3A_203, %get3A_204] {strides = array<i32>} : memref<16x1024xf32, #tpu.memory_space<vmem>>, vector<16xf32>,
      %mul3A_206 = arith.mulf %get3A_205, %gather3A_128 : vector<16xf32>
      %add3A_207 = arith.addf %mul3A_202, %mul3A_206 : vector<16xf32>
      %swap3A_208 = arith.index_cast %scan3A_124 : i32 to index
      %swap3A_209 = arith.constant 96 : index
      %swap3A_210 = tpu.vector_load %arg12[%swap3A_208, %swap3A_209] {strides = array<i32>} : memref<16x1024xf32, #tpu.memory_space<vmem>>, vector<16xf32>,
      tpu.vector_store %arg12[%swap3A_208, %swap3A_209], %add3A_207 {strides = array<i32>} : memref<16x1024xf32, #tpu.memory_space<vmem>>, vector<16xf32>,
      %get3A_211 = arith.index_cast %scan3A_124 : i32 to index
      %get3A_212 = arith.constant 112 : index
      %get3A_213 = tpu.vector_load %arg12[%get3A_211, %get3A_212] {strides = array<i32>} : memref<16x1024xf32, #tpu.memory_space<vmem>>, vector<16xf32>,
      %mul3A_214 = arith.mulf %get3A_213, %gather3A : vector<16xf32>
      %get3A_215 = arith.index_cast %scan3A_124 : i32 to index
      %get3A_216 = arith.constant 112 : index
      %get3A_217 = tpu.vector_load %arg13[%get3A_215, %get3A_216] {strides = array<i32>} : memref<16x1024xf32, #tpu.memory_space<vmem>>, vector<16xf32>,
      %mul3A_218 = arith.mulf %get3A_217, %gather3A_128 : vector<16xf32>
      %add3A_219 = arith.addf %mul3A_214, %mul3A_218 : vector<16xf32>
      %swap3A_220 = arith.index_cast %scan3A_124 : i32 to index
      %swap3A_221 = arith.constant 112 : index
      %swap3A_222 = tpu.vector_load %arg12[%swap3A_220, %swap3A_221] {strides = array<i32>} : memref<16x1024xf32, #tpu.memory_space<vmem>>, vector<16xf32>,
      tpu.vector_store %arg12[%swap3A_220, %swap3A_221], %add3A_219 {strides = array<i32>} : memref<16x1024xf32, #tpu.memory_space<vmem>>, vector<16xf32>,
      %get3A_223 = arith.index_cast %scan3A_124 : i32 to index
      %get3A_224 = arith.constant 128 : index
      %get3A_225 = tpu.vector_load %arg12[%get3A_223, %get3A_224] {strides = array<i32>} : memref<16x1024xf32, #tpu.memory_space<vmem>>, vector<16xf32>,
      %mul3A_226 = arith.mulf %get3A_225, %gather3A : vector<16xf32>
      %get3A_227 = arith.index_cast %scan3A_124 : i32 to index
      %get3A_228 = arith.constant 128 : index
      %get3A_229 = tpu.vector_load %arg13[%get3A_227, %get3A_228] {strides = array<i32>} : memref<16x1024xf32, #tpu.memory_space<vmem>>, vector<16xf32>,
      %mul3A_230 = arith.mulf %get3A_229, %gather3A_128 : vector<16xf32>
      %add3A_231 = arith.addf %mul3A_226, %mul3A_230 : vector<16xf32>
      %swap3A_232 = arith.index_cast %scan3A_124 : i32 to index
      %swap3A_233 = arith.constant 128 : index
      %swap3A_234 = tpu.vector_load %arg12[%swap3A_232, %swap3A_233] {strides = array<i32>} : memref<16x1024xf32, #tpu.memory_space<vmem>>, vector<16xf32>,
      tpu.vector_store %arg12[%swap3A_232, %swap3A_233], %add3A_231 {strides = array<i32>} : memref<16x1024xf32, #tpu.memory_space<vmem>>, vector<16xf32>,
      %get3A_235 = arith.index_cast %scan3A_124 : i32 to index
      %get3A_236 = arith.constant 144 : index
      %get3A_237 = tpu.vector_load %arg12[%get3A_235, %get3A_236] {strides = array<i32>} : memref<16x1024xf32, #tpu.memory_space<vmem>>, vector<16xf32>,
      %mul3A_238 = arith.mulf %get3A_237, %gather3A : vector<16xf32>
      %get3A_239 = arith.index_cast %scan3A_124 : i32 to index
      %get3A_240 = arith.constant 144 : index
      %get3A_241 = tpu.vector_load %arg13[%get3A_239, %get3A_240] {strides = array<i32>} : memref<16x1024xf32, #tpu.memory_space<vmem>>, vector<16xf32>,
      %mul3A_242 = arith.mulf %get3A_241, %gather3A_128 : vector<16xf32>
      %add3A_243 = arith.addf %mul3A_238, %mul3A_242 : vector<16xf32>
      %swap3A_244 = arith.index_cast %scan3A_124 : i32 to index
      %swap3A_245 = arith.constant 144 : index
      %swap3A_246 = tpu.vector_load %arg12[%swap3A_244, %swap3A_245] {strides = array<i32>} : memref<16x1024xf32, #tpu.memory_space<vmem>>, vector<16xf32>,
      tpu.vector_store %arg12[%swap3A_244, %swap3A_245], %add3A_243 {strides = array<i32>} : memref<16x1024xf32, #tpu.memory_space<vmem>>, vector<16xf32>,
      %get3A_247 = arith.index_cast %scan3A_124 : i32 to index
      %get3A_248 = arith.constant 160 : index
      %get3A_249 = tpu.vector_load %arg12[%get3A_247, %get3A_248] {strides = array<i32>} : memref<16x1024xf32, #tpu.memory_space<vmem>>, vector<16xf32>,
      %mul3A_250 = arith.mulf %get3A_249, %gather3A : vector<16xf32>
      %get3A_251 = arith.index_cast %scan3A_124 : i32 to index
      %get3A_252 = arith.constant 160 : index
      %get3A_253 = tpu.vector_load %arg13[%get3A_251, %get3A_252] {strides = array<i32>} : memref<16x1024xf32, #tpu.memory_space<vmem>>, vector<16xf32>,
      %mul3A_254 = arith.mulf %get3A_253, %gather3A_128 : vector<16xf32>
      %add3A_255 = arith.addf %mul3A_250, %mul3A_254 : vector<16xf32>
      %swap3A_256 = arith.index_cast %scan3A_124 : i32 to index
      %swap3A_257 = arith.constant 160 : index
      %swap3A_258 = tpu.vector_load %arg12[%swap3A_256, %swap3A_257] {strides = array<i32>} : memref<16x1024xf32, #tpu.memory_space<vmem>>, vector<16xf32>,
      tpu.vector_store %arg12[%swap3A_256, %swap3A_257], %add3A_255 {strides = array<i32>} : memref<16x1024xf32, #tpu.memory_space<vmem>>, vector<16xf32>,
      %get3A_259 = arith.index_cast %scan3A_124 : i32 to index
      %get3A_260 = arith.constant 176 : index
      %get3A_261 = tpu.vector_load %arg12[%get3A_259, %get3A_260] {strides = array<i32>} : memref<16x1024xf32, #tpu.memory_space<vmem>>, vector<16xf32>,
      %mul3A_262 = arith.mulf %get3A_261, %gather3A : vector<16xf32>
      %get3A_263 = arith.index_cast %scan3A_124 : i32 to index
      %get3A_264 = arith.constant 176 : index
      %get3A_265 = tpu.vector_load %arg13[%get3A_263, %get3A_264] {strides = array<i32>} : memref<16x1024xf32, #tpu.memory_space<vmem>>, vector<16xf32>,
      %mul3A_266 = arith.mulf %get3A_265, %gather3A_128 : vector<16xf32>
      %add3A_267 = arith.addf %mul3A_262, %mul3A_266 : vector<16xf32>
      %swap3A_268 = arith.index_cast %scan3A_124 : i32 to index
      %swap3A_269 = arith.constant 176 : index
      %swap3A_270 = tpu.vector_load %arg12[%swap3A_268, %swap3A_269] {strides = array<i32>} : memref<16x1024xf32, #tpu.memory_space<vmem>>, vector<16xf32>,
      tpu.vector_store %arg12[%swap3A_268, %swap3A_269], %add3A_267 {strides = array<i32>} : memref<16x1024xf32, #tpu.memory_space<vmem>>, vector<16xf32>,
      %get3A_271 = arith.index_cast %scan3A_124 : i32 to index
      %get3A_272 = arith.constant 192 : index
      %get3A_273 = tpu.vector_load %arg12[%get3A_271, %get3A_272] {strides = array<i32>} : memref<16x1024xf32, #tpu.memory_space<vmem>>, vector<16xf32>,
      %mul3A_274 = arith.mulf %get3A_273, %gather3A : vector<16xf32>
      %get3A_275 = arith.index_cast %scan3A_124 : i32 to index
      %get3A_276 = arith.constant 192 : index
      %get3A_277 = tpu.vector_load %arg13[%get3A_275, %get3A_276] {strides = array<i32>} : memref<16x1024xf32, #tpu.memory_space<vmem>>, vector<16xf32>,
      %mul3A_278 = arith.mulf %get3A_277, %gather3A_128 : vector<16xf32>
      %add3A_279 = arith.addf %mul3A_274, %mul3A_278 : vector<16xf32>
      %swap3A_280 = arith.index_cast %scan3A_124 : i32 to index
      %swap3A_281 = arith.constant 192 : index
      %swap3A_282 = tpu.vector_load %arg12[%swap3A_280, %swap3A_281] {strides = array<i32>} : memref<16x1024xf32, #tpu.memory_space<vmem>>, vector<16xf32>,
      tpu.vector_store %arg12[%swap3A_280, %swap3A_281], %add3A_279 {strides = array<i32>} : memref<16x1024xf32, #tpu.memory_space<vmem>>, vector<16xf32>,
      %get3A_283 = arith.index_cast %scan3A_124 : i32 to index
      %get3A_284 = arith.constant 208 : index
      %get3A_285 = tpu.vector_load %arg12[%get3A_283, %get3A_284] {strides = array<i32>} : memref<16x1024xf32, #tpu.memory_space<vmem>>, vector<16xf32>,
      %mul3A_286 = arith.mulf %get3A_285, %gather3A : vector<16xf32>
      %get3A_287 = arith.index_cast %scan3A_124 : i32 to index
      %get3A_288 = arith.constant 208 : index
      %get3A_289 = tpu.vector_load %arg13[%get3A_287, %get3A_288] {strides = array<i32>} : memref<16x1024xf32, #tpu.memory_space<vmem>>, vector<16xf32>,
      %mul3A_290 = arith.mulf %get3A_289, %gather3A_128 : vector<16xf32>
      %add3A_291 = arith.addf %mul3A_286, %mul3A_290 : vector<16xf32>
      %swap3A_292 = arith.index_cast %scan3A_124 : i32 to index
      %swap3A_293 = arith.constant 208 : index
      %swap3A_294 = tpu.vector_load %arg12[%swap3A_292, %swap3A_293] {strides = array<i32>} : memref<16x1024xf32, #tpu.memory_space<vmem>>, vector<16xf32>,
      tpu.vector_store %arg12[%swap3A_292, %swap3A_293], %add3A_291 {strides = array<i32>} : memref<16x1024xf32, #tpu.memory_space<vmem>>, vector<16xf32>,
      %get3A_295 = arith.index_cast %scan3A_124 : i32 to index
      %get3A_296 = arith.constant 224 : index
      %get3A_297 = tpu.vector_load %arg12[%get3A_295, %get3A_296] {strides = array<i32>} : memref<16x1024xf32, #tpu.memory_space<vmem>>, vector<16xf32>,
      %mul3A_298 = arith.mulf %get3A_297, %gather3A : vector<16xf32>
      %get3A_299 = arith.index_cast %scan3A_124 : i32 to index
      %get3A_300 = arith.constant 224 : index
      %get3A_301 = tpu.vector_load %arg13[%get3A_299, %get3A_300] {strides = array<i32>} : memref<16x1024xf32, #tpu.memory_space<vmem>>, vector<16xf32>,
      %mul3A_302 = arith.mulf %get3A_301, %gather3A_128 : vector<16xf32>
      %add3A_303 = arith.addf %mul3A_298, %mul3A_302 : vector<16xf32>
      %swap3A_304 = arith.index_cast %scan3A_124 : i32 to index
      %swap3A_305 = arith.constant 224 : index
      %swap3A_306 = tpu.vector_load %arg12[%swap3A_304, %swap3A_305] {strides = array<i32>} : memref<16x1024xf32, #tpu.memory_space<vmem>>, vector<16xf32>,
      tpu.vector_store %arg12[%swap3A_304, %swap3A_305], %add3A_303 {strides = array<i32>} : memref<16x1024xf32, #tpu.memory_space<vmem>>, vector<16xf32>,
      %get3A_307 = arith.index_cast %scan3A_124 : i32 to index
      %get3A_308 = arith.constant 240 : index
      %get3A_309 = tpu.vector_load %arg12[%get3A_307, %get3A_308] {strides = array<i32>} : memref<16x1024xf32, #tpu.memory_space<vmem>>, vector<16xf32>,
      %mul3A_310 = arith.mulf %get3A_309, %gather3A : vector<16xf32>
      %get3A_311 = arith.index_cast %scan3A_124 : i32 to index
      %get3A_312 = arith.constant 240 : index
      %get3A_313 = tpu.vector_load %arg13[%get3A_311, %get3A_312] {strides = array<i32>} : memref<16x1024xf32, #tpu.memory_space<vmem>>, vector<16xf32>,
      %mul3A_314 = arith.mulf %get3A_313, %gather3A_128 : vector<16xf32>
      %add3A_315 = arith.addf %mul3A_310, %mul3A_314 : vector<16xf32>
      %swap3A_316 = arith.index_cast %scan3A_124 : i32 to index
      %swap3A_317 = arith.constant 240 : index
      %swap3A_318 = tpu.vector_load %arg12[%swap3A_316, %swap3A_317] {strides = array<i32>} : memref<16x1024xf32, #tpu.memory_space<vmem>>, vector<16xf32>,
      tpu.vector_store %arg12[%swap3A_316, %swap3A_317], %add3A_315 {strides = array<i32>} : memref<16x1024xf32, #tpu.memory_space<vmem>>, vector<16xf32>,
      %get3A_319 = arith.index_cast %scan3A_124 : i32 to index
      %get3A_320 = arith.constant 256 : index
      %get3A_321 = tpu.vector_load %arg12[%get3A_319, %get3A_320] {strides = array<i32>} : memref<16x1024xf32, #tpu.memory_space<vmem>>, vector<16xf32>,
      %mul3A_322 = arith.mulf %get3A_321, %gather3A : vector<16xf32>
      %get3A_323 = arith.index_cast %scan3A_124 : i32 to index
      %get3A_324 = arith.constant 256 : index
      %get3A_325 = tpu.vector_load %arg13[%get3A_323, %get3A_324] {strides = array<i32>} : memref<16x1024xf32, #tpu.memory_space<vmem>>, vector<16xf32>,
      %mul3A_326 = arith.mulf %get3A_325, %gather3A_128 : vector<16xf32>
      %add3A_327 = arith.addf %mul3A_322, %mul3A_326 : vector<16xf32>
      %swap3A_328 = arith.index_cast %scan3A_124 : i32 to index
      %swap3A_329 = arith.constant 256 : index
      %swap3A_330 = tpu.vector_load %arg12[%swap3A_328, %swap3A_329] {strides = array<i32>} : memref<16x1024xf32, #tpu.memory_space<vmem>>, vector<16xf32>,
      tpu.vector_store %arg12[%swap3A_328, %swap3A_329], %add3A_327 {strides = array<i32>} : memref<16x1024xf32, #tpu.memory_space<vmem>>, vector<16xf32>,
      %get3A_331 = arith.index_cast %scan3A_124 : i32 to index
      %get3A_332 = arith.constant 272 : index
      %get3A_333 = tpu.vector_load %arg12[%get3A_331, %get3A_332] {strides = array<i32>} : memref<16x1024xf32, #tpu.memory_space<vmem>>, vector<16xf32>,
      %mul3A_334 = arith.mulf %get3A_333, %gather3A : vector<16xf32>
      %get3A_335 = arith.index_cast %scan3A_124 : i32 to index
      %get3A_336 = arith.constant 272 : index
      %get3A_337 = tpu.vector_load %arg13[%get3A_335, %get3A_336] {strides = array<i32>} : memref<16x1024xf32, #tpu.memory_space<vmem>>, vector<16xf32>,
      %mul3A_338 = arith.mulf %get3A_337, %gather3A_128 : vector<16xf32>
      %add3A_339 = arith.addf %mul3A_334, %mul3A_338 : vector<16xf32>
      %swap3A_340 = arith.index_cast %scan3A_124 : i32 to index
      %swap3A_341 = arith.constant 272 : index
      %swap3A_342 = tpu.vector_load %arg12[%swap3A_340, %swap3A_341] {strides = array<i32>} : memref<16x1024xf32, #tpu.memory_space<vmem>>, vector<16xf32>,
      tpu.vector_store %arg12[%swap3A_340, %swap3A_341], %add3A_339 {strides = array<i32>} : memref<16x1024xf32, #tpu.memory_space<vmem>>, vector<16xf32>,
      %get3A_343 = arith.index_cast %scan3A_124 : i32 to index
      %get3A_344 = arith.constant 288 : index
      %get3A_345 = tpu.vector_load %arg12[%get3A_343, %get3A_344] {strides = array<i32>} : memref<16x1024xf32, #tpu.memory_space<vmem>>, vector<16xf32>,
      %mul3A_346 = arith.mulf %get3A_345, %gather3A : vector<16xf32>
      %get3A_347 = arith.index_cast %scan3A_124 : i32 to index
      %get3A_348 = arith.constant 288 : index
      %get3A_349 = tpu.vector_load %arg13[%get3A_347, %get3A_348] {strides = array<i32>} : memref<16x1024xf32, #tpu.memory_space<vmem>>, vector<16xf32>,
      %mul3A_350 = arith.mulf %get3A_349, %gather3A_128 : vector<16xf32>
      %add3A_351 = arith.addf %mul3A_346, %mul3A_350 : vector<16xf32>
      %swap3A_352 = arith.index_cast %scan3A_124 : i32 to index
      %swap3A_353 = arith.constant 288 : index
      %swap3A_354 = tpu.vector_load %arg12[%swap3A_352, %swap3A_353] {strides = array<i32>} : memref<16x1024xf32, #tpu.memory_space<vmem>>, vector<16xf32>,
      tpu.vector_store %arg12[%swap3A_352, %swap3A_353], %add3A_351 {strides = array<i32>} : memref<16x1024xf32, #tpu.memory_space<vmem>>, vector<16xf32>,
      %get3A_355 = arith.index_cast %scan3A_124 : i32 to index
      %get3A_356 = arith.constant 304 : index
      %get3A_357 = tpu.vector_load %arg12[%get3A_355, %get3A_356] {strides = array<i32>} : memref<16x1024xf32, #tpu.memory_space<vmem>>, vector<16xf32>,
      %mul3A_358 = arith.mulf %get3A_357, %gather3A : vector<16xf32>
      %get3A_359 = arith.index_cast %scan3A_124 : i32 to index
      %get3A_360 = arith.constant 304 : index
      %get3A_361 = tpu.vector_load %arg13[%get3A_359, %get3A_360] {strides = array<i32>} : memref<16x1024xf32, #tpu.memory_space<vmem>>, vector<16xf32>,
      %mul3A_362 = arith.mulf %get3A_361, %gather3A_128 : vector<16xf32>
      %add3A_363 = arith.addf %mul3A_358, %mul3A_362 : vector<16xf32>
      %swap3A_364 = arith.index_cast %scan3A_124 : i32 to index
      %swap3A_365 = arith.constant 304 : index
      %swap3A_366 = tpu.vector_load %arg12[%swap3A_364, %swap3A_365] {strides = array<i32>} : memref<16x1024xf32, #tpu.memory_space<vmem>>, vector<16xf32>,
      tpu.vector_store %arg12[%swap3A_364, %swap3A_365], %add3A_363 {strides = array<i32>} : memref<16x1024xf32, #tpu.memory_space<vmem>>, vector<16xf32>,
      %get3A_367 = arith.index_cast %scan3A_124 : i32 to index
      %get3A_368 = arith.constant 320 : index
      %get3A_369 = tpu.vector_load %arg12[%get3A_367, %get3A_368] {strides = array<i32>} : memref<16x1024xf32, #tpu.memory_space<vmem>>, vector<16xf32>,
      %mul3A_370 = arith.mulf %get3A_369, %gather3A : vector<16xf32>
      %get3A_371 = arith.index_cast %scan3A_124 : i32 to index
      %get3A_372 = arith.constant 320 : index
      %get3A_373 = tpu.vector_load %arg13[%get3A_371, %get3A_372] {strides = array<i32>} : memref<16x1024xf32, #tpu.memory_space<vmem>>, vector<16xf32>,
      %mul3A_374 = arith.mulf %get3A_373, %gather3A_128 : vector<16xf32>
      %add3A_375 = arith.addf %mul3A_370, %mul3A_374 : vector<16xf32>
      %swap3A_376 = arith.index_cast %scan3A_124 : i32 to index
      %swap3A_377 = arith.constant 320 : index
      %swap3A_378 = tpu.vector_load %arg12[%swap3A_376, %swap3A_377] {strides = array<i32>} : memref<16x1024xf32, #tpu.memory_space<vmem>>, vector<16xf32>,
      tpu.vector_store %arg12[%swap3A_376, %swap3A_377], %add3A_375 {strides = array<i32>} : memref<16x1024xf32, #tpu.memory_space<vmem>>, vector<16xf32>,
      %get3A_379 = arith.index_cast %scan3A_124 : i32 to index
      %get3A_380 = arith.constant 336 : index
      %get3A_381 = tpu.vector_load %arg12[%get3A_379, %get3A_380] {strides = array<i32>} : memref<16x1024xf32, #tpu.memory_space<vmem>>, vector<16xf32>,
      %mul3A_382 = arith.mulf %get3A_381, %gather3A : vector<16xf32>
      %get3A_383 = arith.index_cast %scan3A_124 : i32 to index
      %get3A_384 = arith.constant 336 : index
      %get3A_385 = tpu.vector_load %arg13[%get3A_383, %get3A_384] {strides = array<i32>} : memref<16x1024xf32, #tpu.memory_space<vmem>>, vector<16xf32>,
      %mul3A_386 = arith.mulf %get3A_385, %gather3A_128 : vector<16xf32>
      %add3A_387 = arith.addf %mul3A_382, %mul3A_386 : vector<16xf32>
      %swap3A_388 = arith.index_cast %scan3A_124 : i32 to index
      %swap3A_389 = arith.constant 336 : index
      %swap3A_390 = tpu.vector_load %arg12[%swap3A_388, %swap3A_389] {strides = array<i32>} : memref<16x1024xf32, #tpu.memory_space<vmem>>, vector<16xf32>,
      tpu.vector_store %arg12[%swap3A_388, %swap3A_389], %add3A_387 {strides = array<i32>} : memref<16x1024xf32, #tpu.memory_space<vmem>>, vector<16xf32>,
      %get3A_391 = arith.index_cast %scan3A_124 : i32 to index
      %get3A_392 = arith.constant 352 : index
      %get3A_393 = tpu.vector_load %arg12[%get3A_391, %get3A_392] {strides = array<i32>} : memref<16x1024xf32, #tpu.memory_space<vmem>>, vector<16xf32>,
      %mul3A_394 = arith.mulf %get3A_393, %gather3A : vector<16xf32>
      %get3A_395 = arith.index_cast %scan3A_124 : i32 to index
      %get3A_396 = arith.constant 352 : index
      %get3A_397 = tpu.vector_load %arg13[%get3A_395, %get3A_396] {strides = array<i32>} : memref<16x1024xf32, #tpu.memory_space<vmem>>, vector<16xf32>,
      %mul3A_398 = arith.mulf %get3A_397, %gather3A_128 : vector<16xf32>
      %add3A_399 = arith.addf %mul3A_394, %mul3A_398 : vector<16xf32>
      %swap3A_400 = arith.index_cast %scan3A_124 : i32 to index
      %swap3A_401 = arith.constant 352 : index
      %swap3A_402 = tpu.vector_load %arg12[%swap3A_400, %swap3A_401] {strides = array<i32>} : memref<16x1024xf32, #tpu.memory_space<vmem>>, vector<16xf32>,
      tpu.vector_store %arg12[%swap3A_400, %swap3A_401], %add3A_399 {strides = array<i32>} : memref<16x1024xf32, #tpu.memory_space<vmem>>, vector<16xf32>,
      %get3A_403 = arith.index_cast %scan3A_124 : i32 to index
      %get3A_404 = arith.constant 368 : index
      %get3A_405 = tpu.vector_load %arg12[%get3A_403, %get3A_404] {strides = array<i32>} : memref<16x1024xf32, #tpu.memory_space<vmem>>, vector<16xf32>,
      %mul3A_406 = arith.mulf %get3A_405, %gather3A : vector<16xf32>
      %get3A_407 = arith.index_cast %scan3A_124 : i32 to index
      %get3A_408 = arith.constant 368 : index
      %get3A_409 = tpu.vector_load %arg13[%get3A_407, %get3A_408] {strides = array<i32>} : memref<16x1024xf32, #tpu.memory_space<vmem>>, vector<16xf32>,
      %mul3A_410 = arith.mulf %get3A_409, %gather3A_128 : vector<16xf32>
      %add3A_411 = arith.addf %mul3A_406, %mul3A_410 : vector<16xf32>
      %swap3A_412 = arith.index_cast %scan3A_124 : i32 to index
      %swap3A_413 = arith.constant 368 : index
      %swap3A_414 = tpu.vector_load %arg12[%swap3A_412, %swap3A_413] {strides = array<i32>} : memref<16x1024xf32, #tpu.memory_space<vmem>>, vector<16xf32>,
      tpu.vector_store %arg12[%swap3A_412, %swap3A_413], %add3A_411 {strides = array<i32>} : memref<16x1024xf32, #tpu.memory_space<vmem>>, vector<16xf32>,
      %get3A_415 = arith.index_cast %scan3A_124 : i32 to index
      %get3A_416 = arith.constant 384 : index
      %get3A_417 = tpu.vector_load %arg12[%get3A_415, %get3A_416] {strides = array<i32>} : memref<16x1024xf32, #tpu.memory_space<vmem>>, vector<16xf32>,
      %mul3A_418 = arith.mulf %get3A_417, %gather3A : vector<16xf32>
      %get3A_419 = arith.index_cast %scan3A_124 : i32 to index
      %get3A_420 = arith.constant 384 : index
      %get3A_421 = tpu.vector_load %arg13[%get3A_419, %get3A_420] {strides = array<i32>} : memref<16x1024xf32, #tpu.memory_space<vmem>>, vector<16xf32>,
      %mul3A_422 = arith.mulf %get3A_421, %gather3A_128 : vector<16xf32>
      %add3A_423 = arith.addf %mul3A_418, %mul3A_422 : vector<16xf32>
      %swap3A_424 = arith.index_cast %scan3A_124 : i32 to index
      %swap3A_425 = arith.constant 384 : index
      %swap3A_426 = tpu.vector_load %arg12[%swap3A_424, %swap3A_425] {strides = array<i32>} : memref<16x1024xf32, #tpu.memory_space<vmem>>, vector<16xf32>,
      tpu.vector_store %arg12[%swap3A_424, %swap3A_425], %add3A_423 {strides = array<i32>} : memref<16x1024xf32, #tpu.memory_space<vmem>>, vector<16xf32>,
      %get3A_427 = arith.index_cast %scan3A_124 : i32 to index
      %get3A_428 = arith.constant 400 : index
      %get3A_429 = tpu.vector_load %arg12[%get3A_427, %get3A_428] {strides = array<i32>} : memref<16x1024xf32, #tpu.memory_space<vmem>>, vector<16xf32>,
      %mul3A_430 = arith.mulf %get3A_429, %gather3A : vector<16xf32>
      %get3A_431 = arith.index_cast %scan3A_124 : i32 to index
      %get3A_432 = arith.constant 400 : index
      %get3A_433 = tpu.vector_load %arg13[%get3A_431, %get3A_432] {strides = array<i32>} : memref<16x1024xf32, #tpu.memory_space<vmem>>, vector<16xf32>,
      %mul3A_434 = arith.mulf %get3A_433, %gather3A_128 : vector<16xf32>
      %add3A_435 = arith.addf %mul3A_430, %mul3A_434 : vector<16xf32>
      %swap3A_436 = arith.index_cast %scan3A_124 : i32 to index
      %swap3A_437 = arith.constant 400 : index
      %swap3A_438 = tpu.vector_load %arg12[%swap3A_436, %swap3A_437] {strides = array<i32>} : memref<16x1024xf32, #tpu.memory_space<vmem>>, vector<16xf32>,
      tpu.vector_store %arg12[%swap3A_436, %swap3A_437], %add3A_435 {strides = array<i32>} : memref<16x1024xf32, #tpu.memory_space<vmem>>, vector<16xf32>,
      %get3A_439 = arith.index_cast %scan3A_124 : i32 to index
      %get3A_440 = arith.constant 416 : index
      %get3A_441 = tpu.vector_load %arg12[%get3A_439, %get3A_440] {strides = array<i32>} : memref<16x1024xf32, #tpu.memory_space<vmem>>, vector<16xf32>,
      %mul3A_442 = arith.mulf %get3A_441, %gather3A : vector<16xf32>
      %get3A_443 = arith.index_cast %scan3A_124 : i32 to index
      %get3A_444 = arith.constant 416 : index
      %get3A_445 = tpu.vector_load %arg13[%get3A_443, %get3A_444] {strides = array<i32>} : memref<16x1024xf32, #tpu.memory_space<vmem>>, vector<16xf32>,
      %mul3A_446 = arith.mulf %get3A_445, %gather3A_128 : vector<16xf32>
      %add3A_447 = arith.addf %mul3A_442, %mul3A_446 : vector<16xf32>
      %swap3A_448 = arith.index_cast %scan3A_124 : i32 to index
      %swap3A_449 = arith.constant 416 : index
      %swap3A_450 = tpu.vector_load %arg12[%swap3A_448, %swap3A_449] {strides = array<i32>} : memref<16x1024xf32, #tpu.memory_space<vmem>>, vector<16xf32>,
      tpu.vector_store %arg12[%swap3A_448, %swap3A_449], %add3A_447 {strides = array<i32>} : memref<16x1024xf32, #tpu.memory_space<vmem>>, vector<16xf32>,
      %get3A_451 = arith.index_cast %scan3A_124 : i32 to index
      %get3A_452 = arith.constant 432 : index
      %get3A_453 = tpu.vector_load %arg12[%get3A_451, %get3A_452] {strides = array<i32>} : memref<16x1024xf32, #tpu.memory_space<vmem>>, vector<16xf32>,
      %mul3A_454 = arith.mulf %get3A_453, %gather3A : vector<16xf32>
      %get3A_455 = arith.index_cast %scan3A_124 : i32 to index
      %get3A_456 = arith.constant 432 : index
      %get3A_457 = tpu.vector_load %arg13[%get3A_455, %get3A_456] {strides = array<i32>} : memref<16x1024xf32, #tpu.memory_space<vmem>>, vector<16xf32>,
      %mul3A_458 = arith.mulf %get3A_457, %gather3A_128 : vector<16xf32>
      %add3A_459 = arith.addf %mul3A_454, %mul3A_458 : vector<16xf32>
      %swap3A_460 = arith.index_cast %scan3A_124 : i32 to index
      %swap3A_461 = arith.constant 432 : index
      %swap3A_462 = tpu.vector_load %arg12[%swap3A_460, %swap3A_461] {strides = array<i32>} : memref<16x1024xf32, #tpu.memory_space<vmem>>, vector<16xf32>,
      tpu.vector_store %arg12[%swap3A_460, %swap3A_461], %add3A_459 {strides = array<i32>} : memref<16x1024xf32, #tpu.memory_space<vmem>>, vector<16xf32>,
      %get3A_463 = arith.index_cast %scan3A_124 : i32 to index
      %get3A_464 = arith.constant 448 : index
      %get3A_465 = tpu.vector_load %arg12[%get3A_463, %get3A_464] {strides = array<i32>} : memref<16x1024xf32, #tpu.memory_space<vmem>>, vector<16xf32>,
      %mul3A_466 = arith.mulf %get3A_465, %gather3A : vector<16xf32>
      %get3A_467 = arith.index_cast %scan3A_124 : i32 to index
      %get3A_468 = arith.constant 448 : index
      %get3A_469 = tpu.vector_load %arg13[%get3A_467, %get3A_468] {strides = array<i32>} : memref<16x1024xf32, #tpu.memory_space<vmem>>, vector<16xf32>,
      %mul3A_470 = arith.mulf %get3A_469, %gather3A_128 : vector<16xf32>
      %add3A_471 = arith.addf %mul3A_466, %mul3A_470 : vector<16xf32>
      %swap3A_472 = arith.index_cast %scan3A_124 : i32 to index
      %swap3A_473 = arith.constant 448 : index
      %swap3A_474 = tpu.vector_load %arg12[%swap3A_472, %swap3A_473] {strides = array<i32>} : memref<16x1024xf32, #tpu.memory_space<vmem>>, vector<16xf32>,
      tpu.vector_store %arg12[%swap3A_472, %swap3A_473], %add3A_471 {strides = array<i32>} : memref<16x1024xf32, #tpu.memory_space<vmem>>, vector<16xf32>,
      %get3A_475 = arith.index_cast %scan3A_124 : i32 to index
      %get3A_476 = arith.constant 464 : index
      %get3A_477 = tpu.vector_load %arg12[%get3A_475, %get3A_476] {strides = array<i32>} : memref<16x1024xf32, #tpu.memory_space<vmem>>, vector<16xf32>,
      %mul3A_478 = arith.mulf %get3A_477, %gather3A : vector<16xf32>
      %get3A_479 = arith.index_cast %scan3A_124 : i32 to index
      %get3A_480 = arith.constant 464 : index
      %get3A_481 = tpu.vector_load %arg13[%get3A_479, %get3A_480] {strides = array<i32>} : memref<16x1024xf32, #tpu.memory_space<vmem>>, vector<16xf32>,
      %mul3A_482 = arith.mulf %get3A_481, %gather3A_128 : vector<16xf32>
      %add3A_483 = arith.addf %mul3A_478, %mul3A_482 : vector<16xf32>
      %swap3A_484 = arith.index_cast %scan3A_124 : i32 to index
      %swap3A_485 = arith.constant 464 : index
      %swap3A_486 = tpu.vector_load %arg12[%swap3A_484, %swap3A_485] {strides = array<i32>} : memref<16x1024xf32, #tpu.memory_space<vmem>>, vector<16xf32>,
      tpu.vector_store %arg12[%swap3A_484, %swap3A_485], %add3A_483 {strides = array<i32>} : memref<16x1024xf32, #tpu.memory_space<vmem>>, vector<16xf32>,
      %get3A_487 = arith.index_cast %scan3A_124 : i32 to index
      %get3A_488 = arith.constant 480 : index
      %get3A_489 = tpu.vector_load %arg12[%get3A_487, %get3A_488] {strides = array<i32>} : memref<16x1024xf32, #tpu.memory_space<vmem>>, vector<16xf32>,
      %mul3A_490 = arith.mulf %get3A_489, %gather3A : vector<16xf32>
      %get3A_491 = arith.index_cast %scan3A_124 : i32 to index
      %get3A_492 = arith.constant 480 : index
      %get3A_493 = tpu.vector_load %arg13[%get3A_491, %get3A_492] {strides = array<i32>} : memref<16x1024xf32, #tpu.memory_space<vmem>>, vector<16xf32>,
      %mul3A_494 = arith.mulf %get3A_493, %gather3A_128 : vector<16xf32>
      %add3A_495 = arith.addf %mul3A_490, %mul3A_494 : vector<16xf32>
      %swap3A_496 = arith.index_cast %scan3A_124 : i32 to index
      %swap3A_497 = arith.constant 480 : index
      %swap3A_498 = tpu.vector_load %arg12[%swap3A_496, %swap3A_497] {strides = array<i32>} : memref<16x1024xf32, #tpu.memory_space<vmem>>, vector<16xf32>,
      tpu.vector_store %arg12[%swap3A_496, %swap3A_497], %add3A_495 {strides = array<i32>} : memref<16x1024xf32, #tpu.memory_space<vmem>>, vector<16xf32>,
      %get3A_499 = arith.index_cast %scan3A_124 : i32 to index
      %get3A_500 = arith.constant 496 : index
      %get3A_501 = tpu.vector_load %arg12[%get3A_499, %get3A_500] {strides = array<i32>} : memref<16x1024xf32, #tpu.memory_space<vmem>>, vector<16xf32>,
      %mul3A_502 = arith.mulf %get3A_501, %gather3A : vector<16xf32>
      %get3A_503 = arith.index_cast %scan3A_124 : i32 to index
      %get3A_504 = arith.constant 496 : index
      %get3A_505 = tpu.vector_load %arg13[%get3A_503, %get3A_504] {strides = array<i32>} : memref<16x1024xf32, #tpu.memory_space<vmem>>, vector<16xf32>,
      %mul3A_506 = arith.mulf %get3A_505, %gather3A_128 : vector<16xf32>
      %add3A_507 = arith.addf %mul3A_502, %mul3A_506 : vector<16xf32>
      %swap3A_508 = arith.index_cast %scan3A_124 : i32 to index
      %swap3A_509 = arith.constant 496 : index
      %swap3A_510 = tpu.vector_load %arg12[%swap3A_508, %swap3A_509] {strides = array<i32>} : memref<16x1024xf32, #tpu.memory_space<vmem>>, vector<16xf32>,
      tpu.vector_store %arg12[%swap3A_508, %swap3A_509], %add3A_507 {strides = array<i32>} : memref<16x1024xf32, #tpu.memory_space<vmem>>, vector<16xf32>,
      %get3A_511 = arith.index_cast %scan3A_124 : i32 to index
      %get3A_512 = arith.constant 512 : index
      %get3A_513 = tpu.vector_load %arg12[%get3A_511, %get3A_512] {strides = array<i32>} : memref<16x1024xf32, #tpu.memory_space<vmem>>, vector<16xf32>,
      %mul3A_514 = arith.mulf %get3A_513, %gather3A : vector<16xf32>
      %get3A_515 = arith.index_cast %scan3A_124 : i32 to index
      %get3A_516 = arith.constant 512 : index
      %get3A_517 = tpu.vector_load %arg13[%get3A_515, %get3A_516] {strides = array<i32>} : memref<16x1024xf32, #tpu.memory_space<vmem>>, vector<16xf32>,
      %mul3A_518 = arith.mulf %get3A_517, %gather3A_128 : vector<16xf32>
      %add3A_519 = arith.addf %mul3A_514, %mul3A_518 : vector<16xf32>
      %swap3A_520 = arith.index_cast %scan3A_124 : i32 to index
      %swap3A_521 = arith.constant 512 : index
      %swap3A_522 = tpu.vector_load %arg12[%swap3A_520, %swap3A_521] {strides = array<i32>} : memref<16x1024xf32, #tpu.memory_space<vmem>>, vector<16xf32>,
      tpu.vector_store %arg12[%swap3A_520, %swap3A_521], %add3A_519 {strides = array<i32>} : memref<16x1024xf32, #tpu.memory_space<vmem>>, vector<16xf32>,
      %get3A_523 = arith.index_cast %scan3A_124 : i32 to index
      %get3A_524 = arith.constant 528 : index
      %get3A_525 = tpu.vector_load %arg12[%get3A_523, %get3A_524] {strides = array<i32>} : memref<16x1024xf32, #tpu.memory_space<vmem>>, vector<16xf32>,
      %mul3A_526 = arith.mulf %get3A_525, %gather3A : vector<16xf32>
      %get3A_527 = arith.index_cast %scan3A_124 : i32 to index
      %get3A_528 = arith.constant 528 : index
      %get3A_529 = tpu.vector_load %arg13[%get3A_527, %get3A_528] {strides = array<i32>} : memref<16x1024xf32, #tpu.memory_space<vmem>>, vector<16xf32>,
      %mul3A_530 = arith.mulf %get3A_529, %gather3A_128 : vector<16xf32>
      %add3A_531 = arith.addf %mul3A_526, %mul3A_530 : vector<16xf32>
      %swap3A_532 = arith.index_cast %scan3A_124 : i32 to index
      %swap3A_533 = arith.constant 528 : index
      %swap3A_534 = tpu.vector_load %arg12[%swap3A_532, %swap3A_533] {strides = array<i32>} : memref<16x1024xf32, #tpu.memory_space<vmem>>, vector<16xf32>,
      tpu.vector_store %arg12[%swap3A_532, %swap3A_533], %add3A_531 {strides = array<i32>} : memref<16x1024xf32, #tpu.memory_space<vmem>>, vector<16xf32>,
      %get3A_535 = arith.index_cast %scan3A_124 : i32 to index
      %get3A_536 = arith.constant 544 : index
      %get3A_537 = tpu.vector_load %arg12[%get3A_535, %get3A_536] {strides = array<i32>} : memref<16x1024xf32, #tpu.memory_space<vmem>>, vector<16xf32>,
      %mul3A_538 = arith.mulf %get3A_537, %gather3A : vector<16xf32>
      %get3A_539 = arith.index_cast %scan3A_124 : i32 to index
      %get3A_540 = arith.constant 544 : index
      %get3A_541 = tpu.vector_load %arg13[%get3A_539, %get3A_540] {strides = array<i32>} : memref<16x1024xf32, #tpu.memory_space<vmem>>, vector<16xf32>,
      %mul3A_542 = arith.mulf %get3A_541, %gather3A_128 : vector<16xf32>
      %add3A_543 = arith.addf %mul3A_538, %mul3A_542 : vector<16xf32>
      %swap3A_544 = arith.index_cast %scan3A_124 : i32 to index
      %swap3A_545 = arith.constant 544 : index
      %swap3A_546 = tpu.vector_load %arg12[%swap3A_544, %swap3A_545] {strides = array<i32>} : memref<16x1024xf32, #tpu.memory_space<vmem>>, vector<16xf32>,
      tpu.vector_store %arg12[%swap3A_544, %swap3A_545], %add3A_543 {strides = array<i32>} : memref<16x1024xf32, #tpu.memory_space<vmem>>, vector<16xf32>,
      %get3A_547 = arith.index_cast %scan3A_124 : i32 to index
      %get3A_548 = arith.constant 560 : index
      %get3A_549 = tpu.vector_load %arg12[%get3A_547, %get3A_548] {strides = array<i32>} : memref<16x1024xf32, #tpu.memory_space<vmem>>, vector<16xf32>,
      %mul3A_550 = arith.mulf %get3A_549, %gather3A : vector<16xf32>
      %get3A_551 = arith.index_cast %scan3A_124 : i32 to index
      %get3A_552 = arith.constant 560 : index
      %get3A_553 = tpu.vector_load %arg13[%get3A_551, %get3A_552] {strides = array<i32>} : memref<16x1024xf32, #tpu.memory_space<vmem>>, vector<16xf32>,
      %mul3A_554 = arith.mulf %get3A_553, %gather3A_128 : vector<16xf32>
      %add3A_555 = arith.addf %mul3A_550, %mul3A_554 : vector<16xf32>
      %swap3A_556 = arith.index_cast %scan3A_124 : i32 to index
      %swap3A_557 = arith.constant 560 : index
      %swap3A_558 = tpu.vector_load %arg12[%swap3A_556, %swap3A_557] {strides = array<i32>} : memref<16x1024xf32, #tpu.memory_space<vmem>>, vector<16xf32>,
      tpu.vector_store %arg12[%swap3A_556, %swap3A_557], %add3A_555 {strides = array<i32>} : memref<16x1024xf32, #tpu.memory_space<vmem>>, vector<16xf32>,
      %get3A_559 = arith.index_cast %scan3A_124 : i32 to index
      %get3A_560 = arith.constant 576 : index
      %get3A_561 = tpu.vector_load %arg12[%get3A_559, %get3A_560] {strides = array<i32>} : memref<16x1024xf32, #tpu.memory_space<vmem>>, vector<16xf32>,
      %mul3A_562 = arith.mulf %get3A_561, %gather3A : vector<16xf32>
      %get3A_563 = arith.index_cast %scan3A_124 : i32 to index
      %get3A_564 = arith.constant 576 : index
      %get3A_565 = tpu.vector_load %arg13[%get3A_563, %get3A_564] {strides = array<i32>} : memref<16x1024xf32, #tpu.memory_space<vmem>>, vector<16xf32>,
      %mul3A_566 = arith.mulf %get3A_565, %gather3A_128 : vector<16xf32>
      %add3A_567 = arith.addf %mul3A_562, %mul3A_566 : vector<16xf32>
      %swap3A_568 = arith.index_cast %scan3A_124 : i32 to index
      %swap3A_569 = arith.constant 576 : index
      %swap3A_570 = tpu.vector_load %arg12[%swap3A_568, %swap3A_569] {strides = array<i32>} : memref<16x1024xf32, #tpu.memory_space<vmem>>, vector<16xf32>,
      tpu.vector_store %arg12[%swap3A_568, %swap3A_569], %add3A_567 {strides = array<i32>} : memref<16x1024xf32, #tpu.memory_space<vmem>>, vector<16xf32>,
      %get3A_571 = arith.index_cast %scan3A_124 : i32 to index
      %get3A_572 = arith.constant 592 : index
      %get3A_573 = tpu.vector_load %arg12[%get3A_571, %get3A_572] {strides = array<i32>} : memref<16x1024xf32, #tpu.memory_space<vmem>>, vector<16xf32>,
      %mul3A_574 = arith.mulf %get3A_573, %gather3A : vector<16xf32>
      %get3A_575 = arith.index_cast %scan3A_124 : i32 to index
      %get3A_576 = arith.constant 592 : index
      %get3A_577 = tpu.vector_load %arg13[%get3A_575, %get3A_576] {strides = array<i32>} : memref<16x1024xf32, #tpu.memory_space<vmem>>, vector<16xf32>,
      %mul3A_578 = arith.mulf %get3A_577, %gather3A_128 : vector<16xf32>
      %add3A_579 = arith.addf %mul3A_574, %mul3A_578 : vector<16xf32>
      %swap3A_580 = arith.index_cast %scan3A_124 : i32 to index
      %swap3A_581 = arith.constant 592 : index
      %swap3A_582 = tpu.vector_load %arg12[%swap3A_580, %swap3A_581] {strides = array<i32>} : memref<16x1024xf32, #tpu.memory_space<vmem>>, vector<16xf32>,
      tpu.vector_store %arg12[%swap3A_580, %swap3A_581], %add3A_579 {strides = array<i32>} : memref<16x1024xf32, #tpu.memory_space<vmem>>, vector<16xf32>,
      %get3A_583 = arith.index_cast %scan3A_124 : i32 to index
      %get3A_584 = arith.constant 608 : index
      %get3A_585 = tpu.vector_load %arg12[%get3A_583, %get3A_584] {strides = array<i32>} : memref<16x1024xf32, #tpu.memory_space<vmem>>, vector<16xf32>,
      %mul3A_586 = arith.mulf %get3A_585, %gather3A : vector<16xf32>
      %get3A_587 = arith.index_cast %scan3A_124 : i32 to index
      %get3A_588 = arith.constant 608 : index
      %get3A_589 = tpu.vector_load %arg13[%get3A_587, %get3A_588] {strides = array<i32>} : memref<16x1024xf32, #tpu.memory_space<vmem>>, vector<16xf32>,
      %mul3A_590 = arith.mulf %get3A_589, %gather3A_128 : vector<16xf32>
      %add3A_591 = arith.addf %mul3A_586, %mul3A_590 : vector<16xf32>
      %swap3A_592 = arith.index_cast %scan3A_124 : i32 to index
      %swap3A_593 = arith.constant 608 : index
      %swap3A_594 = tpu.vector_load %arg12[%swap3A_592, %swap3A_593] {strides = array<i32>} : memref<16x1024xf32, #tpu.memory_space<vmem>>, vector<16xf32>,
      tpu.vector_store %arg12[%swap3A_592, %swap3A_593], %add3A_591 {strides = array<i32>} : memref<16x1024xf32, #tpu.memory_space<vmem>>, vector<16xf32>,
      %get3A_595 = arith.index_cast %scan3A_124 : i32 to index
      %get3A_596 = arith.constant 624 : index
      %get3A_597 = tpu.vector_load %arg12[%get3A_595, %get3A_596] {strides = array<i32>} : memref<16x1024xf32, #tpu.memory_space<vmem>>, vector<16xf32>,
      %mul3A_598 = arith.mulf %get3A_597, %gather3A : vector<16xf32>
      %get3A_599 = arith.index_cast %scan3A_124 : i32 to index
      %get3A_600 = arith.constant 624 : index
      %get3A_601 = tpu.vector_load %arg13[%get3A_599, %get3A_600] {strides = array<i32>} : memref<16x1024xf32, #tpu.memory_space<vmem>>, vector<16xf32>,
      %mul3A_602 = arith.mulf %get3A_601, %gather3A_128 : vector<16xf32>
      %add3A_603 = arith.addf %mul3A_598, %mul3A_602 : vector<16xf32>
      %swap3A_604 = arith.index_cast %scan3A_124 : i32 to index
      %swap3A_605 = arith.constant 624 : index
      %swap3A_606 = tpu.vector_load %arg12[%swap3A_604, %swap3A_605] {strides = array<i32>} : memref<16x1024xf32, #tpu.memory_space<vmem>>, vector<16xf32>,
      tpu.vector_store %arg12[%swap3A_604, %swap3A_605], %add3A_603 {strides = array<i32>} : memref<16x1024xf32, #tpu.memory_space<vmem>>, vector<16xf32>,
      %get3A_607 = arith.index_cast %scan3A_124 : i32 to index
      %get3A_608 = arith.constant 640 : index
      %get3A_609 = tpu.vector_load %arg12[%get3A_607, %get3A_608] {strides = array<i32>} : memref<16x1024xf32, #tpu.memory_space<vmem>>, vector<16xf32>,
      %mul3A_610 = arith.mulf %get3A_609, %gather3A : vector<16xf32>
      %get3A_611 = arith.index_cast %scan3A_124 : i32 to index
      %get3A_612 = arith.constant 640 : index
      %get3A_613 = tpu.vector_load %arg13[%get3A_611, %get3A_612] {strides = array<i32>} : memref<16x1024xf32, #tpu.memory_space<vmem>>, vector<16xf32>,
      %mul3A_614 = arith.mulf %get3A_613, %gather3A_128 : vector<16xf32>
      %add3A_615 = arith.addf %mul3A_610, %mul3A_614 : vector<16xf32>
      %swap3A_616 = arith.index_cast %scan3A_124 : i32 to index
      %swap3A_617 = arith.constant 640 : index
      %swap3A_618 = tpu.vector_load %arg12[%swap3A_616, %swap3A_617] {strides = array<i32>} : memref<16x1024xf32, #tpu.memory_space<vmem>>, vector<16xf32>,
      tpu.vector_store %arg12[%swap3A_616, %swap3A_617], %add3A_615 {strides = array<i32>} : memref<16x1024xf32, #tpu.memory_space<vmem>>, vector<16xf32>,
      %get3A_619 = arith.index_cast %scan3A_124 : i32 to index
      %get3A_620 = arith.constant 656 : index
      %get3A_621 = tpu.vector_load %arg12[%get3A_619, %get3A_620] {strides = array<i32>} : memref<16x1024xf32, #tpu.memory_space<vmem>>, vector<16xf32>,
      %mul3A_622 = arith.mulf %get3A_621, %gather3A : vector<16xf32>
      %get3A_623 = arith.index_cast %scan3A_124 : i32 to index
      %get3A_624 = arith.constant 656 : index
      %get3A_625 = tpu.vector_load %arg13[%get3A_623, %get3A_624] {strides = array<i32>} : memref<16x1024xf32, #tpu.memory_space<vmem>>, vector<16xf32>,
      %mul3A_626 = arith.mulf %get3A_625, %gather3A_128 : vector<16xf32>
      %add3A_627 = arith.addf %mul3A_622, %mul3A_626 : vector<16xf32>
      %swap3A_628 = arith.index_cast %scan3A_124 : i32 to index
      %swap3A_629 = arith.constant 656 : index
      %swap3A_630 = tpu.vector_load %arg12[%swap3A_628, %swap3A_629] {strides = array<i32>} : memref<16x1024xf32, #tpu.memory_space<vmem>>, vector<16xf32>,
      tpu.vector_store %arg12[%swap3A_628, %swap3A_629], %add3A_627 {strides = array<i32>} : memref<16x1024xf32, #tpu.memory_space<vmem>>, vector<16xf32>,
      %get3A_631 = arith.index_cast %scan3A_124 : i32 to index
      %get3A_632 = arith.constant 672 : index
      %get3A_633 = tpu.vector_load %arg12[%get3A_631, %get3A_632] {strides = array<i32>} : memref<16x1024xf32, #tpu.memory_space<vmem>>, vector<16xf32>,
      %mul3A_634 = arith.mulf %get3A_633, %gather3A : vector<16xf32>
      %get3A_635 = arith.index_cast %scan3A_124 : i32 to index
      %get3A_636 = arith.constant 672 : index
      %get3A_637 = tpu.vector_load %arg13[%get3A_635, %get3A_636] {strides = array<i32>} : memref<16x1024xf32, #tpu.memory_space<vmem>>, vector<16xf32>,
      %mul3A_638 = arith.mulf %get3A_637, %gather3A_128 : vector<16xf32>
      %add3A_639 = arith.addf %mul3A_634, %mul3A_638 : vector<16xf32>
      %swap3A_640 = arith.index_cast %scan3A_124 : i32 to index
      %swap3A_641 = arith.constant 672 : index
      %swap3A_642 = tpu.vector_load %arg12[%swap3A_640, %swap3A_641] {strides = array<i32>} : memref<16x1024xf32, #tpu.memory_space<vmem>>, vector<16xf32>,
      tpu.vector_store %arg12[%swap3A_640, %swap3A_641], %add3A_639 {strides = array<i32>} : memref<16x1024xf32, #tpu.memory_space<vmem>>, vector<16xf32>,
      %get3A_643 = arith.index_cast %scan3A_124 : i32 to index
      %get3A_644 = arith.constant 688 : index
      %get3A_645 = tpu.vector_load %arg12[%get3A_643, %get3A_644] {strides = array<i32>} : memref<16x1024xf32, #tpu.memory_space<vmem>>, vector<16xf32>,
      %mul3A_646 = arith.mulf %get3A_645, %gather3A : vector<16xf32>
      %get3A_647 = arith.index_cast %scan3A_124 : i32 to index
      %get3A_648 = arith.constant 688 : index
      %get3A_649 = tpu.vector_load %arg13[%get3A_647, %get3A_648] {strides = array<i32>} : memref<16x1024xf32, #tpu.memory_space<vmem>>, vector<16xf32>,
      %mul3A_650 = arith.mulf %get3A_649, %gather3A_128 : vector<16xf32>
      %add3A_651 = arith.addf %mul3A_646, %mul3A_650 : vector<16xf32>
      %swap3A_652 = arith.index_cast %scan3A_124 : i32 to index
      %swap3A_653 = arith.constant 688 : index
      %swap3A_654 = tpu.vector_load %arg12[%swap3A_652, %swap3A_653] {strides = array<i32>} : memref<16x1024xf32, #tpu.memory_space<vmem>>, vector<16xf32>,
      tpu.vector_store %arg12[%swap3A_652, %swap3A_653], %add3A_651 {strides = array<i32>} : memref<16x1024xf32, #tpu.memory_space<vmem>>, vector<16xf32>,
      %get3A_655 = arith.index_cast %scan3A_124 : i32 to index
      %get3A_656 = arith.constant 704 : index
      %get3A_657 = tpu.vector_load %arg12[%get3A_655, %get3A_656] {strides = array<i32>} : memref<16x1024xf32, #tpu.memory_space<vmem>>, vector<16xf32>,
      %mul3A_658 = arith.mulf %get3A_657, %gather3A : vector<16xf32>
      %get3A_659 = arith.index_cast %scan3A_124 : i32 to index
      %get3A_660 = arith.constant 704 : index
      %get3A_661 = tpu.vector_load %arg13[%get3A_659, %get3A_660] {strides = array<i32>} : memref<16x1024xf32, #tpu.memory_space<vmem>>, vector<16xf32>,
      %mul3A_662 = arith.mulf %get3A_661, %gather3A_128 : vector<16xf32>
      %add3A_663 = arith.addf %mul3A_658, %mul3A_662 : vector<16xf32>
      %swap3A_664 = arith.index_cast %scan3A_124 : i32 to index
      %swap3A_665 = arith.constant 704 : index
      %swap3A_666 = tpu.vector_load %arg12[%swap3A_664, %swap3A_665] {strides = array<i32>} : memref<16x1024xf32, #tpu.memory_space<vmem>>, vector<16xf32>,
      tpu.vector_store %arg12[%swap3A_664, %swap3A_665], %add3A_663 {strides = array<i32>} : memref<16x1024xf32, #tpu.memory_space<vmem>>, vector<16xf32>,
      %get3A_667 = arith.index_cast %scan3A_124 : i32 to index
      %get3A_668 = arith.constant 720 : index
      %get3A_669 = tpu.vector_load %arg12[%get3A_667, %get3A_668] {strides = array<i32>} : memref<16x1024xf32, #tpu.memory_space<vmem>>, vector<16xf32>,
      %mul3A_670 = arith.mulf %get3A_669, %gather3A : vector<16xf32>
      %get3A_671 = arith.index_cast %scan3A_124 : i32 to index
      %get3A_672 = arith.constant 720 : index
      %get3A_673 = tpu.vector_load %arg13[%get3A_671, %get3A_672] {strides = array<i32>} : memref<16x1024xf32, #tpu.memory_space<vmem>>, vector<16xf32>,
      %mul3A_674 = arith.mulf %get3A_673, %gather3A_128 : vector<16xf32>
      %add3A_675 = arith.addf %mul3A_670, %mul3A_674 : vector<16xf32>
      %swap3A_676 = arith.index_cast %scan3A_124 : i32 to index
      %swap3A_677 = arith.constant 720 : index
      %swap3A_678 = tpu.vector_load %arg12[%swap3A_676, %swap3A_677] {strides = array<i32>} : memref<16x1024xf32, #tpu.memory_space<vmem>>, vector<16xf32>,
      tpu.vector_store %arg12[%swap3A_676, %swap3A_677], %add3A_675 {strides = array<i32>} : memref<16x1024xf32, #tpu.memory_space<vmem>>, vector<16xf32>,
      %get3A_679 = arith.index_cast %scan3A_124 : i32 to index
      %get3A_680 = arith.constant 736 : index
      %get3A_681 = tpu.vector_load %arg12[%get3A_679, %get3A_680] {strides = array<i32>} : memref<16x1024xf32, #tpu.memory_space<vmem>>, vector<16xf32>,
      %mul3A_682 = arith.mulf %get3A_681, %gather3A : vector<16xf32>
      %get3A_683 = arith.index_cast %scan3A_124 : i32 to index
      %get3A_684 = arith.constant 736 : index
      %get3A_685 = tpu.vector_load %arg13[%get3A_683, %get3A_684] {strides = array<i32>} : memref<16x1024xf32, #tpu.memory_space<vmem>>, vector<16xf32>,
      %mul3A_686 = arith.mulf %get3A_685, %gather3A_128 : vector<16xf32>
      %add3A_687 = arith.addf %mul3A_682, %mul3A_686 : vector<16xf32>
      %swap3A_688 = arith.index_cast %scan3A_124 : i32 to index
      %swap3A_689 = arith.constant 736 : index
      %swap3A_690 = tpu.vector_load %arg12[%swap3A_688, %swap3A_689] {strides = array<i32>} : memref<16x1024xf32, #tpu.memory_space<vmem>>, vector<16xf32>,
      tpu.vector_store %arg12[%swap3A_688, %swap3A_689], %add3A_687 {strides = array<i32>} : memref<16x1024xf32, #tpu.memory_space<vmem>>, vector<16xf32>,
      %get3A_691 = arith.index_cast %scan3A_124 : i32 to index
      %get3A_692 = arith.constant 752 : index
      %get3A_693 = tpu.vector_load %arg12[%get3A_691, %get3A_692] {strides = array<i32>} : memref<16x1024xf32, #tpu.memory_space<vmem>>, vector<16xf32>,
      %mul3A_694 = arith.mulf %get3A_693, %gather3A : vector<16xf32>
      %get3A_695 = arith.index_cast %scan3A_124 : i32 to index
      %get3A_696 = arith.constant 752 : index
      %get3A_697 = tpu.vector_load %arg13[%get3A_695, %get3A_696] {strides = array<i32>} : memref<16x1024xf32, #tpu.memory_space<vmem>>, vector<16xf32>,
      %mul3A_698 = arith.mulf %get3A_697, %gather3A_128 : vector<16xf32>
      %add3A_699 = arith.addf %mul3A_694, %mul3A_698 : vector<16xf32>
      %swap3A_700 = arith.index_cast %scan3A_124 : i32 to index
      %swap3A_701 = arith.constant 752 : index
      %swap3A_702 = tpu.vector_load %arg12[%swap3A_700, %swap3A_701] {strides = array<i32>} : memref<16x1024xf32, #tpu.memory_space<vmem>>, vector<16xf32>,
      tpu.vector_store %arg12[%swap3A_700, %swap3A_701], %add3A_699 {strides = array<i32>} : memref<16x1024xf32, #tpu.memory_space<vmem>>, vector<16xf32>,
      %get3A_703 = arith.index_cast %scan3A_124 : i32 to index
      %get3A_704 = arith.constant 768 : index
      %get3A_705 = tpu.vector_load %arg12[%get3A_703, %get3A_704] {strides = array<i32>} : memref<16x1024xf32, #tpu.memory_space<vmem>>, vector<16xf32>,
      %mul3A_706 = arith.mulf %get3A_705, %gather3A : vector<16xf32>
      %get3A_707 = arith.index_cast %scan3A_124 : i32 to index
      %get3A_708 = arith.constant 768 : index
      %get3A_709 = tpu.vector_load %arg13[%get3A_707, %get3A_708] {strides = array<i32>} : memref<16x1024xf32, #tpu.memory_space<vmem>>, vector<16xf32>,
      %mul3A_710 = arith.mulf %get3A_709, %gather3A_128 : vector<16xf32>
      %add3A_711 = arith.addf %mul3A_706, %mul3A_710 : vector<16xf32>
      %swap3A_712 = arith.index_cast %scan3A_124 : i32 to index
      %swap3A_713 = arith.constant 768 : index
      %swap3A_714 = tpu.vector_load %arg12[%swap3A_712, %swap3A_713] {strides = array<i32>} : memref<16x1024xf32, #tpu.memory_space<vmem>>, vector<16xf32>,
      tpu.vector_store %arg12[%swap3A_712, %swap3A_713], %add3A_711 {strides = array<i32>} : memref<16x1024xf32, #tpu.memory_space<vmem>>, vector<16xf32>,
      %get3A_715 = arith.index_cast %scan3A_124 : i32 to index
      %get3A_716 = arith.constant 784 : index
      %get3A_717 = tpu.vector_load %arg12[%get3A_715, %get3A_716] {strides = array<i32>} : memref<16x1024xf32, #tpu.memory_space<vmem>>, vector<16xf32>,
      %mul3A_718 = arith.mulf %get3A_717, %gather3A : vector<16xf32>
      %get3A_719 = arith.index_cast %scan3A_124 : i32 to index
      %get3A_720 = arith.constant 784 : index
      %get3A_721 = tpu.vector_load %arg13[%get3A_719, %get3A_720] {strides = array<i32>} : memref<16x1024xf32, #tpu.memory_space<vmem>>, vector<16xf32>,
      %mul3A_722 = arith.mulf %get3A_721, %gather3A_128 : vector<16xf32>
      %add3A_723 = arith.addf %mul3A_718, %mul3A_722 : vector<16xf32>
      %swap3A_724 = arith.index_cast %scan3A_124 : i32 to index
      %swap3A_725 = arith.constant 784 : index
      %swap3A_726 = tpu.vector_load %arg12[%swap3A_724, %swap3A_725] {strides = array<i32>} : memref<16x1024xf32, #tpu.memory_space<vmem>>, vector<16xf32>,
      tpu.vector_store %arg12[%swap3A_724, %swap3A_725], %add3A_723 {strides = array<i32>} : memref<16x1024xf32, #tpu.memory_space<vmem>>, vector<16xf32>,
      %get3A_727 = arith.index_cast %scan3A_124 : i32 to index
      %get3A_728 = arith.constant 800 : index
      %get3A_729 = tpu.vector_load %arg12[%get3A_727, %get3A_728] {strides = array<i32>} : memref<16x1024xf32, #tpu.memory_space<vmem>>, vector<16xf32>,
      %mul3A_730 = arith.mulf %get3A_729, %gather3A : vector<16xf32>
      %get3A_731 = arith.index_cast %scan3A_124 : i32 to index
      %get3A_732 = arith.constant 800 : index
      %get3A_733 = tpu.vector_load %arg13[%get3A_731, %get3A_732] {strides = array<i32>} : memref<16x1024xf32, #tpu.memory_space<vmem>>, vector<16xf32>,
      %mul3A_734 = arith.mulf %get3A_733, %gather3A_128 : vector<16xf32>
      %add3A_735 = arith.addf %mul3A_730, %mul3A_734 : vector<16xf32>
      %swap3A_736 = arith.index_cast %scan3A_124 : i32 to index
      %swap3A_737 = arith.constant 800 : index
      %swap3A_738 = tpu.vector_load %arg12[%swap3A_736, %swap3A_737] {strides = array<i32>} : memref<16x1024xf32, #tpu.memory_space<vmem>>, vector<16xf32>,
      tpu.vector_store %arg12[%swap3A_736, %swap3A_737], %add3A_735 {strides = array<i32>} : memref<16x1024xf32, #tpu.memory_space<vmem>>, vector<16xf32>,
      %get3A_739 = arith.index_cast %scan3A_124 : i32 to index
      %get3A_740 = arith.constant 816 : index
      %get3A_741 = tpu.vector_load %arg12[%get3A_739, %get3A_740] {strides = array<i32>} : memref<16x1024xf32, #tpu.memory_space<vmem>>, vector<16xf32>,
      %mul3A_742 = arith.mulf %get3A_741, %gather3A : vector<16xf32>
      %get3A_743 = arith.index_cast %scan3A_124 : i32 to index
      %get3A_744 = arith.constant 816 : index
      %get3A_745 = tpu.vector_load %arg13[%get3A_743, %get3A_744] {strides = array<i32>} : memref<16x1024xf32, #tpu.memory_space<vmem>>, vector<16xf32>,
      %mul3A_746 = arith.mulf %get3A_745, %gather3A_128 : vector<16xf32>
      %add3A_747 = arith.addf %mul3A_742, %mul3A_746 : vector<16xf32>
      %swap3A_748 = arith.index_cast %scan3A_124 : i32 to index
      %swap3A_749 = arith.constant 816 : index
      %swap3A_750 = tpu.vector_load %arg12[%swap3A_748, %swap3A_749] {strides = array<i32>} : memref<16x1024xf32, #tpu.memory_space<vmem>>, vector<16xf32>,
      tpu.vector_store %arg12[%swap3A_748, %swap3A_749], %add3A_747 {strides = array<i32>} : memref<16x1024xf32, #tpu.memory_space<vmem>>, vector<16xf32>,
      %get3A_751 = arith.index_cast %scan3A_124 : i32 to index
      %get3A_752 = arith.constant 832 : index
      %get3A_753 = tpu.vector_load %arg12[%get3A_751, %get3A_752] {strides = array<i32>} : memref<16x1024xf32, #tpu.memory_space<vmem>>, vector<16xf32>,
      %mul3A_754 = arith.mulf %get3A_753, %gather3A : vector<16xf32>
      %get3A_755 = arith.index_cast %scan3A_124 : i32 to index
      %get3A_756 = arith.constant 832 : index
      %get3A_757 = tpu.vector_load %arg13[%get3A_755, %get3A_756] {strides = array<i32>} : memref<16x1024xf32, #tpu.memory_space<vmem>>, vector<16xf32>,
      %mul3A_758 = arith.mulf %get3A_757, %gather3A_128 : vector<16xf32>
      %add3A_759 = arith.addf %mul3A_754, %mul3A_758 : vector<16xf32>
      %swap3A_760 = arith.index_cast %scan3A_124 : i32 to index
      %swap3A_761 = arith.constant 832 : index
      %swap3A_762 = tpu.vector_load %arg12[%swap3A_760, %swap3A_761] {strides = array<i32>} : memref<16x1024xf32, #tpu.memory_space<vmem>>, vector<16xf32>,
      tpu.vector_store %arg12[%swap3A_760, %swap3A_761], %add3A_759 {strides = array<i32>} : memref<16x1024xf32, #tpu.memory_space<vmem>>, vector<16xf32>,
      %get3A_763 = arith.index_cast %scan3A_124 : i32 to index
      %get3A_764 = arith.constant 848 : index
      %get3A_765 = tpu.vector_load %arg12[%get3A_763, %get3A_764] {strides = array<i32>} : memref<16x1024xf32, #tpu.memory_space<vmem>>, vector<16xf32>,
      %mul3A_766 = arith.mulf %get3A_765, %gather3A : vector<16xf32>
      %get3A_767 = arith.index_cast %scan3A_124 : i32 to index
      %get3A_768 = arith.constant 848 : index
      %get3A_769 = tpu.vector_load %arg13[%get3A_767, %get3A_768] {strides = array<i32>} : memref<16x1024xf32, #tpu.memory_space<vmem>>, vector<16xf32>,
      %mul3A_770 = arith.mulf %get3A_769, %gather3A_128 : vector<16xf32>
      %add3A_771 = arith.addf %mul3A_766, %mul3A_770 : vector<16xf32>
      %swap3A_772 = arith.index_cast %scan3A_124 : i32 to index
      %swap3A_773 = arith.constant 848 : index
      %swap3A_774 = tpu.vector_load %arg12[%swap3A_772, %swap3A_773] {strides = array<i32>} : memref<16x1024xf32, #tpu.memory_space<vmem>>, vector<16xf32>,
      tpu.vector_store %arg12[%swap3A_772, %swap3A_773], %add3A_771 {strides = array<i32>} : memref<16x1024xf32, #tpu.memory_space<vmem>>, vector<16xf32>,
      %get3A_775 = arith.index_cast %scan3A_124 : i32 to index
      %get3A_776 = arith.constant 864 : index
      %get3A_777 = tpu.vector_load %arg12[%get3A_775, %get3A_776] {strides = array<i32>} : memref<16x1024xf32, #tpu.memory_space<vmem>>, vector<16xf32>,
      %mul3A_778 = arith.mulf %get3A_777, %gather3A : vector<16xf32>
      %get3A_779 = arith.index_cast %scan3A_124 : i32 to index
      %get3A_780 = arith.constant 864 : index
      %get3A_781 = tpu.vector_load %arg13[%get3A_779, %get3A_780] {strides = array<i32>} : memref<16x1024xf32, #tpu.memory_space<vmem>>, vector<16xf32>,
      %mul3A_782 = arith.mulf %get3A_781, %gather3A_128 : vector<16xf32>
      %add3A_783 = arith.addf %mul3A_778, %mul3A_782 : vector<16xf32>
      %swap3A_784 = arith.index_cast %scan3A_124 : i32 to index
      %swap3A_785 = arith.constant 864 : index
      %swap3A_786 = tpu.vector_load %arg12[%swap3A_784, %swap3A_785] {strides = array<i32>} : memref<16x1024xf32, #tpu.memory_space<vmem>>, vector<16xf32>,
      tpu.vector_store %arg12[%swap3A_784, %swap3A_785], %add3A_783 {strides = array<i32>} : memref<16x1024xf32, #tpu.memory_space<vmem>>, vector<16xf32>,
      %get3A_787 = arith.index_cast %scan3A_124 : i32 to index
      %get3A_788 = arith.constant 880 : index
      %get3A_789 = tpu.vector_load %arg12[%get3A_787, %get3A_788] {strides = array<i32>} : memref<16x1024xf32, #tpu.memory_space<vmem>>, vector<16xf32>,
      %mul3A_790 = arith.mulf %get3A_789, %gather3A : vector<16xf32>
      %get3A_791 = arith.index_cast %scan3A_124 : i32 to index
      %get3A_792 = arith.constant 880 : index
      %get3A_793 = tpu.vector_load %arg13[%get3A_791, %get3A_792] {strides = array<i32>} : memref<16x1024xf32, #tpu.memory_space<vmem>>, vector<16xf32>,
      %mul3A_794 = arith.mulf %get3A_793, %gather3A_128 : vector<16xf32>
      %add3A_795 = arith.addf %mul3A_790, %mul3A_794 : vector<16xf32>
      %swap3A_796 = arith.index_cast %scan3A_124 : i32 to index
      %swap3A_797 = arith.constant 880 : index
      %swap3A_798 = tpu.vector_load %arg12[%swap3A_796, %swap3A_797] {strides = array<i32>} : memref<16x1024xf32, #tpu.memory_space<vmem>>, vector<16xf32>,
      tpu.vector_store %arg12[%swap3A_796, %swap3A_797], %add3A_795 {strides = array<i32>} : memref<16x1024xf32, #tpu.memory_space<vmem>>, vector<16xf32>,
      %get3A_799 = arith.index_cast %scan3A_124 : i32 to index
      %get3A_800 = arith.constant 896 : index
      %get3A_801 = tpu.vector_load %arg12[%get3A_799, %get3A_800] {strides = array<i32>} : memref<16x1024xf32, #tpu.memory_space<vmem>>, vector<16xf32>,
      %mul3A_802 = arith.mulf %get3A_801, %gather3A : vector<16xf32>
      %get3A_803 = arith.index_cast %scan3A_124 : i32 to index
      %get3A_804 = arith.constant 896 : index
      %get3A_805 = tpu.vector_load %arg13[%get3A_803, %get3A_804] {strides = array<i32>} : memref<16x1024xf32, #tpu.memory_space<vmem>>, vector<16xf32>,
      %mul3A_806 = arith.mulf %get3A_805, %gather3A_128 : vector<16xf32>
      %add3A_807 = arith.addf %mul3A_802, %mul3A_806 : vector<16xf32>
      %swap3A_808 = arith.index_cast %scan3A_124 : i32 to index
      %swap3A_809 = arith.constant 896 : index
      %swap3A_810 = tpu.vector_load %arg12[%swap3A_808, %swap3A_809] {strides = array<i32>} : memref<16x1024xf32, #tpu.memory_space<vmem>>, vector<16xf32>,
      tpu.vector_store %arg12[%swap3A_808, %swap3A_809], %add3A_807 {strides = array<i32>} : memref<16x1024xf32, #tpu.memory_space<vmem>>, vector<16xf32>,
      %get3A_811 = arith.index_cast %scan3A_124 : i32 to index
      %get3A_812 = arith.constant 912 : index
      %get3A_813 = tpu.vector_load %arg12[%get3A_811, %get3A_812] {strides = array<i32>} : memref<16x1024xf32, #tpu.memory_space<vmem>>, vector<16xf32>,
      %mul3A_814 = arith.mulf %get3A_813, %gather3A : vector<16xf32>
      %get3A_815 = arith.index_cast %scan3A_124 : i32 to index
      %get3A_816 = arith.constant 912 : index
      %get3A_817 = tpu.vector_load %arg13[%get3A_815, %get3A_816] {strides = array<i32>} : memref<16x1024xf32, #tpu.memory_space<vmem>>, vector<16xf32>,
      %mul3A_818 = arith.mulf %get3A_817, %gather3A_128 : vector<16xf32>
      %add3A_819 = arith.addf %mul3A_814, %mul3A_818 : vector<16xf32>
      %swap3A_820 = arith.index_cast %scan3A_124 : i32 to index
      %swap3A_821 = arith.constant 912 : index
      %swap3A_822 = tpu.vector_load %arg12[%swap3A_820, %swap3A_821] {strides = array<i32>} : memref<16x1024xf32, #tpu.memory_space<vmem>>, vector<16xf32>,
      tpu.vector_store %arg12[%swap3A_820, %swap3A_821], %add3A_819 {strides = array<i32>} : memref<16x1024xf32, #tpu.memory_space<vmem>>, vector<16xf32>,
      %get3A_823 = arith.index_cast %scan3A_124 : i32 to index
      %get3A_824 = arith.constant 928 : index
      %get3A_825 = tpu.vector_load %arg12[%get3A_823, %get3A_824] {strides = array<i32>} : memref<16x1024xf32, #tpu.memory_space<vmem>>, vector<16xf32>,
      %mul3A_826 = arith.mulf %get3A_825, %gather3A : vector<16xf32>
      %get3A_827 = arith.index_cast %scan3A_124 : i32 to index
      %get3A_828 = arith.constant 928 : index
      %get3A_829 = tpu.vector_load %arg13[%get3A_827, %get3A_828] {strides = array<i32>} : memref<16x1024xf32, #tpu.memory_space<vmem>>, vector<16xf32>,
      %mul3A_830 = arith.mulf %get3A_829, %gather3A_128 : vector<16xf32>
      %add3A_831 = arith.addf %mul3A_826, %mul3A_830 : vector<16xf32>
      %swap3A_832 = arith.index_cast %scan3A_124 : i32 to index
      %swap3A_833 = arith.constant 928 : index
      %swap3A_834 = tpu.vector_load %arg12[%swap3A_832, %swap3A_833] {strides = array<i32>} : memref<16x1024xf32, #tpu.memory_space<vmem>>, vector<16xf32>,
      tpu.vector_store %arg12[%swap3A_832, %swap3A_833], %add3A_831 {strides = array<i32>} : memref<16x1024xf32, #tpu.memory_space<vmem>>, vector<16xf32>,
      %get3A_835 = arith.index_cast %scan3A_124 : i32 to index
      %get3A_836 = arith.constant 944 : index
      %get3A_837 = tpu.vector_load %arg12[%get3A_835, %get3A_836] {strides = array<i32>} : memref<16x1024xf32, #tpu.memory_space<vmem>>, vector<16xf32>,
      %mul3A_838 = arith.mulf %get3A_837, %gather3A : vector<16xf32>
      %get3A_839 = arith.index_cast %scan3A_124 : i32 to index
      %get3A_840 = arith.constant 944 : index
      %get3A_841 = tpu.vector_load %arg13[%get3A_839, %get3A_840] {strides = array<i32>} : memref<16x1024xf32, #tpu.memory_space<vmem>>, vector<16xf32>,
      %mul3A_842 = arith.mulf %get3A_841, %gather3A_128 : vector<16xf32>
      %add3A_843 = arith.addf %mul3A_838, %mul3A_842 : vector<16xf32>
      %swap3A_844 = arith.index_cast %scan3A_124 : i32 to index
      %swap3A_845 = arith.constant 944 : index
      %swap3A_846 = tpu.vector_load %arg12[%swap3A_844, %swap3A_845] {strides = array<i32>} : memref<16x1024xf32, #tpu.memory_space<vmem>>, vector<16xf32>,
      tpu.vector_store %arg12[%swap3A_844, %swap3A_845], %add3A_843 {strides = array<i32>} : memref<16x1024xf32, #tpu.memory_space<vmem>>, vector<16xf32>,
      %get3A_847 = arith.index_cast %scan3A_124 : i32 to index
      %get3A_848 = arith.constant 960 : index
      %get3A_849 = tpu.vector_load %arg12[%get3A_847, %get3A_848] {strides = array<i32>} : memref<16x1024xf32, #tpu.memory_space<vmem>>, vector<16xf32>,
      %mul3A_850 = arith.mulf %get3A_849, %gather3A : vector<16xf32>
      %get3A_851 = arith.index_cast %scan3A_124 : i32 to index
      %get3A_852 = arith.constant 960 : index
      %get3A_853 = tpu.vector_load %arg13[%get3A_851, %get3A_852] {strides = array<i32>} : memref<16x1024xf32, #tpu.memory_space<vmem>>, vector<16xf32>,
      %mul3A_854 = arith.mulf %get3A_853, %gather3A_128 : vector<16xf32>
      %add3A_855 = arith.addf %mul3A_850, %mul3A_854 : vector<16xf32>
      %swap3A_856 = arith.index_cast %scan3A_124 : i32 to index
      %swap3A_857 = arith.constant 960 : index
      %swap3A_858 = tpu.vector_load %arg12[%swap3A_856, %swap3A_857] {strides = array<i32>} : memref<16x1024xf32, #tpu.memory_space<vmem>>, vector<16xf32>,
      tpu.vector_store %arg12[%swap3A_856, %swap3A_857], %add3A_855 {strides = array<i32>} : memref<16x1024xf32, #tpu.memory_space<vmem>>, vector<16xf32>,
      %get3A_859 = arith.index_cast %scan3A_124 : i32 to index
      %get3A_860 = arith.constant 976 : index
      %get3A_861 = tpu.vector_load %arg12[%get3A_859, %get3A_860] {strides = array<i32>} : memref<16x1024xf32, #tpu.memory_space<vmem>>, vector<16xf32>,
      %mul3A_862 = arith.mulf %get3A_861, %gather3A : vector<16xf32>
      %get3A_863 = arith.index_cast %scan3A_124 : i32 to index
      %get3A_864 = arith.constant 976 : index
      %get3A_865 = tpu.vector_load %arg13[%get3A_863, %get3A_864] {strides = array<i32>} : memref<16x1024xf32, #tpu.memory_space<vmem>>, vector<16xf32>,
      %mul3A_866 = arith.mulf %get3A_865, %gather3A_128 : vector<16xf32>
      %add3A_867 = arith.addf %mul3A_862, %mul3A_866 : vector<16xf32>
      %swap3A_868 = arith.index_cast %scan3A_124 : i32 to index
      %swap3A_869 = arith.constant 976 : index
      %swap3A_870 = tpu.vector_load %arg12[%swap3A_868, %swap3A_869] {strides = array<i32>} : memref<16x1024xf32, #tpu.memory_space<vmem>>, vector<16xf32>,
      tpu.vector_store %arg12[%swap3A_868, %swap3A_869], %add3A_867 {strides = array<i32>} : memref<16x1024xf32, #tpu.memory_space<vmem>>, vector<16xf32>,
      %get3A_871 = arith.index_cast %scan3A_124 : i32 to index
      %get3A_872 = arith.constant 992 : index
      %get3A_873 = tpu.vector_load %arg12[%get3A_871, %get3A_872] {strides = array<i32>} : memref<16x1024xf32, #tpu.memory_space<vmem>>, vector<16xf32>,
      %mul3A_874 = arith.mulf %get3A_873, %gather3A : vector<16xf32>
      %get3A_875 = arith.index_cast %scan3A_124 : i32 to index
      %get3A_876 = arith.constant 992 : index
      %get3A_877 = tpu.vector_load %arg13[%get3A_875, %get3A_876] {strides = array<i32>} : memref<16x1024xf32, #tpu.memory_space<vmem>>, vector<16xf32>,
      %mul3A_878 = arith.mulf %get3A_877, %gather3A_128 : vector<16xf32>
      %add3A_879 = arith.addf %mul3A_874, %mul3A_878 : vector<16xf32>
      %swap3A_880 = arith.index_cast %scan3A_124 : i32 to index
      %swap3A_881 = arith.constant 992 : index
      %swap3A_882 = tpu.vector_load %arg12[%swap3A_880, %swap3A_881] {strides = array<i32>} : memref<16x1024xf32, #tpu.memory_space<vmem>>, vector<16xf32>,
      tpu.vector_store %arg12[%swap3A_880, %swap3A_881], %add3A_879 {strides = array<i32>} : memref<16x1024xf32, #tpu.memory_space<vmem>>, vector<16xf32>,
      %get3A_883 = arith.index_cast %scan3A_124 : i32 to index
      %get3A_884 = arith.constant 1008 : index
      %get3A_885 = tpu.vector_load %arg12[%get3A_883, %get3A_884] {strides = array<i32>} : memref<16x1024xf32, #tpu.memory_space<vmem>>, vector<16xf32>,
      %mul3A_886 = arith.mulf %get3A_885, %gather3A : vector<16xf32>
      %get3A_887 = arith.index_cast %scan3A_124 : i32 to index
      %get3A_888 = arith.constant 1008 : index
      %get3A_889 = tpu.vector_load %arg13[%get3A_887, %get3A_888] {strides = array<i32>} : memref<16x1024xf32, #tpu.memory_space<vmem>>, vector<16xf32>,
      %mul3A_890 = arith.mulf %get3A_889, %gather3A_128 : vector<16xf32>
      %add3A_891 = arith.addf %mul3A_886, %mul3A_890 : vector<16xf32>
      %swap3A_892 = arith.index_cast %scan3A_124 : i32 to index
      %swap3A_893 = arith.constant 1008 : index
      %swap3A_894 = tpu.vector_load %arg12[%swap3A_892, %swap3A_893] {strides = array<i32>} : memref<16x1024xf32, #tpu.memory_space<vmem>>, vector<16xf32>,
      tpu.vector_store %arg12[%swap3A_892, %swap3A_893], %add3A_891 {strides = array<i32>} : memref<16x1024xf32, #tpu.memory_space<vmem>>, vector<16xf32>,
      %scan3A_895 = arith.constant 0 : i32
      scf.yield %scan3A_895 : i32
    }
    %scan3A_59 = arith.constant 16 : i32
    %add3A_60 = arith.constant 16 : i32
    %add3A_61 = arith.addi %mul3A_2, %add3A_60 : i32
    %dma_start3A_62 = arith.constant 0 : i32
    %dma_start3A_63 = tpu.memref_slice %arg7[%add3A_61, %dma_start3A_62] : memref<2048x1024xf32, #tpu.memory_space<hbm>> -> memref<16x1024xf32, #tpu.memory_space<hbm>>
    %dma_start3A_64 = arith.constant 0 : i32
    %dma_start3A_65 = tpu.memref_slice %arg7[%add3A_61, %dma_start3A_64] : memref<2048x1024xf32, #tpu.memory_space<hbm>> -> memref<16x1024xf32, #tpu.memory_space<hbm>>
    tpu.enqueue_dma source(%arg12 : memref<16x1024xf32, #tpu.memory_space<vmem>>) target(%dma_start3A_65 : memref<16x1024xf32, #tpu.memory_space<hbm>>) target_semaphore(%arg23 : memref<!tpu.dma_semaphore, #tpu.memory_space<semaphore_mem>>)
    %add3A_66 = arith.constant 48 : i32
    %add3A_67 = arith.addi %mul3A_2, %add3A_66 : i32
    "tpu.region"() ({
      %run_scoped3A = tpu.sem_alloc : memref<!tpu.dma_semaphore, #tpu.memory_space<semaphore_mem>>
      %dma_start3A_124 = tpu.memref_slice %arg3[%add3A_67] : memref<2048xi32, #tpu.memory_space<hbm>> -> memref<16xi32, #tpu.memory_space<hbm>>
      %dma_start3A_125 = tpu.memref_slice %arg3[%add3A_67] : memref<2048xi32, #tpu.memory_space<hbm>> -> memref<16xi32, #tpu.memory_space<hbm>>
      tpu.enqueue_dma source(%dma_start3A_125 : memref<16xi32, #tpu.memory_space<hbm>>) target(%arg14 : memref<16xi32, #tpu.memory_space<vmem>>) target_semaphore(%run_scoped3A : memref<!tpu.dma_semaphore, #tpu.memory_space<semaphore_mem>>)
      %dma_wait3A_126 = tpu.memref_slice %arg3[%add3A_67] : memref<2048xi32, #tpu.memory_space<hbm>> -> memref<16xi32, #tpu.memory_space<hbm>>
      %dma_wait3A_127 = tpu.memref_slice %arg3[%add3A_67] : memref<2048xi32, #tpu.memory_space<hbm>> -> memref<16xi32, #tpu.memory_space<hbm>>
      tpu.wait_dma2 semaphore(%run_scoped3A : memref<!tpu.dma_semaphore, #tpu.memory_space<semaphore_mem>>) src(%dma_wait3A_127 : memref<16xi32, #tpu.memory_space<hbm>>) dst(%arg14 : memref<16xi32, #tpu.memory_space<vmem>>)
      tpu.yield
    }) : () -> ()
    "tpu.region"() ({
      %run_scoped3A = tpu.sem_alloc : memref<!tpu.dma_semaphore, #tpu.memory_space<semaphore_mem>>
      %dma_start3A_124 = tpu.memref_slice %arg4[%add3A_67] : memref<2048xi32, #tpu.memory_space<hbm>> -> memref<16xi32, #tpu.memory_space<hbm>>
      %dma_start3A_125 = tpu.memref_slice %arg4[%add3A_67] : memref<2048xi32, #tpu.memory_space<hbm>> -> memref<16xi32, #tpu.memory_space<hbm>>
      tpu.enqueue_dma source(%dma_start3A_125 : memref<16xi32, #tpu.memory_space<hbm>>) target(%arg15 : memref<16xi32, #tpu.memory_space<vmem>>) target_semaphore(%run_scoped3A : memref<!tpu.dma_semaphore, #tpu.memory_space<semaphore_mem>>)
      %dma_wait3A_126 = tpu.memref_slice %arg4[%add3A_67] : memref<2048xi32, #tpu.memory_space<hbm>> -> memref<16xi32, #tpu.memory_space<hbm>>
      %dma_wait3A_127 = tpu.memref_slice %arg4[%add3A_67] : memref<2048xi32, #tpu.memory_space<hbm>> -> memref<16xi32, #tpu.memory_space<hbm>>
      tpu.wait_dma2 semaphore(%run_scoped3A : memref<!tpu.dma_semaphore, #tpu.memory_space<semaphore_mem>>) src(%dma_wait3A_127 : memref<16xi32, #tpu.memory_space<hbm>>) dst(%arg15 : memref<16xi32, #tpu.memory_space<vmem>>)
      tpu.yield
    }) : () -> ()
    %dma_wait3A_68 = arith.constant 0 : i32
    %dma_wait3A_69 = tpu.memref_slice %arg7[%add3A_61, %dma_wait3A_68] : memref<2048x1024xf32, #tpu.memory_space<hbm>> -> memref<16x1024xf32, #tpu.memory_space<hbm>>
    %dma_wait3A_70 = arith.constant 0 : i32
    %dma_wait3A_71 = tpu.memref_slice %arg7[%add3A_61, %dma_wait3A_70] : memref<2048x1024xf32, #tpu.memory_space<hbm>> -> memref<16x1024xf32, #tpu.memory_space<hbm>>
    tpu.wait_dma2 semaphore(%arg23 : memref<!tpu.dma_semaphore, #tpu.memory_space<semaphore_mem>>) src(%arg12 : memref<16x1024xf32, #tpu.memory_space<vmem>>) dst(%dma_wait3A_71 : memref<16x1024xf32, #tpu.memory_space<hbm>>)
    %dma_start3A_72 = arith.constant 0 : i32
    %dma_start3A_73 = arith.constant 0 : i32
    %dma_start3A_74 = tpu.memref_slice %arg2[%dma_start3A_72, %dma_start3A_73] : memref<12288x1024xf32, #tpu.memory_space<hbm>> -> memref<12288x1024xf32, #tpu.memory_space<hbm>>
    tpu.enqueue_indirect_dma source(%dma_start3A_74 : memref<12288x1024xf32, #tpu.memory_space<hbm>>) target(%arg12 : memref<16x1024xf32, #tpu.memory_space<vmem>>) offsets(%arg14 : memref<16xi32, #tpu.memory_space<vmem>>) semaphore(%arg21 : memref<!tpu.dma_semaphore, #tpu.memory_space<semaphore_mem>>)
    %dma_start3A_75 = arith.constant 0 : i32
    %dma_start3A_76 = arith.constant 0 : i32
    %dma_start3A_77 = tpu.memref_slice %arg2[%dma_start3A_75, %dma_start3A_76] : memref<12288x1024xf32, #tpu.memory_space<hbm>> -> memref<12288x1024xf32, #tpu.memory_space<hbm>>
    tpu.enqueue_indirect_dma source(%dma_start3A_77 : memref<12288x1024xf32, #tpu.memory_space<hbm>>) target(%arg13 : memref<16x1024xf32, #tpu.memory_space<vmem>>) offsets(%arg15 : memref<16xi32, #tpu.memory_space<vmem>>) semaphore(%arg22 : memref<!tpu.dma_semaphore, #tpu.memory_space<semaphore_mem>>)
    %dma_wait3A_78 = arith.constant 0 : i32
    %dma_wait3A_79 = arith.constant 0 : i32
    %dma_wait3A_80 = tpu.memref_slice %arg2[%dma_wait3A_78, %dma_wait3A_79] : memref<12288x1024xf32, #tpu.memory_space<hbm>> -> memref<12288x1024xf32, #tpu.memory_space<hbm>>
    tpu.wait_indirect_dma semaphore(%arg18 : memref<!tpu.dma_semaphore, #tpu.memory_space<semaphore_mem>>) src(%dma_wait3A_80 : memref<12288x1024xf32, #tpu.memory_space<hbm>>) dst(%arg8 : memref<16x1024xf32, #tpu.memory_space<vmem>>)
    %dma_wait3A_81 = arith.constant 0 : i32
    %dma_wait3A_82 = arith.constant 0 : i32
    %dma_wait3A_83 = tpu.memref_slice %arg2[%dma_wait3A_81, %dma_wait3A_82] : memref<12288x1024xf32, #tpu.memory_space<hbm>> -> memref<12288x1024xf32, #tpu.memory_space<hbm>>
    tpu.wait_indirect_dma semaphore(%arg19 : memref<!tpu.dma_semaphore, #tpu.memory_space<semaphore_mem>>) src(%dma_wait3A_83 : memref<12288x1024xf32, #tpu.memory_space<hbm>>) dst(%arg9 : memref<16x1024xf32, #tpu.memory_space<vmem>>)
    %scan3A_84 = arith.constant 0 : i32
    %scan3A_85 = arith.constant 0 : i32
    %scan3A_86 = arith.constant 16 : i32
    %scan3A_87 = arith.addi %scan3A_85, %scan3A_86 : i32
    %scan3A_88 = arith.constant 1 : i32
    %scan3A_89 = scf.for %scan3A_124 = %scan3A_85 to %scan3A_87 step %scan3A_88 iter_args(%scan3A_125 = %scan3A_84) -> (i32)  : i32 {
      %add3A_126 = arith.constant 32 : i32
      %add3A_127 = arith.addi %add3A_126, %scan3A_124 : i32
      %broadcast_in_dim3A = vector.broadcast %add3A_127 : i32 to vector<16xi32>
      %gather3A = tpu.vector_load_idx %arg16[%broadcast_in_dim3A] : memref<64xf32, #tpu.memory_space<vmem>>[vector<16xi32>], vector<16xf32>,
      %gather3A_128 = tpu.vector_load_idx %arg17[%broadcast_in_dim3A] : memref<64xf32, #tpu.memory_space<vmem>>[vector<16xi32>], vector<16xf32>,
      %get3A = arith.index_cast %scan3A_124 : i32 to index
      %get3A_129 = arith.constant 0 : index
      %get3A_130 = tpu.vector_load %arg8[%get3A, %get3A_129] {strides = array<i32>} : memref<16x1024xf32, #tpu.memory_space<vmem>>, vector<16xf32>,
      %mul3A_131 = arith.mulf %get3A_130, %gather3A : vector<16xf32>
      %get3A_132 = arith.index_cast %scan3A_124 : i32 to index
      %get3A_133 = arith.constant 0 : index
      %get3A_134 = tpu.vector_load %arg9[%get3A_132, %get3A_133] {strides = array<i32>} : memref<16x1024xf32, #tpu.memory_space<vmem>>, vector<16xf32>,
      %mul3A_135 = arith.mulf %get3A_134, %gather3A_128 : vector<16xf32>
      %add3A_136 = arith.addf %mul3A_131, %mul3A_135 : vector<16xf32>
      %swap3A = arith.index_cast %scan3A_124 : i32 to index
      %swap3A_137 = arith.constant 0 : index
      %swap3A_138 = tpu.vector_load %arg8[%swap3A, %swap3A_137] {strides = array<i32>} : memref<16x1024xf32, #tpu.memory_space<vmem>>, vector<16xf32>,
      tpu.vector_store %arg8[%swap3A, %swap3A_137], %add3A_136 {strides = array<i32>} : memref<16x1024xf32, #tpu.memory_space<vmem>>, vector<16xf32>,
      %get3A_139 = arith.index_cast %scan3A_124 : i32 to index
      %get3A_140 = arith.constant 16 : index
      %get3A_141 = tpu.vector_load %arg8[%get3A_139, %get3A_140] {strides = array<i32>} : memref<16x1024xf32, #tpu.memory_space<vmem>>, vector<16xf32>,
      %mul3A_142 = arith.mulf %get3A_141, %gather3A : vector<16xf32>
      %get3A_143 = arith.index_cast %scan3A_124 : i32 to index
      %get3A_144 = arith.constant 16 : index
      %get3A_145 = tpu.vector_load %arg9[%get3A_143, %get3A_144] {strides = array<i32>} : memref<16x1024xf32, #tpu.memory_space<vmem>>, vector<16xf32>,
      %mul3A_146 = arith.mulf %get3A_145, %gather3A_128 : vector<16xf32>
      %add3A_147 = arith.addf %mul3A_142, %mul3A_146 : vector<16xf32>
      %swap3A_148 = arith.index_cast %scan3A_124 : i32 to index
      %swap3A_149 = arith.constant 16 : index
      %swap3A_150 = tpu.vector_load %arg8[%swap3A_148, %swap3A_149] {strides = array<i32>} : memref<16x1024xf32, #tpu.memory_space<vmem>>, vector<16xf32>,
      tpu.vector_store %arg8[%swap3A_148, %swap3A_149], %add3A_147 {strides = array<i32>} : memref<16x1024xf32, #tpu.memory_space<vmem>>, vector<16xf32>,
      %get3A_151 = arith.index_cast %scan3A_124 : i32 to index
      %get3A_152 = arith.constant 32 : index
      %get3A_153 = tpu.vector_load %arg8[%get3A_151, %get3A_152] {strides = array<i32>} : memref<16x1024xf32, #tpu.memory_space<vmem>>, vector<16xf32>,
      %mul3A_154 = arith.mulf %get3A_153, %gather3A : vector<16xf32>
      %get3A_155 = arith.index_cast %scan3A_124 : i32 to index
      %get3A_156 = arith.constant 32 : index
      %get3A_157 = tpu.vector_load %arg9[%get3A_155, %get3A_156] {strides = array<i32>} : memref<16x1024xf32, #tpu.memory_space<vmem>>, vector<16xf32>,
      %mul3A_158 = arith.mulf %get3A_157, %gather3A_128 : vector<16xf32>
      %add3A_159 = arith.addf %mul3A_154, %mul3A_158 : vector<16xf32>
      %swap3A_160 = arith.index_cast %scan3A_124 : i32 to index
      %swap3A_161 = arith.constant 32 : index
      %swap3A_162 = tpu.vector_load %arg8[%swap3A_160, %swap3A_161] {strides = array<i32>} : memref<16x1024xf32, #tpu.memory_space<vmem>>, vector<16xf32>,
      tpu.vector_store %arg8[%swap3A_160, %swap3A_161], %add3A_159 {strides = array<i32>} : memref<16x1024xf32, #tpu.memory_space<vmem>>, vector<16xf32>,
      %get3A_163 = arith.index_cast %scan3A_124 : i32 to index
      %get3A_164 = arith.constant 48 : index
      %get3A_165 = tpu.vector_load %arg8[%get3A_163, %get3A_164] {strides = array<i32>} : memref<16x1024xf32, #tpu.memory_space<vmem>>, vector<16xf32>,
      %mul3A_166 = arith.mulf %get3A_165, %gather3A : vector<16xf32>
      %get3A_167 = arith.index_cast %scan3A_124 : i32 to index
      %get3A_168 = arith.constant 48 : index
      %get3A_169 = tpu.vector_load %arg9[%get3A_167, %get3A_168] {strides = array<i32>} : memref<16x1024xf32, #tpu.memory_space<vmem>>, vector<16xf32>,
      %mul3A_170 = arith.mulf %get3A_169, %gather3A_128 : vector<16xf32>
      %add3A_171 = arith.addf %mul3A_166, %mul3A_170 : vector<16xf32>
      %swap3A_172 = arith.index_cast %scan3A_124 : i32 to index
      %swap3A_173 = arith.constant 48 : index
      %swap3A_174 = tpu.vector_load %arg8[%swap3A_172, %swap3A_173] {strides = array<i32>} : memref<16x1024xf32, #tpu.memory_space<vmem>>, vector<16xf32>,
      tpu.vector_store %arg8[%swap3A_172, %swap3A_173], %add3A_171 {strides = array<i32>} : memref<16x1024xf32, #tpu.memory_space<vmem>>, vector<16xf32>,
      %get3A_175 = arith.index_cast %scan3A_124 : i32 to index
      %get3A_176 = arith.constant 64 : index
      %get3A_177 = tpu.vector_load %arg8[%get3A_175, %get3A_176] {strides = array<i32>} : memref<16x1024xf32, #tpu.memory_space<vmem>>, vector<16xf32>,
      %mul3A_178 = arith.mulf %get3A_177, %gather3A : vector<16xf32>
      %get3A_179 = arith.index_cast %scan3A_124 : i32 to index
      %get3A_180 = arith.constant 64 : index
      %get3A_181 = tpu.vector_load %arg9[%get3A_179, %get3A_180] {strides = array<i32>} : memref<16x1024xf32, #tpu.memory_space<vmem>>, vector<16xf32>,
      %mul3A_182 = arith.mulf %get3A_181, %gather3A_128 : vector<16xf32>
      %add3A_183 = arith.addf %mul3A_178, %mul3A_182 : vector<16xf32>
      %swap3A_184 = arith.index_cast %scan3A_124 : i32 to index
      %swap3A_185 = arith.constant 64 : index
      %swap3A_186 = tpu.vector_load %arg8[%swap3A_184, %swap3A_185] {strides = array<i32>} : memref<16x1024xf32, #tpu.memory_space<vmem>>, vector<16xf32>,
      tpu.vector_store %arg8[%swap3A_184, %swap3A_185], %add3A_183 {strides = array<i32>} : memref<16x1024xf32, #tpu.memory_space<vmem>>, vector<16xf32>,
      %get3A_187 = arith.index_cast %scan3A_124 : i32 to index
      %get3A_188 = arith.constant 80 : index
      %get3A_189 = tpu.vector_load %arg8[%get3A_187, %get3A_188] {strides = array<i32>} : memref<16x1024xf32, #tpu.memory_space<vmem>>, vector<16xf32>,
      %mul3A_190 = arith.mulf %get3A_189, %gather3A : vector<16xf32>
      %get3A_191 = arith.index_cast %scan3A_124 : i32 to index
      %get3A_192 = arith.constant 80 : index
      %get3A_193 = tpu.vector_load %arg9[%get3A_191, %get3A_192] {strides = array<i32>} : memref<16x1024xf32, #tpu.memory_space<vmem>>, vector<16xf32>,
      %mul3A_194 = arith.mulf %get3A_193, %gather3A_128 : vector<16xf32>
      %add3A_195 = arith.addf %mul3A_190, %mul3A_194 : vector<16xf32>
      %swap3A_196 = arith.index_cast %scan3A_124 : i32 to index
      %swap3A_197 = arith.constant 80 : index
      %swap3A_198 = tpu.vector_load %arg8[%swap3A_196, %swap3A_197] {strides = array<i32>} : memref<16x1024xf32, #tpu.memory_space<vmem>>, vector<16xf32>,
      tpu.vector_store %arg8[%swap3A_196, %swap3A_197], %add3A_195 {strides = array<i32>} : memref<16x1024xf32, #tpu.memory_space<vmem>>, vector<16xf32>,
      %get3A_199 = arith.index_cast %scan3A_124 : i32 to index
      %get3A_200 = arith.constant 96 : index
      %get3A_201 = tpu.vector_load %arg8[%get3A_199, %get3A_200] {strides = array<i32>} : memref<16x1024xf32, #tpu.memory_space<vmem>>, vector<16xf32>,
      %mul3A_202 = arith.mulf %get3A_201, %gather3A : vector<16xf32>
      %get3A_203 = arith.index_cast %scan3A_124 : i32 to index
      %get3A_204 = arith.constant 96 : index
      %get3A_205 = tpu.vector_load %arg9[%get3A_203, %get3A_204] {strides = array<i32>} : memref<16x1024xf32, #tpu.memory_space<vmem>>, vector<16xf32>,
      %mul3A_206 = arith.mulf %get3A_205, %gather3A_128 : vector<16xf32>
      %add3A_207 = arith.addf %mul3A_202, %mul3A_206 : vector<16xf32>
      %swap3A_208 = arith.index_cast %scan3A_124 : i32 to index
      %swap3A_209 = arith.constant 96 : index
      %swap3A_210 = tpu.vector_load %arg8[%swap3A_208, %swap3A_209] {strides = array<i32>} : memref<16x1024xf32, #tpu.memory_space<vmem>>, vector<16xf32>,
      tpu.vector_store %arg8[%swap3A_208, %swap3A_209], %add3A_207 {strides = array<i32>} : memref<16x1024xf32, #tpu.memory_space<vmem>>, vector<16xf32>,
      %get3A_211 = arith.index_cast %scan3A_124 : i32 to index
      %get3A_212 = arith.constant 112 : index
      %get3A_213 = tpu.vector_load %arg8[%get3A_211, %get3A_212] {strides = array<i32>} : memref<16x1024xf32, #tpu.memory_space<vmem>>, vector<16xf32>,
      %mul3A_214 = arith.mulf %get3A_213, %gather3A : vector<16xf32>
      %get3A_215 = arith.index_cast %scan3A_124 : i32 to index
      %get3A_216 = arith.constant 112 : index
      %get3A_217 = tpu.vector_load %arg9[%get3A_215, %get3A_216] {strides = array<i32>} : memref<16x1024xf32, #tpu.memory_space<vmem>>, vector<16xf32>,
      %mul3A_218 = arith.mulf %get3A_217, %gather3A_128 : vector<16xf32>
      %add3A_219 = arith.addf %mul3A_214, %mul3A_218 : vector<16xf32>
      %swap3A_220 = arith.index_cast %scan3A_124 : i32 to index
      %swap3A_221 = arith.constant 112 : index
      %swap3A_222 = tpu.vector_load %arg8[%swap3A_220, %swap3A_221] {strides = array<i32>} : memref<16x1024xf32, #tpu.memory_space<vmem>>, vector<16xf32>,
      tpu.vector_store %arg8[%swap3A_220, %swap3A_221], %add3A_219 {strides = array<i32>} : memref<16x1024xf32, #tpu.memory_space<vmem>>, vector<16xf32>,
      %get3A_223 = arith.index_cast %scan3A_124 : i32 to index
      %get3A_224 = arith.constant 128 : index
      %get3A_225 = tpu.vector_load %arg8[%get3A_223, %get3A_224] {strides = array<i32>} : memref<16x1024xf32, #tpu.memory_space<vmem>>, vector<16xf32>,
      %mul3A_226 = arith.mulf %get3A_225, %gather3A : vector<16xf32>
      %get3A_227 = arith.index_cast %scan3A_124 : i32 to index
      %get3A_228 = arith.constant 128 : index
      %get3A_229 = tpu.vector_load %arg9[%get3A_227, %get3A_228] {strides = array<i32>} : memref<16x1024xf32, #tpu.memory_space<vmem>>, vector<16xf32>,
      %mul3A_230 = arith.mulf %get3A_229, %gather3A_128 : vector<16xf32>
      %add3A_231 = arith.addf %mul3A_226, %mul3A_230 : vector<16xf32>
      %swap3A_232 = arith.index_cast %scan3A_124 : i32 to index
      %swap3A_233 = arith.constant 128 : index
      %swap3A_234 = tpu.vector_load %arg8[%swap3A_232, %swap3A_233] {strides = array<i32>} : memref<16x1024xf32, #tpu.memory_space<vmem>>, vector<16xf32>,
      tpu.vector_store %arg8[%swap3A_232, %swap3A_233], %add3A_231 {strides = array<i32>} : memref<16x1024xf32, #tpu.memory_space<vmem>>, vector<16xf32>,
      %get3A_235 = arith.index_cast %scan3A_124 : i32 to index
      %get3A_236 = arith.constant 144 : index
      %get3A_237 = tpu.vector_load %arg8[%get3A_235, %get3A_236] {strides = array<i32>} : memref<16x1024xf32, #tpu.memory_space<vmem>>, vector<16xf32>,
      %mul3A_238 = arith.mulf %get3A_237, %gather3A : vector<16xf32>
      %get3A_239 = arith.index_cast %scan3A_124 : i32 to index
      %get3A_240 = arith.constant 144 : index
      %get3A_241 = tpu.vector_load %arg9[%get3A_239, %get3A_240] {strides = array<i32>} : memref<16x1024xf32, #tpu.memory_space<vmem>>, vector<16xf32>,
      %mul3A_242 = arith.mulf %get3A_241, %gather3A_128 : vector<16xf32>
      %add3A_243 = arith.addf %mul3A_238, %mul3A_242 : vector<16xf32>
      %swap3A_244 = arith.index_cast %scan3A_124 : i32 to index
      %swap3A_245 = arith.constant 144 : index
      %swap3A_246 = tpu.vector_load %arg8[%swap3A_244, %swap3A_245] {strides = array<i32>} : memref<16x1024xf32, #tpu.memory_space<vmem>>, vector<16xf32>,
      tpu.vector_store %arg8[%swap3A_244, %swap3A_245], %add3A_243 {strides = array<i32>} : memref<16x1024xf32, #tpu.memory_space<vmem>>, vector<16xf32>,
      %get3A_247 = arith.index_cast %scan3A_124 : i32 to index
      %get3A_248 = arith.constant 160 : index
      %get3A_249 = tpu.vector_load %arg8[%get3A_247, %get3A_248] {strides = array<i32>} : memref<16x1024xf32, #tpu.memory_space<vmem>>, vector<16xf32>,
      %mul3A_250 = arith.mulf %get3A_249, %gather3A : vector<16xf32>
      %get3A_251 = arith.index_cast %scan3A_124 : i32 to index
      %get3A_252 = arith.constant 160 : index
      %get3A_253 = tpu.vector_load %arg9[%get3A_251, %get3A_252] {strides = array<i32>} : memref<16x1024xf32, #tpu.memory_space<vmem>>, vector<16xf32>,
      %mul3A_254 = arith.mulf %get3A_253, %gather3A_128 : vector<16xf32>
      %add3A_255 = arith.addf %mul3A_250, %mul3A_254 : vector<16xf32>
      %swap3A_256 = arith.index_cast %scan3A_124 : i32 to index
      %swap3A_257 = arith.constant 160 : index
      %swap3A_258 = tpu.vector_load %arg8[%swap3A_256, %swap3A_257] {strides = array<i32>} : memref<16x1024xf32, #tpu.memory_space<vmem>>, vector<16xf32>,
      tpu.vector_store %arg8[%swap3A_256, %swap3A_257], %add3A_255 {strides = array<i32>} : memref<16x1024xf32, #tpu.memory_space<vmem>>, vector<16xf32>,
      %get3A_259 = arith.index_cast %scan3A_124 : i32 to index
      %get3A_260 = arith.constant 176 : index
      %get3A_261 = tpu.vector_load %arg8[%get3A_259, %get3A_260] {strides = array<i32>} : memref<16x1024xf32, #tpu.memory_space<vmem>>, vector<16xf32>,
      %mul3A_262 = arith.mulf %get3A_261, %gather3A : vector<16xf32>
      %get3A_263 = arith.index_cast %scan3A_124 : i32 to index
      %get3A_264 = arith.constant 176 : index
      %get3A_265 = tpu.vector_load %arg9[%get3A_263, %get3A_264] {strides = array<i32>} : memref<16x1024xf32, #tpu.memory_space<vmem>>, vector<16xf32>,
      %mul3A_266 = arith.mulf %get3A_265, %gather3A_128 : vector<16xf32>
      %add3A_267 = arith.addf %mul3A_262, %mul3A_266 : vector<16xf32>
      %swap3A_268 = arith.index_cast %scan3A_124 : i32 to index
      %swap3A_269 = arith.constant 176 : index
      %swap3A_270 = tpu.vector_load %arg8[%swap3A_268, %swap3A_269] {strides = array<i32>} : memref<16x1024xf32, #tpu.memory_space<vmem>>, vector<16xf32>,
      tpu.vector_store %arg8[%swap3A_268, %swap3A_269], %add3A_267 {strides = array<i32>} : memref<16x1024xf32, #tpu.memory_space<vmem>>, vector<16xf32>,
      %get3A_271 = arith.index_cast %scan3A_124 : i32 to index
      %get3A_272 = arith.constant 192 : index
      %get3A_273 = tpu.vector_load %arg8[%get3A_271, %get3A_272] {strides = array<i32>} : memref<16x1024xf32, #tpu.memory_space<vmem>>, vector<16xf32>,
      %mul3A_274 = arith.mulf %get3A_273, %gather3A : vector<16xf32>
      %get3A_275 = arith.index_cast %scan3A_124 : i32 to index
      %get3A_276 = arith.constant 192 : index
      %get3A_277 = tpu.vector_load %arg9[%get3A_275, %get3A_276] {strides = array<i32>} : memref<16x1024xf32, #tpu.memory_space<vmem>>, vector<16xf32>,
      %mul3A_278 = arith.mulf %get3A_277, %gather3A_128 : vector<16xf32>
      %add3A_279 = arith.addf %mul3A_274, %mul3A_278 : vector<16xf32>
      %swap3A_280 = arith.index_cast %scan3A_124 : i32 to index
      %swap3A_281 = arith.constant 192 : index
      %swap3A_282 = tpu.vector_load %arg8[%swap3A_280, %swap3A_281] {strides = array<i32>} : memref<16x1024xf32, #tpu.memory_space<vmem>>, vector<16xf32>,
      tpu.vector_store %arg8[%swap3A_280, %swap3A_281], %add3A_279 {strides = array<i32>} : memref<16x1024xf32, #tpu.memory_space<vmem>>, vector<16xf32>,
      %get3A_283 = arith.index_cast %scan3A_124 : i32 to index
      %get3A_284 = arith.constant 208 : index
      %get3A_285 = tpu.vector_load %arg8[%get3A_283, %get3A_284] {strides = array<i32>} : memref<16x1024xf32, #tpu.memory_space<vmem>>, vector<16xf32>,
      %mul3A_286 = arith.mulf %get3A_285, %gather3A : vector<16xf32>
      %get3A_287 = arith.index_cast %scan3A_124 : i32 to index
      %get3A_288 = arith.constant 208 : index
      %get3A_289 = tpu.vector_load %arg9[%get3A_287, %get3A_288] {strides = array<i32>} : memref<16x1024xf32, #tpu.memory_space<vmem>>, vector<16xf32>,
      %mul3A_290 = arith.mulf %get3A_289, %gather3A_128 : vector<16xf32>
      %add3A_291 = arith.addf %mul3A_286, %mul3A_290 : vector<16xf32>
      %swap3A_292 = arith.index_cast %scan3A_124 : i32 to index
      %swap3A_293 = arith.constant 208 : index
      %swap3A_294 = tpu.vector_load %arg8[%swap3A_292, %swap3A_293] {strides = array<i32>} : memref<16x1024xf32, #tpu.memory_space<vmem>>, vector<16xf32>,
      tpu.vector_store %arg8[%swap3A_292, %swap3A_293], %add3A_291 {strides = array<i32>} : memref<16x1024xf32, #tpu.memory_space<vmem>>, vector<16xf32>,
      %get3A_295 = arith.index_cast %scan3A_124 : i32 to index
      %get3A_296 = arith.constant 224 : index
      %get3A_297 = tpu.vector_load %arg8[%get3A_295, %get3A_296] {strides = array<i32>} : memref<16x1024xf32, #tpu.memory_space<vmem>>, vector<16xf32>,
      %mul3A_298 = arith.mulf %get3A_297, %gather3A : vector<16xf32>
      %get3A_299 = arith.index_cast %scan3A_124 : i32 to index
      %get3A_300 = arith.constant 224 : index
      %get3A_301 = tpu.vector_load %arg9[%get3A_299, %get3A_300] {strides = array<i32>} : memref<16x1024xf32, #tpu.memory_space<vmem>>, vector<16xf32>,
      %mul3A_302 = arith.mulf %get3A_301, %gather3A_128 : vector<16xf32>
      %add3A_303 = arith.addf %mul3A_298, %mul3A_302 : vector<16xf32>
      %swap3A_304 = arith.index_cast %scan3A_124 : i32 to index
      %swap3A_305 = arith.constant 224 : index
      %swap3A_306 = tpu.vector_load %arg8[%swap3A_304, %swap3A_305] {strides = array<i32>} : memref<16x1024xf32, #tpu.memory_space<vmem>>, vector<16xf32>,
      tpu.vector_store %arg8[%swap3A_304, %swap3A_305], %add3A_303 {strides = array<i32>} : memref<16x1024xf32, #tpu.memory_space<vmem>>, vector<16xf32>,
      %get3A_307 = arith.index_cast %scan3A_124 : i32 to index
      %get3A_308 = arith.constant 240 : index
      %get3A_309 = tpu.vector_load %arg8[%get3A_307, %get3A_308] {strides = array<i32>} : memref<16x1024xf32, #tpu.memory_space<vmem>>, vector<16xf32>,
      %mul3A_310 = arith.mulf %get3A_309, %gather3A : vector<16xf32>
      %get3A_311 = arith.index_cast %scan3A_124 : i32 to index
      %get3A_312 = arith.constant 240 : index
      %get3A_313 = tpu.vector_load %arg9[%get3A_311, %get3A_312] {strides = array<i32>} : memref<16x1024xf32, #tpu.memory_space<vmem>>, vector<16xf32>,
      %mul3A_314 = arith.mulf %get3A_313, %gather3A_128 : vector<16xf32>
      %add3A_315 = arith.addf %mul3A_310, %mul3A_314 : vector<16xf32>
      %swap3A_316 = arith.index_cast %scan3A_124 : i32 to index
      %swap3A_317 = arith.constant 240 : index
      %swap3A_318 = tpu.vector_load %arg8[%swap3A_316, %swap3A_317] {strides = array<i32>} : memref<16x1024xf32, #tpu.memory_space<vmem>>, vector<16xf32>,
      tpu.vector_store %arg8[%swap3A_316, %swap3A_317], %add3A_315 {strides = array<i32>} : memref<16x1024xf32, #tpu.memory_space<vmem>>, vector<16xf32>,
      %get3A_319 = arith.index_cast %scan3A_124 : i32 to index
      %get3A_320 = arith.constant 256 : index
      %get3A_321 = tpu.vector_load %arg8[%get3A_319, %get3A_320] {strides = array<i32>} : memref<16x1024xf32, #tpu.memory_space<vmem>>, vector<16xf32>,
      %mul3A_322 = arith.mulf %get3A_321, %gather3A : vector<16xf32>
      %get3A_323 = arith.index_cast %scan3A_124 : i32 to index
      %get3A_324 = arith.constant 256 : index
      %get3A_325 = tpu.vector_load %arg9[%get3A_323, %get3A_324] {strides = array<i32>} : memref<16x1024xf32, #tpu.memory_space<vmem>>, vector<16xf32>,
      %mul3A_326 = arith.mulf %get3A_325, %gather3A_128 : vector<16xf32>
      %add3A_327 = arith.addf %mul3A_322, %mul3A_326 : vector<16xf32>
      %swap3A_328 = arith.index_cast %scan3A_124 : i32 to index
      %swap3A_329 = arith.constant 256 : index
      %swap3A_330 = tpu.vector_load %arg8[%swap3A_328, %swap3A_329] {strides = array<i32>} : memref<16x1024xf32, #tpu.memory_space<vmem>>, vector<16xf32>,
      tpu.vector_store %arg8[%swap3A_328, %swap3A_329], %add3A_327 {strides = array<i32>} : memref<16x1024xf32, #tpu.memory_space<vmem>>, vector<16xf32>,
      %get3A_331 = arith.index_cast %scan3A_124 : i32 to index
      %get3A_332 = arith.constant 272 : index
      %get3A_333 = tpu.vector_load %arg8[%get3A_331, %get3A_332] {strides = array<i32>} : memref<16x1024xf32, #tpu.memory_space<vmem>>, vector<16xf32>,
      %mul3A_334 = arith.mulf %get3A_333, %gather3A : vector<16xf32>
      %get3A_335 = arith.index_cast %scan3A_124 : i32 to index
      %get3A_336 = arith.constant 272 : index
      %get3A_337 = tpu.vector_load %arg9[%get3A_335, %get3A_336] {strides = array<i32>} : memref<16x1024xf32, #tpu.memory_space<vmem>>, vector<16xf32>,
      %mul3A_338 = arith.mulf %get3A_337, %gather3A_128 : vector<16xf32>
      %add3A_339 = arith.addf %mul3A_334, %mul3A_338 : vector<16xf32>
      %swap3A_340 = arith.index_cast %scan3A_124 : i32 to index
      %swap3A_341 = arith.constant 272 : index
      %swap3A_342 = tpu.vector_load %arg8[%swap3A_340, %swap3A_341] {strides = array<i32>} : memref<16x1024xf32, #tpu.memory_space<vmem>>, vector<16xf32>,
      tpu.vector_store %arg8[%swap3A_340, %swap3A_341], %add3A_339 {strides = array<i32>} : memref<16x1024xf32, #tpu.memory_space<vmem>>, vector<16xf32>,
      %get3A_343 = arith.index_cast %scan3A_124 : i32 to index
      %get3A_344 = arith.constant 288 : index
      %get3A_345 = tpu.vector_load %arg8[%get3A_343, %get3A_344] {strides = array<i32>} : memref<16x1024xf32, #tpu.memory_space<vmem>>, vector<16xf32>,
      %mul3A_346 = arith.mulf %get3A_345, %gather3A : vector<16xf32>
      %get3A_347 = arith.index_cast %scan3A_124 : i32 to index
      %get3A_348 = arith.constant 288 : index
      %get3A_349 = tpu.vector_load %arg9[%get3A_347, %get3A_348] {strides = array<i32>} : memref<16x1024xf32, #tpu.memory_space<vmem>>, vector<16xf32>,
      %mul3A_350 = arith.mulf %get3A_349, %gather3A_128 : vector<16xf32>
      %add3A_351 = arith.addf %mul3A_346, %mul3A_350 : vector<16xf32>
      %swap3A_352 = arith.index_cast %scan3A_124 : i32 to index
      %swap3A_353 = arith.constant 288 : index
      %swap3A_354 = tpu.vector_load %arg8[%swap3A_352, %swap3A_353] {strides = array<i32>} : memref<16x1024xf32, #tpu.memory_space<vmem>>, vector<16xf32>,
      tpu.vector_store %arg8[%swap3A_352, %swap3A_353], %add3A_351 {strides = array<i32>} : memref<16x1024xf32, #tpu.memory_space<vmem>>, vector<16xf32>,
      %get3A_355 = arith.index_cast %scan3A_124 : i32 to index
      %get3A_356 = arith.constant 304 : index
      %get3A_357 = tpu.vector_load %arg8[%get3A_355, %get3A_356] {strides = array<i32>} : memref<16x1024xf32, #tpu.memory_space<vmem>>, vector<16xf32>,
      %mul3A_358 = arith.mulf %get3A_357, %gather3A : vector<16xf32>
      %get3A_359 = arith.index_cast %scan3A_124 : i32 to index
      %get3A_360 = arith.constant 304 : index
      %get3A_361 = tpu.vector_load %arg9[%get3A_359, %get3A_360] {strides = array<i32>} : memref<16x1024xf32, #tpu.memory_space<vmem>>, vector<16xf32>,
      %mul3A_362 = arith.mulf %get3A_361, %gather3A_128 : vector<16xf32>
      %add3A_363 = arith.addf %mul3A_358, %mul3A_362 : vector<16xf32>
      %swap3A_364 = arith.index_cast %scan3A_124 : i32 to index
      %swap3A_365 = arith.constant 304 : index
      %swap3A_366 = tpu.vector_load %arg8[%swap3A_364, %swap3A_365] {strides = array<i32>} : memref<16x1024xf32, #tpu.memory_space<vmem>>, vector<16xf32>,
      tpu.vector_store %arg8[%swap3A_364, %swap3A_365], %add3A_363 {strides = array<i32>} : memref<16x1024xf32, #tpu.memory_space<vmem>>, vector<16xf32>,
      %get3A_367 = arith.index_cast %scan3A_124 : i32 to index
      %get3A_368 = arith.constant 320 : index
      %get3A_369 = tpu.vector_load %arg8[%get3A_367, %get3A_368] {strides = array<i32>} : memref<16x1024xf32, #tpu.memory_space<vmem>>, vector<16xf32>,
      %mul3A_370 = arith.mulf %get3A_369, %gather3A : vector<16xf32>
      %get3A_371 = arith.index_cast %scan3A_124 : i32 to index
      %get3A_372 = arith.constant 320 : index
      %get3A_373 = tpu.vector_load %arg9[%get3A_371, %get3A_372] {strides = array<i32>} : memref<16x1024xf32, #tpu.memory_space<vmem>>, vector<16xf32>,
      %mul3A_374 = arith.mulf %get3A_373, %gather3A_128 : vector<16xf32>
      %add3A_375 = arith.addf %mul3A_370, %mul3A_374 : vector<16xf32>
      %swap3A_376 = arith.index_cast %scan3A_124 : i32 to index
      %swap3A_377 = arith.constant 320 : index
      %swap3A_378 = tpu.vector_load %arg8[%swap3A_376, %swap3A_377] {strides = array<i32>} : memref<16x1024xf32, #tpu.memory_space<vmem>>, vector<16xf32>,
      tpu.vector_store %arg8[%swap3A_376, %swap3A_377], %add3A_375 {strides = array<i32>} : memref<16x1024xf32, #tpu.memory_space<vmem>>, vector<16xf32>,
      %get3A_379 = arith.index_cast %scan3A_124 : i32 to index
      %get3A_380 = arith.constant 336 : index
      %get3A_381 = tpu.vector_load %arg8[%get3A_379, %get3A_380] {strides = array<i32>} : memref<16x1024xf32, #tpu.memory_space<vmem>>, vector<16xf32>,
      %mul3A_382 = arith.mulf %get3A_381, %gather3A : vector<16xf32>
      %get3A_383 = arith.index_cast %scan3A_124 : i32 to index
      %get3A_384 = arith.constant 336 : index
      %get3A_385 = tpu.vector_load %arg9[%get3A_383, %get3A_384] {strides = array<i32>} : memref<16x1024xf32, #tpu.memory_space<vmem>>, vector<16xf32>,
      %mul3A_386 = arith.mulf %get3A_385, %gather3A_128 : vector<16xf32>
      %add3A_387 = arith.addf %mul3A_382, %mul3A_386 : vector<16xf32>
      %swap3A_388 = arith.index_cast %scan3A_124 : i32 to index
      %swap3A_389 = arith.constant 336 : index
      %swap3A_390 = tpu.vector_load %arg8[%swap3A_388, %swap3A_389] {strides = array<i32>} : memref<16x1024xf32, #tpu.memory_space<vmem>>, vector<16xf32>,
      tpu.vector_store %arg8[%swap3A_388, %swap3A_389], %add3A_387 {strides = array<i32>} : memref<16x1024xf32, #tpu.memory_space<vmem>>, vector<16xf32>,
      %get3A_391 = arith.index_cast %scan3A_124 : i32 to index
      %get3A_392 = arith.constant 352 : index
      %get3A_393 = tpu.vector_load %arg8[%get3A_391, %get3A_392] {strides = array<i32>} : memref<16x1024xf32, #tpu.memory_space<vmem>>, vector<16xf32>,
      %mul3A_394 = arith.mulf %get3A_393, %gather3A : vector<16xf32>
      %get3A_395 = arith.index_cast %scan3A_124 : i32 to index
      %get3A_396 = arith.constant 352 : index
      %get3A_397 = tpu.vector_load %arg9[%get3A_395, %get3A_396] {strides = array<i32>} : memref<16x1024xf32, #tpu.memory_space<vmem>>, vector<16xf32>,
      %mul3A_398 = arith.mulf %get3A_397, %gather3A_128 : vector<16xf32>
      %add3A_399 = arith.addf %mul3A_394, %mul3A_398 : vector<16xf32>
      %swap3A_400 = arith.index_cast %scan3A_124 : i32 to index
      %swap3A_401 = arith.constant 352 : index
      %swap3A_402 = tpu.vector_load %arg8[%swap3A_400, %swap3A_401] {strides = array<i32>} : memref<16x1024xf32, #tpu.memory_space<vmem>>, vector<16xf32>,
      tpu.vector_store %arg8[%swap3A_400, %swap3A_401], %add3A_399 {strides = array<i32>} : memref<16x1024xf32, #tpu.memory_space<vmem>>, vector<16xf32>,
      %get3A_403 = arith.index_cast %scan3A_124 : i32 to index
      %get3A_404 = arith.constant 368 : index
      %get3A_405 = tpu.vector_load %arg8[%get3A_403, %get3A_404] {strides = array<i32>} : memref<16x1024xf32, #tpu.memory_space<vmem>>, vector<16xf32>,
      %mul3A_406 = arith.mulf %get3A_405, %gather3A : vector<16xf32>
      %get3A_407 = arith.index_cast %scan3A_124 : i32 to index
      %get3A_408 = arith.constant 368 : index
      %get3A_409 = tpu.vector_load %arg9[%get3A_407, %get3A_408] {strides = array<i32>} : memref<16x1024xf32, #tpu.memory_space<vmem>>, vector<16xf32>,
      %mul3A_410 = arith.mulf %get3A_409, %gather3A_128 : vector<16xf32>
      %add3A_411 = arith.addf %mul3A_406, %mul3A_410 : vector<16xf32>
      %swap3A_412 = arith.index_cast %scan3A_124 : i32 to index
      %swap3A_413 = arith.constant 368 : index
      %swap3A_414 = tpu.vector_load %arg8[%swap3A_412, %swap3A_413] {strides = array<i32>} : memref<16x1024xf32, #tpu.memory_space<vmem>>, vector<16xf32>,
      tpu.vector_store %arg8[%swap3A_412, %swap3A_413], %add3A_411 {strides = array<i32>} : memref<16x1024xf32, #tpu.memory_space<vmem>>, vector<16xf32>,
      %get3A_415 = arith.index_cast %scan3A_124 : i32 to index
      %get3A_416 = arith.constant 384 : index
      %get3A_417 = tpu.vector_load %arg8[%get3A_415, %get3A_416] {strides = array<i32>} : memref<16x1024xf32, #tpu.memory_space<vmem>>, vector<16xf32>,
      %mul3A_418 = arith.mulf %get3A_417, %gather3A : vector<16xf32>
      %get3A_419 = arith.index_cast %scan3A_124 : i32 to index
      %get3A_420 = arith.constant 384 : index
      %get3A_421 = tpu.vector_load %arg9[%get3A_419, %get3A_420] {strides = array<i32>} : memref<16x1024xf32, #tpu.memory_space<vmem>>, vector<16xf32>,
      %mul3A_422 = arith.mulf %get3A_421, %gather3A_128 : vector<16xf32>
      %add3A_423 = arith.addf %mul3A_418, %mul3A_422 : vector<16xf32>
      %swap3A_424 = arith.index_cast %scan3A_124 : i32 to index
      %swap3A_425 = arith.constant 384 : index
      %swap3A_426 = tpu.vector_load %arg8[%swap3A_424, %swap3A_425] {strides = array<i32>} : memref<16x1024xf32, #tpu.memory_space<vmem>>, vector<16xf32>,
      tpu.vector_store %arg8[%swap3A_424, %swap3A_425], %add3A_423 {strides = array<i32>} : memref<16x1024xf32, #tpu.memory_space<vmem>>, vector<16xf32>,
      %get3A_427 = arith.index_cast %scan3A_124 : i32 to index
      %get3A_428 = arith.constant 400 : index
      %get3A_429 = tpu.vector_load %arg8[%get3A_427, %get3A_428] {strides = array<i32>} : memref<16x1024xf32, #tpu.memory_space<vmem>>, vector<16xf32>,
      %mul3A_430 = arith.mulf %get3A_429, %gather3A : vector<16xf32>
      %get3A_431 = arith.index_cast %scan3A_124 : i32 to index
      %get3A_432 = arith.constant 400 : index
      %get3A_433 = tpu.vector_load %arg9[%get3A_431, %get3A_432] {strides = array<i32>} : memref<16x1024xf32, #tpu.memory_space<vmem>>, vector<16xf32>,
      %mul3A_434 = arith.mulf %get3A_433, %gather3A_128 : vector<16xf32>
      %add3A_435 = arith.addf %mul3A_430, %mul3A_434 : vector<16xf32>
      %swap3A_436 = arith.index_cast %scan3A_124 : i32 to index
      %swap3A_437 = arith.constant 400 : index
      %swap3A_438 = tpu.vector_load %arg8[%swap3A_436, %swap3A_437] {strides = array<i32>} : memref<16x1024xf32, #tpu.memory_space<vmem>>, vector<16xf32>,
      tpu.vector_store %arg8[%swap3A_436, %swap3A_437], %add3A_435 {strides = array<i32>} : memref<16x1024xf32, #tpu.memory_space<vmem>>, vector<16xf32>,
      %get3A_439 = arith.index_cast %scan3A_124 : i32 to index
      %get3A_440 = arith.constant 416 : index
      %get3A_441 = tpu.vector_load %arg8[%get3A_439, %get3A_440] {strides = array<i32>} : memref<16x1024xf32, #tpu.memory_space<vmem>>, vector<16xf32>,
      %mul3A_442 = arith.mulf %get3A_441, %gather3A : vector<16xf32>
      %get3A_443 = arith.index_cast %scan3A_124 : i32 to index
      %get3A_444 = arith.constant 416 : index
      %get3A_445 = tpu.vector_load %arg9[%get3A_443, %get3A_444] {strides = array<i32>} : memref<16x1024xf32, #tpu.memory_space<vmem>>, vector<16xf32>,
      %mul3A_446 = arith.mulf %get3A_445, %gather3A_128 : vector<16xf32>
      %add3A_447 = arith.addf %mul3A_442, %mul3A_446 : vector<16xf32>
      %swap3A_448 = arith.index_cast %scan3A_124 : i32 to index
      %swap3A_449 = arith.constant 416 : index
      %swap3A_450 = tpu.vector_load %arg8[%swap3A_448, %swap3A_449] {strides = array<i32>} : memref<16x1024xf32, #tpu.memory_space<vmem>>, vector<16xf32>,
      tpu.vector_store %arg8[%swap3A_448, %swap3A_449], %add3A_447 {strides = array<i32>} : memref<16x1024xf32, #tpu.memory_space<vmem>>, vector<16xf32>,
      %get3A_451 = arith.index_cast %scan3A_124 : i32 to index
      %get3A_452 = arith.constant 432 : index
      %get3A_453 = tpu.vector_load %arg8[%get3A_451, %get3A_452] {strides = array<i32>} : memref<16x1024xf32, #tpu.memory_space<vmem>>, vector<16xf32>,
      %mul3A_454 = arith.mulf %get3A_453, %gather3A : vector<16xf32>
      %get3A_455 = arith.index_cast %scan3A_124 : i32 to index
      %get3A_456 = arith.constant 432 : index
      %get3A_457 = tpu.vector_load %arg9[%get3A_455, %get3A_456] {strides = array<i32>} : memref<16x1024xf32, #tpu.memory_space<vmem>>, vector<16xf32>,
      %mul3A_458 = arith.mulf %get3A_457, %gather3A_128 : vector<16xf32>
      %add3A_459 = arith.addf %mul3A_454, %mul3A_458 : vector<16xf32>
      %swap3A_460 = arith.index_cast %scan3A_124 : i32 to index
      %swap3A_461 = arith.constant 432 : index
      %swap3A_462 = tpu.vector_load %arg8[%swap3A_460, %swap3A_461] {strides = array<i32>} : memref<16x1024xf32, #tpu.memory_space<vmem>>, vector<16xf32>,
      tpu.vector_store %arg8[%swap3A_460, %swap3A_461], %add3A_459 {strides = array<i32>} : memref<16x1024xf32, #tpu.memory_space<vmem>>, vector<16xf32>,
      %get3A_463 = arith.index_cast %scan3A_124 : i32 to index
      %get3A_464 = arith.constant 448 : index
      %get3A_465 = tpu.vector_load %arg8[%get3A_463, %get3A_464] {strides = array<i32>} : memref<16x1024xf32, #tpu.memory_space<vmem>>, vector<16xf32>,
      %mul3A_466 = arith.mulf %get3A_465, %gather3A : vector<16xf32>
      %get3A_467 = arith.index_cast %scan3A_124 : i32 to index
      %get3A_468 = arith.constant 448 : index
      %get3A_469 = tpu.vector_load %arg9[%get3A_467, %get3A_468] {strides = array<i32>} : memref<16x1024xf32, #tpu.memory_space<vmem>>, vector<16xf32>,
      %mul3A_470 = arith.mulf %get3A_469, %gather3A_128 : vector<16xf32>
      %add3A_471 = arith.addf %mul3A_466, %mul3A_470 : vector<16xf32>
      %swap3A_472 = arith.index_cast %scan3A_124 : i32 to index
      %swap3A_473 = arith.constant 448 : index
      %swap3A_474 = tpu.vector_load %arg8[%swap3A_472, %swap3A_473] {strides = array<i32>} : memref<16x1024xf32, #tpu.memory_space<vmem>>, vector<16xf32>,
      tpu.vector_store %arg8[%swap3A_472, %swap3A_473], %add3A_471 {strides = array<i32>} : memref<16x1024xf32, #tpu.memory_space<vmem>>, vector<16xf32>,
      %get3A_475 = arith.index_cast %scan3A_124 : i32 to index
      %get3A_476 = arith.constant 464 : index
      %get3A_477 = tpu.vector_load %arg8[%get3A_475, %get3A_476] {strides = array<i32>} : memref<16x1024xf32, #tpu.memory_space<vmem>>, vector<16xf32>,
      %mul3A_478 = arith.mulf %get3A_477, %gather3A : vector<16xf32>
      %get3A_479 = arith.index_cast %scan3A_124 : i32 to index
      %get3A_480 = arith.constant 464 : index
      %get3A_481 = tpu.vector_load %arg9[%get3A_479, %get3A_480] {strides = array<i32>} : memref<16x1024xf32, #tpu.memory_space<vmem>>, vector<16xf32>,
      %mul3A_482 = arith.mulf %get3A_481, %gather3A_128 : vector<16xf32>
      %add3A_483 = arith.addf %mul3A_478, %mul3A_482 : vector<16xf32>
      %swap3A_484 = arith.index_cast %scan3A_124 : i32 to index
      %swap3A_485 = arith.constant 464 : index
      %swap3A_486 = tpu.vector_load %arg8[%swap3A_484, %swap3A_485] {strides = array<i32>} : memref<16x1024xf32, #tpu.memory_space<vmem>>, vector<16xf32>,
      tpu.vector_store %arg8[%swap3A_484, %swap3A_485], %add3A_483 {strides = array<i32>} : memref<16x1024xf32, #tpu.memory_space<vmem>>, vector<16xf32>,
      %get3A_487 = arith.index_cast %scan3A_124 : i32 to index
      %get3A_488 = arith.constant 480 : index
      %get3A_489 = tpu.vector_load %arg8[%get3A_487, %get3A_488] {strides = array<i32>} : memref<16x1024xf32, #tpu.memory_space<vmem>>, vector<16xf32>,
      %mul3A_490 = arith.mulf %get3A_489, %gather3A : vector<16xf32>
      %get3A_491 = arith.index_cast %scan3A_124 : i32 to index
      %get3A_492 = arith.constant 480 : index
      %get3A_493 = tpu.vector_load %arg9[%get3A_491, %get3A_492] {strides = array<i32>} : memref<16x1024xf32, #tpu.memory_space<vmem>>, vector<16xf32>,
      %mul3A_494 = arith.mulf %get3A_493, %gather3A_128 : vector<16xf32>
      %add3A_495 = arith.addf %mul3A_490, %mul3A_494 : vector<16xf32>
      %swap3A_496 = arith.index_cast %scan3A_124 : i32 to index
      %swap3A_497 = arith.constant 480 : index
      %swap3A_498 = tpu.vector_load %arg8[%swap3A_496, %swap3A_497] {strides = array<i32>} : memref<16x1024xf32, #tpu.memory_space<vmem>>, vector<16xf32>,
      tpu.vector_store %arg8[%swap3A_496, %swap3A_497], %add3A_495 {strides = array<i32>} : memref<16x1024xf32, #tpu.memory_space<vmem>>, vector<16xf32>,
      %get3A_499 = arith.index_cast %scan3A_124 : i32 to index
      %get3A_500 = arith.constant 496 : index
      %get3A_501 = tpu.vector_load %arg8[%get3A_499, %get3A_500] {strides = array<i32>} : memref<16x1024xf32, #tpu.memory_space<vmem>>, vector<16xf32>,
      %mul3A_502 = arith.mulf %get3A_501, %gather3A : vector<16xf32>
      %get3A_503 = arith.index_cast %scan3A_124 : i32 to index
      %get3A_504 = arith.constant 496 : index
      %get3A_505 = tpu.vector_load %arg9[%get3A_503, %get3A_504] {strides = array<i32>} : memref<16x1024xf32, #tpu.memory_space<vmem>>, vector<16xf32>,
      %mul3A_506 = arith.mulf %get3A_505, %gather3A_128 : vector<16xf32>
      %add3A_507 = arith.addf %mul3A_502, %mul3A_506 : vector<16xf32>
      %swap3A_508 = arith.index_cast %scan3A_124 : i32 to index
      %swap3A_509 = arith.constant 496 : index
      %swap3A_510 = tpu.vector_load %arg8[%swap3A_508, %swap3A_509] {strides = array<i32>} : memref<16x1024xf32, #tpu.memory_space<vmem>>, vector<16xf32>,
      tpu.vector_store %arg8[%swap3A_508, %swap3A_509], %add3A_507 {strides = array<i32>} : memref<16x1024xf32, #tpu.memory_space<vmem>>, vector<16xf32>,
      %get3A_511 = arith.index_cast %scan3A_124 : i32 to index
      %get3A_512 = arith.constant 512 : index
      %get3A_513 = tpu.vector_load %arg8[%get3A_511, %get3A_512] {strides = array<i32>} : memref<16x1024xf32, #tpu.memory_space<vmem>>, vector<16xf32>,
      %mul3A_514 = arith.mulf %get3A_513, %gather3A : vector<16xf32>
      %get3A_515 = arith.index_cast %scan3A_124 : i32 to index
      %get3A_516 = arith.constant 512 : index
      %get3A_517 = tpu.vector_load %arg9[%get3A_515, %get3A_516] {strides = array<i32>} : memref<16x1024xf32, #tpu.memory_space<vmem>>, vector<16xf32>,
      %mul3A_518 = arith.mulf %get3A_517, %gather3A_128 : vector<16xf32>
      %add3A_519 = arith.addf %mul3A_514, %mul3A_518 : vector<16xf32>
      %swap3A_520 = arith.index_cast %scan3A_124 : i32 to index
      %swap3A_521 = arith.constant 512 : index
      %swap3A_522 = tpu.vector_load %arg8[%swap3A_520, %swap3A_521] {strides = array<i32>} : memref<16x1024xf32, #tpu.memory_space<vmem>>, vector<16xf32>,
      tpu.vector_store %arg8[%swap3A_520, %swap3A_521], %add3A_519 {strides = array<i32>} : memref<16x1024xf32, #tpu.memory_space<vmem>>, vector<16xf32>,
      %get3A_523 = arith.index_cast %scan3A_124 : i32 to index
      %get3A_524 = arith.constant 528 : index
      %get3A_525 = tpu.vector_load %arg8[%get3A_523, %get3A_524] {strides = array<i32>} : memref<16x1024xf32, #tpu.memory_space<vmem>>, vector<16xf32>,
      %mul3A_526 = arith.mulf %get3A_525, %gather3A : vector<16xf32>
      %get3A_527 = arith.index_cast %scan3A_124 : i32 to index
      %get3A_528 = arith.constant 528 : index
      %get3A_529 = tpu.vector_load %arg9[%get3A_527, %get3A_528] {strides = array<i32>} : memref<16x1024xf32, #tpu.memory_space<vmem>>, vector<16xf32>,
      %mul3A_530 = arith.mulf %get3A_529, %gather3A_128 : vector<16xf32>
      %add3A_531 = arith.addf %mul3A_526, %mul3A_530 : vector<16xf32>
      %swap3A_532 = arith.index_cast %scan3A_124 : i32 to index
      %swap3A_533 = arith.constant 528 : index
      %swap3A_534 = tpu.vector_load %arg8[%swap3A_532, %swap3A_533] {strides = array<i32>} : memref<16x1024xf32, #tpu.memory_space<vmem>>, vector<16xf32>,
      tpu.vector_store %arg8[%swap3A_532, %swap3A_533], %add3A_531 {strides = array<i32>} : memref<16x1024xf32, #tpu.memory_space<vmem>>, vector<16xf32>,
      %get3A_535 = arith.index_cast %scan3A_124 : i32 to index
      %get3A_536 = arith.constant 544 : index
      %get3A_537 = tpu.vector_load %arg8[%get3A_535, %get3A_536] {strides = array<i32>} : memref<16x1024xf32, #tpu.memory_space<vmem>>, vector<16xf32>,
      %mul3A_538 = arith.mulf %get3A_537, %gather3A : vector<16xf32>
      %get3A_539 = arith.index_cast %scan3A_124 : i32 to index
      %get3A_540 = arith.constant 544 : index
      %get3A_541 = tpu.vector_load %arg9[%get3A_539, %get3A_540] {strides = array<i32>} : memref<16x1024xf32, #tpu.memory_space<vmem>>, vector<16xf32>,
      %mul3A_542 = arith.mulf %get3A_541, %gather3A_128 : vector<16xf32>
      %add3A_543 = arith.addf %mul3A_538, %mul3A_542 : vector<16xf32>
      %swap3A_544 = arith.index_cast %scan3A_124 : i32 to index
      %swap3A_545 = arith.constant 544 : index
      %swap3A_546 = tpu.vector_load %arg8[%swap3A_544, %swap3A_545] {strides = array<i32>} : memref<16x1024xf32, #tpu.memory_space<vmem>>, vector<16xf32>,
      tpu.vector_store %arg8[%swap3A_544, %swap3A_545], %add3A_543 {strides = array<i32>} : memref<16x1024xf32, #tpu.memory_space<vmem>>, vector<16xf32>,
      %get3A_547 = arith.index_cast %scan3A_124 : i32 to index
      %get3A_548 = arith.constant 560 : index
      %get3A_549 = tpu.vector_load %arg8[%get3A_547, %get3A_548] {strides = array<i32>} : memref<16x1024xf32, #tpu.memory_space<vmem>>, vector<16xf32>,
      %mul3A_550 = arith.mulf %get3A_549, %gather3A : vector<16xf32>
      %get3A_551 = arith.index_cast %scan3A_124 : i32 to index
      %get3A_552 = arith.constant 560 : index
      %get3A_553 = tpu.vector_load %arg9[%get3A_551, %get3A_552] {strides = array<i32>} : memref<16x1024xf32, #tpu.memory_space<vmem>>, vector<16xf32>,
      %mul3A_554 = arith.mulf %get3A_553, %gather3A_128 : vector<16xf32>
      %add3A_555 = arith.addf %mul3A_550, %mul3A_554 : vector<16xf32>
      %swap3A_556 = arith.index_cast %scan3A_124 : i32 to index
      %swap3A_557 = arith.constant 560 : index
      %swap3A_558 = tpu.vector_load %arg8[%swap3A_556, %swap3A_557] {strides = array<i32>} : memref<16x1024xf32, #tpu.memory_space<vmem>>, vector<16xf32>,
      tpu.vector_store %arg8[%swap3A_556, %swap3A_557], %add3A_555 {strides = array<i32>} : memref<16x1024xf32, #tpu.memory_space<vmem>>, vector<16xf32>,
      %get3A_559 = arith.index_cast %scan3A_124 : i32 to index
      %get3A_560 = arith.constant 576 : index
      %get3A_561 = tpu.vector_load %arg8[%get3A_559, %get3A_560] {strides = array<i32>} : memref<16x1024xf32, #tpu.memory_space<vmem>>, vector<16xf32>,
      %mul3A_562 = arith.mulf %get3A_561, %gather3A : vector<16xf32>
      %get3A_563 = arith.index_cast %scan3A_124 : i32 to index
      %get3A_564 = arith.constant 576 : index
      %get3A_565 = tpu.vector_load %arg9[%get3A_563, %get3A_564] {strides = array<i32>} : memref<16x1024xf32, #tpu.memory_space<vmem>>, vector<16xf32>,
      %mul3A_566 = arith.mulf %get3A_565, %gather3A_128 : vector<16xf32>
      %add3A_567 = arith.addf %mul3A_562, %mul3A_566 : vector<16xf32>
      %swap3A_568 = arith.index_cast %scan3A_124 : i32 to index
      %swap3A_569 = arith.constant 576 : index
      %swap3A_570 = tpu.vector_load %arg8[%swap3A_568, %swap3A_569] {strides = array<i32>} : memref<16x1024xf32, #tpu.memory_space<vmem>>, vector<16xf32>,
      tpu.vector_store %arg8[%swap3A_568, %swap3A_569], %add3A_567 {strides = array<i32>} : memref<16x1024xf32, #tpu.memory_space<vmem>>, vector<16xf32>,
      %get3A_571 = arith.index_cast %scan3A_124 : i32 to index
      %get3A_572 = arith.constant 592 : index
      %get3A_573 = tpu.vector_load %arg8[%get3A_571, %get3A_572] {strides = array<i32>} : memref<16x1024xf32, #tpu.memory_space<vmem>>, vector<16xf32>,
      %mul3A_574 = arith.mulf %get3A_573, %gather3A : vector<16xf32>
      %get3A_575 = arith.index_cast %scan3A_124 : i32 to index
      %get3A_576 = arith.constant 592 : index
      %get3A_577 = tpu.vector_load %arg9[%get3A_575, %get3A_576] {strides = array<i32>} : memref<16x1024xf32, #tpu.memory_space<vmem>>, vector<16xf32>,
      %mul3A_578 = arith.mulf %get3A_577, %gather3A_128 : vector<16xf32>
      %add3A_579 = arith.addf %mul3A_574, %mul3A_578 : vector<16xf32>
      %swap3A_580 = arith.index_cast %scan3A_124 : i32 to index
      %swap3A_581 = arith.constant 592 : index
      %swap3A_582 = tpu.vector_load %arg8[%swap3A_580, %swap3A_581] {strides = array<i32>} : memref<16x1024xf32, #tpu.memory_space<vmem>>, vector<16xf32>,
      tpu.vector_store %arg8[%swap3A_580, %swap3A_581], %add3A_579 {strides = array<i32>} : memref<16x1024xf32, #tpu.memory_space<vmem>>, vector<16xf32>,
      %get3A_583 = arith.index_cast %scan3A_124 : i32 to index
      %get3A_584 = arith.constant 608 : index
      %get3A_585 = tpu.vector_load %arg8[%get3A_583, %get3A_584] {strides = array<i32>} : memref<16x1024xf32, #tpu.memory_space<vmem>>, vector<16xf32>,
      %mul3A_586 = arith.mulf %get3A_585, %gather3A : vector<16xf32>
      %get3A_587 = arith.index_cast %scan3A_124 : i32 to index
      %get3A_588 = arith.constant 608 : index
      %get3A_589 = tpu.vector_load %arg9[%get3A_587, %get3A_588] {strides = array<i32>} : memref<16x1024xf32, #tpu.memory_space<vmem>>, vector<16xf32>,
      %mul3A_590 = arith.mulf %get3A_589, %gather3A_128 : vector<16xf32>
      %add3A_591 = arith.addf %mul3A_586, %mul3A_590 : vector<16xf32>
      %swap3A_592 = arith.index_cast %scan3A_124 : i32 to index
      %swap3A_593 = arith.constant 608 : index
      %swap3A_594 = tpu.vector_load %arg8[%swap3A_592, %swap3A_593] {strides = array<i32>} : memref<16x1024xf32, #tpu.memory_space<vmem>>, vector<16xf32>,
      tpu.vector_store %arg8[%swap3A_592, %swap3A_593], %add3A_591 {strides = array<i32>} : memref<16x1024xf32, #tpu.memory_space<vmem>>, vector<16xf32>,
      %get3A_595 = arith.index_cast %scan3A_124 : i32 to index
      %get3A_596 = arith.constant 624 : index
      %get3A_597 = tpu.vector_load %arg8[%get3A_595, %get3A_596] {strides = array<i32>} : memref<16x1024xf32, #tpu.memory_space<vmem>>, vector<16xf32>,
      %mul3A_598 = arith.mulf %get3A_597, %gather3A : vector<16xf32>
      %get3A_599 = arith.index_cast %scan3A_124 : i32 to index
      %get3A_600 = arith.constant 624 : index
      %get3A_601 = tpu.vector_load %arg9[%get3A_599, %get3A_600] {strides = array<i32>} : memref<16x1024xf32, #tpu.memory_space<vmem>>, vector<16xf32>,
      %mul3A_602 = arith.mulf %get3A_601, %gather3A_128 : vector<16xf32>
      %add3A_603 = arith.addf %mul3A_598, %mul3A_602 : vector<16xf32>
      %swap3A_604 = arith.index_cast %scan3A_124 : i32 to index
      %swap3A_605 = arith.constant 624 : index
      %swap3A_606 = tpu.vector_load %arg8[%swap3A_604, %swap3A_605] {strides = array<i32>} : memref<16x1024xf32, #tpu.memory_space<vmem>>, vector<16xf32>,
      tpu.vector_store %arg8[%swap3A_604, %swap3A_605], %add3A_603 {strides = array<i32>} : memref<16x1024xf32, #tpu.memory_space<vmem>>, vector<16xf32>,
      %get3A_607 = arith.index_cast %scan3A_124 : i32 to index
      %get3A_608 = arith.constant 640 : index
      %get3A_609 = tpu.vector_load %arg8[%get3A_607, %get3A_608] {strides = array<i32>} : memref<16x1024xf32, #tpu.memory_space<vmem>>, vector<16xf32>,
      %mul3A_610 = arith.mulf %get3A_609, %gather3A : vector<16xf32>
      %get3A_611 = arith.index_cast %scan3A_124 : i32 to index
      %get3A_612 = arith.constant 640 : index
      %get3A_613 = tpu.vector_load %arg9[%get3A_611, %get3A_612] {strides = array<i32>} : memref<16x1024xf32, #tpu.memory_space<vmem>>, vector<16xf32>,
      %mul3A_614 = arith.mulf %get3A_613, %gather3A_128 : vector<16xf32>
      %add3A_615 = arith.addf %mul3A_610, %mul3A_614 : vector<16xf32>
      %swap3A_616 = arith.index_cast %scan3A_124 : i32 to index
      %swap3A_617 = arith.constant 640 : index
      %swap3A_618 = tpu.vector_load %arg8[%swap3A_616, %swap3A_617] {strides = array<i32>} : memref<16x1024xf32, #tpu.memory_space<vmem>>, vector<16xf32>,
      tpu.vector_store %arg8[%swap3A_616, %swap3A_617], %add3A_615 {strides = array<i32>} : memref<16x1024xf32, #tpu.memory_space<vmem>>, vector<16xf32>,
      %get3A_619 = arith.index_cast %scan3A_124 : i32 to index
      %get3A_620 = arith.constant 656 : index
      %get3A_621 = tpu.vector_load %arg8[%get3A_619, %get3A_620] {strides = array<i32>} : memref<16x1024xf32, #tpu.memory_space<vmem>>, vector<16xf32>,
      %mul3A_622 = arith.mulf %get3A_621, %gather3A : vector<16xf32>
      %get3A_623 = arith.index_cast %scan3A_124 : i32 to index
      %get3A_624 = arith.constant 656 : index
      %get3A_625 = tpu.vector_load %arg9[%get3A_623, %get3A_624] {strides = array<i32>} : memref<16x1024xf32, #tpu.memory_space<vmem>>, vector<16xf32>,
      %mul3A_626 = arith.mulf %get3A_625, %gather3A_128 : vector<16xf32>
      %add3A_627 = arith.addf %mul3A_622, %mul3A_626 : vector<16xf32>
      %swap3A_628 = arith.index_cast %scan3A_124 : i32 to index
      %swap3A_629 = arith.constant 656 : index
      %swap3A_630 = tpu.vector_load %arg8[%swap3A_628, %swap3A_629] {strides = array<i32>} : memref<16x1024xf32, #tpu.memory_space<vmem>>, vector<16xf32>,
      tpu.vector_store %arg8[%swap3A_628, %swap3A_629], %add3A_627 {strides = array<i32>} : memref<16x1024xf32, #tpu.memory_space<vmem>>, vector<16xf32>,
      %get3A_631 = arith.index_cast %scan3A_124 : i32 to index
      %get3A_632 = arith.constant 672 : index
      %get3A_633 = tpu.vector_load %arg8[%get3A_631, %get3A_632] {strides = array<i32>} : memref<16x1024xf32, #tpu.memory_space<vmem>>, vector<16xf32>,
      %mul3A_634 = arith.mulf %get3A_633, %gather3A : vector<16xf32>
      %get3A_635 = arith.index_cast %scan3A_124 : i32 to index
      %get3A_636 = arith.constant 672 : index
      %get3A_637 = tpu.vector_load %arg9[%get3A_635, %get3A_636] {strides = array<i32>} : memref<16x1024xf32, #tpu.memory_space<vmem>>, vector<16xf32>,
      %mul3A_638 = arith.mulf %get3A_637, %gather3A_128 : vector<16xf32>
      %add3A_639 = arith.addf %mul3A_634, %mul3A_638 : vector<16xf32>
      %swap3A_640 = arith.index_cast %scan3A_124 : i32 to index
      %swap3A_641 = arith.constant 672 : index
      %swap3A_642 = tpu.vector_load %arg8[%swap3A_640, %swap3A_641] {strides = array<i32>} : memref<16x1024xf32, #tpu.memory_space<vmem>>, vector<16xf32>,
      tpu.vector_store %arg8[%swap3A_640, %swap3A_641], %add3A_639 {strides = array<i32>} : memref<16x1024xf32, #tpu.memory_space<vmem>>, vector<16xf32>,
      %get3A_643 = arith.index_cast %scan3A_124 : i32 to index
      %get3A_644 = arith.constant 688 : index
      %get3A_645 = tpu.vector_load %arg8[%get3A_643, %get3A_644] {strides = array<i32>} : memref<16x1024xf32, #tpu.memory_space<vmem>>, vector<16xf32>,
      %mul3A_646 = arith.mulf %get3A_645, %gather3A : vector<16xf32>
      %get3A_647 = arith.index_cast %scan3A_124 : i32 to index
      %get3A_648 = arith.constant 688 : index
      %get3A_649 = tpu.vector_load %arg9[%get3A_647, %get3A_648] {strides = array<i32>} : memref<16x1024xf32, #tpu.memory_space<vmem>>, vector<16xf32>,
      %mul3A_650 = arith.mulf %get3A_649, %gather3A_128 : vector<16xf32>
      %add3A_651 = arith.addf %mul3A_646, %mul3A_650 : vector<16xf32>
      %swap3A_652 = arith.index_cast %scan3A_124 : i32 to index
      %swap3A_653 = arith.constant 688 : index
      %swap3A_654 = tpu.vector_load %arg8[%swap3A_652, %swap3A_653] {strides = array<i32>} : memref<16x1024xf32, #tpu.memory_space<vmem>>, vector<16xf32>,
      tpu.vector_store %arg8[%swap3A_652, %swap3A_653], %add3A_651 {strides = array<i32>} : memref<16x1024xf32, #tpu.memory_space<vmem>>, vector<16xf32>,
      %get3A_655 = arith.index_cast %scan3A_124 : i32 to index
      %get3A_656 = arith.constant 704 : index
      %get3A_657 = tpu.vector_load %arg8[%get3A_655, %get3A_656] {strides = array<i32>} : memref<16x1024xf32, #tpu.memory_space<vmem>>, vector<16xf32>,
      %mul3A_658 = arith.mulf %get3A_657, %gather3A : vector<16xf32>
      %get3A_659 = arith.index_cast %scan3A_124 : i32 to index
      %get3A_660 = arith.constant 704 : index
      %get3A_661 = tpu.vector_load %arg9[%get3A_659, %get3A_660] {strides = array<i32>} : memref<16x1024xf32, #tpu.memory_space<vmem>>, vector<16xf32>,
      %mul3A_662 = arith.mulf %get3A_661, %gather3A_128 : vector<16xf32>
      %add3A_663 = arith.addf %mul3A_658, %mul3A_662 : vector<16xf32>
      %swap3A_664 = arith.index_cast %scan3A_124 : i32 to index
      %swap3A_665 = arith.constant 704 : index
      %swap3A_666 = tpu.vector_load %arg8[%swap3A_664, %swap3A_665] {strides = array<i32>} : memref<16x1024xf32, #tpu.memory_space<vmem>>, vector<16xf32>,
      tpu.vector_store %arg8[%swap3A_664, %swap3A_665], %add3A_663 {strides = array<i32>} : memref<16x1024xf32, #tpu.memory_space<vmem>>, vector<16xf32>,
      %get3A_667 = arith.index_cast %scan3A_124 : i32 to index
      %get3A_668 = arith.constant 720 : index
      %get3A_669 = tpu.vector_load %arg8[%get3A_667, %get3A_668] {strides = array<i32>} : memref<16x1024xf32, #tpu.memory_space<vmem>>, vector<16xf32>,
      %mul3A_670 = arith.mulf %get3A_669, %gather3A : vector<16xf32>
      %get3A_671 = arith.index_cast %scan3A_124 : i32 to index
      %get3A_672 = arith.constant 720 : index
      %get3A_673 = tpu.vector_load %arg9[%get3A_671, %get3A_672] {strides = array<i32>} : memref<16x1024xf32, #tpu.memory_space<vmem>>, vector<16xf32>,
      %mul3A_674 = arith.mulf %get3A_673, %gather3A_128 : vector<16xf32>
      %add3A_675 = arith.addf %mul3A_670, %mul3A_674 : vector<16xf32>
      %swap3A_676 = arith.index_cast %scan3A_124 : i32 to index
      %swap3A_677 = arith.constant 720 : index
      %swap3A_678 = tpu.vector_load %arg8[%swap3A_676, %swap3A_677] {strides = array<i32>} : memref<16x1024xf32, #tpu.memory_space<vmem>>, vector<16xf32>,
      tpu.vector_store %arg8[%swap3A_676, %swap3A_677], %add3A_675 {strides = array<i32>} : memref<16x1024xf32, #tpu.memory_space<vmem>>, vector<16xf32>,
      %get3A_679 = arith.index_cast %scan3A_124 : i32 to index
      %get3A_680 = arith.constant 736 : index
      %get3A_681 = tpu.vector_load %arg8[%get3A_679, %get3A_680] {strides = array<i32>} : memref<16x1024xf32, #tpu.memory_space<vmem>>, vector<16xf32>,
      %mul3A_682 = arith.mulf %get3A_681, %gather3A : vector<16xf32>
      %get3A_683 = arith.index_cast %scan3A_124 : i32 to index
      %get3A_684 = arith.constant 736 : index
      %get3A_685 = tpu.vector_load %arg9[%get3A_683, %get3A_684] {strides = array<i32>} : memref<16x1024xf32, #tpu.memory_space<vmem>>, vector<16xf32>,
      %mul3A_686 = arith.mulf %get3A_685, %gather3A_128 : vector<16xf32>
      %add3A_687 = arith.addf %mul3A_682, %mul3A_686 : vector<16xf32>
      %swap3A_688 = arith.index_cast %scan3A_124 : i32 to index
      %swap3A_689 = arith.constant 736 : index
      %swap3A_690 = tpu.vector_load %arg8[%swap3A_688, %swap3A_689] {strides = array<i32>} : memref<16x1024xf32, #tpu.memory_space<vmem>>, vector<16xf32>,
      tpu.vector_store %arg8[%swap3A_688, %swap3A_689], %add3A_687 {strides = array<i32>} : memref<16x1024xf32, #tpu.memory_space<vmem>>, vector<16xf32>,
      %get3A_691 = arith.index_cast %scan3A_124 : i32 to index
      %get3A_692 = arith.constant 752 : index
      %get3A_693 = tpu.vector_load %arg8[%get3A_691, %get3A_692] {strides = array<i32>} : memref<16x1024xf32, #tpu.memory_space<vmem>>, vector<16xf32>,
      %mul3A_694 = arith.mulf %get3A_693, %gather3A : vector<16xf32>
      %get3A_695 = arith.index_cast %scan3A_124 : i32 to index
      %get3A_696 = arith.constant 752 : index
      %get3A_697 = tpu.vector_load %arg9[%get3A_695, %get3A_696] {strides = array<i32>} : memref<16x1024xf32, #tpu.memory_space<vmem>>, vector<16xf32>,
      %mul3A_698 = arith.mulf %get3A_697, %gather3A_128 : vector<16xf32>
      %add3A_699 = arith.addf %mul3A_694, %mul3A_698 : vector<16xf32>
      %swap3A_700 = arith.index_cast %scan3A_124 : i32 to index
      %swap3A_701 = arith.constant 752 : index
      %swap3A_702 = tpu.vector_load %arg8[%swap3A_700, %swap3A_701] {strides = array<i32>} : memref<16x1024xf32, #tpu.memory_space<vmem>>, vector<16xf32>,
      tpu.vector_store %arg8[%swap3A_700, %swap3A_701], %add3A_699 {strides = array<i32>} : memref<16x1024xf32, #tpu.memory_space<vmem>>, vector<16xf32>,
      %get3A_703 = arith.index_cast %scan3A_124 : i32 to index
      %get3A_704 = arith.constant 768 : index
      %get3A_705 = tpu.vector_load %arg8[%get3A_703, %get3A_704] {strides = array<i32>} : memref<16x1024xf32, #tpu.memory_space<vmem>>, vector<16xf32>,
      %mul3A_706 = arith.mulf %get3A_705, %gather3A : vector<16xf32>
      %get3A_707 = arith.index_cast %scan3A_124 : i32 to index
      %get3A_708 = arith.constant 768 : index
      %get3A_709 = tpu.vector_load %arg9[%get3A_707, %get3A_708] {strides = array<i32>} : memref<16x1024xf32, #tpu.memory_space<vmem>>, vector<16xf32>,
      %mul3A_710 = arith.mulf %get3A_709, %gather3A_128 : vector<16xf32>
      %add3A_711 = arith.addf %mul3A_706, %mul3A_710 : vector<16xf32>
      %swap3A_712 = arith.index_cast %scan3A_124 : i32 to index
      %swap3A_713 = arith.constant 768 : index
      %swap3A_714 = tpu.vector_load %arg8[%swap3A_712, %swap3A_713] {strides = array<i32>} : memref<16x1024xf32, #tpu.memory_space<vmem>>, vector<16xf32>,
      tpu.vector_store %arg8[%swap3A_712, %swap3A_713], %add3A_711 {strides = array<i32>} : memref<16x1024xf32, #tpu.memory_space<vmem>>, vector<16xf32>,
      %get3A_715 = arith.index_cast %scan3A_124 : i32 to index
      %get3A_716 = arith.constant 784 : index
      %get3A_717 = tpu.vector_load %arg8[%get3A_715, %get3A_716] {strides = array<i32>} : memref<16x1024xf32, #tpu.memory_space<vmem>>, vector<16xf32>,
      %mul3A_718 = arith.mulf %get3A_717, %gather3A : vector<16xf32>
      %get3A_719 = arith.index_cast %scan3A_124 : i32 to index
      %get3A_720 = arith.constant 784 : index
      %get3A_721 = tpu.vector_load %arg9[%get3A_719, %get3A_720] {strides = array<i32>} : memref<16x1024xf32, #tpu.memory_space<vmem>>, vector<16xf32>,
      %mul3A_722 = arith.mulf %get3A_721, %gather3A_128 : vector<16xf32>
      %add3A_723 = arith.addf %mul3A_718, %mul3A_722 : vector<16xf32>
      %swap3A_724 = arith.index_cast %scan3A_124 : i32 to index
      %swap3A_725 = arith.constant 784 : index
      %swap3A_726 = tpu.vector_load %arg8[%swap3A_724, %swap3A_725] {strides = array<i32>} : memref<16x1024xf32, #tpu.memory_space<vmem>>, vector<16xf32>,
      tpu.vector_store %arg8[%swap3A_724, %swap3A_725], %add3A_723 {strides = array<i32>} : memref<16x1024xf32, #tpu.memory_space<vmem>>, vector<16xf32>,
      %get3A_727 = arith.index_cast %scan3A_124 : i32 to index
      %get3A_728 = arith.constant 800 : index
      %get3A_729 = tpu.vector_load %arg8[%get3A_727, %get3A_728] {strides = array<i32>} : memref<16x1024xf32, #tpu.memory_space<vmem>>, vector<16xf32>,
      %mul3A_730 = arith.mulf %get3A_729, %gather3A : vector<16xf32>
      %get3A_731 = arith.index_cast %scan3A_124 : i32 to index
      %get3A_732 = arith.constant 800 : index
      %get3A_733 = tpu.vector_load %arg9[%get3A_731, %get3A_732] {strides = array<i32>} : memref<16x1024xf32, #tpu.memory_space<vmem>>, vector<16xf32>,
      %mul3A_734 = arith.mulf %get3A_733, %gather3A_128 : vector<16xf32>
      %add3A_735 = arith.addf %mul3A_730, %mul3A_734 : vector<16xf32>
      %swap3A_736 = arith.index_cast %scan3A_124 : i32 to index
      %swap3A_737 = arith.constant 800 : index
      %swap3A_738 = tpu.vector_load %arg8[%swap3A_736, %swap3A_737] {strides = array<i32>} : memref<16x1024xf32, #tpu.memory_space<vmem>>, vector<16xf32>,
      tpu.vector_store %arg8[%swap3A_736, %swap3A_737], %add3A_735 {strides = array<i32>} : memref<16x1024xf32, #tpu.memory_space<vmem>>, vector<16xf32>,
      %get3A_739 = arith.index_cast %scan3A_124 : i32 to index
      %get3A_740 = arith.constant 816 : index
      %get3A_741 = tpu.vector_load %arg8[%get3A_739, %get3A_740] {strides = array<i32>} : memref<16x1024xf32, #tpu.memory_space<vmem>>, vector<16xf32>,
      %mul3A_742 = arith.mulf %get3A_741, %gather3A : vector<16xf32>
      %get3A_743 = arith.index_cast %scan3A_124 : i32 to index
      %get3A_744 = arith.constant 816 : index
      %get3A_745 = tpu.vector_load %arg9[%get3A_743, %get3A_744] {strides = array<i32>} : memref<16x1024xf32, #tpu.memory_space<vmem>>, vector<16xf32>,
      %mul3A_746 = arith.mulf %get3A_745, %gather3A_128 : vector<16xf32>
      %add3A_747 = arith.addf %mul3A_742, %mul3A_746 : vector<16xf32>
      %swap3A_748 = arith.index_cast %scan3A_124 : i32 to index
      %swap3A_749 = arith.constant 816 : index
      %swap3A_750 = tpu.vector_load %arg8[%swap3A_748, %swap3A_749] {strides = array<i32>} : memref<16x1024xf32, #tpu.memory_space<vmem>>, vector<16xf32>,
      tpu.vector_store %arg8[%swap3A_748, %swap3A_749], %add3A_747 {strides = array<i32>} : memref<16x1024xf32, #tpu.memory_space<vmem>>, vector<16xf32>,
      %get3A_751 = arith.index_cast %scan3A_124 : i32 to index
      %get3A_752 = arith.constant 832 : index
      %get3A_753 = tpu.vector_load %arg8[%get3A_751, %get3A_752] {strides = array<i32>} : memref<16x1024xf32, #tpu.memory_space<vmem>>, vector<16xf32>,
      %mul3A_754 = arith.mulf %get3A_753, %gather3A : vector<16xf32>
      %get3A_755 = arith.index_cast %scan3A_124 : i32 to index
      %get3A_756 = arith.constant 832 : index
      %get3A_757 = tpu.vector_load %arg9[%get3A_755, %get3A_756] {strides = array<i32>} : memref<16x1024xf32, #tpu.memory_space<vmem>>, vector<16xf32>,
      %mul3A_758 = arith.mulf %get3A_757, %gather3A_128 : vector<16xf32>
      %add3A_759 = arith.addf %mul3A_754, %mul3A_758 : vector<16xf32>
      %swap3A_760 = arith.index_cast %scan3A_124 : i32 to index
      %swap3A_761 = arith.constant 832 : index
      %swap3A_762 = tpu.vector_load %arg8[%swap3A_760, %swap3A_761] {strides = array<i32>} : memref<16x1024xf32, #tpu.memory_space<vmem>>, vector<16xf32>,
      tpu.vector_store %arg8[%swap3A_760, %swap3A_761], %add3A_759 {strides = array<i32>} : memref<16x1024xf32, #tpu.memory_space<vmem>>, vector<16xf32>,
      %get3A_763 = arith.index_cast %scan3A_124 : i32 to index
      %get3A_764 = arith.constant 848 : index
      %get3A_765 = tpu.vector_load %arg8[%get3A_763, %get3A_764] {strides = array<i32>} : memref<16x1024xf32, #tpu.memory_space<vmem>>, vector<16xf32>,
      %mul3A_766 = arith.mulf %get3A_765, %gather3A : vector<16xf32>
      %get3A_767 = arith.index_cast %scan3A_124 : i32 to index
      %get3A_768 = arith.constant 848 : index
      %get3A_769 = tpu.vector_load %arg9[%get3A_767, %get3A_768] {strides = array<i32>} : memref<16x1024xf32, #tpu.memory_space<vmem>>, vector<16xf32>,
      %mul3A_770 = arith.mulf %get3A_769, %gather3A_128 : vector<16xf32>
      %add3A_771 = arith.addf %mul3A_766, %mul3A_770 : vector<16xf32>
      %swap3A_772 = arith.index_cast %scan3A_124 : i32 to index
      %swap3A_773 = arith.constant 848 : index
      %swap3A_774 = tpu.vector_load %arg8[%swap3A_772, %swap3A_773] {strides = array<i32>} : memref<16x1024xf32, #tpu.memory_space<vmem>>, vector<16xf32>,
      tpu.vector_store %arg8[%swap3A_772, %swap3A_773], %add3A_771 {strides = array<i32>} : memref<16x1024xf32, #tpu.memory_space<vmem>>, vector<16xf32>,
      %get3A_775 = arith.index_cast %scan3A_124 : i32 to index
      %get3A_776 = arith.constant 864 : index
      %get3A_777 = tpu.vector_load %arg8[%get3A_775, %get3A_776] {strides = array<i32>} : memref<16x1024xf32, #tpu.memory_space<vmem>>, vector<16xf32>,
      %mul3A_778 = arith.mulf %get3A_777, %gather3A : vector<16xf32>
      %get3A_779 = arith.index_cast %scan3A_124 : i32 to index
      %get3A_780 = arith.constant 864 : index
      %get3A_781 = tpu.vector_load %arg9[%get3A_779, %get3A_780] {strides = array<i32>} : memref<16x1024xf32, #tpu.memory_space<vmem>>, vector<16xf32>,
      %mul3A_782 = arith.mulf %get3A_781, %gather3A_128 : vector<16xf32>
      %add3A_783 = arith.addf %mul3A_778, %mul3A_782 : vector<16xf32>
      %swap3A_784 = arith.index_cast %scan3A_124 : i32 to index
      %swap3A_785 = arith.constant 864 : index
      %swap3A_786 = tpu.vector_load %arg8[%swap3A_784, %swap3A_785] {strides = array<i32>} : memref<16x1024xf32, #tpu.memory_space<vmem>>, vector<16xf32>,
      tpu.vector_store %arg8[%swap3A_784, %swap3A_785], %add3A_783 {strides = array<i32>} : memref<16x1024xf32, #tpu.memory_space<vmem>>, vector<16xf32>,
      %get3A_787 = arith.index_cast %scan3A_124 : i32 to index
      %get3A_788 = arith.constant 880 : index
      %get3A_789 = tpu.vector_load %arg8[%get3A_787, %get3A_788] {strides = array<i32>} : memref<16x1024xf32, #tpu.memory_space<vmem>>, vector<16xf32>,
      %mul3A_790 = arith.mulf %get3A_789, %gather3A : vector<16xf32>
      %get3A_791 = arith.index_cast %scan3A_124 : i32 to index
      %get3A_792 = arith.constant 880 : index
      %get3A_793 = tpu.vector_load %arg9[%get3A_791, %get3A_792] {strides = array<i32>} : memref<16x1024xf32, #tpu.memory_space<vmem>>, vector<16xf32>,
      %mul3A_794 = arith.mulf %get3A_793, %gather3A_128 : vector<16xf32>
      %add3A_795 = arith.addf %mul3A_790, %mul3A_794 : vector<16xf32>
      %swap3A_796 = arith.index_cast %scan3A_124 : i32 to index
      %swap3A_797 = arith.constant 880 : index
      %swap3A_798 = tpu.vector_load %arg8[%swap3A_796, %swap3A_797] {strides = array<i32>} : memref<16x1024xf32, #tpu.memory_space<vmem>>, vector<16xf32>,
      tpu.vector_store %arg8[%swap3A_796, %swap3A_797], %add3A_795 {strides = array<i32>} : memref<16x1024xf32, #tpu.memory_space<vmem>>, vector<16xf32>,
      %get3A_799 = arith.index_cast %scan3A_124 : i32 to index
      %get3A_800 = arith.constant 896 : index
      %get3A_801 = tpu.vector_load %arg8[%get3A_799, %get3A_800] {strides = array<i32>} : memref<16x1024xf32, #tpu.memory_space<vmem>>, vector<16xf32>,
      %mul3A_802 = arith.mulf %get3A_801, %gather3A : vector<16xf32>
      %get3A_803 = arith.index_cast %scan3A_124 : i32 to index
      %get3A_804 = arith.constant 896 : index
      %get3A_805 = tpu.vector_load %arg9[%get3A_803, %get3A_804] {strides = array<i32>} : memref<16x1024xf32, #tpu.memory_space<vmem>>, vector<16xf32>,
      %mul3A_806 = arith.mulf %get3A_805, %gather3A_128 : vector<16xf32>
      %add3A_807 = arith.addf %mul3A_802, %mul3A_806 : vector<16xf32>
      %swap3A_808 = arith.index_cast %scan3A_124 : i32 to index
      %swap3A_809 = arith.constant 896 : index
      %swap3A_810 = tpu.vector_load %arg8[%swap3A_808, %swap3A_809] {strides = array<i32>} : memref<16x1024xf32, #tpu.memory_space<vmem>>, vector<16xf32>,
      tpu.vector_store %arg8[%swap3A_808, %swap3A_809], %add3A_807 {strides = array<i32>} : memref<16x1024xf32, #tpu.memory_space<vmem>>, vector<16xf32>,
      %get3A_811 = arith.index_cast %scan3A_124 : i32 to index
      %get3A_812 = arith.constant 912 : index
      %get3A_813 = tpu.vector_load %arg8[%get3A_811, %get3A_812] {strides = array<i32>} : memref<16x1024xf32, #tpu.memory_space<vmem>>, vector<16xf32>,
      %mul3A_814 = arith.mulf %get3A_813, %gather3A : vector<16xf32>
      %get3A_815 = arith.index_cast %scan3A_124 : i32 to index
      %get3A_816 = arith.constant 912 : index
      %get3A_817 = tpu.vector_load %arg9[%get3A_815, %get3A_816] {strides = array<i32>} : memref<16x1024xf32, #tpu.memory_space<vmem>>, vector<16xf32>,
      %mul3A_818 = arith.mulf %get3A_817, %gather3A_128 : vector<16xf32>
      %add3A_819 = arith.addf %mul3A_814, %mul3A_818 : vector<16xf32>
      %swap3A_820 = arith.index_cast %scan3A_124 : i32 to index
      %swap3A_821 = arith.constant 912 : index
      %swap3A_822 = tpu.vector_load %arg8[%swap3A_820, %swap3A_821] {strides = array<i32>} : memref<16x1024xf32, #tpu.memory_space<vmem>>, vector<16xf32>,
      tpu.vector_store %arg8[%swap3A_820, %swap3A_821], %add3A_819 {strides = array<i32>} : memref<16x1024xf32, #tpu.memory_space<vmem>>, vector<16xf32>,
      %get3A_823 = arith.index_cast %scan3A_124 : i32 to index
      %get3A_824 = arith.constant 928 : index
      %get3A_825 = tpu.vector_load %arg8[%get3A_823, %get3A_824] {strides = array<i32>} : memref<16x1024xf32, #tpu.memory_space<vmem>>, vector<16xf32>,
      %mul3A_826 = arith.mulf %get3A_825, %gather3A : vector<16xf32>
      %get3A_827 = arith.index_cast %scan3A_124 : i32 to index
      %get3A_828 = arith.constant 928 : index
      %get3A_829 = tpu.vector_load %arg9[%get3A_827, %get3A_828] {strides = array<i32>} : memref<16x1024xf32, #tpu.memory_space<vmem>>, vector<16xf32>,
      %mul3A_830 = arith.mulf %get3A_829, %gather3A_128 : vector<16xf32>
      %add3A_831 = arith.addf %mul3A_826, %mul3A_830 : vector<16xf32>
      %swap3A_832 = arith.index_cast %scan3A_124 : i32 to index
      %swap3A_833 = arith.constant 928 : index
      %swap3A_834 = tpu.vector_load %arg8[%swap3A_832, %swap3A_833] {strides = array<i32>} : memref<16x1024xf32, #tpu.memory_space<vmem>>, vector<16xf32>,
      tpu.vector_store %arg8[%swap3A_832, %swap3A_833], %add3A_831 {strides = array<i32>} : memref<16x1024xf32, #tpu.memory_space<vmem>>, vector<16xf32>,
      %get3A_835 = arith.index_cast %scan3A_124 : i32 to index
      %get3A_836 = arith.constant 944 : index
      %get3A_837 = tpu.vector_load %arg8[%get3A_835, %get3A_836] {strides = array<i32>} : memref<16x1024xf32, #tpu.memory_space<vmem>>, vector<16xf32>,
      %mul3A_838 = arith.mulf %get3A_837, %gather3A : vector<16xf32>
      %get3A_839 = arith.index_cast %scan3A_124 : i32 to index
      %get3A_840 = arith.constant 944 : index
      %get3A_841 = tpu.vector_load %arg9[%get3A_839, %get3A_840] {strides = array<i32>} : memref<16x1024xf32, #tpu.memory_space<vmem>>, vector<16xf32>,
      %mul3A_842 = arith.mulf %get3A_841, %gather3A_128 : vector<16xf32>
      %add3A_843 = arith.addf %mul3A_838, %mul3A_842 : vector<16xf32>
      %swap3A_844 = arith.index_cast %scan3A_124 : i32 to index
      %swap3A_845 = arith.constant 944 : index
      %swap3A_846 = tpu.vector_load %arg8[%swap3A_844, %swap3A_845] {strides = array<i32>} : memref<16x1024xf32, #tpu.memory_space<vmem>>, vector<16xf32>,
      tpu.vector_store %arg8[%swap3A_844, %swap3A_845], %add3A_843 {strides = array<i32>} : memref<16x1024xf32, #tpu.memory_space<vmem>>, vector<16xf32>,
      %get3A_847 = arith.index_cast %scan3A_124 : i32 to index
      %get3A_848 = arith.constant 960 : index
      %get3A_849 = tpu.vector_load %arg8[%get3A_847, %get3A_848] {strides = array<i32>} : memref<16x1024xf32, #tpu.memory_space<vmem>>, vector<16xf32>,
      %mul3A_850 = arith.mulf %get3A_849, %gather3A : vector<16xf32>
      %get3A_851 = arith.index_cast %scan3A_124 : i32 to index
      %get3A_852 = arith.constant 960 : index
      %get3A_853 = tpu.vector_load %arg9[%get3A_851, %get3A_852] {strides = array<i32>} : memref<16x1024xf32, #tpu.memory_space<vmem>>, vector<16xf32>,
      %mul3A_854 = arith.mulf %get3A_853, %gather3A_128 : vector<16xf32>
      %add3A_855 = arith.addf %mul3A_850, %mul3A_854 : vector<16xf32>
      %swap3A_856 = arith.index_cast %scan3A_124 : i32 to index
      %swap3A_857 = arith.constant 960 : index
      %swap3A_858 = tpu.vector_load %arg8[%swap3A_856, %swap3A_857] {strides = array<i32>} : memref<16x1024xf32, #tpu.memory_space<vmem>>, vector<16xf32>,
      tpu.vector_store %arg8[%swap3A_856, %swap3A_857], %add3A_855 {strides = array<i32>} : memref<16x1024xf32, #tpu.memory_space<vmem>>, vector<16xf32>,
      %get3A_859 = arith.index_cast %scan3A_124 : i32 to index
      %get3A_860 = arith.constant 976 : index
      %get3A_861 = tpu.vector_load %arg8[%get3A_859, %get3A_860] {strides = array<i32>} : memref<16x1024xf32, #tpu.memory_space<vmem>>, vector<16xf32>,
      %mul3A_862 = arith.mulf %get3A_861, %gather3A : vector<16xf32>
      %get3A_863 = arith.index_cast %scan3A_124 : i32 to index
      %get3A_864 = arith.constant 976 : index
      %get3A_865 = tpu.vector_load %arg9[%get3A_863, %get3A_864] {strides = array<i32>} : memref<16x1024xf32, #tpu.memory_space<vmem>>, vector<16xf32>,
      %mul3A_866 = arith.mulf %get3A_865, %gather3A_128 : vector<16xf32>
      %add3A_867 = arith.addf %mul3A_862, %mul3A_866 : vector<16xf32>
      %swap3A_868 = arith.index_cast %scan3A_124 : i32 to index
      %swap3A_869 = arith.constant 976 : index
      %swap3A_870 = tpu.vector_load %arg8[%swap3A_868, %swap3A_869] {strides = array<i32>} : memref<16x1024xf32, #tpu.memory_space<vmem>>, vector<16xf32>,
      tpu.vector_store %arg8[%swap3A_868, %swap3A_869], %add3A_867 {strides = array<i32>} : memref<16x1024xf32, #tpu.memory_space<vmem>>, vector<16xf32>,
      %get3A_871 = arith.index_cast %scan3A_124 : i32 to index
      %get3A_872 = arith.constant 992 : index
      %get3A_873 = tpu.vector_load %arg8[%get3A_871, %get3A_872] {strides = array<i32>} : memref<16x1024xf32, #tpu.memory_space<vmem>>, vector<16xf32>,
      %mul3A_874 = arith.mulf %get3A_873, %gather3A : vector<16xf32>
      %get3A_875 = arith.index_cast %scan3A_124 : i32 to index
      %get3A_876 = arith.constant 992 : index
      %get3A_877 = tpu.vector_load %arg9[%get3A_875, %get3A_876] {strides = array<i32>} : memref<16x1024xf32, #tpu.memory_space<vmem>>, vector<16xf32>,
      %mul3A_878 = arith.mulf %get3A_877, %gather3A_128 : vector<16xf32>
      %add3A_879 = arith.addf %mul3A_874, %mul3A_878 : vector<16xf32>
      %swap3A_880 = arith.index_cast %scan3A_124 : i32 to index
      %swap3A_881 = arith.constant 992 : index
      %swap3A_882 = tpu.vector_load %arg8[%swap3A_880, %swap3A_881] {strides = array<i32>} : memref<16x1024xf32, #tpu.memory_space<vmem>>, vector<16xf32>,
      tpu.vector_store %arg8[%swap3A_880, %swap3A_881], %add3A_879 {strides = array<i32>} : memref<16x1024xf32, #tpu.memory_space<vmem>>, vector<16xf32>,
      %get3A_883 = arith.index_cast %scan3A_124 : i32 to index
      %get3A_884 = arith.constant 1008 : index
      %get3A_885 = tpu.vector_load %arg8[%get3A_883, %get3A_884] {strides = array<i32>} : memref<16x1024xf32, #tpu.memory_space<vmem>>, vector<16xf32>,
      %mul3A_886 = arith.mulf %get3A_885, %gather3A : vector<16xf32>
      %get3A_887 = arith.index_cast %scan3A_124 : i32 to index
      %get3A_888 = arith.constant 1008 : index
      %get3A_889 = tpu.vector_load %arg9[%get3A_887, %get3A_888] {strides = array<i32>} : memref<16x1024xf32, #tpu.memory_space<vmem>>, vector<16xf32>,
      %mul3A_890 = arith.mulf %get3A_889, %gather3A_128 : vector<16xf32>
      %add3A_891 = arith.addf %mul3A_886, %mul3A_890 : vector<16xf32>
      %swap3A_892 = arith.index_cast %scan3A_124 : i32 to index
      %swap3A_893 = arith.constant 1008 : index
      %swap3A_894 = tpu.vector_load %arg8[%swap3A_892, %swap3A_893] {strides = array<i32>} : memref<16x1024xf32, #tpu.memory_space<vmem>>, vector<16xf32>,
      tpu.vector_store %arg8[%swap3A_892, %swap3A_893], %add3A_891 {strides = array<i32>} : memref<16x1024xf32, #tpu.memory_space<vmem>>, vector<16xf32>,
      %scan3A_895 = arith.constant 0 : i32
      scf.yield %scan3A_895 : i32
    }
    %scan3A_90 = arith.constant 16 : i32
    %add3A_91 = arith.constant 32 : i32
    %add3A_92 = arith.addi %mul3A_2, %add3A_91 : i32
    %dma_start3A_93 = arith.constant 0 : i32
    %dma_start3A_94 = tpu.memref_slice %arg7[%add3A_92, %dma_start3A_93] : memref<2048x1024xf32, #tpu.memory_space<hbm>> -> memref<16x1024xf32, #tpu.memory_space<hbm>>
    %dma_start3A_95 = arith.constant 0 : i32
    %dma_start3A_96 = tpu.memref_slice %arg7[%add3A_92, %dma_start3A_95] : memref<2048x1024xf32, #tpu.memory_space<hbm>> -> memref<16x1024xf32, #tpu.memory_space<hbm>>
    tpu.enqueue_dma source(%arg8 : memref<16x1024xf32, #tpu.memory_space<vmem>>) target(%dma_start3A_96 : memref<16x1024xf32, #tpu.memory_space<hbm>>) target_semaphore(%arg20 : memref<!tpu.dma_semaphore, #tpu.memory_space<semaphore_mem>>)
    %dma_wait3A_97 = arith.constant 0 : i32
    %dma_wait3A_98 = arith.constant 0 : i32
    %dma_wait3A_99 = tpu.memref_slice %arg2[%dma_wait3A_97, %dma_wait3A_98] : memref<12288x1024xf32, #tpu.memory_space<hbm>> -> memref<12288x1024xf32, #tpu.memory_space<hbm>>
    tpu.wait_indirect_dma semaphore(%arg21 : memref<!tpu.dma_semaphore, #tpu.memory_space<semaphore_mem>>) src(%dma_wait3A_99 : memref<12288x1024xf32, #tpu.memory_space<hbm>>) dst(%arg12 : memref<16x1024xf32, #tpu.memory_space<vmem>>)
    %dma_wait3A_100 = arith.constant 0 : i32
    %dma_wait3A_101 = arith.constant 0 : i32
    %dma_wait3A_102 = tpu.memref_slice %arg2[%dma_wait3A_100, %dma_wait3A_101] : memref<12288x1024xf32, #tpu.memory_space<hbm>> -> memref<12288x1024xf32, #tpu.memory_space<hbm>>
    tpu.wait_indirect_dma semaphore(%arg22 : memref<!tpu.dma_semaphore, #tpu.memory_space<semaphore_mem>>) src(%dma_wait3A_102 : memref<12288x1024xf32, #tpu.memory_space<hbm>>) dst(%arg13 : memref<16x1024xf32, #tpu.memory_space<vmem>>)
    %scan3A_103 = arith.constant 0 : i32
    %scan3A_104 = arith.constant 0 : i32
    %scan3A_105 = arith.constant 16 : i32
    %scan3A_106 = arith.addi %scan3A_104, %scan3A_105 : i32
    %scan3A_107 = arith.constant 1 : i32
    %scan3A_108 = scf.for %scan3A_124 = %scan3A_104 to %scan3A_106 step %scan3A_107 iter_args(%scan3A_125 = %scan3A_103) -> (i32)  : i32 {
      %add3A_126 = arith.constant 48 : i32
      %add3A_127 = arith.addi %add3A_126, %scan3A_124 : i32
      %broadcast_in_dim3A = vector.broadcast %add3A_127 : i32 to vector<16xi32>
      %gather3A = tpu.vector_load_idx %arg16[%broadcast_in_dim3A] : memref<64xf32, #tpu.memory_space<vmem>>[vector<16xi32>], vector<16xf32>,
      %gather3A_128 = tpu.vector_load_idx %arg17[%broadcast_in_dim3A] : memref<64xf32, #tpu.memory_space<vmem>>[vector<16xi32>], vector<16xf32>,
      %get3A = arith.index_cast %scan3A_124 : i32 to index
      %get3A_129 = arith.constant 0 : index
      %get3A_130 = tpu.vector_load %arg12[%get3A, %get3A_129] {strides = array<i32>} : memref<16x1024xf32, #tpu.memory_space<vmem>>, vector<16xf32>,
      %mul3A_131 = arith.mulf %get3A_130, %gather3A : vector<16xf32>
      %get3A_132 = arith.index_cast %scan3A_124 : i32 to index
      %get3A_133 = arith.constant 0 : index
      %get3A_134 = tpu.vector_load %arg13[%get3A_132, %get3A_133] {strides = array<i32>} : memref<16x1024xf32, #tpu.memory_space<vmem>>, vector<16xf32>,
      %mul3A_135 = arith.mulf %get3A_134, %gather3A_128 : vector<16xf32>
      %add3A_136 = arith.addf %mul3A_131, %mul3A_135 : vector<16xf32>
      %swap3A = arith.index_cast %scan3A_124 : i32 to index
      %swap3A_137 = arith.constant 0 : index
      %swap3A_138 = tpu.vector_load %arg12[%swap3A, %swap3A_137] {strides = array<i32>} : memref<16x1024xf32, #tpu.memory_space<vmem>>, vector<16xf32>,
      tpu.vector_store %arg12[%swap3A, %swap3A_137], %add3A_136 {strides = array<i32>} : memref<16x1024xf32, #tpu.memory_space<vmem>>, vector<16xf32>,
      %get3A_139 = arith.index_cast %scan3A_124 : i32 to index
      %get3A_140 = arith.constant 16 : index
      %get3A_141 = tpu.vector_load %arg12[%get3A_139, %get3A_140] {strides = array<i32>} : memref<16x1024xf32, #tpu.memory_space<vmem>>, vector<16xf32>,
      %mul3A_142 = arith.mulf %get3A_141, %gather3A : vector<16xf32>
      %get3A_143 = arith.index_cast %scan3A_124 : i32 to index
      %get3A_144 = arith.constant 16 : index
      %get3A_145 = tpu.vector_load %arg13[%get3A_143, %get3A_144] {strides = array<i32>} : memref<16x1024xf32, #tpu.memory_space<vmem>>, vector<16xf32>,
      %mul3A_146 = arith.mulf %get3A_145, %gather3A_128 : vector<16xf32>
      %add3A_147 = arith.addf %mul3A_142, %mul3A_146 : vector<16xf32>
      %swap3A_148 = arith.index_cast %scan3A_124 : i32 to index
      %swap3A_149 = arith.constant 16 : index
      %swap3A_150 = tpu.vector_load %arg12[%swap3A_148, %swap3A_149] {strides = array<i32>} : memref<16x1024xf32, #tpu.memory_space<vmem>>, vector<16xf32>,
      tpu.vector_store %arg12[%swap3A_148, %swap3A_149], %add3A_147 {strides = array<i32>} : memref<16x1024xf32, #tpu.memory_space<vmem>>, vector<16xf32>,
      %get3A_151 = arith.index_cast %scan3A_124 : i32 to index
      %get3A_152 = arith.constant 32 : index
      %get3A_153 = tpu.vector_load %arg12[%get3A_151, %get3A_152] {strides = array<i32>} : memref<16x1024xf32, #tpu.memory_space<vmem>>, vector<16xf32>,
      %mul3A_154 = arith.mulf %get3A_153, %gather3A : vector<16xf32>
      %get3A_155 = arith.index_cast %scan3A_124 : i32 to index
      %get3A_156 = arith.constant 32 : index
      %get3A_157 = tpu.vector_load %arg13[%get3A_155, %get3A_156] {strides = array<i32>} : memref<16x1024xf32, #tpu.memory_space<vmem>>, vector<16xf32>,
      %mul3A_158 = arith.mulf %get3A_157, %gather3A_128 : vector<16xf32>
      %add3A_159 = arith.addf %mul3A_154, %mul3A_158 : vector<16xf32>
      %swap3A_160 = arith.index_cast %scan3A_124 : i32 to index
      %swap3A_161 = arith.constant 32 : index
      %swap3A_162 = tpu.vector_load %arg12[%swap3A_160, %swap3A_161] {strides = array<i32>} : memref<16x1024xf32, #tpu.memory_space<vmem>>, vector<16xf32>,
      tpu.vector_store %arg12[%swap3A_160, %swap3A_161], %add3A_159 {strides = array<i32>} : memref<16x1024xf32, #tpu.memory_space<vmem>>, vector<16xf32>,
      %get3A_163 = arith.index_cast %scan3A_124 : i32 to index
      %get3A_164 = arith.constant 48 : index
      %get3A_165 = tpu.vector_load %arg12[%get3A_163, %get3A_164] {strides = array<i32>} : memref<16x1024xf32, #tpu.memory_space<vmem>>, vector<16xf32>,
      %mul3A_166 = arith.mulf %get3A_165, %gather3A : vector<16xf32>
      %get3A_167 = arith.index_cast %scan3A_124 : i32 to index
      %get3A_168 = arith.constant 48 : index
      %get3A_169 = tpu.vector_load %arg13[%get3A_167, %get3A_168] {strides = array<i32>} : memref<16x1024xf32, #tpu.memory_space<vmem>>, vector<16xf32>,
      %mul3A_170 = arith.mulf %get3A_169, %gather3A_128 : vector<16xf32>
      %add3A_171 = arith.addf %mul3A_166, %mul3A_170 : vector<16xf32>
      %swap3A_172 = arith.index_cast %scan3A_124 : i32 to index
      %swap3A_173 = arith.constant 48 : index
      %swap3A_174 = tpu.vector_load %arg12[%swap3A_172, %swap3A_173] {strides = array<i32>} : memref<16x1024xf32, #tpu.memory_space<vmem>>, vector<16xf32>,
      tpu.vector_store %arg12[%swap3A_172, %swap3A_173], %add3A_171 {strides = array<i32>} : memref<16x1024xf32, #tpu.memory_space<vmem>>, vector<16xf32>,
      %get3A_175 = arith.index_cast %scan3A_124 : i32 to index
      %get3A_176 = arith.constant 64 : index
      %get3A_177 = tpu.vector_load %arg12[%get3A_175, %get3A_176] {strides = array<i32>} : memref<16x1024xf32, #tpu.memory_space<vmem>>, vector<16xf32>,
      %mul3A_178 = arith.mulf %get3A_177, %gather3A : vector<16xf32>
      %get3A_179 = arith.index_cast %scan3A_124 : i32 to index
      %get3A_180 = arith.constant 64 : index
      %get3A_181 = tpu.vector_load %arg13[%get3A_179, %get3A_180] {strides = array<i32>} : memref<16x1024xf32, #tpu.memory_space<vmem>>, vector<16xf32>,
      %mul3A_182 = arith.mulf %get3A_181, %gather3A_128 : vector<16xf32>
      %add3A_183 = arith.addf %mul3A_178, %mul3A_182 : vector<16xf32>
      %swap3A_184 = arith.index_cast %scan3A_124 : i32 to index
      %swap3A_185 = arith.constant 64 : index
      %swap3A_186 = tpu.vector_load %arg12[%swap3A_184, %swap3A_185] {strides = array<i32>} : memref<16x1024xf32, #tpu.memory_space<vmem>>, vector<16xf32>,
      tpu.vector_store %arg12[%swap3A_184, %swap3A_185], %add3A_183 {strides = array<i32>} : memref<16x1024xf32, #tpu.memory_space<vmem>>, vector<16xf32>,
      %get3A_187 = arith.index_cast %scan3A_124 : i32 to index
      %get3A_188 = arith.constant 80 : index
      %get3A_189 = tpu.vector_load %arg12[%get3A_187, %get3A_188] {strides = array<i32>} : memref<16x1024xf32, #tpu.memory_space<vmem>>, vector<16xf32>,
      %mul3A_190 = arith.mulf %get3A_189, %gather3A : vector<16xf32>
      %get3A_191 = arith.index_cast %scan3A_124 : i32 to index
      %get3A_192 = arith.constant 80 : index
      %get3A_193 = tpu.vector_load %arg13[%get3A_191, %get3A_192] {strides = array<i32>} : memref<16x1024xf32, #tpu.memory_space<vmem>>, vector<16xf32>,
      %mul3A_194 = arith.mulf %get3A_193, %gather3A_128 : vector<16xf32>
      %add3A_195 = arith.addf %mul3A_190, %mul3A_194 : vector<16xf32>
      %swap3A_196 = arith.index_cast %scan3A_124 : i32 to index
      %swap3A_197 = arith.constant 80 : index
      %swap3A_198 = tpu.vector_load %arg12[%swap3A_196, %swap3A_197] {strides = array<i32>} : memref<16x1024xf32, #tpu.memory_space<vmem>>, vector<16xf32>,
      tpu.vector_store %arg12[%swap3A_196, %swap3A_197], %add3A_195 {strides = array<i32>} : memref<16x1024xf32, #tpu.memory_space<vmem>>, vector<16xf32>,
      %get3A_199 = arith.index_cast %scan3A_124 : i32 to index
      %get3A_200 = arith.constant 96 : index
      %get3A_201 = tpu.vector_load %arg12[%get3A_199, %get3A_200] {strides = array<i32>} : memref<16x1024xf32, #tpu.memory_space<vmem>>, vector<16xf32>,
      %mul3A_202 = arith.mulf %get3A_201, %gather3A : vector<16xf32>
      %get3A_203 = arith.index_cast %scan3A_124 : i32 to index
      %get3A_204 = arith.constant 96 : index
      %get3A_205 = tpu.vector_load %arg13[%get3A_203, %get3A_204] {strides = array<i32>} : memref<16x1024xf32, #tpu.memory_space<vmem>>, vector<16xf32>,
      %mul3A_206 = arith.mulf %get3A_205, %gather3A_128 : vector<16xf32>
      %add3A_207 = arith.addf %mul3A_202, %mul3A_206 : vector<16xf32>
      %swap3A_208 = arith.index_cast %scan3A_124 : i32 to index
      %swap3A_209 = arith.constant 96 : index
      %swap3A_210 = tpu.vector_load %arg12[%swap3A_208, %swap3A_209] {strides = array<i32>} : memref<16x1024xf32, #tpu.memory_space<vmem>>, vector<16xf32>,
      tpu.vector_store %arg12[%swap3A_208, %swap3A_209], %add3A_207 {strides = array<i32>} : memref<16x1024xf32, #tpu.memory_space<vmem>>, vector<16xf32>,
      %get3A_211 = arith.index_cast %scan3A_124 : i32 to index
      %get3A_212 = arith.constant 112 : index
      %get3A_213 = tpu.vector_load %arg12[%get3A_211, %get3A_212] {strides = array<i32>} : memref<16x1024xf32, #tpu.memory_space<vmem>>, vector<16xf32>,
      %mul3A_214 = arith.mulf %get3A_213, %gather3A : vector<16xf32>
      %get3A_215 = arith.index_cast %scan3A_124 : i32 to index
      %get3A_216 = arith.constant 112 : index
      %get3A_217 = tpu.vector_load %arg13[%get3A_215, %get3A_216] {strides = array<i32>} : memref<16x1024xf32, #tpu.memory_space<vmem>>, vector<16xf32>,
      %mul3A_218 = arith.mulf %get3A_217, %gather3A_128 : vector<16xf32>
      %add3A_219 = arith.addf %mul3A_214, %mul3A_218 : vector<16xf32>
      %swap3A_220 = arith.index_cast %scan3A_124 : i32 to index
      %swap3A_221 = arith.constant 112 : index
      %swap3A_222 = tpu.vector_load %arg12[%swap3A_220, %swap3A_221] {strides = array<i32>} : memref<16x1024xf32, #tpu.memory_space<vmem>>, vector<16xf32>,
      tpu.vector_store %arg12[%swap3A_220, %swap3A_221], %add3A_219 {strides = array<i32>} : memref<16x1024xf32, #tpu.memory_space<vmem>>, vector<16xf32>,
      %get3A_223 = arith.index_cast %scan3A_124 : i32 to index
      %get3A_224 = arith.constant 128 : index
      %get3A_225 = tpu.vector_load %arg12[%get3A_223, %get3A_224] {strides = array<i32>} : memref<16x1024xf32, #tpu.memory_space<vmem>>, vector<16xf32>,
      %mul3A_226 = arith.mulf %get3A_225, %gather3A : vector<16xf32>
      %get3A_227 = arith.index_cast %scan3A_124 : i32 to index
      %get3A_228 = arith.constant 128 : index
      %get3A_229 = tpu.vector_load %arg13[%get3A_227, %get3A_228] {strides = array<i32>} : memref<16x1024xf32, #tpu.memory_space<vmem>>, vector<16xf32>,
      %mul3A_230 = arith.mulf %get3A_229, %gather3A_128 : vector<16xf32>
      %add3A_231 = arith.addf %mul3A_226, %mul3A_230 : vector<16xf32>
      %swap3A_232 = arith.index_cast %scan3A_124 : i32 to index
      %swap3A_233 = arith.constant 128 : index
      %swap3A_234 = tpu.vector_load %arg12[%swap3A_232, %swap3A_233] {strides = array<i32>} : memref<16x1024xf32, #tpu.memory_space<vmem>>, vector<16xf32>,
      tpu.vector_store %arg12[%swap3A_232, %swap3A_233], %add3A_231 {strides = array<i32>} : memref<16x1024xf32, #tpu.memory_space<vmem>>, vector<16xf32>,
      %get3A_235 = arith.index_cast %scan3A_124 : i32 to index
      %get3A_236 = arith.constant 144 : index
      %get3A_237 = tpu.vector_load %arg12[%get3A_235, %get3A_236] {strides = array<i32>} : memref<16x1024xf32, #tpu.memory_space<vmem>>, vector<16xf32>,
      %mul3A_238 = arith.mulf %get3A_237, %gather3A : vector<16xf32>
      %get3A_239 = arith.index_cast %scan3A_124 : i32 to index
      %get3A_240 = arith.constant 144 : index
      %get3A_241 = tpu.vector_load %arg13[%get3A_239, %get3A_240] {strides = array<i32>} : memref<16x1024xf32, #tpu.memory_space<vmem>>, vector<16xf32>,
      %mul3A_242 = arith.mulf %get3A_241, %gather3A_128 : vector<16xf32>
      %add3A_243 = arith.addf %mul3A_238, %mul3A_242 : vector<16xf32>
      %swap3A_244 = arith.index_cast %scan3A_124 : i32 to index
      %swap3A_245 = arith.constant 144 : index
      %swap3A_246 = tpu.vector_load %arg12[%swap3A_244, %swap3A_245] {strides = array<i32>} : memref<16x1024xf32, #tpu.memory_space<vmem>>, vector<16xf32>,
      tpu.vector_store %arg12[%swap3A_244, %swap3A_245], %add3A_243 {strides = array<i32>} : memref<16x1024xf32, #tpu.memory_space<vmem>>, vector<16xf32>,
      %get3A_247 = arith.index_cast %scan3A_124 : i32 to index
      %get3A_248 = arith.constant 160 : index
      %get3A_249 = tpu.vector_load %arg12[%get3A_247, %get3A_248] {strides = array<i32>} : memref<16x1024xf32, #tpu.memory_space<vmem>>, vector<16xf32>,
      %mul3A_250 = arith.mulf %get3A_249, %gather3A : vector<16xf32>
      %get3A_251 = arith.index_cast %scan3A_124 : i32 to index
      %get3A_252 = arith.constant 160 : index
      %get3A_253 = tpu.vector_load %arg13[%get3A_251, %get3A_252] {strides = array<i32>} : memref<16x1024xf32, #tpu.memory_space<vmem>>, vector<16xf32>,
      %mul3A_254 = arith.mulf %get3A_253, %gather3A_128 : vector<16xf32>
      %add3A_255 = arith.addf %mul3A_250, %mul3A_254 : vector<16xf32>
      %swap3A_256 = arith.index_cast %scan3A_124 : i32 to index
      %swap3A_257 = arith.constant 160 : index
      %swap3A_258 = tpu.vector_load %arg12[%swap3A_256, %swap3A_257] {strides = array<i32>} : memref<16x1024xf32, #tpu.memory_space<vmem>>, vector<16xf32>,
      tpu.vector_store %arg12[%swap3A_256, %swap3A_257], %add3A_255 {strides = array<i32>} : memref<16x1024xf32, #tpu.memory_space<vmem>>, vector<16xf32>,
      %get3A_259 = arith.index_cast %scan3A_124 : i32 to index
      %get3A_260 = arith.constant 176 : index
      %get3A_261 = tpu.vector_load %arg12[%get3A_259, %get3A_260] {strides = array<i32>} : memref<16x1024xf32, #tpu.memory_space<vmem>>, vector<16xf32>,
      %mul3A_262 = arith.mulf %get3A_261, %gather3A : vector<16xf32>
      %get3A_263 = arith.index_cast %scan3A_124 : i32 to index
      %get3A_264 = arith.constant 176 : index
      %get3A_265 = tpu.vector_load %arg13[%get3A_263, %get3A_264] {strides = array<i32>} : memref<16x1024xf32, #tpu.memory_space<vmem>>, vector<16xf32>,
      %mul3A_266 = arith.mulf %get3A_265, %gather3A_128 : vector<16xf32>
      %add3A_267 = arith.addf %mul3A_262, %mul3A_266 : vector<16xf32>
      %swap3A_268 = arith.index_cast %scan3A_124 : i32 to index
      %swap3A_269 = arith.constant 176 : index
      %swap3A_270 = tpu.vector_load %arg12[%swap3A_268, %swap3A_269] {strides = array<i32>} : memref<16x1024xf32, #tpu.memory_space<vmem>>, vector<16xf32>,
      tpu.vector_store %arg12[%swap3A_268, %swap3A_269], %add3A_267 {strides = array<i32>} : memref<16x1024xf32, #tpu.memory_space<vmem>>, vector<16xf32>,
      %get3A_271 = arith.index_cast %scan3A_124 : i32 to index
      %get3A_272 = arith.constant 192 : index
      %get3A_273 = tpu.vector_load %arg12[%get3A_271, %get3A_272] {strides = array<i32>} : memref<16x1024xf32, #tpu.memory_space<vmem>>, vector<16xf32>,
      %mul3A_274 = arith.mulf %get3A_273, %gather3A : vector<16xf32>
      %get3A_275 = arith.index_cast %scan3A_124 : i32 to index
      %get3A_276 = arith.constant 192 : index
      %get3A_277 = tpu.vector_load %arg13[%get3A_275, %get3A_276] {strides = array<i32>} : memref<16x1024xf32, #tpu.memory_space<vmem>>, vector<16xf32>,
      %mul3A_278 = arith.mulf %get3A_277, %gather3A_128 : vector<16xf32>
      %add3A_279 = arith.addf %mul3A_274, %mul3A_278 : vector<16xf32>
      %swap3A_280 = arith.index_cast %scan3A_124 : i32 to index
      %swap3A_281 = arith.constant 192 : index
      %swap3A_282 = tpu.vector_load %arg12[%swap3A_280, %swap3A_281] {strides = array<i32>} : memref<16x1024xf32, #tpu.memory_space<vmem>>, vector<16xf32>,
      tpu.vector_store %arg12[%swap3A_280, %swap3A_281], %add3A_279 {strides = array<i32>} : memref<16x1024xf32, #tpu.memory_space<vmem>>, vector<16xf32>,
      %get3A_283 = arith.index_cast %scan3A_124 : i32 to index
      %get3A_284 = arith.constant 208 : index
      %get3A_285 = tpu.vector_load %arg12[%get3A_283, %get3A_284] {strides = array<i32>} : memref<16x1024xf32, #tpu.memory_space<vmem>>, vector<16xf32>,
      %mul3A_286 = arith.mulf %get3A_285, %gather3A : vector<16xf32>
      %get3A_287 = arith.index_cast %scan3A_124 : i32 to index
      %get3A_288 = arith.constant 208 : index
      %get3A_289 = tpu.vector_load %arg13[%get3A_287, %get3A_288] {strides = array<i32>} : memref<16x1024xf32, #tpu.memory_space<vmem>>, vector<16xf32>,
      %mul3A_290 = arith.mulf %get3A_289, %gather3A_128 : vector<16xf32>
      %add3A_291 = arith.addf %mul3A_286, %mul3A_290 : vector<16xf32>
      %swap3A_292 = arith.index_cast %scan3A_124 : i32 to index
      %swap3A_293 = arith.constant 208 : index
      %swap3A_294 = tpu.vector_load %arg12[%swap3A_292, %swap3A_293] {strides = array<i32>} : memref<16x1024xf32, #tpu.memory_space<vmem>>, vector<16xf32>,
      tpu.vector_store %arg12[%swap3A_292, %swap3A_293], %add3A_291 {strides = array<i32>} : memref<16x1024xf32, #tpu.memory_space<vmem>>, vector<16xf32>,
      %get3A_295 = arith.index_cast %scan3A_124 : i32 to index
      %get3A_296 = arith.constant 224 : index
      %get3A_297 = tpu.vector_load %arg12[%get3A_295, %get3A_296] {strides = array<i32>} : memref<16x1024xf32, #tpu.memory_space<vmem>>, vector<16xf32>,
      %mul3A_298 = arith.mulf %get3A_297, %gather3A : vector<16xf32>
      %get3A_299 = arith.index_cast %scan3A_124 : i32 to index
      %get3A_300 = arith.constant 224 : index
      %get3A_301 = tpu.vector_load %arg13[%get3A_299, %get3A_300] {strides = array<i32>} : memref<16x1024xf32, #tpu.memory_space<vmem>>, vector<16xf32>,
      %mul3A_302 = arith.mulf %get3A_301, %gather3A_128 : vector<16xf32>
      %add3A_303 = arith.addf %mul3A_298, %mul3A_302 : vector<16xf32>
      %swap3A_304 = arith.index_cast %scan3A_124 : i32 to index
      %swap3A_305 = arith.constant 224 : index
      %swap3A_306 = tpu.vector_load %arg12[%swap3A_304, %swap3A_305] {strides = array<i32>} : memref<16x1024xf32, #tpu.memory_space<vmem>>, vector<16xf32>,
      tpu.vector_store %arg12[%swap3A_304, %swap3A_305], %add3A_303 {strides = array<i32>} : memref<16x1024xf32, #tpu.memory_space<vmem>>, vector<16xf32>,
      %get3A_307 = arith.index_cast %scan3A_124 : i32 to index
      %get3A_308 = arith.constant 240 : index
      %get3A_309 = tpu.vector_load %arg12[%get3A_307, %get3A_308] {strides = array<i32>} : memref<16x1024xf32, #tpu.memory_space<vmem>>, vector<16xf32>,
      %mul3A_310 = arith.mulf %get3A_309, %gather3A : vector<16xf32>
      %get3A_311 = arith.index_cast %scan3A_124 : i32 to index
      %get3A_312 = arith.constant 240 : index
      %get3A_313 = tpu.vector_load %arg13[%get3A_311, %get3A_312] {strides = array<i32>} : memref<16x1024xf32, #tpu.memory_space<vmem>>, vector<16xf32>,
      %mul3A_314 = arith.mulf %get3A_313, %gather3A_128 : vector<16xf32>
      %add3A_315 = arith.addf %mul3A_310, %mul3A_314 : vector<16xf32>
      %swap3A_316 = arith.index_cast %scan3A_124 : i32 to index
      %swap3A_317 = arith.constant 240 : index
      %swap3A_318 = tpu.vector_load %arg12[%swap3A_316, %swap3A_317] {strides = array<i32>} : memref<16x1024xf32, #tpu.memory_space<vmem>>, vector<16xf32>,
      tpu.vector_store %arg12[%swap3A_316, %swap3A_317], %add3A_315 {strides = array<i32>} : memref<16x1024xf32, #tpu.memory_space<vmem>>, vector<16xf32>,
      %get3A_319 = arith.index_cast %scan3A_124 : i32 to index
      %get3A_320 = arith.constant 256 : index
      %get3A_321 = tpu.vector_load %arg12[%get3A_319, %get3A_320] {strides = array<i32>} : memref<16x1024xf32, #tpu.memory_space<vmem>>, vector<16xf32>,
      %mul3A_322 = arith.mulf %get3A_321, %gather3A : vector<16xf32>
      %get3A_323 = arith.index_cast %scan3A_124 : i32 to index
      %get3A_324 = arith.constant 256 : index
      %get3A_325 = tpu.vector_load %arg13[%get3A_323, %get3A_324] {strides = array<i32>} : memref<16x1024xf32, #tpu.memory_space<vmem>>, vector<16xf32>,
      %mul3A_326 = arith.mulf %get3A_325, %gather3A_128 : vector<16xf32>
      %add3A_327 = arith.addf %mul3A_322, %mul3A_326 : vector<16xf32>
      %swap3A_328 = arith.index_cast %scan3A_124 : i32 to index
      %swap3A_329 = arith.constant 256 : index
      %swap3A_330 = tpu.vector_load %arg12[%swap3A_328, %swap3A_329] {strides = array<i32>} : memref<16x1024xf32, #tpu.memory_space<vmem>>, vector<16xf32>,
      tpu.vector_store %arg12[%swap3A_328, %swap3A_329], %add3A_327 {strides = array<i32>} : memref<16x1024xf32, #tpu.memory_space<vmem>>, vector<16xf32>,
      %get3A_331 = arith.index_cast %scan3A_124 : i32 to index
      %get3A_332 = arith.constant 272 : index
      %get3A_333 = tpu.vector_load %arg12[%get3A_331, %get3A_332] {strides = array<i32>} : memref<16x1024xf32, #tpu.memory_space<vmem>>, vector<16xf32>,
      %mul3A_334 = arith.mulf %get3A_333, %gather3A : vector<16xf32>
      %get3A_335 = arith.index_cast %scan3A_124 : i32 to index
      %get3A_336 = arith.constant 272 : index
      %get3A_337 = tpu.vector_load %arg13[%get3A_335, %get3A_336] {strides = array<i32>} : memref<16x1024xf32, #tpu.memory_space<vmem>>, vector<16xf32>,
      %mul3A_338 = arith.mulf %get3A_337, %gather3A_128 : vector<16xf32>
      %add3A_339 = arith.addf %mul3A_334, %mul3A_338 : vector<16xf32>
      %swap3A_340 = arith.index_cast %scan3A_124 : i32 to index
      %swap3A_341 = arith.constant 272 : index
      %swap3A_342 = tpu.vector_load %arg12[%swap3A_340, %swap3A_341] {strides = array<i32>} : memref<16x1024xf32, #tpu.memory_space<vmem>>, vector<16xf32>,
      tpu.vector_store %arg12[%swap3A_340, %swap3A_341], %add3A_339 {strides = array<i32>} : memref<16x1024xf32, #tpu.memory_space<vmem>>, vector<16xf32>,
      %get3A_343 = arith.index_cast %scan3A_124 : i32 to index
      %get3A_344 = arith.constant 288 : index
      %get3A_345 = tpu.vector_load %arg12[%get3A_343, %get3A_344] {strides = array<i32>} : memref<16x1024xf32, #tpu.memory_space<vmem>>, vector<16xf32>,
      %mul3A_346 = arith.mulf %get3A_345, %gather3A : vector<16xf32>
      %get3A_347 = arith.index_cast %scan3A_124 : i32 to index
      %get3A_348 = arith.constant 288 : index
      %get3A_349 = tpu.vector_load %arg13[%get3A_347, %get3A_348] {strides = array<i32>} : memref<16x1024xf32, #tpu.memory_space<vmem>>, vector<16xf32>,
      %mul3A_350 = arith.mulf %get3A_349, %gather3A_128 : vector<16xf32>
      %add3A_351 = arith.addf %mul3A_346, %mul3A_350 : vector<16xf32>
      %swap3A_352 = arith.index_cast %scan3A_124 : i32 to index
      %swap3A_353 = arith.constant 288 : index
      %swap3A_354 = tpu.vector_load %arg12[%swap3A_352, %swap3A_353] {strides = array<i32>} : memref<16x1024xf32, #tpu.memory_space<vmem>>, vector<16xf32>,
      tpu.vector_store %arg12[%swap3A_352, %swap3A_353], %add3A_351 {strides = array<i32>} : memref<16x1024xf32, #tpu.memory_space<vmem>>, vector<16xf32>,
      %get3A_355 = arith.index_cast %scan3A_124 : i32 to index
      %get3A_356 = arith.constant 304 : index
      %get3A_357 = tpu.vector_load %arg12[%get3A_355, %get3A_356] {strides = array<i32>} : memref<16x1024xf32, #tpu.memory_space<vmem>>, vector<16xf32>,
      %mul3A_358 = arith.mulf %get3A_357, %gather3A : vector<16xf32>
      %get3A_359 = arith.index_cast %scan3A_124 : i32 to index
      %get3A_360 = arith.constant 304 : index
      %get3A_361 = tpu.vector_load %arg13[%get3A_359, %get3A_360] {strides = array<i32>} : memref<16x1024xf32, #tpu.memory_space<vmem>>, vector<16xf32>,
      %mul3A_362 = arith.mulf %get3A_361, %gather3A_128 : vector<16xf32>
      %add3A_363 = arith.addf %mul3A_358, %mul3A_362 : vector<16xf32>
      %swap3A_364 = arith.index_cast %scan3A_124 : i32 to index
      %swap3A_365 = arith.constant 304 : index
      %swap3A_366 = tpu.vector_load %arg12[%swap3A_364, %swap3A_365] {strides = array<i32>} : memref<16x1024xf32, #tpu.memory_space<vmem>>, vector<16xf32>,
      tpu.vector_store %arg12[%swap3A_364, %swap3A_365], %add3A_363 {strides = array<i32>} : memref<16x1024xf32, #tpu.memory_space<vmem>>, vector<16xf32>,
      %get3A_367 = arith.index_cast %scan3A_124 : i32 to index
      %get3A_368 = arith.constant 320 : index
      %get3A_369 = tpu.vector_load %arg12[%get3A_367, %get3A_368] {strides = array<i32>} : memref<16x1024xf32, #tpu.memory_space<vmem>>, vector<16xf32>,
      %mul3A_370 = arith.mulf %get3A_369, %gather3A : vector<16xf32>
      %get3A_371 = arith.index_cast %scan3A_124 : i32 to index
      %get3A_372 = arith.constant 320 : index
      %get3A_373 = tpu.vector_load %arg13[%get3A_371, %get3A_372] {strides = array<i32>} : memref<16x1024xf32, #tpu.memory_space<vmem>>, vector<16xf32>,
      %mul3A_374 = arith.mulf %get3A_373, %gather3A_128 : vector<16xf32>
      %add3A_375 = arith.addf %mul3A_370, %mul3A_374 : vector<16xf32>
      %swap3A_376 = arith.index_cast %scan3A_124 : i32 to index
      %swap3A_377 = arith.constant 320 : index
      %swap3A_378 = tpu.vector_load %arg12[%swap3A_376, %swap3A_377] {strides = array<i32>} : memref<16x1024xf32, #tpu.memory_space<vmem>>, vector<16xf32>,
      tpu.vector_store %arg12[%swap3A_376, %swap3A_377], %add3A_375 {strides = array<i32>} : memref<16x1024xf32, #tpu.memory_space<vmem>>, vector<16xf32>,
      %get3A_379 = arith.index_cast %scan3A_124 : i32 to index
      %get3A_380 = arith.constant 336 : index
      %get3A_381 = tpu.vector_load %arg12[%get3A_379, %get3A_380] {strides = array<i32>} : memref<16x1024xf32, #tpu.memory_space<vmem>>, vector<16xf32>,
      %mul3A_382 = arith.mulf %get3A_381, %gather3A : vector<16xf32>
      %get3A_383 = arith.index_cast %scan3A_124 : i32 to index
      %get3A_384 = arith.constant 336 : index
      %get3A_385 = tpu.vector_load %arg13[%get3A_383, %get3A_384] {strides = array<i32>} : memref<16x1024xf32, #tpu.memory_space<vmem>>, vector<16xf32>,
      %mul3A_386 = arith.mulf %get3A_385, %gather3A_128 : vector<16xf32>
      %add3A_387 = arith.addf %mul3A_382, %mul3A_386 : vector<16xf32>
      %swap3A_388 = arith.index_cast %scan3A_124 : i32 to index
      %swap3A_389 = arith.constant 336 : index
      %swap3A_390 = tpu.vector_load %arg12[%swap3A_388, %swap3A_389] {strides = array<i32>} : memref<16x1024xf32, #tpu.memory_space<vmem>>, vector<16xf32>,
      tpu.vector_store %arg12[%swap3A_388, %swap3A_389], %add3A_387 {strides = array<i32>} : memref<16x1024xf32, #tpu.memory_space<vmem>>, vector<16xf32>,
      %get3A_391 = arith.index_cast %scan3A_124 : i32 to index
      %get3A_392 = arith.constant 352 : index
      %get3A_393 = tpu.vector_load %arg12[%get3A_391, %get3A_392] {strides = array<i32>} : memref<16x1024xf32, #tpu.memory_space<vmem>>, vector<16xf32>,
      %mul3A_394 = arith.mulf %get3A_393, %gather3A : vector<16xf32>
      %get3A_395 = arith.index_cast %scan3A_124 : i32 to index
      %get3A_396 = arith.constant 352 : index
      %get3A_397 = tpu.vector_load %arg13[%get3A_395, %get3A_396] {strides = array<i32>} : memref<16x1024xf32, #tpu.memory_space<vmem>>, vector<16xf32>,
      %mul3A_398 = arith.mulf %get3A_397, %gather3A_128 : vector<16xf32>
      %add3A_399 = arith.addf %mul3A_394, %mul3A_398 : vector<16xf32>
      %swap3A_400 = arith.index_cast %scan3A_124 : i32 to index
      %swap3A_401 = arith.constant 352 : index
      %swap3A_402 = tpu.vector_load %arg12[%swap3A_400, %swap3A_401] {strides = array<i32>} : memref<16x1024xf32, #tpu.memory_space<vmem>>, vector<16xf32>,
      tpu.vector_store %arg12[%swap3A_400, %swap3A_401], %add3A_399 {strides = array<i32>} : memref<16x1024xf32, #tpu.memory_space<vmem>>, vector<16xf32>,
      %get3A_403 = arith.index_cast %scan3A_124 : i32 to index
      %get3A_404 = arith.constant 368 : index
      %get3A_405 = tpu.vector_load %arg12[%get3A_403, %get3A_404] {strides = array<i32>} : memref<16x1024xf32, #tpu.memory_space<vmem>>, vector<16xf32>,
      %mul3A_406 = arith.mulf %get3A_405, %gather3A : vector<16xf32>
      %get3A_407 = arith.index_cast %scan3A_124 : i32 to index
      %get3A_408 = arith.constant 368 : index
      %get3A_409 = tpu.vector_load %arg13[%get3A_407, %get3A_408] {strides = array<i32>} : memref<16x1024xf32, #tpu.memory_space<vmem>>, vector<16xf32>,
      %mul3A_410 = arith.mulf %get3A_409, %gather3A_128 : vector<16xf32>
      %add3A_411 = arith.addf %mul3A_406, %mul3A_410 : vector<16xf32>
      %swap3A_412 = arith.index_cast %scan3A_124 : i32 to index
      %swap3A_413 = arith.constant 368 : index
      %swap3A_414 = tpu.vector_load %arg12[%swap3A_412, %swap3A_413] {strides = array<i32>} : memref<16x1024xf32, #tpu.memory_space<vmem>>, vector<16xf32>,
      tpu.vector_store %arg12[%swap3A_412, %swap3A_413], %add3A_411 {strides = array<i32>} : memref<16x1024xf32, #tpu.memory_space<vmem>>, vector<16xf32>,
      %get3A_415 = arith.index_cast %scan3A_124 : i32 to index
      %get3A_416 = arith.constant 384 : index
      %get3A_417 = tpu.vector_load %arg12[%get3A_415, %get3A_416] {strides = array<i32>} : memref<16x1024xf32, #tpu.memory_space<vmem>>, vector<16xf32>,
      %mul3A_418 = arith.mulf %get3A_417, %gather3A : vector<16xf32>
      %get3A_419 = arith.index_cast %scan3A_124 : i32 to index
      %get3A_420 = arith.constant 384 : index
      %get3A_421 = tpu.vector_load %arg13[%get3A_419, %get3A_420] {strides = array<i32>} : memref<16x1024xf32, #tpu.memory_space<vmem>>, vector<16xf32>,
      %mul3A_422 = arith.mulf %get3A_421, %gather3A_128 : vector<16xf32>
      %add3A_423 = arith.addf %mul3A_418, %mul3A_422 : vector<16xf32>
      %swap3A_424 = arith.index_cast %scan3A_124 : i32 to index
      %swap3A_425 = arith.constant 384 : index
      %swap3A_426 = tpu.vector_load %arg12[%swap3A_424, %swap3A_425] {strides = array<i32>} : memref<16x1024xf32, #tpu.memory_space<vmem>>, vector<16xf32>,
      tpu.vector_store %arg12[%swap3A_424, %swap3A_425], %add3A_423 {strides = array<i32>} : memref<16x1024xf32, #tpu.memory_space<vmem>>, vector<16xf32>,
      %get3A_427 = arith.index_cast %scan3A_124 : i32 to index
      %get3A_428 = arith.constant 400 : index
      %get3A_429 = tpu.vector_load %arg12[%get3A_427, %get3A_428] {strides = array<i32>} : memref<16x1024xf32, #tpu.memory_space<vmem>>, vector<16xf32>,
      %mul3A_430 = arith.mulf %get3A_429, %gather3A : vector<16xf32>
      %get3A_431 = arith.index_cast %scan3A_124 : i32 to index
      %get3A_432 = arith.constant 400 : index
      %get3A_433 = tpu.vector_load %arg13[%get3A_431, %get3A_432] {strides = array<i32>} : memref<16x1024xf32, #tpu.memory_space<vmem>>, vector<16xf32>,
      %mul3A_434 = arith.mulf %get3A_433, %gather3A_128 : vector<16xf32>
      %add3A_435 = arith.addf %mul3A_430, %mul3A_434 : vector<16xf32>
      %swap3A_436 = arith.index_cast %scan3A_124 : i32 to index
      %swap3A_437 = arith.constant 400 : index
      %swap3A_438 = tpu.vector_load %arg12[%swap3A_436, %swap3A_437] {strides = array<i32>} : memref<16x1024xf32, #tpu.memory_space<vmem>>, vector<16xf32>,
      tpu.vector_store %arg12[%swap3A_436, %swap3A_437], %add3A_435 {strides = array<i32>} : memref<16x1024xf32, #tpu.memory_space<vmem>>, vector<16xf32>,
      %get3A_439 = arith.index_cast %scan3A_124 : i32 to index
      %get3A_440 = arith.constant 416 : index
      %get3A_441 = tpu.vector_load %arg12[%get3A_439, %get3A_440] {strides = array<i32>} : memref<16x1024xf32, #tpu.memory_space<vmem>>, vector<16xf32>,
      %mul3A_442 = arith.mulf %get3A_441, %gather3A : vector<16xf32>
      %get3A_443 = arith.index_cast %scan3A_124 : i32 to index
      %get3A_444 = arith.constant 416 : index
      %get3A_445 = tpu.vector_load %arg13[%get3A_443, %get3A_444] {strides = array<i32>} : memref<16x1024xf32, #tpu.memory_space<vmem>>, vector<16xf32>,
      %mul3A_446 = arith.mulf %get3A_445, %gather3A_128 : vector<16xf32>
      %add3A_447 = arith.addf %mul3A_442, %mul3A_446 : vector<16xf32>
      %swap3A_448 = arith.index_cast %scan3A_124 : i32 to index
      %swap3A_449 = arith.constant 416 : index
      %swap3A_450 = tpu.vector_load %arg12[%swap3A_448, %swap3A_449] {strides = array<i32>} : memref<16x1024xf32, #tpu.memory_space<vmem>>, vector<16xf32>,
      tpu.vector_store %arg12[%swap3A_448, %swap3A_449], %add3A_447 {strides = array<i32>} : memref<16x1024xf32, #tpu.memory_space<vmem>>, vector<16xf32>,
      %get3A_451 = arith.index_cast %scan3A_124 : i32 to index
      %get3A_452 = arith.constant 432 : index
      %get3A_453 = tpu.vector_load %arg12[%get3A_451, %get3A_452] {strides = array<i32>} : memref<16x1024xf32, #tpu.memory_space<vmem>>, vector<16xf32>,
      %mul3A_454 = arith.mulf %get3A_453, %gather3A : vector<16xf32>
      %get3A_455 = arith.index_cast %scan3A_124 : i32 to index
      %get3A_456 = arith.constant 432 : index
      %get3A_457 = tpu.vector_load %arg13[%get3A_455, %get3A_456] {strides = array<i32>} : memref<16x1024xf32, #tpu.memory_space<vmem>>, vector<16xf32>,
      %mul3A_458 = arith.mulf %get3A_457, %gather3A_128 : vector<16xf32>
      %add3A_459 = arith.addf %mul3A_454, %mul3A_458 : vector<16xf32>
      %swap3A_460 = arith.index_cast %scan3A_124 : i32 to index
      %swap3A_461 = arith.constant 432 : index
      %swap3A_462 = tpu.vector_load %arg12[%swap3A_460, %swap3A_461] {strides = array<i32>} : memref<16x1024xf32, #tpu.memory_space<vmem>>, vector<16xf32>,
      tpu.vector_store %arg12[%swap3A_460, %swap3A_461], %add3A_459 {strides = array<i32>} : memref<16x1024xf32, #tpu.memory_space<vmem>>, vector<16xf32>,
      %get3A_463 = arith.index_cast %scan3A_124 : i32 to index
      %get3A_464 = arith.constant 448 : index
      %get3A_465 = tpu.vector_load %arg12[%get3A_463, %get3A_464] {strides = array<i32>} : memref<16x1024xf32, #tpu.memory_space<vmem>>, vector<16xf32>,
      %mul3A_466 = arith.mulf %get3A_465, %gather3A : vector<16xf32>
      %get3A_467 = arith.index_cast %scan3A_124 : i32 to index
      %get3A_468 = arith.constant 448 : index
      %get3A_469 = tpu.vector_load %arg13[%get3A_467, %get3A_468] {strides = array<i32>} : memref<16x1024xf32, #tpu.memory_space<vmem>>, vector<16xf32>,
      %mul3A_470 = arith.mulf %get3A_469, %gather3A_128 : vector<16xf32>
      %add3A_471 = arith.addf %mul3A_466, %mul3A_470 : vector<16xf32>
      %swap3A_472 = arith.index_cast %scan3A_124 : i32 to index
      %swap3A_473 = arith.constant 448 : index
      %swap3A_474 = tpu.vector_load %arg12[%swap3A_472, %swap3A_473] {strides = array<i32>} : memref<16x1024xf32, #tpu.memory_space<vmem>>, vector<16xf32>,
      tpu.vector_store %arg12[%swap3A_472, %swap3A_473], %add3A_471 {strides = array<i32>} : memref<16x1024xf32, #tpu.memory_space<vmem>>, vector<16xf32>,
      %get3A_475 = arith.index_cast %scan3A_124 : i32 to index
      %get3A_476 = arith.constant 464 : index
      %get3A_477 = tpu.vector_load %arg12[%get3A_475, %get3A_476] {strides = array<i32>} : memref<16x1024xf32, #tpu.memory_space<vmem>>, vector<16xf32>,
      %mul3A_478 = arith.mulf %get3A_477, %gather3A : vector<16xf32>
      %get3A_479 = arith.index_cast %scan3A_124 : i32 to index
      %get3A_480 = arith.constant 464 : index
      %get3A_481 = tpu.vector_load %arg13[%get3A_479, %get3A_480] {strides = array<i32>} : memref<16x1024xf32, #tpu.memory_space<vmem>>, vector<16xf32>,
      %mul3A_482 = arith.mulf %get3A_481, %gather3A_128 : vector<16xf32>
      %add3A_483 = arith.addf %mul3A_478, %mul3A_482 : vector<16xf32>
      %swap3A_484 = arith.index_cast %scan3A_124 : i32 to index
      %swap3A_485 = arith.constant 464 : index
      %swap3A_486 = tpu.vector_load %arg12[%swap3A_484, %swap3A_485] {strides = array<i32>} : memref<16x1024xf32, #tpu.memory_space<vmem>>, vector<16xf32>,
      tpu.vector_store %arg12[%swap3A_484, %swap3A_485], %add3A_483 {strides = array<i32>} : memref<16x1024xf32, #tpu.memory_space<vmem>>, vector<16xf32>,
      %get3A_487 = arith.index_cast %scan3A_124 : i32 to index
      %get3A_488 = arith.constant 480 : index
      %get3A_489 = tpu.vector_load %arg12[%get3A_487, %get3A_488] {strides = array<i32>} : memref<16x1024xf32, #tpu.memory_space<vmem>>, vector<16xf32>,
      %mul3A_490 = arith.mulf %get3A_489, %gather3A : vector<16xf32>
      %get3A_491 = arith.index_cast %scan3A_124 : i32 to index
      %get3A_492 = arith.constant 480 : index
      %get3A_493 = tpu.vector_load %arg13[%get3A_491, %get3A_492] {strides = array<i32>} : memref<16x1024xf32, #tpu.memory_space<vmem>>, vector<16xf32>,
      %mul3A_494 = arith.mulf %get3A_493, %gather3A_128 : vector<16xf32>
      %add3A_495 = arith.addf %mul3A_490, %mul3A_494 : vector<16xf32>
      %swap3A_496 = arith.index_cast %scan3A_124 : i32 to index
      %swap3A_497 = arith.constant 480 : index
      %swap3A_498 = tpu.vector_load %arg12[%swap3A_496, %swap3A_497] {strides = array<i32>} : memref<16x1024xf32, #tpu.memory_space<vmem>>, vector<16xf32>,
      tpu.vector_store %arg12[%swap3A_496, %swap3A_497], %add3A_495 {strides = array<i32>} : memref<16x1024xf32, #tpu.memory_space<vmem>>, vector<16xf32>,
      %get3A_499 = arith.index_cast %scan3A_124 : i32 to index
      %get3A_500 = arith.constant 496 : index
      %get3A_501 = tpu.vector_load %arg12[%get3A_499, %get3A_500] {strides = array<i32>} : memref<16x1024xf32, #tpu.memory_space<vmem>>, vector<16xf32>,
      %mul3A_502 = arith.mulf %get3A_501, %gather3A : vector<16xf32>
      %get3A_503 = arith.index_cast %scan3A_124 : i32 to index
      %get3A_504 = arith.constant 496 : index
      %get3A_505 = tpu.vector_load %arg13[%get3A_503, %get3A_504] {strides = array<i32>} : memref<16x1024xf32, #tpu.memory_space<vmem>>, vector<16xf32>,
      %mul3A_506 = arith.mulf %get3A_505, %gather3A_128 : vector<16xf32>
      %add3A_507 = arith.addf %mul3A_502, %mul3A_506 : vector<16xf32>
      %swap3A_508 = arith.index_cast %scan3A_124 : i32 to index
      %swap3A_509 = arith.constant 496 : index
      %swap3A_510 = tpu.vector_load %arg12[%swap3A_508, %swap3A_509] {strides = array<i32>} : memref<16x1024xf32, #tpu.memory_space<vmem>>, vector<16xf32>,
      tpu.vector_store %arg12[%swap3A_508, %swap3A_509], %add3A_507 {strides = array<i32>} : memref<16x1024xf32, #tpu.memory_space<vmem>>, vector<16xf32>,
      %get3A_511 = arith.index_cast %scan3A_124 : i32 to index
      %get3A_512 = arith.constant 512 : index
      %get3A_513 = tpu.vector_load %arg12[%get3A_511, %get3A_512] {strides = array<i32>} : memref<16x1024xf32, #tpu.memory_space<vmem>>, vector<16xf32>,
      %mul3A_514 = arith.mulf %get3A_513, %gather3A : vector<16xf32>
      %get3A_515 = arith.index_cast %scan3A_124 : i32 to index
      %get3A_516 = arith.constant 512 : index
      %get3A_517 = tpu.vector_load %arg13[%get3A_515, %get3A_516] {strides = array<i32>} : memref<16x1024xf32, #tpu.memory_space<vmem>>, vector<16xf32>,
      %mul3A_518 = arith.mulf %get3A_517, %gather3A_128 : vector<16xf32>
      %add3A_519 = arith.addf %mul3A_514, %mul3A_518 : vector<16xf32>
      %swap3A_520 = arith.index_cast %scan3A_124 : i32 to index
      %swap3A_521 = arith.constant 512 : index
      %swap3A_522 = tpu.vector_load %arg12[%swap3A_520, %swap3A_521] {strides = array<i32>} : memref<16x1024xf32, #tpu.memory_space<vmem>>, vector<16xf32>,
      tpu.vector_store %arg12[%swap3A_520, %swap3A_521], %add3A_519 {strides = array<i32>} : memref<16x1024xf32, #tpu.memory_space<vmem>>, vector<16xf32>,
      %get3A_523 = arith.index_cast %scan3A_124 : i32 to index
      %get3A_524 = arith.constant 528 : index
      %get3A_525 = tpu.vector_load %arg12[%get3A_523, %get3A_524] {strides = array<i32>} : memref<16x1024xf32, #tpu.memory_space<vmem>>, vector<16xf32>,
      %mul3A_526 = arith.mulf %get3A_525, %gather3A : vector<16xf32>
      %get3A_527 = arith.index_cast %scan3A_124 : i32 to index
      %get3A_528 = arith.constant 528 : index
      %get3A_529 = tpu.vector_load %arg13[%get3A_527, %get3A_528] {strides = array<i32>} : memref<16x1024xf32, #tpu.memory_space<vmem>>, vector<16xf32>,
      %mul3A_530 = arith.mulf %get3A_529, %gather3A_128 : vector<16xf32>
      %add3A_531 = arith.addf %mul3A_526, %mul3A_530 : vector<16xf32>
      %swap3A_532 = arith.index_cast %scan3A_124 : i32 to index
      %swap3A_533 = arith.constant 528 : index
      %swap3A_534 = tpu.vector_load %arg12[%swap3A_532, %swap3A_533] {strides = array<i32>} : memref<16x1024xf32, #tpu.memory_space<vmem>>, vector<16xf32>,
      tpu.vector_store %arg12[%swap3A_532, %swap3A_533], %add3A_531 {strides = array<i32>} : memref<16x1024xf32, #tpu.memory_space<vmem>>, vector<16xf32>,
      %get3A_535 = arith.index_cast %scan3A_124 : i32 to index
      %get3A_536 = arith.constant 544 : index
      %get3A_537 = tpu.vector_load %arg12[%get3A_535, %get3A_536] {strides = array<i32>} : memref<16x1024xf32, #tpu.memory_space<vmem>>, vector<16xf32>,
      %mul3A_538 = arith.mulf %get3A_537, %gather3A : vector<16xf32>
      %get3A_539 = arith.index_cast %scan3A_124 : i32 to index
      %get3A_540 = arith.constant 544 : index
      %get3A_541 = tpu.vector_load %arg13[%get3A_539, %get3A_540] {strides = array<i32>} : memref<16x1024xf32, #tpu.memory_space<vmem>>, vector<16xf32>,
      %mul3A_542 = arith.mulf %get3A_541, %gather3A_128 : vector<16xf32>
      %add3A_543 = arith.addf %mul3A_538, %mul3A_542 : vector<16xf32>
      %swap3A_544 = arith.index_cast %scan3A_124 : i32 to index
      %swap3A_545 = arith.constant 544 : index
      %swap3A_546 = tpu.vector_load %arg12[%swap3A_544, %swap3A_545] {strides = array<i32>} : memref<16x1024xf32, #tpu.memory_space<vmem>>, vector<16xf32>,
      tpu.vector_store %arg12[%swap3A_544, %swap3A_545], %add3A_543 {strides = array<i32>} : memref<16x1024xf32, #tpu.memory_space<vmem>>, vector<16xf32>,
      %get3A_547 = arith.index_cast %scan3A_124 : i32 to index
      %get3A_548 = arith.constant 560 : index
      %get3A_549 = tpu.vector_load %arg12[%get3A_547, %get3A_548] {strides = array<i32>} : memref<16x1024xf32, #tpu.memory_space<vmem>>, vector<16xf32>,
      %mul3A_550 = arith.mulf %get3A_549, %gather3A : vector<16xf32>
      %get3A_551 = arith.index_cast %scan3A_124 : i32 to index
      %get3A_552 = arith.constant 560 : index
      %get3A_553 = tpu.vector_load %arg13[%get3A_551, %get3A_552] {strides = array<i32>} : memref<16x1024xf32, #tpu.memory_space<vmem>>, vector<16xf32>,
      %mul3A_554 = arith.mulf %get3A_553, %gather3A_128 : vector<16xf32>
      %add3A_555 = arith.addf %mul3A_550, %mul3A_554 : vector<16xf32>
      %swap3A_556 = arith.index_cast %scan3A_124 : i32 to index
      %swap3A_557 = arith.constant 560 : index
      %swap3A_558 = tpu.vector_load %arg12[%swap3A_556, %swap3A_557] {strides = array<i32>} : memref<16x1024xf32, #tpu.memory_space<vmem>>, vector<16xf32>,
      tpu.vector_store %arg12[%swap3A_556, %swap3A_557], %add3A_555 {strides = array<i32>} : memref<16x1024xf32, #tpu.memory_space<vmem>>, vector<16xf32>,
      %get3A_559 = arith.index_cast %scan3A_124 : i32 to index
      %get3A_560 = arith.constant 576 : index
      %get3A_561 = tpu.vector_load %arg12[%get3A_559, %get3A_560] {strides = array<i32>} : memref<16x1024xf32, #tpu.memory_space<vmem>>, vector<16xf32>,
      %mul3A_562 = arith.mulf %get3A_561, %gather3A : vector<16xf32>
      %get3A_563 = arith.index_cast %scan3A_124 : i32 to index
      %get3A_564 = arith.constant 576 : index
      %get3A_565 = tpu.vector_load %arg13[%get3A_563, %get3A_564] {strides = array<i32>} : memref<16x1024xf32, #tpu.memory_space<vmem>>, vector<16xf32>,
      %mul3A_566 = arith.mulf %get3A_565, %gather3A_128 : vector<16xf32>
      %add3A_567 = arith.addf %mul3A_562, %mul3A_566 : vector<16xf32>
      %swap3A_568 = arith.index_cast %scan3A_124 : i32 to index
      %swap3A_569 = arith.constant 576 : index
      %swap3A_570 = tpu.vector_load %arg12[%swap3A_568, %swap3A_569] {strides = array<i32>} : memref<16x1024xf32, #tpu.memory_space<vmem>>, vector<16xf32>,
      tpu.vector_store %arg12[%swap3A_568, %swap3A_569], %add3A_567 {strides = array<i32>} : memref<16x1024xf32, #tpu.memory_space<vmem>>, vector<16xf32>,
      %get3A_571 = arith.index_cast %scan3A_124 : i32 to index
      %get3A_572 = arith.constant 592 : index
      %get3A_573 = tpu.vector_load %arg12[%get3A_571, %get3A_572] {strides = array<i32>} : memref<16x1024xf32, #tpu.memory_space<vmem>>, vector<16xf32>,
      %mul3A_574 = arith.mulf %get3A_573, %gather3A : vector<16xf32>
      %get3A_575 = arith.index_cast %scan3A_124 : i32 to index
      %get3A_576 = arith.constant 592 : index
      %get3A_577 = tpu.vector_load %arg13[%get3A_575, %get3A_576] {strides = array<i32>} : memref<16x1024xf32, #tpu.memory_space<vmem>>, vector<16xf32>,
      %mul3A_578 = arith.mulf %get3A_577, %gather3A_128 : vector<16xf32>
      %add3A_579 = arith.addf %mul3A_574, %mul3A_578 : vector<16xf32>
      %swap3A_580 = arith.index_cast %scan3A_124 : i32 to index
      %swap3A_581 = arith.constant 592 : index
      %swap3A_582 = tpu.vector_load %arg12[%swap3A_580, %swap3A_581] {strides = array<i32>} : memref<16x1024xf32, #tpu.memory_space<vmem>>, vector<16xf32>,
      tpu.vector_store %arg12[%swap3A_580, %swap3A_581], %add3A_579 {strides = array<i32>} : memref<16x1024xf32, #tpu.memory_space<vmem>>, vector<16xf32>,
      %get3A_583 = arith.index_cast %scan3A_124 : i32 to index
      %get3A_584 = arith.constant 608 : index
      %get3A_585 = tpu.vector_load %arg12[%get3A_583, %get3A_584] {strides = array<i32>} : memref<16x1024xf32, #tpu.memory_space<vmem>>, vector<16xf32>,
      %mul3A_586 = arith.mulf %get3A_585, %gather3A : vector<16xf32>
      %get3A_587 = arith.index_cast %scan3A_124 : i32 to index
      %get3A_588 = arith.constant 608 : index
      %get3A_589 = tpu.vector_load %arg13[%get3A_587, %get3A_588] {strides = array<i32>} : memref<16x1024xf32, #tpu.memory_space<vmem>>, vector<16xf32>,
      %mul3A_590 = arith.mulf %get3A_589, %gather3A_128 : vector<16xf32>
      %add3A_591 = arith.addf %mul3A_586, %mul3A_590 : vector<16xf32>
      %swap3A_592 = arith.index_cast %scan3A_124 : i32 to index
      %swap3A_593 = arith.constant 608 : index
      %swap3A_594 = tpu.vector_load %arg12[%swap3A_592, %swap3A_593] {strides = array<i32>} : memref<16x1024xf32, #tpu.memory_space<vmem>>, vector<16xf32>,
      tpu.vector_store %arg12[%swap3A_592, %swap3A_593], %add3A_591 {strides = array<i32>} : memref<16x1024xf32, #tpu.memory_space<vmem>>, vector<16xf32>,
      %get3A_595 = arith.index_cast %scan3A_124 : i32 to index
      %get3A_596 = arith.constant 624 : index
      %get3A_597 = tpu.vector_load %arg12[%get3A_595, %get3A_596] {strides = array<i32>} : memref<16x1024xf32, #tpu.memory_space<vmem>>, vector<16xf32>,
      %mul3A_598 = arith.mulf %get3A_597, %gather3A : vector<16xf32>
      %get3A_599 = arith.index_cast %scan3A_124 : i32 to index
      %get3A_600 = arith.constant 624 : index
      %get3A_601 = tpu.vector_load %arg13[%get3A_599, %get3A_600] {strides = array<i32>} : memref<16x1024xf32, #tpu.memory_space<vmem>>, vector<16xf32>,
      %mul3A_602 = arith.mulf %get3A_601, %gather3A_128 : vector<16xf32>
      %add3A_603 = arith.addf %mul3A_598, %mul3A_602 : vector<16xf32>
      %swap3A_604 = arith.index_cast %scan3A_124 : i32 to index
      %swap3A_605 = arith.constant 624 : index
      %swap3A_606 = tpu.vector_load %arg12[%swap3A_604, %swap3A_605] {strides = array<i32>} : memref<16x1024xf32, #tpu.memory_space<vmem>>, vector<16xf32>,
      tpu.vector_store %arg12[%swap3A_604, %swap3A_605], %add3A_603 {strides = array<i32>} : memref<16x1024xf32, #tpu.memory_space<vmem>>, vector<16xf32>,
      %get3A_607 = arith.index_cast %scan3A_124 : i32 to index
      %get3A_608 = arith.constant 640 : index
      %get3A_609 = tpu.vector_load %arg12[%get3A_607, %get3A_608] {strides = array<i32>} : memref<16x1024xf32, #tpu.memory_space<vmem>>, vector<16xf32>,
      %mul3A_610 = arith.mulf %get3A_609, %gather3A : vector<16xf32>
      %get3A_611 = arith.index_cast %scan3A_124 : i32 to index
      %get3A_612 = arith.constant 640 : index
      %get3A_613 = tpu.vector_load %arg13[%get3A_611, %get3A_612] {strides = array<i32>} : memref<16x1024xf32, #tpu.memory_space<vmem>>, vector<16xf32>,
      %mul3A_614 = arith.mulf %get3A_613, %gather3A_128 : vector<16xf32>
      %add3A_615 = arith.addf %mul3A_610, %mul3A_614 : vector<16xf32>
      %swap3A_616 = arith.index_cast %scan3A_124 : i32 to index
      %swap3A_617 = arith.constant 640 : index
      %swap3A_618 = tpu.vector_load %arg12[%swap3A_616, %swap3A_617] {strides = array<i32>} : memref<16x1024xf32, #tpu.memory_space<vmem>>, vector<16xf32>,
      tpu.vector_store %arg12[%swap3A_616, %swap3A_617], %add3A_615 {strides = array<i32>} : memref<16x1024xf32, #tpu.memory_space<vmem>>, vector<16xf32>,
      %get3A_619 = arith.index_cast %scan3A_124 : i32 to index
      %get3A_620 = arith.constant 656 : index
      %get3A_621 = tpu.vector_load %arg12[%get3A_619, %get3A_620] {strides = array<i32>} : memref<16x1024xf32, #tpu.memory_space<vmem>>, vector<16xf32>,
      %mul3A_622 = arith.mulf %get3A_621, %gather3A : vector<16xf32>
      %get3A_623 = arith.index_cast %scan3A_124 : i32 to index
      %get3A_624 = arith.constant 656 : index
      %get3A_625 = tpu.vector_load %arg13[%get3A_623, %get3A_624] {strides = array<i32>} : memref<16x1024xf32, #tpu.memory_space<vmem>>, vector<16xf32>,
      %mul3A_626 = arith.mulf %get3A_625, %gather3A_128 : vector<16xf32>
      %add3A_627 = arith.addf %mul3A_622, %mul3A_626 : vector<16xf32>
      %swap3A_628 = arith.index_cast %scan3A_124 : i32 to index
      %swap3A_629 = arith.constant 656 : index
      %swap3A_630 = tpu.vector_load %arg12[%swap3A_628, %swap3A_629] {strides = array<i32>} : memref<16x1024xf32, #tpu.memory_space<vmem>>, vector<16xf32>,
      tpu.vector_store %arg12[%swap3A_628, %swap3A_629], %add3A_627 {strides = array<i32>} : memref<16x1024xf32, #tpu.memory_space<vmem>>, vector<16xf32>,
      %get3A_631 = arith.index_cast %scan3A_124 : i32 to index
      %get3A_632 = arith.constant 672 : index
      %get3A_633 = tpu.vector_load %arg12[%get3A_631, %get3A_632] {strides = array<i32>} : memref<16x1024xf32, #tpu.memory_space<vmem>>, vector<16xf32>,
      %mul3A_634 = arith.mulf %get3A_633, %gather3A : vector<16xf32>
      %get3A_635 = arith.index_cast %scan3A_124 : i32 to index
      %get3A_636 = arith.constant 672 : index
      %get3A_637 = tpu.vector_load %arg13[%get3A_635, %get3A_636] {strides = array<i32>} : memref<16x1024xf32, #tpu.memory_space<vmem>>, vector<16xf32>,
      %mul3A_638 = arith.mulf %get3A_637, %gather3A_128 : vector<16xf32>
      %add3A_639 = arith.addf %mul3A_634, %mul3A_638 : vector<16xf32>
      %swap3A_640 = arith.index_cast %scan3A_124 : i32 to index
      %swap3A_641 = arith.constant 672 : index
      %swap3A_642 = tpu.vector_load %arg12[%swap3A_640, %swap3A_641] {strides = array<i32>} : memref<16x1024xf32, #tpu.memory_space<vmem>>, vector<16xf32>,
      tpu.vector_store %arg12[%swap3A_640, %swap3A_641], %add3A_639 {strides = array<i32>} : memref<16x1024xf32, #tpu.memory_space<vmem>>, vector<16xf32>,
      %get3A_643 = arith.index_cast %scan3A_124 : i32 to index
      %get3A_644 = arith.constant 688 : index
      %get3A_645 = tpu.vector_load %arg12[%get3A_643, %get3A_644] {strides = array<i32>} : memref<16x1024xf32, #tpu.memory_space<vmem>>, vector<16xf32>,
      %mul3A_646 = arith.mulf %get3A_645, %gather3A : vector<16xf32>
      %get3A_647 = arith.index_cast %scan3A_124 : i32 to index
      %get3A_648 = arith.constant 688 : index
      %get3A_649 = tpu.vector_load %arg13[%get3A_647, %get3A_648] {strides = array<i32>} : memref<16x1024xf32, #tpu.memory_space<vmem>>, vector<16xf32>,
      %mul3A_650 = arith.mulf %get3A_649, %gather3A_128 : vector<16xf32>
      %add3A_651 = arith.addf %mul3A_646, %mul3A_650 : vector<16xf32>
      %swap3A_652 = arith.index_cast %scan3A_124 : i32 to index
      %swap3A_653 = arith.constant 688 : index
      %swap3A_654 = tpu.vector_load %arg12[%swap3A_652, %swap3A_653] {strides = array<i32>} : memref<16x1024xf32, #tpu.memory_space<vmem>>, vector<16xf32>,
      tpu.vector_store %arg12[%swap3A_652, %swap3A_653], %add3A_651 {strides = array<i32>} : memref<16x1024xf32, #tpu.memory_space<vmem>>, vector<16xf32>,
      %get3A_655 = arith.index_cast %scan3A_124 : i32 to index
      %get3A_656 = arith.constant 704 : index
      %get3A_657 = tpu.vector_load %arg12[%get3A_655, %get3A_656] {strides = array<i32>} : memref<16x1024xf32, #tpu.memory_space<vmem>>, vector<16xf32>,
      %mul3A_658 = arith.mulf %get3A_657, %gather3A : vector<16xf32>
      %get3A_659 = arith.index_cast %scan3A_124 : i32 to index
      %get3A_660 = arith.constant 704 : index
      %get3A_661 = tpu.vector_load %arg13[%get3A_659, %get3A_660] {strides = array<i32>} : memref<16x1024xf32, #tpu.memory_space<vmem>>, vector<16xf32>,
      %mul3A_662 = arith.mulf %get3A_661, %gather3A_128 : vector<16xf32>
      %add3A_663 = arith.addf %mul3A_658, %mul3A_662 : vector<16xf32>
      %swap3A_664 = arith.index_cast %scan3A_124 : i32 to index
      %swap3A_665 = arith.constant 704 : index
      %swap3A_666 = tpu.vector_load %arg12[%swap3A_664, %swap3A_665] {strides = array<i32>} : memref<16x1024xf32, #tpu.memory_space<vmem>>, vector<16xf32>,
      tpu.vector_store %arg12[%swap3A_664, %swap3A_665], %add3A_663 {strides = array<i32>} : memref<16x1024xf32, #tpu.memory_space<vmem>>, vector<16xf32>,
      %get3A_667 = arith.index_cast %scan3A_124 : i32 to index
      %get3A_668 = arith.constant 720 : index
      %get3A_669 = tpu.vector_load %arg12[%get3A_667, %get3A_668] {strides = array<i32>} : memref<16x1024xf32, #tpu.memory_space<vmem>>, vector<16xf32>,
      %mul3A_670 = arith.mulf %get3A_669, %gather3A : vector<16xf32>
      %get3A_671 = arith.index_cast %scan3A_124 : i32 to index
      %get3A_672 = arith.constant 720 : index
      %get3A_673 = tpu.vector_load %arg13[%get3A_671, %get3A_672] {strides = array<i32>} : memref<16x1024xf32, #tpu.memory_space<vmem>>, vector<16xf32>,
      %mul3A_674 = arith.mulf %get3A_673, %gather3A_128 : vector<16xf32>
      %add3A_675 = arith.addf %mul3A_670, %mul3A_674 : vector<16xf32>
      %swap3A_676 = arith.index_cast %scan3A_124 : i32 to index
      %swap3A_677 = arith.constant 720 : index
      %swap3A_678 = tpu.vector_load %arg12[%swap3A_676, %swap3A_677] {strides = array<i32>} : memref<16x1024xf32, #tpu.memory_space<vmem>>, vector<16xf32>,
      tpu.vector_store %arg12[%swap3A_676, %swap3A_677], %add3A_675 {strides = array<i32>} : memref<16x1024xf32, #tpu.memory_space<vmem>>, vector<16xf32>,
      %get3A_679 = arith.index_cast %scan3A_124 : i32 to index
      %get3A_680 = arith.constant 736 : index
      %get3A_681 = tpu.vector_load %arg12[%get3A_679, %get3A_680] {strides = array<i32>} : memref<16x1024xf32, #tpu.memory_space<vmem>>, vector<16xf32>,
      %mul3A_682 = arith.mulf %get3A_681, %gather3A : vector<16xf32>
      %get3A_683 = arith.index_cast %scan3A_124 : i32 to index
      %get3A_684 = arith.constant 736 : index
      %get3A_685 = tpu.vector_load %arg13[%get3A_683, %get3A_684] {strides = array<i32>} : memref<16x1024xf32, #tpu.memory_space<vmem>>, vector<16xf32>,
      %mul3A_686 = arith.mulf %get3A_685, %gather3A_128 : vector<16xf32>
      %add3A_687 = arith.addf %mul3A_682, %mul3A_686 : vector<16xf32>
      %swap3A_688 = arith.index_cast %scan3A_124 : i32 to index
      %swap3A_689 = arith.constant 736 : index
      %swap3A_690 = tpu.vector_load %arg12[%swap3A_688, %swap3A_689] {strides = array<i32>} : memref<16x1024xf32, #tpu.memory_space<vmem>>, vector<16xf32>,
      tpu.vector_store %arg12[%swap3A_688, %swap3A_689], %add3A_687 {strides = array<i32>} : memref<16x1024xf32, #tpu.memory_space<vmem>>, vector<16xf32>,
      %get3A_691 = arith.index_cast %scan3A_124 : i32 to index
      %get3A_692 = arith.constant 752 : index
      %get3A_693 = tpu.vector_load %arg12[%get3A_691, %get3A_692] {strides = array<i32>} : memref<16x1024xf32, #tpu.memory_space<vmem>>, vector<16xf32>,
      %mul3A_694 = arith.mulf %get3A_693, %gather3A : vector<16xf32>
      %get3A_695 = arith.index_cast %scan3A_124 : i32 to index
      %get3A_696 = arith.constant 752 : index
      %get3A_697 = tpu.vector_load %arg13[%get3A_695, %get3A_696] {strides = array<i32>} : memref<16x1024xf32, #tpu.memory_space<vmem>>, vector<16xf32>,
      %mul3A_698 = arith.mulf %get3A_697, %gather3A_128 : vector<16xf32>
      %add3A_699 = arith.addf %mul3A_694, %mul3A_698 : vector<16xf32>
      %swap3A_700 = arith.index_cast %scan3A_124 : i32 to index
      %swap3A_701 = arith.constant 752 : index
      %swap3A_702 = tpu.vector_load %arg12[%swap3A_700, %swap3A_701] {strides = array<i32>} : memref<16x1024xf32, #tpu.memory_space<vmem>>, vector<16xf32>,
      tpu.vector_store %arg12[%swap3A_700, %swap3A_701], %add3A_699 {strides = array<i32>} : memref<16x1024xf32, #tpu.memory_space<vmem>>, vector<16xf32>,
      %get3A_703 = arith.index_cast %scan3A_124 : i32 to index
      %get3A_704 = arith.constant 768 : index
      %get3A_705 = tpu.vector_load %arg12[%get3A_703, %get3A_704] {strides = array<i32>} : memref<16x1024xf32, #tpu.memory_space<vmem>>, vector<16xf32>,
      %mul3A_706 = arith.mulf %get3A_705, %gather3A : vector<16xf32>
      %get3A_707 = arith.index_cast %scan3A_124 : i32 to index
      %get3A_708 = arith.constant 768 : index
      %get3A_709 = tpu.vector_load %arg13[%get3A_707, %get3A_708] {strides = array<i32>} : memref<16x1024xf32, #tpu.memory_space<vmem>>, vector<16xf32>,
      %mul3A_710 = arith.mulf %get3A_709, %gather3A_128 : vector<16xf32>
      %add3A_711 = arith.addf %mul3A_706, %mul3A_710 : vector<16xf32>
      %swap3A_712 = arith.index_cast %scan3A_124 : i32 to index
      %swap3A_713 = arith.constant 768 : index
      %swap3A_714 = tpu.vector_load %arg12[%swap3A_712, %swap3A_713] {strides = array<i32>} : memref<16x1024xf32, #tpu.memory_space<vmem>>, vector<16xf32>,
      tpu.vector_store %arg12[%swap3A_712, %swap3A_713], %add3A_711 {strides = array<i32>} : memref<16x1024xf32, #tpu.memory_space<vmem>>, vector<16xf32>,
      %get3A_715 = arith.index_cast %scan3A_124 : i32 to index
      %get3A_716 = arith.constant 784 : index
      %get3A_717 = tpu.vector_load %arg12[%get3A_715, %get3A_716] {strides = array<i32>} : memref<16x1024xf32, #tpu.memory_space<vmem>>, vector<16xf32>,
      %mul3A_718 = arith.mulf %get3A_717, %gather3A : vector<16xf32>
      %get3A_719 = arith.index_cast %scan3A_124 : i32 to index
      %get3A_720 = arith.constant 784 : index
      %get3A_721 = tpu.vector_load %arg13[%get3A_719, %get3A_720] {strides = array<i32>} : memref<16x1024xf32, #tpu.memory_space<vmem>>, vector<16xf32>,
      %mul3A_722 = arith.mulf %get3A_721, %gather3A_128 : vector<16xf32>
      %add3A_723 = arith.addf %mul3A_718, %mul3A_722 : vector<16xf32>
      %swap3A_724 = arith.index_cast %scan3A_124 : i32 to index
      %swap3A_725 = arith.constant 784 : index
      %swap3A_726 = tpu.vector_load %arg12[%swap3A_724, %swap3A_725] {strides = array<i32>} : memref<16x1024xf32, #tpu.memory_space<vmem>>, vector<16xf32>,
      tpu.vector_store %arg12[%swap3A_724, %swap3A_725], %add3A_723 {strides = array<i32>} : memref<16x1024xf32, #tpu.memory_space<vmem>>, vector<16xf32>,
      %get3A_727 = arith.index_cast %scan3A_124 : i32 to index
      %get3A_728 = arith.constant 800 : index
      %get3A_729 = tpu.vector_load %arg12[%get3A_727, %get3A_728] {strides = array<i32>} : memref<16x1024xf32, #tpu.memory_space<vmem>>, vector<16xf32>,
      %mul3A_730 = arith.mulf %get3A_729, %gather3A : vector<16xf32>
      %get3A_731 = arith.index_cast %scan3A_124 : i32 to index
      %get3A_732 = arith.constant 800 : index
      %get3A_733 = tpu.vector_load %arg13[%get3A_731, %get3A_732] {strides = array<i32>} : memref<16x1024xf32, #tpu.memory_space<vmem>>, vector<16xf32>,
      %mul3A_734 = arith.mulf %get3A_733, %gather3A_128 : vector<16xf32>
      %add3A_735 = arith.addf %mul3A_730, %mul3A_734 : vector<16xf32>
      %swap3A_736 = arith.index_cast %scan3A_124 : i32 to index
      %swap3A_737 = arith.constant 800 : index
      %swap3A_738 = tpu.vector_load %arg12[%swap3A_736, %swap3A_737] {strides = array<i32>} : memref<16x1024xf32, #tpu.memory_space<vmem>>, vector<16xf32>,
      tpu.vector_store %arg12[%swap3A_736, %swap3A_737], %add3A_735 {strides = array<i32>} : memref<16x1024xf32, #tpu.memory_space<vmem>>, vector<16xf32>,
      %get3A_739 = arith.index_cast %scan3A_124 : i32 to index
      %get3A_740 = arith.constant 816 : index
      %get3A_741 = tpu.vector_load %arg12[%get3A_739, %get3A_740] {strides = array<i32>} : memref<16x1024xf32, #tpu.memory_space<vmem>>, vector<16xf32>,
      %mul3A_742 = arith.mulf %get3A_741, %gather3A : vector<16xf32>
      %get3A_743 = arith.index_cast %scan3A_124 : i32 to index
      %get3A_744 = arith.constant 816 : index
      %get3A_745 = tpu.vector_load %arg13[%get3A_743, %get3A_744] {strides = array<i32>} : memref<16x1024xf32, #tpu.memory_space<vmem>>, vector<16xf32>,
      %mul3A_746 = arith.mulf %get3A_745, %gather3A_128 : vector<16xf32>
      %add3A_747 = arith.addf %mul3A_742, %mul3A_746 : vector<16xf32>
      %swap3A_748 = arith.index_cast %scan3A_124 : i32 to index
      %swap3A_749 = arith.constant 816 : index
      %swap3A_750 = tpu.vector_load %arg12[%swap3A_748, %swap3A_749] {strides = array<i32>} : memref<16x1024xf32, #tpu.memory_space<vmem>>, vector<16xf32>,
      tpu.vector_store %arg12[%swap3A_748, %swap3A_749], %add3A_747 {strides = array<i32>} : memref<16x1024xf32, #tpu.memory_space<vmem>>, vector<16xf32>,
      %get3A_751 = arith.index_cast %scan3A_124 : i32 to index
      %get3A_752 = arith.constant 832 : index
      %get3A_753 = tpu.vector_load %arg12[%get3A_751, %get3A_752] {strides = array<i32>} : memref<16x1024xf32, #tpu.memory_space<vmem>>, vector<16xf32>,
      %mul3A_754 = arith.mulf %get3A_753, %gather3A : vector<16xf32>
      %get3A_755 = arith.index_cast %scan3A_124 : i32 to index
      %get3A_756 = arith.constant 832 : index
      %get3A_757 = tpu.vector_load %arg13[%get3A_755, %get3A_756] {strides = array<i32>} : memref<16x1024xf32, #tpu.memory_space<vmem>>, vector<16xf32>,
      %mul3A_758 = arith.mulf %get3A_757, %gather3A_128 : vector<16xf32>
      %add3A_759 = arith.addf %mul3A_754, %mul3A_758 : vector<16xf32>
      %swap3A_760 = arith.index_cast %scan3A_124 : i32 to index
      %swap3A_761 = arith.constant 832 : index
      %swap3A_762 = tpu.vector_load %arg12[%swap3A_760, %swap3A_761] {strides = array<i32>} : memref<16x1024xf32, #tpu.memory_space<vmem>>, vector<16xf32>,
      tpu.vector_store %arg12[%swap3A_760, %swap3A_761], %add3A_759 {strides = array<i32>} : memref<16x1024xf32, #tpu.memory_space<vmem>>, vector<16xf32>,
      %get3A_763 = arith.index_cast %scan3A_124 : i32 to index
      %get3A_764 = arith.constant 848 : index
      %get3A_765 = tpu.vector_load %arg12[%get3A_763, %get3A_764] {strides = array<i32>} : memref<16x1024xf32, #tpu.memory_space<vmem>>, vector<16xf32>,
      %mul3A_766 = arith.mulf %get3A_765, %gather3A : vector<16xf32>
      %get3A_767 = arith.index_cast %scan3A_124 : i32 to index
      %get3A_768 = arith.constant 848 : index
      %get3A_769 = tpu.vector_load %arg13[%get3A_767, %get3A_768] {strides = array<i32>} : memref<16x1024xf32, #tpu.memory_space<vmem>>, vector<16xf32>,
      %mul3A_770 = arith.mulf %get3A_769, %gather3A_128 : vector<16xf32>
      %add3A_771 = arith.addf %mul3A_766, %mul3A_770 : vector<16xf32>
      %swap3A_772 = arith.index_cast %scan3A_124 : i32 to index
      %swap3A_773 = arith.constant 848 : index
      %swap3A_774 = tpu.vector_load %arg12[%swap3A_772, %swap3A_773] {strides = array<i32>} : memref<16x1024xf32, #tpu.memory_space<vmem>>, vector<16xf32>,
      tpu.vector_store %arg12[%swap3A_772, %swap3A_773], %add3A_771 {strides = array<i32>} : memref<16x1024xf32, #tpu.memory_space<vmem>>, vector<16xf32>,
      %get3A_775 = arith.index_cast %scan3A_124 : i32 to index
      %get3A_776 = arith.constant 864 : index
      %get3A_777 = tpu.vector_load %arg12[%get3A_775, %get3A_776] {strides = array<i32>} : memref<16x1024xf32, #tpu.memory_space<vmem>>, vector<16xf32>,
      %mul3A_778 = arith.mulf %get3A_777, %gather3A : vector<16xf32>
      %get3A_779 = arith.index_cast %scan3A_124 : i32 to index
      %get3A_780 = arith.constant 864 : index
      %get3A_781 = tpu.vector_load %arg13[%get3A_779, %get3A_780] {strides = array<i32>} : memref<16x1024xf32, #tpu.memory_space<vmem>>, vector<16xf32>,
      %mul3A_782 = arith.mulf %get3A_781, %gather3A_128 : vector<16xf32>
      %add3A_783 = arith.addf %mul3A_778, %mul3A_782 : vector<16xf32>
      %swap3A_784 = arith.index_cast %scan3A_124 : i32 to index
      %swap3A_785 = arith.constant 864 : index
      %swap3A_786 = tpu.vector_load %arg12[%swap3A_784, %swap3A_785] {strides = array<i32>} : memref<16x1024xf32, #tpu.memory_space<vmem>>, vector<16xf32>,
      tpu.vector_store %arg12[%swap3A_784, %swap3A_785], %add3A_783 {strides = array<i32>} : memref<16x1024xf32, #tpu.memory_space<vmem>>, vector<16xf32>,
      %get3A_787 = arith.index_cast %scan3A_124 : i32 to index
      %get3A_788 = arith.constant 880 : index
      %get3A_789 = tpu.vector_load %arg12[%get3A_787, %get3A_788] {strides = array<i32>} : memref<16x1024xf32, #tpu.memory_space<vmem>>, vector<16xf32>,
      %mul3A_790 = arith.mulf %get3A_789, %gather3A : vector<16xf32>
      %get3A_791 = arith.index_cast %scan3A_124 : i32 to index
      %get3A_792 = arith.constant 880 : index
      %get3A_793 = tpu.vector_load %arg13[%get3A_791, %get3A_792] {strides = array<i32>} : memref<16x1024xf32, #tpu.memory_space<vmem>>, vector<16xf32>,
      %mul3A_794 = arith.mulf %get3A_793, %gather3A_128 : vector<16xf32>
      %add3A_795 = arith.addf %mul3A_790, %mul3A_794 : vector<16xf32>
      %swap3A_796 = arith.index_cast %scan3A_124 : i32 to index
      %swap3A_797 = arith.constant 880 : index
      %swap3A_798 = tpu.vector_load %arg12[%swap3A_796, %swap3A_797] {strides = array<i32>} : memref<16x1024xf32, #tpu.memory_space<vmem>>, vector<16xf32>,
      tpu.vector_store %arg12[%swap3A_796, %swap3A_797], %add3A_795 {strides = array<i32>} : memref<16x1024xf32, #tpu.memory_space<vmem>>, vector<16xf32>,
      %get3A_799 = arith.index_cast %scan3A_124 : i32 to index
      %get3A_800 = arith.constant 896 : index
      %get3A_801 = tpu.vector_load %arg12[%get3A_799, %get3A_800] {strides = array<i32>} : memref<16x1024xf32, #tpu.memory_space<vmem>>, vector<16xf32>,
      %mul3A_802 = arith.mulf %get3A_801, %gather3A : vector<16xf32>
      %get3A_803 = arith.index_cast %scan3A_124 : i32 to index
      %get3A_804 = arith.constant 896 : index
      %get3A_805 = tpu.vector_load %arg13[%get3A_803, %get3A_804] {strides = array<i32>} : memref<16x1024xf32, #tpu.memory_space<vmem>>, vector<16xf32>,
      %mul3A_806 = arith.mulf %get3A_805, %gather3A_128 : vector<16xf32>
      %add3A_807 = arith.addf %mul3A_802, %mul3A_806 : vector<16xf32>
      %swap3A_808 = arith.index_cast %scan3A_124 : i32 to index
      %swap3A_809 = arith.constant 896 : index
      %swap3A_810 = tpu.vector_load %arg12[%swap3A_808, %swap3A_809] {strides = array<i32>} : memref<16x1024xf32, #tpu.memory_space<vmem>>, vector<16xf32>,
      tpu.vector_store %arg12[%swap3A_808, %swap3A_809], %add3A_807 {strides = array<i32>} : memref<16x1024xf32, #tpu.memory_space<vmem>>, vector<16xf32>,
      %get3A_811 = arith.index_cast %scan3A_124 : i32 to index
      %get3A_812 = arith.constant 912 : index
      %get3A_813 = tpu.vector_load %arg12[%get3A_811, %get3A_812] {strides = array<i32>} : memref<16x1024xf32, #tpu.memory_space<vmem>>, vector<16xf32>,
      %mul3A_814 = arith.mulf %get3A_813, %gather3A : vector<16xf32>
      %get3A_815 = arith.index_cast %scan3A_124 : i32 to index
      %get3A_816 = arith.constant 912 : index
      %get3A_817 = tpu.vector_load %arg13[%get3A_815, %get3A_816] {strides = array<i32>} : memref<16x1024xf32, #tpu.memory_space<vmem>>, vector<16xf32>,
      %mul3A_818 = arith.mulf %get3A_817, %gather3A_128 : vector<16xf32>
      %add3A_819 = arith.addf %mul3A_814, %mul3A_818 : vector<16xf32>
      %swap3A_820 = arith.index_cast %scan3A_124 : i32 to index
      %swap3A_821 = arith.constant 912 : index
      %swap3A_822 = tpu.vector_load %arg12[%swap3A_820, %swap3A_821] {strides = array<i32>} : memref<16x1024xf32, #tpu.memory_space<vmem>>, vector<16xf32>,
      tpu.vector_store %arg12[%swap3A_820, %swap3A_821], %add3A_819 {strides = array<i32>} : memref<16x1024xf32, #tpu.memory_space<vmem>>, vector<16xf32>,
      %get3A_823 = arith.index_cast %scan3A_124 : i32 to index
      %get3A_824 = arith.constant 928 : index
      %get3A_825 = tpu.vector_load %arg12[%get3A_823, %get3A_824] {strides = array<i32>} : memref<16x1024xf32, #tpu.memory_space<vmem>>, vector<16xf32>,
      %mul3A_826 = arith.mulf %get3A_825, %gather3A : vector<16xf32>
      %get3A_827 = arith.index_cast %scan3A_124 : i32 to index
      %get3A_828 = arith.constant 928 : index
      %get3A_829 = tpu.vector_load %arg13[%get3A_827, %get3A_828] {strides = array<i32>} : memref<16x1024xf32, #tpu.memory_space<vmem>>, vector<16xf32>,
      %mul3A_830 = arith.mulf %get3A_829, %gather3A_128 : vector<16xf32>
      %add3A_831 = arith.addf %mul3A_826, %mul3A_830 : vector<16xf32>
      %swap3A_832 = arith.index_cast %scan3A_124 : i32 to index
      %swap3A_833 = arith.constant 928 : index
      %swap3A_834 = tpu.vector_load %arg12[%swap3A_832, %swap3A_833] {strides = array<i32>} : memref<16x1024xf32, #tpu.memory_space<vmem>>, vector<16xf32>,
      tpu.vector_store %arg12[%swap3A_832, %swap3A_833], %add3A_831 {strides = array<i32>} : memref<16x1024xf32, #tpu.memory_space<vmem>>, vector<16xf32>,
      %get3A_835 = arith.index_cast %scan3A_124 : i32 to index
      %get3A_836 = arith.constant 944 : index
      %get3A_837 = tpu.vector_load %arg12[%get3A_835, %get3A_836] {strides = array<i32>} : memref<16x1024xf32, #tpu.memory_space<vmem>>, vector<16xf32>,
      %mul3A_838 = arith.mulf %get3A_837, %gather3A : vector<16xf32>
      %get3A_839 = arith.index_cast %scan3A_124 : i32 to index
      %get3A_840 = arith.constant 944 : index
      %get3A_841 = tpu.vector_load %arg13[%get3A_839, %get3A_840] {strides = array<i32>} : memref<16x1024xf32, #tpu.memory_space<vmem>>, vector<16xf32>,
      %mul3A_842 = arith.mulf %get3A_841, %gather3A_128 : vector<16xf32>
      %add3A_843 = arith.addf %mul3A_838, %mul3A_842 : vector<16xf32>
      %swap3A_844 = arith.index_cast %scan3A_124 : i32 to index
      %swap3A_845 = arith.constant 944 : index
      %swap3A_846 = tpu.vector_load %arg12[%swap3A_844, %swap3A_845] {strides = array<i32>} : memref<16x1024xf32, #tpu.memory_space<vmem>>, vector<16xf32>,
      tpu.vector_store %arg12[%swap3A_844, %swap3A_845], %add3A_843 {strides = array<i32>} : memref<16x1024xf32, #tpu.memory_space<vmem>>, vector<16xf32>,
      %get3A_847 = arith.index_cast %scan3A_124 : i32 to index
      %get3A_848 = arith.constant 960 : index
      %get3A_849 = tpu.vector_load %arg12[%get3A_847, %get3A_848] {strides = array<i32>} : memref<16x1024xf32, #tpu.memory_space<vmem>>, vector<16xf32>,
      %mul3A_850 = arith.mulf %get3A_849, %gather3A : vector<16xf32>
      %get3A_851 = arith.index_cast %scan3A_124 : i32 to index
      %get3A_852 = arith.constant 960 : index
      %get3A_853 = tpu.vector_load %arg13[%get3A_851, %get3A_852] {strides = array<i32>} : memref<16x1024xf32, #tpu.memory_space<vmem>>, vector<16xf32>,
      %mul3A_854 = arith.mulf %get3A_853, %gather3A_128 : vector<16xf32>
      %add3A_855 = arith.addf %mul3A_850, %mul3A_854 : vector<16xf32>
      %swap3A_856 = arith.index_cast %scan3A_124 : i32 to index
      %swap3A_857 = arith.constant 960 : index
      %swap3A_858 = tpu.vector_load %arg12[%swap3A_856, %swap3A_857] {strides = array<i32>} : memref<16x1024xf32, #tpu.memory_space<vmem>>, vector<16xf32>,
      tpu.vector_store %arg12[%swap3A_856, %swap3A_857], %add3A_855 {strides = array<i32>} : memref<16x1024xf32, #tpu.memory_space<vmem>>, vector<16xf32>,
      %get3A_859 = arith.index_cast %scan3A_124 : i32 to index
      %get3A_860 = arith.constant 976 : index
      %get3A_861 = tpu.vector_load %arg12[%get3A_859, %get3A_860] {strides = array<i32>} : memref<16x1024xf32, #tpu.memory_space<vmem>>, vector<16xf32>,
      %mul3A_862 = arith.mulf %get3A_861, %gather3A : vector<16xf32>
      %get3A_863 = arith.index_cast %scan3A_124 : i32 to index
      %get3A_864 = arith.constant 976 : index
      %get3A_865 = tpu.vector_load %arg13[%get3A_863, %get3A_864] {strides = array<i32>} : memref<16x1024xf32, #tpu.memory_space<vmem>>, vector<16xf32>,
      %mul3A_866 = arith.mulf %get3A_865, %gather3A_128 : vector<16xf32>
      %add3A_867 = arith.addf %mul3A_862, %mul3A_866 : vector<16xf32>
      %swap3A_868 = arith.index_cast %scan3A_124 : i32 to index
      %swap3A_869 = arith.constant 976 : index
      %swap3A_870 = tpu.vector_load %arg12[%swap3A_868, %swap3A_869] {strides = array<i32>} : memref<16x1024xf32, #tpu.memory_space<vmem>>, vector<16xf32>,
      tpu.vector_store %arg12[%swap3A_868, %swap3A_869], %add3A_867 {strides = array<i32>} : memref<16x1024xf32, #tpu.memory_space<vmem>>, vector<16xf32>,
      %get3A_871 = arith.index_cast %scan3A_124 : i32 to index
      %get3A_872 = arith.constant 992 : index
      %get3A_873 = tpu.vector_load %arg12[%get3A_871, %get3A_872] {strides = array<i32>} : memref<16x1024xf32, #tpu.memory_space<vmem>>, vector<16xf32>,
      %mul3A_874 = arith.mulf %get3A_873, %gather3A : vector<16xf32>
      %get3A_875 = arith.index_cast %scan3A_124 : i32 to index
      %get3A_876 = arith.constant 992 : index
      %get3A_877 = tpu.vector_load %arg13[%get3A_875, %get3A_876] {strides = array<i32>} : memref<16x1024xf32, #tpu.memory_space<vmem>>, vector<16xf32>,
      %mul3A_878 = arith.mulf %get3A_877, %gather3A_128 : vector<16xf32>
      %add3A_879 = arith.addf %mul3A_874, %mul3A_878 : vector<16xf32>
      %swap3A_880 = arith.index_cast %scan3A_124 : i32 to index
      %swap3A_881 = arith.constant 992 : index
      %swap3A_882 = tpu.vector_load %arg12[%swap3A_880, %swap3A_881] {strides = array<i32>} : memref<16x1024xf32, #tpu.memory_space<vmem>>, vector<16xf32>,
      tpu.vector_store %arg12[%swap3A_880, %swap3A_881], %add3A_879 {strides = array<i32>} : memref<16x1024xf32, #tpu.memory_space<vmem>>, vector<16xf32>,
      %get3A_883 = arith.index_cast %scan3A_124 : i32 to index
      %get3A_884 = arith.constant 1008 : index
      %get3A_885 = tpu.vector_load %arg12[%get3A_883, %get3A_884] {strides = array<i32>} : memref<16x1024xf32, #tpu.memory_space<vmem>>, vector<16xf32>,
      %mul3A_886 = arith.mulf %get3A_885, %gather3A : vector<16xf32>
      %get3A_887 = arith.index_cast %scan3A_124 : i32 to index
      %get3A_888 = arith.constant 1008 : index
      %get3A_889 = tpu.vector_load %arg13[%get3A_887, %get3A_888] {strides = array<i32>} : memref<16x1024xf32, #tpu.memory_space<vmem>>, vector<16xf32>,
      %mul3A_890 = arith.mulf %get3A_889, %gather3A_128 : vector<16xf32>
      %add3A_891 = arith.addf %mul3A_886, %mul3A_890 : vector<16xf32>
      %swap3A_892 = arith.index_cast %scan3A_124 : i32 to index
      %swap3A_893 = arith.constant 1008 : index
      %swap3A_894 = tpu.vector_load %arg12[%swap3A_892, %swap3A_893] {strides = array<i32>} : memref<16x1024xf32, #tpu.memory_space<vmem>>, vector<16xf32>,
      tpu.vector_store %arg12[%swap3A_892, %swap3A_893], %add3A_891 {strides = array<i32>} : memref<16x1024xf32, #tpu.memory_space<vmem>>, vector<16xf32>,
      %scan3A_895 = arith.constant 0 : i32
      scf.yield %scan3A_895 : i32
    }
    %scan3A_109 = arith.constant 16 : i32
    %add3A_110 = arith.constant 48 : i32
    %add3A_111 = arith.addi %mul3A_2, %add3A_110 : i32
    %dma_start3A_112 = arith.constant 0 : i32
    %dma_start3A_113 = tpu.memref_slice %arg7[%add3A_111, %dma_start3A_112] : memref<2048x1024xf32, #tpu.memory_space<hbm>> -> memref<16x1024xf32, #tpu.memory_space<hbm>>
    %dma_start3A_114 = arith.constant 0 : i32
    %dma_start3A_115 = tpu.memref_slice %arg7[%add3A_111, %dma_start3A_114] : memref<2048x1024xf32, #tpu.memory_space<hbm>> -> memref<16x1024xf32, #tpu.memory_space<hbm>>
    tpu.enqueue_dma source(%arg12 : memref<16x1024xf32, #tpu.memory_space<vmem>>) target(%dma_start3A_115 : memref<16x1024xf32, #tpu.memory_space<hbm>>) target_semaphore(%arg23 : memref<!tpu.dma_semaphore, #tpu.memory_space<semaphore_mem>>)
    %dma_wait3A_116 = arith.constant 0 : i32
    %dma_wait3A_117 = tpu.memref_slice %arg7[%add3A_92, %dma_wait3A_116] : memref<2048x1024xf32, #tpu.memory_space<hbm>> -> memref<16x1024xf32, #tpu.memory_space<hbm>>
    %dma_wait3A_118 = arith.constant 0 : i32
    %dma_wait3A_119 = tpu.memref_slice %arg7[%add3A_92, %dma_wait3A_118] : memref<2048x1024xf32, #tpu.memory_space<hbm>> -> memref<16x1024xf32, #tpu.memory_space<hbm>>
    tpu.wait_dma2 semaphore(%arg20 : memref<!tpu.dma_semaphore, #tpu.memory_space<semaphore_mem>>) src(%arg8 : memref<16x1024xf32, #tpu.memory_space<vmem>>) dst(%dma_wait3A_119 : memref<16x1024xf32, #tpu.memory_space<hbm>>)
    %dma_wait3A_120 = arith.constant 0 : i32
    %dma_wait3A_121 = tpu.memref_slice %arg7[%add3A_111, %dma_wait3A_120] : memref<2048x1024xf32, #tpu.memory_space<hbm>> -> memref<16x1024xf32, #tpu.memory_space<hbm>>
    %dma_wait3A_122 = arith.constant 0 : i32
    %dma_wait3A_123 = tpu.memref_slice %arg7[%add3A_111, %dma_wait3A_122] : memref<2048x1024xf32, #tpu.memory_space<hbm>> -> memref<16x1024xf32, #tpu.memory_space<hbm>>
    tpu.wait_dma2 semaphore(%arg23 : memref<!tpu.dma_semaphore, #tpu.memory_space<semaphore_mem>>) src(%arg12 : memref<16x1024xf32, #tpu.memory_space<vmem>>) dst(%dma_wait3A_123 : memref<16x1024xf32, #tpu.memory_space<hbm>>)
    return
  }
}

module attributes {stable_mosaic.version = 14 : i64} {
  func.func @_expert_body(%arg0: i32, %arg1: memref<96xi32, #tpu.memory_space<smem>>, %arg2: memref<96xi32, #tpu.memory_space<smem>>, %arg3: memref<96xi32, #tpu.memory_space<smem>>, %arg4: memref<128x1024xf32, #tpu.memory_space<vmem>>, %arg5: memref<1x1024x512xf32, #tpu.memory_space<vmem>>, %arg6: memref<1x1024x512xf32, #tpu.memory_space<vmem>>, %arg7: memref<1x512x1024xf32, #tpu.memory_space<vmem>>, %arg8: memref<128x1024xf32, #tpu.memory_space<vmem>>) attributes {dimension_semantics = [#tpu.dimension_semantics<arbitrary>], iteration_bounds = array<i64: 96>, scalar_prefetch = 3 : i64, scratch_operands = 0 : i64, tpu.core_type = #tpu.core_type<tc>, window_params = [{transform_indices = @transform_0, window_bounds = array<i64: 128, 1024>}, {transform_indices = @transform_1, window_bounds = array<i64: 1, 1024, 512>}, {transform_indices = @transform_2, window_bounds = array<i64: 1, 1024, 512>}, {transform_indices = @transform_3, window_bounds = array<i64: 1, 512, 1024>}, {transform_indices = @transform_4, window_bounds = array<i64: 128, 1024>}]} {
    %get3A = arith.index_cast %arg0 : i32 to index
    %get3A_0 = memref.load %arg2[%get3A] : memref<96xi32, #tpu.memory_space<smem>>
    %eq3A = arith.constant 1 : i32
    %eq3A_1 = arith.cmpi eq, %get3A_0, %eq3A : i32
    %convert_element_type3A = arith.extui %eq3A_1 : i1 to i32
    %cond3A = arith.constant 0 : i32
    %cond3A_2 = arith.cmpi ne, %convert_element_type3A, %cond3A : i32
    scf.if %cond3A_2 {
      %get3A_3 = arith.constant 0 : index
      %get3A_4 = arith.constant 0 : index
      %get3A_5 = vector.load %arg4[%get3A_3, %get3A_4] : memref<128x1024xf32, #tpu.memory_space<vmem>>, vector<128x1024xf32>
      %get3A_6 = arith.constant 0 : index
      %get3A_7 = arith.constant 0 : index
      %get3A_8 = arith.constant 0 : index
      %get3A_9 = vector.load %arg5[%get3A_6, %get3A_7, %get3A_8] : memref<1x1024x512xf32, #tpu.memory_space<vmem>>, vector<1x1024x512xf32>
      %get3A_10 = vector.shape_cast %get3A_9 : vector<1x1024x512xf32> to vector<1024x512xf32>
      %dot_general3A = arith.constant dense<0.000000e+00> : vector<128x512xf32>
      %dot_general3A_11 = tpu.matmul %get3A_5, %get3A_10, %dot_general3A {dimension_numbers = #tpu.dot_dimension_numbers<[1], [0], [0], [1], [0, 0, 1, 1], [], []>, transpose_lhs_hint = false} : vector<128x1024xf32>, vector<1024x512xf32>, vector<128x512xf32> -> vector<128x512xf32>
      %logistic3A = arith.negf %dot_general3A_11 : vector<128x512xf32>
      %logistic3A_12 = math.exp %logistic3A : vector<128x512xf32>
      %logistic3A_13 = arith.constant 1.000000e+00 : f32
      %logistic3A_14 = vector.broadcast %logistic3A_13 : f32 to vector<128x512xf32>
      %logistic3A_15 = arith.addf %logistic3A_14, %logistic3A_12 : vector<128x512xf32>
      %logistic3A_16 = arith.divf %logistic3A_14, %logistic3A_15 : vector<128x512xf32>
      %mul3A = arith.mulf %dot_general3A_11, %logistic3A_16 : vector<128x512xf32>
      %get3A_17 = arith.constant 0 : index
      %get3A_18 = arith.constant 0 : index
      %get3A_19 = arith.constant 0 : index
      %get3A_20 = vector.load %arg6[%get3A_17, %get3A_18, %get3A_19] : memref<1x1024x512xf32, #tpu.memory_space<vmem>>, vector<1x1024x512xf32>
      %get3A_21 = vector.shape_cast %get3A_20 : vector<1x1024x512xf32> to vector<1024x512xf32>
      %dot_general3A_22 = arith.constant dense<0.000000e+00> : vector<128x512xf32>
      %dot_general3A_23 = tpu.matmul %get3A_5, %get3A_21, %dot_general3A_22 {dimension_numbers = #tpu.dot_dimension_numbers<[1], [0], [0], [1], [0, 0, 1, 1], [], []>, transpose_lhs_hint = false} : vector<128x1024xf32>, vector<1024x512xf32>, vector<128x512xf32> -> vector<128x512xf32>
      %mul3A_24 = arith.mulf %mul3A, %dot_general3A_23 : vector<128x512xf32>
      %get3A_25 = arith.constant 0 : index
      %get3A_26 = arith.constant 0 : index
      %get3A_27 = arith.constant 0 : index
      %get3A_28 = vector.load %arg7[%get3A_25, %get3A_26, %get3A_27] : memref<1x512x1024xf32, #tpu.memory_space<vmem>>, vector<1x512x1024xf32>
      %get3A_29 = vector.shape_cast %get3A_28 : vector<1x512x1024xf32> to vector<512x1024xf32>
      %dot_general3A_30 = arith.constant dense<0.000000e+00> : vector<128x1024xf32>
      %dot_general3A_31 = tpu.matmul %mul3A_24, %get3A_29, %dot_general3A_30 {dimension_numbers = #tpu.dot_dimension_numbers<[1], [0], [0], [1], [0, 0, 1, 1], [], []>, transpose_lhs_hint = false} : vector<128x512xf32>, vector<512x1024xf32>, vector<128x1024xf32> -> vector<128x1024xf32>
      %swap3A = arith.constant 0 : index
      %swap3A_32 = arith.constant 0 : index
      %swap3A_33 = vector.load %arg8[%swap3A, %swap3A_32] : memref<128x1024xf32, #tpu.memory_space<vmem>>, vector<128x1024xf32>
      tpu.vector_store %arg8[%swap3A, %swap3A_32], %dot_general3A_31 {strides = array<i32>} : memref<128x1024xf32, #tpu.memory_space<vmem>>, vector<128x1024xf32>,
    } else {
    }
    return
  }
  func.func @transform_0(%arg0: i32, %arg1: memref<96xi32, #tpu.memory_space<smem>>, %arg2: memref<96xi32, #tpu.memory_space<smem>>, %arg3: memref<96xi32, #tpu.memory_space<smem>>) -> (i32, i32) {
    %get3A = arith.index_cast %arg0 : i32 to index
    %get3A_0 = memref.load %arg3[%get3A] : memref<96xi32, #tpu.memory_space<smem>>
    %c0_i32 = arith.constant 0 : i32
    %c0_i32_1 = arith.constant 0 : i32
    return %get3A_0, %c0_i32 : i32, i32
  }
  func.func @transform_1(%arg0: i32, %arg1: memref<96xi32, #tpu.memory_space<smem>>, %arg2: memref<96xi32, #tpu.memory_space<smem>>, %arg3: memref<96xi32, #tpu.memory_space<smem>>) -> (i32, i32, i32) {
    %get3A = arith.index_cast %arg0 : i32 to index
    %get3A_0 = memref.load %arg1[%get3A] : memref<96xi32, #tpu.memory_space<smem>>
    %c0_i32 = arith.constant 0 : i32
    %c0_i32_1 = arith.constant 0 : i32
    %c0_i32_2 = arith.constant 0 : i32
    return %get3A_0, %c0_i32, %c0_i32_1 : i32, i32, i32
  }
  func.func @transform_2(%arg0: i32, %arg1: memref<96xi32, #tpu.memory_space<smem>>, %arg2: memref<96xi32, #tpu.memory_space<smem>>, %arg3: memref<96xi32, #tpu.memory_space<smem>>) -> (i32, i32, i32) {
    %get3A = arith.index_cast %arg0 : i32 to index
    %get3A_0 = memref.load %arg1[%get3A] : memref<96xi32, #tpu.memory_space<smem>>
    %c0_i32 = arith.constant 0 : i32
    %c0_i32_1 = arith.constant 0 : i32
    %c0_i32_2 = arith.constant 0 : i32
    return %get3A_0, %c0_i32, %c0_i32_1 : i32, i32, i32
  }
  func.func @transform_3(%arg0: i32, %arg1: memref<96xi32, #tpu.memory_space<smem>>, %arg2: memref<96xi32, #tpu.memory_space<smem>>, %arg3: memref<96xi32, #tpu.memory_space<smem>>) -> (i32, i32, i32) {
    %get3A = arith.index_cast %arg0 : i32 to index
    %get3A_0 = memref.load %arg1[%get3A] : memref<96xi32, #tpu.memory_space<smem>>
    %c0_i32 = arith.constant 0 : i32
    %c0_i32_1 = arith.constant 0 : i32
    %c0_i32_2 = arith.constant 0 : i32
    return %get3A_0, %c0_i32, %c0_i32_1 : i32, i32, i32
  }
  func.func @transform_4(%arg0: i32, %arg1: memref<96xi32, #tpu.memory_space<smem>>, %arg2: memref<96xi32, #tpu.memory_space<smem>>, %arg3: memref<96xi32, #tpu.memory_space<smem>>) -> (i32, i32) {
    %get3A = arith.index_cast %arg0 : i32 to index
    %get3A_0 = memref.load %arg3[%get3A] : memref<96xi32, #tpu.memory_space<smem>>
    %c0_i32 = arith.constant 0 : i32
    %c0_i32_1 = arith.constant 0 : i32
    return %get3A_0, %c0_i32 : i32, i32
  }
}

module attributes {stable_mosaic.version = 14 : i64} {
  func.func @_router_body(%arg0: i32, %arg1: memref<512x1024xf32, #tpu.memory_space<vmem>>, %arg2: memref<1024x64xf32, #tpu.memory_space<vmem>>, %arg3: memref<512xi32, #tpu.memory_space<vmem>>, %arg4: memref<512xi32, #tpu.memory_space<vmem>>, %arg5: memref<512xi32, #tpu.memory_space<vmem>>, %arg6: memref<512xi32, #tpu.memory_space<vmem>>, %arg7: memref<512xf32, #tpu.memory_space<vmem>>, %arg8: memref<512xf32, #tpu.memory_space<vmem>>, %arg9: memref<64xi32, #tpu.memory_space<vmem>>, %arg10: memref<96xi32, #tpu.memory_space<vmem>>, %arg11: memref<96xi32, #tpu.memory_space<vmem>>, %arg12: memref<96xi32, #tpu.memory_space<vmem>>, %arg13: memref<1x64xf32, #tpu.memory_space<vmem>>) attributes {dimension_semantics = [#tpu.dimension_semantics<arbitrary>], iteration_bounds = array<i64: 4>, scalar_prefetch = 0 : i64, scratch_operands = 1 : i64, tpu.core_type = #tpu.core_type<tc>, window_params = [{transform_indices = @transform_0, window_bounds = array<i64: 512, 1024>}, {pipeline_mode = #tpu.pipeline_mode<synchronous>, transform_indices = @transform_1, window_bounds = array<i64: 1024, 64>}, {transform_indices = @transform_2, window_bounds = array<i64: 512>}, {transform_indices = @transform_3, window_bounds = array<i64: 512>}, {transform_indices = @transform_4, window_bounds = array<i64: 512>}, {transform_indices = @transform_5, window_bounds = array<i64: 512>}, {transform_indices = @transform_6, window_bounds = array<i64: 512>}, {transform_indices = @transform_7, window_bounds = array<i64: 512>}, {pipeline_mode = #tpu.pipeline_mode<synchronous>, transform_indices = @transform_8, window_bounds = array<i64: 64>}, {pipeline_mode = #tpu.pipeline_mode<synchronous>, transform_indices = @transform_9, window_bounds = array<i64: 96>}, {pipeline_mode = #tpu.pipeline_mode<synchronous>, transform_indices = @transform_10, window_bounds = array<i64: 96>}, {pipeline_mode = #tpu.pipeline_mode<synchronous>, transform_indices = @transform_11, window_bounds = array<i64: 96>}]} {
    %get3A = arith.constant 0 : index
    %get3A_0 = arith.constant 0 : index
    %get3A_1 = vector.load %arg1[%get3A, %get3A_0] : memref<512x1024xf32, #tpu.memory_space<vmem>>, vector<512x1024xf32>
    %get3A_2 = arith.constant 0 : index
    %get3A_3 = arith.constant 0 : index
    %get3A_4 = vector.load %arg2[%get3A_2, %get3A_3] : memref<1024x64xf32, #tpu.memory_space<vmem>>, vector<1024x64xf32>
    %dot_general3A = arith.constant dense<0.000000e+00> : vector<512x64xf32>
    %dot_general3A_5 = tpu.matmul %get3A_1, %get3A_4, %dot_general3A {dimension_numbers = #tpu.dot_dimension_numbers<[1], [0], [0], [1], [0, 0, 1, 1], [], []>, transpose_lhs_hint = false} : vector<512x1024xf32>, vector<1024x64xf32>, vector<512x64xf32> -> vector<512x64xf32>
    %iota3A = tpu.iota {dimensions = array<i32: 1>} : vector<512x64xi32>
    %argmax3A = tpu.reduce_index %dot_general3A_5 {axis = 1 : i32, kind = #tpu.reduction_kind<arg_max>} : vector<512x64xf32> -> vector<512xi32>
    %broadcast_in_dim3A = vector.shape_cast %argmax3A : vector<512xi32> to vector<512x1xi32>
    %reduce_max3A = arith.constant dense<0xFF800000> : vector<512xf32>
    %reduce_max3A_6 = vector.multi_reduction <maximumf>, %dot_general3A_5, %reduce_max3A [1] : vector<512x64xf32> to vector<512xf32>
    %broadcast_in_dim3A_7 = vector.shape_cast %reduce_max3A_6 : vector<512xf32> to vector<512x1xf32>
    %eq3A = vector.broadcast %broadcast_in_dim3A : vector<512x1xi32> to vector<512x64xi32>
    %eq3A_8 = arith.cmpi eq, %iota3A, %eq3A : vector<512x64xi32>
    %jit3A = arith.constant 0xFF800000 : f32
    %broadcast_in_dim3A_9 = vector.broadcast %jit3A : f32 to vector<512x64xf32>
    %select_n3A = arith.select %eq3A_8, %broadcast_in_dim3A_9, %dot_general3A_5 : vector<512x64xi1>, vector<512x64xf32>
    %argmax3A_10 = tpu.reduce_index %select_n3A {axis = 1 : i32, kind = #tpu.reduction_kind<arg_max>} : vector<512x64xf32> -> vector<512xi32>
    %broadcast_in_dim3A_11 = vector.shape_cast %argmax3A_10 : vector<512xi32> to vector<512x1xi32>
    %reduce_max3A_12 = arith.constant dense<0xFF800000> : vector<512xf32>
    %reduce_max3A_13 = vector.multi_reduction <maximumf>, %select_n3A, %reduce_max3A_12 [1] : vector<512x64xf32> to vector<512xf32>
    %broadcast_in_dim3A_14 = vector.shape_cast %reduce_max3A_13 : vector<512xf32> to vector<512x1xf32>
    %sub3A = arith.subf %broadcast_in_dim3A_14, %broadcast_in_dim3A_7 : vector<512x1xf32>
    %exp3A = math.exp %sub3A : vector<512x1xf32>
    %add3A = arith.constant 1.000000e+00 : f32
    %add3A_15 = vector.broadcast %add3A : f32 to vector<512x1xf32>
    %add3A_16 = arith.addf %add3A_15, %exp3A : vector<512x1xf32>
    %div3A = arith.constant 1.000000e+00 : f32
    %div3A_17 = vector.broadcast %div3A : f32 to vector<512x1xf32>
    %div3A_18 = arith.divf %div3A_17, %add3A_16 : vector<512x1xf32>
    %eq3A_19 = vector.broadcast %broadcast_in_dim3A : vector<512x1xi32> to vector<512x64xi32>
    %eq3A_20 = arith.cmpi eq, %iota3A, %eq3A_19 : vector<512x64xi32>
    %convert_element_type3A = arith.extui %eq3A_20 : vector<512x64xi1> to vector<512x64xi32>
    %convert_element_type3A_21 = arith.sitofp %convert_element_type3A : vector<512x64xi32> to vector<512x64xf32>
    %eq3A_22 = vector.broadcast %broadcast_in_dim3A_11 : vector<512x1xi32> to vector<512x64xi32>
    %eq3A_23 = arith.cmpi eq, %iota3A, %eq3A_22 : vector<512x64xi32>
    %convert_element_type3A_24 = arith.extui %eq3A_23 : vector<512x64xi1> to vector<512x64xi32>
    %convert_element_type3A_25 = arith.sitofp %convert_element_type3A_24 : vector<512x64xi32> to vector<512x64xf32>
    %add3A_26 = arith.addf %convert_element_type3A_21, %convert_element_type3A_25 : vector<512x64xf32>
    %eq3A_27 = arith.constant 0 : i32
    %eq3A_28 = arith.cmpi eq, %arg0, %eq3A_27 : i32
    %convert_element_type3A_29 = arith.extui %eq3A_28 : i1 to i32
    %cond3A = arith.constant 0 : i32
    %cond3A_30 = arith.cmpi ne, %convert_element_type3A_29, %cond3A : i32
    scf.if %cond3A_30 {
      %broadcast_in_dim3A_80 = arith.constant 0.000000e+00 : f32
      %broadcast_in_dim3A_81 = vector.broadcast %broadcast_in_dim3A_80 : f32 to vector<1x64xf32>
      %swap3A_82 = arith.constant 0 : index
      %swap3A_83 = arith.constant 0 : index
      %swap3A_84 = vector.load %arg13[%swap3A_82, %swap3A_83] : memref<1x64xf32, #tpu.memory_space<vmem>>, vector<1x64xf32>
      tpu.vector_store %arg13[%swap3A_82, %swap3A_83], %broadcast_in_dim3A_81 {strides = array<i32>} : memref<1x64xf32, #tpu.memory_space<vmem>>, vector<1x64xf32>,
    } else {
    }
    %iota3A_31 = tpu.iota {dimensions = array<i32: 0>} : vector<512x512xi32>
    %iota3A_32 = tpu.iota {dimensions = array<i32: 1>} : vector<512x512xi32>
    %gt3A = arith.cmpi sgt, %iota3A_31, %iota3A_32 : vector<512x512xi32>
    %convert_element_type3A_33 = arith.extui %gt3A : vector<512x512xi1> to vector<512x512xi32>
    %convert_element_type3A_34 = arith.sitofp %convert_element_type3A_33 : vector<512x512xi32> to vector<512x512xf32>
    %dot_general3A_35 = arith.constant dense<0.000000e+00> : vector<512x64xf32>
    %dot_general3A_36 = tpu.matmul %convert_element_type3A_34, %add3A_26, %dot_general3A_35 {dimension_numbers = #tpu.dot_dimension_numbers<[1], [0], [0], [1], [0, 0, 1, 1], [], []>, transpose_lhs_hint = false} : vector<512x512xf32>, vector<512x64xf32>, vector<512x64xf32> -> vector<512x64xf32>
    %get3A_37 = arith.constant 0 : index
    %get3A_38 = arith.constant 0 : index
    %get3A_39 = vector.load %arg13[%get3A_37, %get3A_38] : memref<1x64xf32, #tpu.memory_space<vmem>>, vector<1x64xf32>
    %add3A_40 = vector.broadcast %get3A_39 : vector<1x64xf32> to vector<512x64xf32>
    %add3A_41 = arith.addf %dot_general3A_36, %add3A_40 : vector<512x64xf32>
    %squeeze3A = vector.shape_cast %broadcast_in_dim3A : vector<512x1xi32> to vector<512xi32>
    %swap3A = arith.constant 0 : index
    %swap3A_42 = vector.load %arg3[%swap3A] : memref<512xi32, #tpu.memory_space<vmem>>, vector<512xi32>
    tpu.vector_store %arg3[%swap3A], %squeeze3A {strides = array<i32>} : memref<512xi32, #tpu.memory_space<vmem>>, vector<512xi32>,
    %squeeze3A_43 = vector.shape_cast %broadcast_in_dim3A_11 : vector<512x1xi32> to vector<512xi32>
    %swap3A_44 = arith.constant 0 : index
    %swap3A_45 = vector.load %arg4[%swap3A_44] : memref<512xi32, #tpu.memory_space<vmem>>, vector<512xi32>
    tpu.vector_store %arg4[%swap3A_44], %squeeze3A_43 {strides = array<i32>} : memref<512xi32, #tpu.memory_space<vmem>>, vector<512xi32>,
    %mul3A = arith.mulf %convert_element_type3A_21, %add3A_41 : vector<512x64xf32>
    %reduce_sum3A = arith.constant dense<0.000000e+00> : vector<512xf32>
    %reduce_sum3A_46 = vector.multi_reduction <add>, %mul3A, %reduce_sum3A [1] : vector<512x64xf32> to vector<512xf32>
    %convert_element_type3A_47 = arith.fptosi %reduce_sum3A_46 : vector<512xf32> to vector<512xi32>
    %swap3A_48 = arith.constant 0 : index
    %swap3A_49 = vector.load %arg5[%swap3A_48] : memref<512xi32, #tpu.memory_space<vmem>>, vector<512xi32>
    tpu.vector_store %arg5[%swap3A_48], %convert_element_type3A_47 {strides = array<i32>} : memref<512xi32, #tpu.memory_space<vmem>>, vector<512xi32>,
    %mul3A_50 = arith.mulf %convert_element_type3A_25, %add3A_41 : vector<512x64xf32>
    %reduce_sum3A_51 = arith.constant dense<0.000000e+00> : vector<512xf32>
    %reduce_sum3A_52 = vector.multi_reduction <add>, %mul3A_50, %reduce_sum3A_51 [1] : vector<512x64xf32> to vector<512xf32>
    %convert_element_type3A_53 = arith.fptosi %reduce_sum3A_52 : vector<512xf32> to vector<512xi32>
    %swap3A_54 = arith.constant 0 : index
    %swap3A_55 = vector.load %arg6[%swap3A_54] : memref<512xi32, #tpu.memory_space<vmem>>, vector<512xi32>
    tpu.vector_store %arg6[%swap3A_54], %convert_element_type3A_53 {strides = array<i32>} : memref<512xi32, #tpu.memory_space<vmem>>, vector<512xi32>,
    %squeeze3A_56 = vector.shape_cast %div3A_18 : vector<512x1xf32> to vector<512xf32>
    %swap3A_57 = arith.constant 0 : index
    %swap3A_58 = vector.load %arg7[%swap3A_57] : memref<512xf32, #tpu.memory_space<vmem>>, vector<512xf32>
    tpu.vector_store %arg7[%swap3A_57], %squeeze3A_56 {strides = array<i32>} : memref<512xf32, #tpu.memory_space<vmem>>, vector<512xf32>,
    %squeeze3A_59 = vector.shape_cast %div3A_18 : vector<512x1xf32> to vector<512xf32>
    %sub3A_60 = arith.constant 1.000000e+00 : f32
    %sub3A_61 = vector.broadcast %sub3A_60 : f32 to vector<512xf32>
    %sub3A_62 = arith.subf %sub3A_61, %squeeze3A_59 : vector<512xf32>
    %swap3A_63 = arith.constant 0 : index
    %swap3A_64 = vector.load %arg8[%swap3A_63] : memref<512xf32, #tpu.memory_space<vmem>>, vector<512xf32>
    tpu.vector_store %arg8[%swap3A_63], %sub3A_62 {strides = array<i32>} : memref<512xf32, #tpu.memory_space<vmem>>, vector<512xf32>,
    %get3A_65 = arith.constant 0 : index
    %get3A_66 = arith.constant 0 : index
    %get3A_67 = vector.load %arg13[%get3A_65, %get3A_66] : memref<1x64xf32, #tpu.memory_space<vmem>>, vector<1x64xf32>
    %reduce_sum3A_68 = arith.constant dense<0.000000e+00> : vector<64xf32>
    %reduce_sum3A_69 = vector.multi_reduction <add>, %add3A_26, %reduce_sum3A_68 [0] : vector<512x64xf32> to vector<64xf32>
    %broadcast_in_dim3A_70 = vector.shape_cast %reduce_sum3A_69 : vector<64xf32> to vector<1x64xf32>
    %add3A_71 = arith.addf %get3A_67, %broadcast_in_dim3A_70 : vector<1x64xf32>
    %swap3A_72 = arith.constant 0 : index
    %swap3A_73 = arith.constant 0 : index
    %swap3A_74 = vector.load %arg13[%swap3A_72, %swap3A_73] : memref<1x64xf32, #tpu.memory_space<vmem>>, vector<1x64xf32>
    tpu.vector_store %arg13[%swap3A_72, %swap3A_73], %add3A_71 {strides = array<i32>} : memref<1x64xf32, #tpu.memory_space<vmem>>, vector<1x64xf32>,
    %eq3A_75 = arith.constant 3 : i32
    %eq3A_76 = arith.cmpi eq, %arg0, %eq3A_75 : i32
    %convert_element_type3A_77 = arith.extui %eq3A_76 : i1 to i32
    %cond3A_78 = arith.constant 0 : i32
    %cond3A_79 = arith.cmpi ne, %convert_element_type3A_77, %cond3A_78 : i32
    scf.if %cond3A_79 {
      %get3A_80 = arith.constant 0 : index
      %get3A_81 = arith.constant 0 : index
      %get3A_82 = vector.load %arg13[%get3A_80, %get3A_81] : memref<1x64xf32, #tpu.memory_space<vmem>>, vector<1x64xf32>
      %div3A_83 = arith.constant 1.280000e+02 : f32
      %div3A_84 = vector.broadcast %div3A_83 : f32 to vector<1x64xf32>
      %div3A_85 = arith.divf %get3A_82, %div3A_84 : vector<1x64xf32>
      %ceil3A = math.ceil %div3A_85 : vector<1x64xf32>
      %mul3A_86 = arith.constant 1.280000e+02 : f32
      %mul3A_87 = vector.broadcast %mul3A_86 : f32 to vector<1x64xf32>
      %mul3A_88 = arith.mulf %ceil3A, %mul3A_87 : vector<1x64xf32>
      %iota3A_89 = tpu.iota {dimensions = array<i32: 0>} : vector<64x64xi32>
      %iota3A_90 = tpu.iota {dimensions = array<i32: 1>} : vector<64x64xi32>
      %lt3A = arith.cmpi slt, %iota3A_89, %iota3A_90 : vector<64x64xi32>
      %convert_element_type3A_91 = arith.extui %lt3A : vector<64x64xi1> to vector<64x64xi32>
      %convert_element_type3A_92 = arith.sitofp %convert_element_type3A_91 : vector<64x64xi32> to vector<64x64xf32>
      %dot_general3A_93 = arith.constant dense<0.000000e+00> : vector<1x64xf32>
      %dot_general3A_94 = tpu.matmul %mul3A_88, %convert_element_type3A_92, %dot_general3A_93 {dimension_numbers = #tpu.dot_dimension_numbers<[1], [0], [0], [1], [0, 0, 1, 1], [], []>, transpose_lhs_hint = false} : vector<1x64xf32>, vector<64x64xf32>, vector<1x64xf32> -> vector<1x64xf32>
      %squeeze3A_95 = vector.shape_cast %dot_general3A_94 : vector<1x64xf32> to vector<64xf32>
      %convert_element_type3A_96 = arith.fptosi %squeeze3A_95 : vector<64xf32> to vector<64xi32>
      %swap3A_97 = arith.constant 0 : index
      %swap3A_98 = vector.load %arg9[%swap3A_97] : memref<64xi32, #tpu.memory_space<vmem>>, vector<64xi32>
      tpu.vector_store %arg9[%swap3A_97], %convert_element_type3A_96 {strides = array<i32>} : memref<64xi32, #tpu.memory_space<vmem>>, vector<64xi32>,
      %iota3A_99 = tpu.iota {dimensions = array<i32: 0>} : vector<96x1xi32>
      %convert_element_type3A_100 = arith.sitofp %iota3A_99 : vector<96x1xi32> to vector<96x1xf32>
      %mul3A_101 = arith.constant 1.280000e+02 : f32
      %mul3A_102 = vector.broadcast %mul3A_101 : f32 to vector<96x1xf32>
      %mul3A_103 = arith.mulf %convert_element_type3A_100, %mul3A_102 : vector<96x1xf32>
      %le3A = vector.broadcast %dot_general3A_94 : vector<1x64xf32> to vector<96x64xf32>
      %le3A_104 = vector.broadcast %mul3A_103 : vector<96x1xf32> to vector<96x64xf32>
      %le3A_105 = arith.cmpf ole, %le3A, %le3A_104 : vector<96x64xf32>
      %convert_element_type3A_106 = arith.extui %le3A_105 : vector<96x64xi1> to vector<96x64xi32>
      %convert_element_type3A_107 = arith.sitofp %convert_element_type3A_106 : vector<96x64xi32> to vector<96x64xf32>
      %reduce_sum3A_108 = arith.constant dense<0.000000e+00> : vector<96xf32>
      %reduce_sum3A_109 = vector.multi_reduction <add>, %convert_element_type3A_107, %reduce_sum3A_108 [1] : vector<96x64xf32> to vector<96xf32>
      %sub3A_110 = arith.constant 1.000000e+00 : f32
      %sub3A_111 = vector.broadcast %sub3A_110 : f32 to vector<96xf32>
      %sub3A_112 = arith.subf %reduce_sum3A_109, %sub3A_111 : vector<96xf32>
      %convert_element_type3A_113 = arith.fptosi %sub3A_112 : vector<96xf32> to vector<96xi32>
      %iota3A_114 = tpu.iota {dimensions = array<i32: 1>} : vector<96x64xi32>
      %broadcast_in_dim3A_115 = vector.shape_cast %convert_element_type3A_113 : vector<96xi32> to vector<96x1xi32>
      %eq3A_116 = vector.broadcast %broadcast_in_dim3A_115 : vector<96x1xi32> to vector<96x64xi32>
      %eq3A_117 = arith.cmpi eq, %iota3A_114, %eq3A_116 : vector<96x64xi32>
      %convert_element_type3A_118 = arith.extui %eq3A_117 : vector<96x64xi1> to vector<96x64xi32>
      %convert_element_type3A_119 = arith.sitofp %convert_element_type3A_118 : vector<96x64xi32> to vector<96x64xf32>
      %add3A_120 = arith.addf %dot_general3A_94, %get3A_82 : vector<1x64xf32>
      %mul3A_121 = vector.broadcast %add3A_120 : vector<1x64xf32> to vector<96x64xf32>
      %mul3A_122 = arith.mulf %convert_element_type3A_119, %mul3A_121 : vector<96x64xf32>
      %reduce_sum3A_123 = arith.constant dense<0.000000e+00> : vector<96xf32>
      %reduce_sum3A_124 = vector.multi_reduction <add>, %mul3A_122, %reduce_sum3A_123 [1] : vector<96x64xf32> to vector<96xf32>
      %swap3A_125 = arith.constant 0 : index
      %swap3A_126 = vector.load %arg10[%swap3A_125] : memref<96xi32, #tpu.memory_space<vmem>>, vector<96xi32>
      tpu.vector_store %arg10[%swap3A_125], %convert_element_type3A_113 {strides = array<i32>} : memref<96xi32, #tpu.memory_space<vmem>>, vector<96xi32>,
      %squeeze3A_127 = vector.shape_cast %mul3A_103 : vector<96x1xf32> to vector<96xf32>
      %lt3A_128 = arith.cmpf olt, %squeeze3A_127, %reduce_sum3A_124 : vector<96xf32>
      %convert_element_type3A_129 = arith.extui %lt3A_128 : vector<96xi1> to vector<96xi32>
      %convert_element_type3A_130 = arith.sitofp %convert_element_type3A_129 : vector<96xi32> to vector<96xf32>
      %convert_element_type3A_131 = arith.fptosi %convert_element_type3A_130 : vector<96xf32> to vector<96xi32>
      %swap3A_132 = arith.constant 0 : index
      %swap3A_133 = vector.load %arg11[%swap3A_132] : memref<96xi32, #tpu.memory_space<vmem>>, vector<96xi32>
      tpu.vector_store %arg11[%swap3A_132], %convert_element_type3A_131 {strides = array<i32>} : memref<96xi32, #tpu.memory_space<vmem>>, vector<96xi32>,
      %iota3A_134 = tpu.iota {dimensions = array<i32: 1>} : vector<96x96xi32>
      %iota3A_135 = tpu.iota {dimensions = array<i32: 0>} : vector<96x96xi32>
      %ge3A = arith.cmpi sge, %iota3A_135, %iota3A_134 : vector<96x96xi32>
      %convert_element_type3A_136 = arith.extui %ge3A : vector<96x96xi1> to vector<96x96xi32>
      %convert_element_type3A_137 = arith.sitofp %convert_element_type3A_136 : vector<96x96xi32> to vector<96x96xf32>
      %broadcast_in_dim3A_138 = vector.shape_cast %convert_element_type3A_130 : vector<96xf32> to vector<1x96xf32>
      %mul3A_139 = vector.broadcast %broadcast_in_dim3A_138 : vector<1x96xf32> to vector<96x96xf32>
      %mul3A_140 = arith.mulf %convert_element_type3A_137, %mul3A_139 : vector<96x96xf32>
      %convert_element_type3A_141 = arith.sitofp %iota3A_134 : vector<96x96xi32> to vector<96x96xf32>
      %mul3A_142 = arith.mulf %convert_element_type3A_141, %mul3A_140 : vector<96x96xf32>
      %reduce_max3A_143 = arith.constant dense<0xFF800000> : vector<96xf32>
      %reduce_max3A_144 = vector.multi_reduction <maximumf>, %mul3A_142, %reduce_max3A_143 [1] : vector<96x96xf32> to vector<96xf32>
      %convert_element_type3A_145 = arith.fptosi %reduce_max3A_144 : vector<96xf32> to vector<96xi32>
      %swap3A_146 = arith.constant 0 : index
      %swap3A_147 = vector.load %arg12[%swap3A_146] : memref<96xi32, #tpu.memory_space<vmem>>, vector<96xi32>
      tpu.vector_store %arg12[%swap3A_146], %convert_element_type3A_145 {strides = array<i32>} : memref<96xi32, #tpu.memory_space<vmem>>, vector<96xi32>,
    } else {
    }
    return
  }
  func.func @transform_0(%arg0: i32) -> (i32, i32) {
    %c0_i32 = arith.constant 0 : i32
    %c0_i32_0 = arith.constant 0 : i32
    return %arg0, %c0_i32 : i32, i32
  }
  func.func @transform_1(%arg0: i32) -> (i32, i32) {
    %c0_i32 = arith.constant 0 : i32
    %c0_i32_0 = arith.constant 0 : i32
    %c0_i32_1 = arith.constant 0 : i32
    return %c0_i32, %c0_i32_0 : i32, i32
  }
  func.func @transform_2(%arg0: i32) -> i32 {
    %c0_i32 = arith.constant 0 : i32
    return %arg0 : i32
  }
  func.func @transform_3(%arg0: i32) -> i32 {
    %c0_i32 = arith.constant 0 : i32
    return %arg0 : i32
  }
  func.func @transform_4(%arg0: i32) -> i32 {
    %c0_i32 = arith.constant 0 : i32
    return %arg0 : i32
  }
  func.func @transform_5(%arg0: i32) -> i32 {
    %c0_i32 = arith.constant 0 : i32
    return %arg0 : i32
  }
  func.func @transform_6(%arg0: i32) -> i32 {
    %c0_i32 = arith.constant 0 : i32
    return %arg0 : i32
  }
  func.func @transform_7(%arg0: i32) -> i32 {
    %c0_i32 = arith.constant 0 : i32
    return %arg0 : i32
  }
  func.func @transform_8(%arg0: i32) -> i32 {
    %c0_i32 = arith.constant 0 : i32
    %c0_i32_0 = arith.constant 0 : i32
    return %c0_i32 : i32
  }
  func.func @transform_9(%arg0: i32) -> i32 {
    %c0_i32 = arith.constant 0 : i32
    %c0_i32_0 = arith.constant 0 : i32
    return %c0_i32 : i32
  }
  func.func @transform_10(%arg0: i32) -> i32 {
    %c0_i32 = arith.constant 0 : i32
    %c0_i32_0 = arith.constant 0 : i32
    return %c0_i32 : i32
  }
  func.func @transform_11(%arg0: i32) -> i32 {
    %c0_i32 = arith.constant 0 : i32
    %c0_i32_0 = arith.constant 0 : i32
    return %c0_i32 : i32
  }
}

</mosaic_0001>

<sc_bundles>
// kernel: kernel.6.cloned.1.call-start
scs
__scs_entry_jumppad:
0x0: {  	(pc) =	sbr.rel $0x88, $3  }
0x1: {  	(tag) =	ssettag $0x0;
	lr =	simm.s32 $0x1  }
0x2: {  	[smem:$0x3F9C] =	sst lr;
	_ =	strace $0xD0000000  }
0x3: {  	_ = 	snop  }
0x4: {  	_ = 	snop  }
0x5: {  	_ = 	snop  }
0x6: {  	_ = 	snop  }
0x7: {  	_ = 	snop  }
__scs_overlays_trampoline_lowered:
0x8: {  	[smem:$0x3FAB] =	sst s0  }
0x9: {  	[smem:$0x3FAC] =	sst s1  }
0xa: {  	[smem:$0x3FAD] =	sst s2  }
0xb: {  	[smem:$0x3FAE] =	sst s3  }
0xc: {  	[smem:$0x3FAF] =	sst s4  }
0xd: {  	[smem:$0x3FB0] =	sst s5  }
0xe: {  	[smem:$0x3FB1] =	sst s6  }
0xf: {  	[smem:$0x3FB2] =	sst s7  }
0x10: {  	[smem:$0x3FB3] =	sst s8  }
0x11: {  	[smem:$0x3FB4] =	sst s9;
	s0 =	simm.s32 @!p0 $0x0  }
0x12: {  	s1 =	sld [smem:$0x3F9A];
	s0 =	simm.s32 @p0 $0x1  }
0x13: {  	[smem:$0x3FB5] =	sst s0;
	s0 =	simm.s32 @!p1 $0x0  }
0x14: {  	s2 =	sld [smem:$0x3F99];
	s0 =	simm.s32 @p1 $0x1  }
0x15: {  	[smem:$0x3FB6] =	sst s0;
	s0 =	simm.s32 @!p2 $0x0  }
0x16: {  	s3 =	sld [smem:$0x3FDB];
	s0 =	simm.s32 @p2 $0x1  }
0x17: {  	s4 =	simm.s32 $0x1BF5;
	[smem:$0x3FB8] =	sst s0  }
0x18: {  	s0 =	sld [smem:$0x3F9B];
	_ =	swait.ge [sflag:s4], $0x0  }
0x19: {  	s7 =	sld [smem:$0x3F9C]  }
0x1a: {  	s8 =	sadd.s32 $0xFFFFE003, lr  }
0x1b: {  	s9 =	sadd.s32 $0xFFFFFEF7, lr;
	s5 =	simm.s32 $0xFFFFFFFF;
	p2 =	slt.u32 s8, $0xFFFFF086  }
0x1c: {  	p1 =	slt.u32 s9, $0xF7A;
	s5 =	simm.s32 @!p2 $0x0  }
0x1d: {  	s5 =	simm.s32 @p1 $0x1;
	p0 =	seq.s32 s7, s2  }
0x1e: {  	s7 =	smul.u32 @!p0 $0xF7A, s2;
	p2 =	seq.s32 @!p0 s5, $0x0  }
0x1f: {  	s9 =	smul.u32 $0xF7A, s1;
	s8 =	simm.s32 @!p0 $0x1BF5;
	p2 =	por !p2, p0  }
0x20: {  	[sflag:s8] =	ssyncset.s32 @!p0 $0xFFFFF086;
	s6 =	sadd.s32 @!p0 s3, s7;
	s7 =	simm.s32 @!p0 $0x108  }
0x21: {  	s3 =	sadd.s32 s3, s9;
	s6 =	sadd.s32 @!p0 $0x88, s6;
	s7 =	simm.s32 @p2 $0x1082  }
0x22: {  	[simem:s7], [sflag:s8] =	dma.local @!p0 [hbm:s6], $0xF7A  }
0x23: {  	s9 =	sor.u32 $0xD0000000, s2;
	s6 =	simm.s32 $0x108;
	_ =	swait.ge @!p0 [sflag:s8], $0x0  }
0x24: {  	s3 =	sadd.s32 $0x88, s3;
	s6 =	simm.s32 @!p1 $0x1082;
	[sflag:s4] =	ssyncset.s32 $0xFFFFF086  }
0x25: {  	[simem:s6], [sflag:s4] =	dma.local [hbm:s3], $0xF7A  }
0x26: {  	[smem:$0x3F9C] =	sst s1;
	(tag) =	ssettag s2;
	_ =	strace s9  }
0x27: {  	s1 =	sld [smem:$0x3FAC]  }
0x28: {  	s2 =	sld [smem:$0x3FAD]  }
0x29: {  	s4 =	sld [smem:$0x3FAF]  }
0x2a: {  	p0 =	seq.s32 s5, $0x0;
	s5 =	sld [smem:$0x3FB0]  }
0x2b: {  	s6 =	sld [smem:$0x3FB1]  }
0x2c: {  	s7 =	sld [smem:$0x3FB2]  }
0x2d: {  	s3 =	simm.s32 $0x108;
	s8 =	sld [smem:$0x3FB3]  }
0x2e: {  	s3 =	simm.s32 @!p0 $0x1082;
	s9 =	sld [smem:$0x3FB4]  }
0x2f: {  	lr =	sadd.s32 s0, s3;
	s0 =	sld [smem:$0x3FAB]  }
0x30: {  	s3 =	sld [smem:$0x3FAE]  }
0x31: {  	[smem:$0x3FB7] =	sst s10  }
0x32: {  	s10 =	sld [smem:$0x3FB5];
	_ =	sdelay $0x3  }
0x33: {  	p0 =	seq.s32 s10, $0x1;
	s10 =	sld [smem:$0x3FB7];
	_ =	sdelay $0x3  }
0x34: {  	[smem:$0x3FB7] =	sst s10  }
0x35: {  	s10 =	sld [smem:$0x3FB6];
	_ =	sdelay $0x3  }
0x36: {  	p1 =	seq.s32 s10, $0x1;
	s10 =	sld [smem:$0x3FB7];
	_ =	sdelay $0x3  }
0x37: {  	[smem:$0x3FB7] =	sst s10  }
0x38: {  	s10 =	sld [smem:$0x3FB8]  }
0x39: {  	_ = 	snop;
	(pc) =	sbr.ind lr, $3  }
0x3a: {  	_ = 	snop  }
0x3b: {  	_ = 	snop  }
0x3c: {  	p2 =	seq.s32 s10, $0x1;
	s10 =	sld [smem:$0x3FB7]  }
0x3d: {  	_ =	shalt  }
0x3e: {  	_ =	shalt  }
0x3f: {  	_ =	shalt  }
0x40: {  	_ =	shalt  }
0x41: {  	_ =	shalt  }
0x42: {  	_ =	shalt  }
0x43: {  	_ =	shalt  }
0x44: {  	_ =	shalt  }
0x45: {  	_ =	shalt  }
0x46: {  	_ =	shalt  }
0x47: {  	_ =	shalt  }
0x48: {  	_ =	shalt  }
0x49: {  	_ =	shalt  }
0x4a: {  	_ =	shalt  }
0x4b: {  	_ =	shalt  }
0x4c: {  	_ =	shalt  }
0x4d: {  	_ =	shalt  }
0x4e: {  	_ =	shalt  }
0x4f: {  	_ =	shalt  }
0x50: {  	_ =	shalt  }
0x51: {  	_ =	shalt  }
0x52: {  	_ =	shalt  }
0x53: {  	_ =	shalt  }
0x54: {  	_ =	shalt  }
0x55: {  	_ =	shalt  }
0x56: {  	_ =	shalt  }
0x57: {  	_ =	shalt  }
0x58: {  	_ =	shalt  }
0x59: {  	_ =	shalt  }
0x5a: {  	_ =	shalt  }
0x5b: {  	_ =	shalt  }
0x5c: {  	_ =	shalt  }
0x5d: {  	_ =	shalt  }
0x5e: {  	_ =	shalt  }
0x5f: {  	_ =	shalt  }
0x60: {  	_ =	shalt  }
0x61: {  	_ =	shalt  }
0x62: {  	_ =	shalt  }
0x63: {  	_ =	shalt  }
0x64: {  	_ =	shalt  }
0x65: {  	_ =	shalt  }
0x66: {  	_ =	shalt  }
0x67: {  	_ =	shalt  }
0x68: {  	_ =	shalt  }
0x69: {  	_ =	shalt  }
0x6a: {  	_ =	shalt  }
0x6b: {  	_ =	shalt  }
0x6c: {  	_ =	shalt  }
0x6d: {  	_ =	shalt  }
0x6e: {  	_ =	shalt  }
0x6f: {  	_ =	shalt  }
0x70: {  	_ =	shalt  }
0x71: {  	_ =	shalt  }
0x72: {  	_ =	shalt  }
0x73: {  	_ =	shalt  }
0x74: {  	_ =	shalt  }
0x75: {  	_ =	shalt  }
0x76: {  	_ =	shalt  }
0x77: {  	_ =	shalt  }
0x78: {  	_ =	shalt  }
0x79: {  	_ =	shalt  }
0x7a: {  	_ =	shalt  }
0x7b: {  	_ =	shalt  }
0x7c: {  	_ =	shalt  }
0x7d: {  	_ =	shalt  }
0x7e: {  	_ =	shalt  }
0x7f: {  	_ =	shalt  }
0x80: {  	_ =	shalt  }
0x81: {  	_ =	shalt  }
0x82: {  	_ =	shalt  }
0x83: {  	_ =	shalt  }
0x84: {  	_ =	shalt  }
0x85: {  	_ =	shalt  }
0x86: {  	_ =	shalt  }
0x87: {  	_ =	shalt  }
.Lfunc_end0:
.L_simem_size_0:
called_computation_lowered:
.L_overlay_start_0:
0x88: {  	s2 =	sld [smem:$0x3FD9]  }
0x89: {  	s3 =	sld [smem:$0x3FFE];
	_ =	sdelay $0x1  }
0x8a: {  	s1 =	srdreg.scid  }
0x8b: {  	s0 =	sand.u32 $0x1, s1  }
0x8c: {  	s17 =	sshll.u32 s0, $0xA;
	s2 =	sadd.s32 s3, s2  }
0x8d: {  	s2 =	sadd.s32 s2, s17  }
0x8e: {  	[smem:$0x3FC3] =	sst s2  }
0x8f: {  	_ = 	snop  }
0x90: {  	s2 =	sld [smem:$0x3FC9]  }
0x91: {  	s18 =	sld [smem:$0x3FD0];
	(tm) =	ssettm $0x1  }
0x92: {  	s4 =	sld [smem:$0x3FFB];
	_ =	sdelay $0x3  }
0x93: {  	_ =	strace s4  }
0x94: {  	s4 =	sld [smem:$0x3FFC];
	_ =	sdelay $0x3  }
0x95: {  	_ =	strace s4  }
0x96: {  	s4 =	sld [smem:$0x3FFD];
	_ =	sdelay $0x3  }
0x97: {  	_ =	strace s4  }
0x98: {  	_ =	strace $0x8FFFFFFF  }
0x99: {  	s19 =	sld [smem:$0x3FDB];
	_ =	sdelay $0x1  }
0x9a: {  	s5 =	simm.s32 $_scs_section_size  }
0x9b: {  	s6 =	simm.s32 $_size__tile_overlayer_lowered;
	s7 =	simm.s32 $_tile_overlayer_lowered  }
0x9c: {  	s22 =	simm.s32 $0x1BFF;
	s21 =	sshll.u32 s7, $0x1;
	s4 =	sadd.s32 s5, s19  }
0x9d: {  	s8 =	simm.s32 $0x0;
	s20 =	sshll.u32 s6, $0x1;
	s6 =	sadd.s32 s21, s4  }
0x9e: {  	[timem:s8], [sflag:s22] =	dma.local [hbm:s6], s20  }
0x9f: {  	_ =	swait.ge [sflag:s22], s20  }
0xa0: {  	s5 =	ssub.s32 $0x0, s20;
	[sflag:s22] =	ssyncset.done $0x0  }
0xa1: {  	[sflag:s22] =	ssyncadd.s32 s5;
	_ =	sdelay $0x1  }
0xa2: {  	s23 =	simm.s32 $0x1B8B  }
0xa3: {  	_ =	swait.ge [sflag:s23], $0x1  }
0xa4: {  	[sflag:s23] =	ssyncset.done $0x0  }
0xa5: {  	s25 =	simm.s32 $0x1B8E;
	s24 =	sld [smem:$0x3FFE];
	[sflag:s23] =	ssyncadd.s32 $0xFFFFFFFF  }
0xa6: {  	s26 =	simm.s32 $execute0_lowered;
	[smem:$0x3FD2] =	sst s25  }
0xa7: {  	s6 =	sshll.u32 s26, $0x1;
	_ =	strace $0x80000046;
	[dreg:$0x1] =	wrdreg $0xFFFFFFFF  }
0xa8: {  	s28 =	simm.s32 $_size_execute0_lowered;
	s4 =	sadd.s32 s4, s6;
	[dreg:$0x0] =	wrdreg $0x0  }
0xa9: {  	s6 =	sshll.u32 s28, $0x1;
	[dreg:$0x2] =	wrdreg s4  }
0xaa: {  	[dreg:$0x3] =	wrdreg s6  }
0xab: {  	[dreg:$0x4] =	wrdreg $0xC0  }
0xac: {  	_ =	task [dreg:s8], $0x5FFFF  }
0xad: {  	[dreg:$0x1] =	wrdreg $0xFFFFFFFF  }
0xae: {  	[dreg:$0x0] =	wrdreg $0x60  }
0xaf: {  	[dreg:$0x2] =	wrdreg s2  }
0xb0: {  	[dreg:$0x3] =	wrdreg s18  }
0xb1: {  	[dreg:$0x4] =	wrdreg s24  }
0xb2: {  	[dreg:$0x5] =	wrdreg $0x9  }
0xb3: {  	_ =	task.clear_ibuf [dreg:s8], $0x6FFFF;
	_ =	strace $0x90000046  }
0xb4: {  	s29 =	simm.s32 $0x9;
	_ =	strace $0x80000048  }
0xb5: {  	_ =	swait.ge [sflag:s29], $0x1  }
0xb6: {  	[sflag:s29] =	ssyncadd.s32 $0xFFFFFFFF  }
0xb7: {  	_ =	strace $0x90000048  }
0xb8: {  	_ =	sfence  }
0xb9: {  	s30 =	sld [smem:$0x0];
	_ =	sdelay $0x2  }
0xba: {  	s31 =	sshll.u32 s1, $0xD;
	s1 =	sshrl.u32 s1, $0x2  }
0xbb: {  	s3 =	sand.u32 $0x4000, s31;
	s1 =	sadd.s32 s1, s30  }
0xbc: {  	s0 =	sor.u32 s3, s0;
	s1 =	sshll.u32 s1, $0x11  }
0xbd: {  	s0 =	sor.u32 s1, s0  }
0xbe: {  	s0 =	sadd.s32 $0x8F2B, s0  }
0xbf: {  	[sflag:s0] =	ssyncadd.remote.s32 $0x1  }
0xc0: {  	_ =	sfence.sel $0xFFFF  }
0xc1: {  	[dreg:$0x0] =	wrdreg $0xFFFFFFFF;
	(pc) =	sbr.abs _section_cstart, $3  }
0xc2: {  	[dreg:$0x1] =	wrdreg $0xFFFFFFFF  }
0xc3: {  	_ =	task.clear_ibuf [dreg:s8], $0x2FFFF;
	_ =	strace $0x9FFFFFFF  }
0xc4: {  	(tm) =	ssettm $0x7FFFFFFF  }
0xc5: {  	_ =	shalt  }
tec
execute0_lowered:
.L_overlay_start_1:
0x0: {  	(tag) =	ssettag $0x1  }
0x1: {  	s0 =	rddreg [dreg:$0x0]  }
0x2: {  	s1 =	rddreg [dreg:$0x1]  }
0x3: {  	s6 =	rddreg [dreg:$0x2];
	s2 =	srdreg.scid  }
0x4: {  	s3 =	stileid.u32;
	s21 =	simm.s32 $0x10000;
	s22 =	simm.s32 $0x10080  }
0x5: {  	s23 =	simm.s32 $0x10100;
	s8 =	simm.s32 $0x3;
	s24 =	simm.s32 $0x10180  }
0x6: {  	s25 =	simm.s32 $0x10280;
	s4 =	sand.u32 $0x1, s2;
	s2 =	simm.s32 $0x0  }
0x7: {  	s26 =	simm.s32 $0x10300;
	s12 =	sadd.s32 $0x2400, s6;
	[smem:$0x7FF] =	sst s2  }
0x8: {  	s28 =	simm.s32 $0x4000;
	_ =	strace $0x80000047;
	[dreg:$0x4] =	wrdreg s12  }
0x9: {  	s29 =	simm.s32 $0x4800;
	s30 =	simm.s32 $0x5000;
	[dreg:$0xc] =	wrdreg s21  }
0xa: {  	s31 =	simm.s32 $0x5800;
	s10 =	simm.s32 $0x7000;
	[dreg:$0xd] =	wrdreg s22  }
0xb: {  	s11 =	simm.s32 $0x7800;
	s9 =	simm.s32 $0xC000;
	[dreg:$0xe] =	wrdreg s23  }
0xc: {  	s3 =	sshll.u32 s3, $0x7;
	s5 =	sshll.u32 s4, $0x6;
	[dreg:$0xf] =	wrdreg s24  }
0xd: {  	s16 =	ssub.s32 $0x2, s4;
	s3 =	sor.u32 s5, s3;
	[dreg:$0x10] =	wrdreg s25  }
0xe: {  	s4 =	sshrl.u32 s16, $0x1;
	s5 =	sadd.s32 $0x2C00, s6;
	[dreg:$0x11] =	wrdreg s26  }
0xf: {  	s22 =	simm.s32 $0x1800;
	s23 =	simm.s32 $0x2000;
	s24 =	simm.s32 $0x2800  }
0x10: {  	s25 =	simm.s32 $0x3000;
	s26 =	simm.s32 $0x3800;
	s7 =	sshll.u32 s3, $0x7  }
0x11: {  	s12 =	simm.s32 $0x8000;
	s3 =	sshrl.u32 s3, $0x3;
	s0 =	sadd.s32 s0, s7  }
0x12: {  	s13 =	sadd.s32 s3, s6;
	s14 =	sadd.s32 s1, s3;
	s3 =	sadd.s32 $0x2A00, s6  }
0x13: {  	s1 =	ssub.s32 s16, s4;
	s4 =	sadd.s32 $0x2B00, s6;
	[dreg:$0x5] =	wrdreg s0  }
0x14: {  	s6 =	sadd.s32 $0x2D00, s6;
	[dreg:$0x6] =	wrdreg s14;
	s15 =	sadd.s32 $0x1E00, s13  }
0x15: {  	s16 =	simm.s32 $0xA000;
	s17 =	sadd.s32 $0x2000, s13;
	[dreg:$0x7] =	wrdreg s15  }
0x16: {  	s18 =	sadd.s32 $0x2200, s13;
	s19 =	sadd.s32 $0x182A00, s13;
	[dreg:$0x8] =	wrdreg s17  }
0x17: {  	s20 =	sadd.s32 $0x182C00, s13;
	s7 =	smax.u32 s1, $0x1;
	[dreg:$0x9] =	wrdreg s18  }
0x18: {  	v2 =	vlaneseq.u32;
	s1 =	simm.s32 $0x6800;
	s13 =	simm.s32 $0x8800;
	[dreg:$0xa] =	wrdreg s19  }
0x19: {  	vm0 =	vmmov $0xffff;
	v1 =	vshrl.u32 v2, $0x3;
	s14 =	simm.s32 $0x9000;
	[dreg:$0xb] =	wrdreg s20;
	s15 =	simm.s32 $0x9800  }
0x1a: {  	v0 =	vand.u32 $0x7, v2;
	v2 =	vor.u32 $0x8, v2;
	v1 =	vmul.u32 $0x8, v1;
	s17 =	simm.s32 $0xA800;
	s18 =	simm.s32 $0xB000;
	s19 =	simm.s32 $0xB800  }
.LBB2_1:
0x1b: {  	s20 =	rddreg [dreg:$0x5]  }
0x1c: {  	[tilespmem:s2], [sflag:$0x3] =	stream.linear.gather [hbm4b:s20+s2], $0x10000, $0x38;
	[tilespmem:$0x10380] =	vst v63  }
0x1d: {  	_ =	swait.ge [sflag:s8], $0x10000  }
0x1e: {  	s0 =	rddreg [dreg:$0x6];
	[sflag:s8] =	ssyncset.done $0x0  }
0x1f: {  	s21 =	rddreg [dreg:$0xc];
	[sflag:s8] =	ssyncadd.s32 $0xFFFF0000  }
0x20: {  	[tilespmem:s21], [sflag:$0x3] =	stream.linear.gather [hbm4b:s0+s2], $0x40, $0x38;
	[tilespmem:$0x10380] =	vst v63  }
0x21: {  	_ =	swait.ge [sflag:s8], $0x40  }
0x22: {  	s21 =	rddreg [dreg:$0x7];
	[sflag:s8] =	ssyncset.done $0x0  }
0x23: {  	s0 =	rddreg [dreg:$0xd];
	[sflag:s8] =	ssyncadd.s32 $0xFFFFFFC0  }
0x24: {  	[tilespmem:s0], [sflag:$0x3] =	stream.linear.gather [hbm4b:s21+s2], $0x40, $0x38;
	[tilespmem:$0x10380] =	vst v63  }
0x25: {  	_ =	swait.ge [sflag:s8], $0x40  }
0x26: {  	s21 =	rddreg [dreg:$0x8];
	[sflag:s8] =	ssyncset.done $0x0  }
0x27: {  	s0 =	rddreg [dreg:$0xe];
	[sflag:s8] =	ssyncadd.s32 $0xFFFFFFC0  }
0x28: {  	[tilespmem:s0], [sflag:$0x3] =	stream.linear.gather [hbm4b:s21+s2], $0x40, $0x38;
	[tilespmem:$0x10380] =	vst v63  }
0x29: {  	_ =	swait.ge [sflag:s8], $0x40  }
0x2a: {  	s21 =	rddreg [dreg:$0x9];
	[sflag:s8] =	ssyncset.done $0x0  }
0x2b: {  	s0 =	rddreg [dreg:$0xf];
	[sflag:s8] =	ssyncadd.s32 $0xFFFFFFC0  }
0x2c: {  	[tilespmem:s0], [sflag:$0x3] =	stream.linear.gather [hbm4b:s21+s2], $0x40, $0x38;
	[tilespmem:$0x10380] =	vst v63  }
0x2d: {  	_ =	swait.ge [sflag:s8], $0x40  }
0x2e: {  	[sflag:s8] =	ssyncset.done $0x0  }
0x2f: {  	s0 =	simm.s32 $0x10200;
	s21 =	rddreg [dreg:$0x4];
	[sflag:s8] =	ssyncadd.s32 $0xFFFFFFC0  }
0x30: {  	[tilespmem:s0], [sflag:$0x3] =	stream.linear.gather [hbm4b:s21+s2], $0x80, $0x38;
	[tilespmem:$0x10380] =	vst v63  }
0x31: {  	_ =	swait.ge [sflag:s8], $0x80  }
0x32: {  	[sflag:s8] =	ssyncset.done $0x0  }
0x33: {  	[sflag:s8] =	ssyncadd.s32 $0xFFFFFF80  }
0x34: {  	v3 =	vld [tilespmem:$0x10000];
	_ =	sdelay $0x5  }
0x35: {  	v4 =	vld [tilespmem:$0x10080]  }
0x36: {  	v5 =	vld [tilespmem:$0x10100]  }
0x37: {  	v3 =	vld.idx.msk [tilespmem:v3+s0+$0x0], $0xffff;
	_ =	sdelay $0x4  }
0x38: {  	v42 =	vld [tilespmem:$0x10010];
	v3 =	vadd.s32 v3, v5  }
0x39: {  	v43 =	vld [tilespmem:$0x10180];
	[tilespmem:$0x10280] =	vst v3  }
0x3a: {  	v3 =	vld.idx.msk [tilespmem:v4+s0+$0x0], $0xffff;
	_ =	sdelay $0x4  }
0x3b: {  	v44 =	vld [tilespmem:$0x10090];
	v3 =	vadd.s32 v3, v43  }
0x3c: {  	v45 =	vld [tilespmem:$0x10110];
	[tilespmem:$0x10300] =	vst v3  }
0x3d: {  	v3 =	vld.idx.msk [tilespmem:v42+s0+$0x0], $0xffff;
	_ =	sdelay $0x4  }
0x3e: {  	v46 =	vld [tilespmem:$0x10020];
	v3 =	vadd.s32 v3, v45  }
0x3f: {  	v47 =	vld [tilespmem:$0x10190];
	[tilespmem:$0x10290] =	vst v3  }
0x40: {  	v3 =	vld.idx.msk [tilespmem:v44+s0+$0x0], $0xffff;
	_ =	sdelay $0x4  }
0x41: {  	v48 =	vld [tilespmem:$0x100A0];
	v3 =	vadd.s32 v3, v47  }
0x42: {  	v49 =	vld [tilespmem:$0x10120];
	[tilespmem:$0x10310] =	vst v3  }
0x43: {  	v3 =	vld.idx.msk [tilespmem:v46+s0+$0x0], $0xffff;
	_ =	sdelay $0x4  }
0x44: {  	v50 =	vld [tilespmem:$0x10030];
	v3 =	vadd.s32 v3, v49  }
0x45: {  	v51 =	vld [tilespmem:$0x101A0];
	[tilespmem:$0x102A0] =	vst v3  }
0x46: {  	v3 =	vld.idx.msk [tilespmem:v48+s0+$0x0], $0xffff;
	_ =	sdelay $0x3  }
0x47: {  	v52 =	vld [tilespmem:$0x10130]  }
0x48: {  	v53 =	vld [tilespmem:$0x100B0];
	v3 =	vadd.s32 v3, v51  }
0x49: {  	v6 =	vld [tilespmem:$0x10280];
	[tilespmem:$0x10320] =	vst v3  }
0x4a: {  	v3 =	vld.idx.msk [tilespmem:v50+s0+$0x0], $0xffff;
	_ =	sdelay $0x4  }
0x4b: {  	v54 =	vshll.u32 v6, $0x3;
	v3 =	vadd.s32 v3, v52  }
0x4c: {  	v4 =	vand.u32 $0xFFFFFFC0, v54;
	[tilespmem:$0x102B0] =	vst v3;
	v3 =	vand.u32 $0x7, v6  }
0x4d: {  	v55 =	vld [tilespmem:$0x101B0];
	v3 =	vor.u32 v3, v4  }
0x4e: {  	v5 =	vld.idx.msk [tilespmem:v53+s0+$0x0], $0xffff;
	v56 =	vperm.xlane v3, v0;
	_ =	sdelay $0x1  }
0x4f: {  	v6 =	vadd.s32 v1, v56;
	_ =	sdelay $0x2  }
0x50: {  	v4 =	vadd.s32 v5, v55  }
0x51: {  	[tilespmem:$0x10330] =	vst v4  }
0x52: {  	[hbm4b:s3+s2] =	stream.indirect_vreg.scatter [tilespmem:s2], [sflag:$0x1], $0x80, v6, vm0, $0xb8;
	[tilespmem:$0x10380] =	vst v63  }
0x53: {  	s20 =	simm.s32 $0x800;
	v3 =	vperm.xlane v3, v2  }
0x54: {  	[hbm4b:s4+s2] =	stream.indirect_vreg.scatter [tilespmem:s20], [sflag:$0x1], $0x80, v6, vm0, $0xb8;
	[tilespmem:$0x10380] =	vst v63  }
0x55: {  	s21 =	simm.s32 $0x1000;
	v3 =	vadd.s32 v1, v3  }
0x56: {  	[hbm4b:s5+s2] =	stream.indirect_vreg.scatter [tilespmem:s21], [sflag:$0x1], $0x80, v6, vm0, $0xb8;
	[tilespmem:$0x10380] =	vst v63  }
0x57: {  	_ = 	snop  }
0x58: {  	[hbm4b:s6+s2] =	stream.indirect_vreg.scatter [tilespmem:s22], [sflag:$0x1], $0x80, v6, vm0, $0xb8;
	[tilespmem:$0x10380] =	vst v63  }
0x59: {  	_ = 	snop  }
0x5a: {  	[hbm4b:s3+s2] =	stream.indirect_vreg.scatter [tilespmem:s23], [sflag:$0x1], $0x80, v3, vm0, $0xb8;
	[tilespmem:$0x10380] =	vst v63  }
0x5b: {  	_ = 	snop  }
0x5c: {  	[hbm4b:s4+s2] =	stream.indirect_vreg.scatter [tilespmem:s24], [sflag:$0x1], $0x80, v3, vm0, $0xb8;
	[tilespmem:$0x10380] =	vst v63  }
0x5d: {  	_ = 	snop  }
0x5e: {  	[hbm4b:s5+s2] =	stream.indirect_vreg.scatter [tilespmem:s25], [sflag:$0x1], $0x80, v3, vm0, $0xb8;
	[tilespmem:$0x10380] =	vst v63  }
0x5f: {  	_ = 	snop  }
0x60: {  	[hbm4b:s6+s2] =	stream.indirect_vreg.scatter [tilespmem:s26], [sflag:$0x1], $0x80, v3, vm0, $0xb8;
	[tilespmem:$0x10380] =	vst v63  }
0x61: {  	v3 =	vld [tilespmem:$0x10290];
	_ =	sdelay $0x4  }
0x62: {  	v57 =	vshll.u32 v3, $0x3  }
0x63: {  	v3 =	vand.u32 $0x7, v3;
	v4 =	vand.u32 $0xFFFFFFC0, v57  }
0x64: {  	v3 =	vor.u32 v3, v4  }
0x65: {  	v4 =	vperm.xlane v3, v0;
	_ =	sdelay $0x1  }
0x66: {  	v4 =	vadd.s32 v1, v4;
	_ =	sdelay $0x4  }
0x67: {  	[hbm4b:s3+s2] =	stream.indirect_vreg.scatter [tilespmem:s28], [sflag:$0x1], $0x80, v4, vm0, $0xb8;
	[tilespmem:$0x10380] =	vst v63  }
0x68: {  	v3 =	vperm.xlane v3, v2  }
0x69: {  	[hbm4b:s4+s2] =	stream.indirect_vreg.scatter [tilespmem:s29], [sflag:$0x1], $0x80, v4, vm0, $0xb8;
	[tilespmem:$0x10380] =	vst v63  }
0x6a: {  	v3 =	vadd.s32 v1, v3  }
0x6b: {  	[hbm4b:s5+s2] =	stream.indirect_vreg.scatter [tilespmem:s30], [sflag:$0x1], $0x80, v4, vm0, $0xb8;
	[tilespmem:$0x10380] =	vst v63  }
0x6c: {  	_ = 	snop  }
0x6d: {  	[hbm4b:s6+s2] =	stream.indirect_vreg.scatter [tilespmem:s31], [sflag:$0x1], $0x80, v4, vm0, $0xb8;
	[tilespmem:$0x10380] =	vst v63  }
0x6e: {  	s0 =	simm.s32 $0x6000  }
0x6f: {  	[hbm4b:s3+s2] =	stream.indirect_vreg.scatter [tilespmem:s0], [sflag:$0x1], $0x80, v3, vm0, $0xb8;
	[tilespmem:$0x10380] =	vst v63  }
0x70: {  	_ = 	snop  }
0x71: {  	[hbm4b:s4+s2] =	stream.indirect_vreg.scatter [tilespmem:s1], [sflag:$0x1], $0x80, v3, vm0, $0xb8;
	[tilespmem:$0x10380] =	vst v63  }
0x72: {  	_ = 	snop  }
0x73: {  	[hbm4b:s5+s2] =	stream.indirect_vreg.scatter [tilespmem:s10], [sflag:$0x1], $0x80, v3, vm0, $0xb8;
	[tilespmem:$0x10380] =	vst v63  }
0x74: {  	_ = 	snop  }
0x75: {  	[hbm4b:s6+s2] =	stream.indirect_vreg.scatter [tilespmem:s11], [sflag:$0x1], $0x80, v3, vm0, $0xb8;
	[tilespmem:$0x10380] =	vst v63  }
0x76: {  	v3 =	vld [tilespmem:$0x102A0];
	_ =	sdelay $0x4  }
0x77: {  	v58 =	vshll.u32 v3, $0x3  }
0x78: {  	v3 =	vand.u32 $0x7, v3;
	v4 =	vand.u32 $0xFFFFFFC0, v58  }
0x79: {  	v3 =	vor.u32 v3, v4  }
0x7a: {  	v4 =	vperm.xlane v3, v0;
	_ =	sdelay $0x1  }
0x7b: {  	v4 =	vadd.s32 v1, v4;
	_ =	sdelay $0x4  }
0x7c: {  	[hbm4b:s3+s2] =	stream.indirect_vreg.scatter [tilespmem:s12], [sflag:$0x1], $0x80, v4, vm0, $0xb8;
	[tilespmem:$0x10380] =	vst v63  }
0x7d: {  	v3 =	vperm.xlane v3, v2  }
0x7e: {  	[hbm4b:s4+s2] =	stream.indirect_vreg.scatter [tilespmem:s13], [sflag:$0x1], $0x80, v4, vm0, $0xb8;
	[tilespmem:$0x10380] =	vst v63  }
0x7f: {  	v3 =	vadd.s32 v1, v3  }
0x80: {  	[hbm4b:s5+s2] =	stream.indirect_vreg.scatter [tilespmem:s14], [sflag:$0x1], $0x80, v4, vm0, $0xb8;
	[tilespmem:$0x10380] =	vst v63  }
0x81: {  	_ = 	snop  }
0x82: {  	[hbm4b:s6+s2] =	stream.indirect_vreg.scatter [tilespmem:s15], [sflag:$0x1], $0x80, v4, vm0, $0xb8;
	[tilespmem:$0x10380] =	vst v63  }
0x83: {  	_ = 	snop  }
0x84: {  	[hbm4b:s3+s2] =	stream.indirect_vreg.scatter [tilespmem:s16], [sflag:$0x1], $0x80, v3, vm0, $0xb8;
	[tilespmem:$0x10380] =	vst v63  }
0x85: {  	_ = 	snop  }
0x86: {  	[hbm4b:s4+s2] =	stream.indirect_vreg.scatter [tilespmem:s17], [sflag:$0x1], $0x80, v3, vm0, $0xb8;
	[tilespmem:$0x10380] =	vst v63  }
0x87: {  	_ = 	snop  }
0x88: {  	[hbm4b:s5+s2] =	stream.indirect_vreg.scatter [tilespmem:s18], [sflag:$0x1], $0x80, v3, vm0, $0xb8;
	[tilespmem:$0x10380] =	vst v63  }
0x89: {  	_ = 	snop  }
0x8a: {  	[hbm4b:s6+s2] =	stream.indirect_vreg.scatter [tilespmem:s19], [sflag:$0x1], $0x80, v3, vm0, $0xb8;
	[tilespmem:$0x10380] =	vst v63  }
0x8b: {  	v3 =	vld [tilespmem:$0x102B0];
	_ =	sdelay $0x4  }
0x8c: {  	v59 =	vshll.u32 v3, $0x3  }
0x8d: {  	v3 =	vand.u32 $0x7, v3;
	v4 =	vand.u32 $0xFFFFFFC0, v59  }
0x8e: {  	v3 =	vor.u32 v3, v4  }
0x8f: {  	v4 =	vperm.xlane v3, v0;
	_ =	sdelay $0x1  }
0x90: {  	v4 =	vadd.s32 v1, v4;
	_ =	sdelay $0x4  }
0x91: {  	[hbm4b:s3+s2] =	stream.indirect_vreg.scatter [tilespmem:s9], [sflag:$0x1], $0x80, v4, vm0, $0xb8;
	[tilespmem:$0x10380] =	vst v63  }
0x92: {  	s0 =	simm.s32 $0xC800;
	v3 =	vperm.xlane v3, v2  }
0x93: {  	[hbm4b:s4+s2] =	stream.indirect_vreg.scatter [tilespmem:s0], [sflag:$0x1], $0x80, v4, vm0, $0xb8;
	[tilespmem:$0x10380] =	vst v63  }
0x94: {  	v3 =	vadd.s32 v1, v3;
	s0 =	simm.s32 $0xD000  }
0x95: {  	[hbm4b:s5+s2] =	stream.indirect_vreg.scatter [tilespmem:s0], [sflag:$0x1], $0x80, v4, vm0, $0xb8;
	[tilespmem:$0x10380] =	vst v63  }
0x96: {  	s0 =	simm.s32 $0xD800  }
0x97: {  	[hbm4b:s6+s2] =	stream.indirect_vreg.scatter [tilespmem:s0], [sflag:$0x1], $0x80, v4, vm0, $0xb8;
	[tilespmem:$0x10380] =	vst v63  }
0x98: {  	s0 =	simm.s32 $0xE000  }
0x99: {  	[hbm4b:s3+s2] =	stream.indirect_vreg.scatter [tilespmem:s0], [sflag:$0x1], $0x80, v3, vm0, $0xb8;
	[tilespmem:$0x10380] =	vst v63  }
0x9a: {  	s0 =	simm.s32 $0xE800  }
0x9b: {  	[hbm4b:s4+s2] =	stream.indirect_vreg.scatter [tilespmem:s0], [sflag:$0x1], $0x80, v3, vm0, $0xb8;
	[tilespmem:$0x10380] =	vst v63  }
0x9c: {  	s0 =	simm.s32 $0xF000  }
0x9d: {  	[hbm4b:s5+s2] =	stream.indirect_vreg.scatter [tilespmem:s0], [sflag:$0x1], $0x80, v3, vm0, $0xb8;
	[tilespmem:$0x10380] =	vst v63  }
0x9e: {  	s0 =	simm.s32 $0xF800  }
0x9f: {  	[hbm4b:s6+s2] =	stream.indirect_vreg.scatter [tilespmem:s0], [sflag:$0x1], $0x80, v3, vm0, $0xb8;
	[tilespmem:$0x10380] =	vst v63  }
0xa0: {  	v3 =	vld [tilespmem:$0x10300];
	_ =	sdelay $0x4  }
0xa1: {  	v60 =	vshll.u32 v3, $0x3  }
0xa2: {  	v3 =	vand.u32 $0x7, v3;
	v4 =	vand.u32 $0xFFFFFFC0, v60  }
0xa3: {  	v3 =	vor.u32 v3, v4  }
0xa4: {  	v4 =	vperm.xlane v3, v0;
	_ =	sdelay $0x1  }
0xa5: {  	v4 =	vadd.s32 v1, v4;
	_ =	sdelay $0x4  }
0xa6: {  	[hbm4b:s3+s2] =	stream.indirect_vreg.scatter [tilespmem:s2], [sflag:$0x2], $0x80, v4, vm0, $0xb8;
	[tilespmem:$0x10380] =	vst v63  }
0xa7: {  	v3 =	vperm.xlane v3, v2  }
0xa8: {  	[hbm4b:s4+s2] =	stream.indirect_vreg.scatter [tilespmem:s20], [sflag:$0x2], $0x80, v4, vm0, $0xb8;
	[tilespmem:$0x10380] =	vst v63  }
0xa9: {  	v3 =	vadd.s32 v1, v3  }
0xaa: {  	[hbm4b:s5+s2] =	stream.indirect_vreg.scatter [tilespmem:s21], [sflag:$0x2], $0x80, v4, vm0, $0xb8;
	[tilespmem:$0x10380] =	vst v63  }
0xab: {  	_ = 	snop  }
0xac: {  	[hbm4b:s6+s2] =	stream.indirect_vreg.scatter [tilespmem:s22], [sflag:$0x2], $0x80, v4, vm0, $0xb8;
	[tilespmem:$0x10380] =	vst v63  }
0xad: {  	_ = 	snop  }
0xae: {  	[hbm4b:s3+s2] =	stream.indirect_vreg.scatter [tilespmem:s23], [sflag:$0x2], $0x80, v3, vm0, $0xb8;
	[tilespmem:$0x10380] =	vst v63  }
0xaf: {  	_ = 	snop  }
0xb0: {  	[hbm4b:s4+s2] =	stream.indirect_vreg.scatter [tilespmem:s24], [sflag:$0x2], $0x80, v3, vm0, $0xb8;
	[tilespmem:$0x10380] =	vst v63  }
0xb1: {  	_ = 	snop  }
0xb2: {  	[hbm4b:s5+s2] =	stream.indirect_vreg.scatter [tilespmem:s25], [sflag:$0x2], $0x80, v3, vm0, $0xb8;
	[tilespmem:$0x10380] =	vst v63  }
0xb3: {  	_ = 	snop  }
0xb4: {  	[hbm4b:s6+s2] =	stream.indirect_vreg.scatter [tilespmem:s26], [sflag:$0x2], $0x80, v3, vm0, $0xb8;
	[tilespmem:$0x10380] =	vst v63  }
0xb5: {  	v3 =	vld [tilespmem:$0x10310];
	_ =	sdelay $0x4  }
0xb6: {  	v61 =	vshll.u32 v3, $0x3  }
0xb7: {  	v3 =	vand.u32 $0x7, v3;
	v4 =	vand.u32 $0xFFFFFFC0, v61  }
0xb8: {  	v3 =	vor.u32 v3, v4  }
0xb9: {  	v4 =	vperm.xlane v3, v0;
	_ =	sdelay $0x1  }
0xba: {  	v4 =	vadd.s32 v1, v4;
	_ =	sdelay $0x4  }
0xbb: {  	[hbm4b:s3+s2] =	stream.indirect_vreg.scatter [tilespmem:s28], [sflag:$0x2], $0x80, v4, vm0, $0xb8;
	[tilespmem:$0x10380] =	vst v63  }
0xbc: {  	v3 =	vperm.xlane v3, v2  }
0xbd: {  	[hbm4b:s4+s2] =	stream.indirect_vreg.scatter [tilespmem:s29], [sflag:$0x2], $0x80, v4, vm0, $0xb8;
	[tilespmem:$0x10380] =	vst v63  }
0xbe: {  	v3 =	vadd.s32 v1, v3  }
0xbf: {  	[hbm4b:s5+s2] =	stream.indirect_vreg.scatter [tilespmem:s30], [sflag:$0x2], $0x80, v4, vm0, $0xb8;
	[tilespmem:$0x10380] =	vst v63  }
0xc0: {  	_ = 	snop  }
0xc1: {  	[hbm4b:s6+s2] =	stream.indirect_vreg.scatter [tilespmem:s31], [sflag:$0x2], $0x80, v4, vm0, $0xb8;
	[tilespmem:$0x10380] =	vst v63  }
0xc2: {  	s20 =	simm.s32 $0x6000  }
0xc3: {  	[hbm4b:s3+s2] =	stream.indirect_vreg.scatter [tilespmem:s20], [sflag:$0x2], $0x80, v3, vm0, $0xb8;
	[tilespmem:$0x10380] =	vst v63  }
0xc4: {  	_ = 	snop  }
0xc5: {  	[hbm4b:s4+s2] =	stream.indirect_vreg.scatter [tilespmem:s1], [sflag:$0x2], $0x80, v3, vm0, $0xb8;
	[tilespmem:$0x10380] =	vst v63  }
0xc6: {  	_ = 	snop  }
0xc7: {  	[hbm4b:s5+s2] =	stream.indirect_vreg.scatter [tilespmem:s10], [sflag:$0x2], $0x80, v3, vm0, $0xb8;
	[tilespmem:$0x10380] =	vst v63  }
0xc8: {  	_ = 	snop  }
0xc9: {  	[hbm4b:s6+s2] =	stream.indirect_vreg.scatter [tilespmem:s11], [sflag:$0x2], $0x80, v3, vm0, $0xb8;
	[tilespmem:$0x10380] =	vst v63  }
0xca: {  	v3 =	vld [tilespmem:$0x10320];
	_ =	sdelay $0x4  }
0xcb: {  	v62 =	vshll.u32 v3, $0x3  }
0xcc: {  	v3 =	vand.u32 $0x7, v3;
	v4 =	vand.u32 $0xFFFFFFC0, v62  }
0xcd: {  	v3 =	vor.u32 v3, v4  }
0xce: {  	v4 =	vperm.xlane v3, v0;
	_ =	sdelay $0x1  }
0xcf: {  	v4 =	vadd.s32 v1, v4;
	_ =	sdelay $0x4  }
0xd0: {  	[hbm4b:s3+s2] =	stream.indirect_vreg.scatter [tilespmem:s12], [sflag:$0x2], $0x80, v4, vm0, $0xb8;
	[tilespmem:$0x10380] =	vst v63  }
0xd1: {  	v3 =	vperm.xlane v3, v2  }
0xd2: {  	[hbm4b:s4+s2] =	stream.indirect_vreg.scatter [tilespmem:s13], [sflag:$0x2], $0x80, v4, vm0, $0xb8;
	[tilespmem:$0x10380] =	vst v63  }
0xd3: {  	v3 =	vadd.s32 v1, v3  }
0xd4: {  	[hbm4b:s5+s2] =	stream.indirect_vreg.scatter [tilespmem:s14], [sflag:$0x2], $0x80, v4, vm0, $0xb8;
	[tilespmem:$0x10380] =	vst v63  }
0xd5: {  	_ = 	snop  }
0xd6: {  	[hbm4b:s6+s2] =	stream.indirect_vreg.scatter [tilespmem:s15], [sflag:$0x2], $0x80, v4, vm0, $0xb8;
	[tilespmem:$0x10380] =	vst v63  }
0xd7: {  	_ = 	snop  }
0xd8: {  	[hbm4b:s3+s2] =	stream.indirect_vreg.scatter [tilespmem:s16], [sflag:$0x2], $0x80, v3, vm0, $0xb8;
	[tilespmem:$0x10380] =	vst v63  }
0xd9: {  	_ = 	snop  }
0xda: {  	[hbm4b:s4+s2] =	stream.indirect_vreg.scatter [tilespmem:s17], [sflag:$0x2], $0x80, v3, vm0, $0xb8;
	[tilespmem:$0x10380] =	vst v63  }
0xdb: {  	_ = 	snop  }
0xdc: {  	[hbm4b:s5+s2] =	stream.indirect_vreg.scatter [tilespmem:s18], [sflag:$0x2], $0x80, v3, vm0, $0xb8;
	[tilespmem:$0x10380] =	vst v63  }
0xdd: {  	_ = 	snop  }
0xde: {  	[hbm4b:s6+s2] =	stream.indirect_vreg.scatter [tilespmem:s19], [sflag:$0x2], $0x80, v3, vm0, $0xb8;
	[tilespmem:$0x10380] =	vst v63  }
0xdf: {  	v3 =	vld [tilespmem:$0x10330];
	_ =	sdelay $0x4  }
0xe0: {  	v63 =	vshll.u32 v3, $0x3  }
0xe1: {  	v3 =	vand.u32 $0x7, v3;
	v4 =	vand.u32 $0xFFFFFFC0, v63  }
0xe2: {  	v3 =	vor.u32 v3, v4  }
0xe3: {  	v4 =	vperm.xlane v3, v0;
	_ =	sdelay $0x1  }
0xe4: {  	v4 =	vadd.s32 v1, v4;
	_ =	sdelay $0x4  }
0xe5: {  	[hbm4b:s3+s2] =	stream.indirect_vreg.scatter [tilespmem:s9], [sflag:$0x2], $0x80, v4, vm0, $0xb8;
	[tilespmem:$0x10380] =	vst v63  }
0xe6: {  	s21 =	simm.s32 $0xC800;
	v3 =	vperm.xlane v3, v2  }
0xe7: {  	[hbm4b:s4+s2] =	stream.indirect_vreg.scatter [tilespmem:s21], [sflag:$0x2], $0x80, v4, vm0, $0xb8;
	[tilespmem:$0x10380] =	vst v63  }
0xe8: {  	s20 =	simm.s32 $0xD000;
	v3 =	vadd.s32 v1, v3  }
0xe9: {  	[hbm4b:s5+s2] =	stream.indirect_vreg.scatter [tilespmem:s20], [sflag:$0x2], $0x80, v4, vm0, $0xb8;
	[tilespmem:$0x10380] =	vst v63  }
0xea: {  	s21 =	simm.s32 $0xD800  }
0xeb: {  	[hbm4b:s6+s2] =	stream.indirect_vreg.scatter [tilespmem:s21], [sflag:$0x2], $0x80, v4, vm0, $0xb8;
	[tilespmem:$0x10380] =	vst v63  }
0xec: {  	s20 =	simm.s32 $0xE000  }
0xed: {  	[hbm4b:s3+s2] =	stream.indirect_vreg.scatter [tilespmem:s20], [sflag:$0x2], $0x80, v3, vm0, $0xb8;
	[tilespmem:$0x10380] =	vst v63  }
0xee: {  	s21 =	simm.s32 $0xE800  }
0xef: {  	[hbm4b:s4+s2] =	stream.indirect_vreg.scatter [tilespmem:s21], [sflag:$0x2], $0x80, v3, vm0, $0xb8;
	[tilespmem:$0x10380] =	vst v63  }
0xf0: {  	s20 =	simm.s32 $0xF000  }
0xf1: {  	[hbm4b:s5+s2] =	stream.indirect_vreg.scatter [tilespmem:s20], [sflag:$0x2], $0x80, v3, vm0, $0xb8;
	[tilespmem:$0x10380] =	vst v63  }
0xf2: {  	s21 =	simm.s32 $0xF800;
	s20 =	simm.s32 $0x1  }
0xf3: {  	[hbm4b:s6+s2] =	stream.indirect_vreg.scatter [tilespmem:s21], [sflag:$0x2], $0x80, v3, vm0, $0xb8;
	[tilespmem:$0x10380] =	vst v63  }
0xf4: {  	_ =	swait.ge [sflag:s20], $0x10000  }
0xf5: {  	[sflag:s20] =	ssyncset.done $0x0  }
0xf6: {  	s0 =	simm.s32 $0x2;
	[sflag:s20] =	ssyncadd.s32 $0xFFFF0000  }
0xf7: {  	_ =	swait.ge [sflag:s0], $0x10000  }
0xf8: {  	s20 =	rddreg [dreg:$0xa];
	[sflag:s0] =	ssyncset.done $0x0  }
0xf9: {  	s21 =	rddreg [dreg:$0x10];
	[sflag:s0] =	ssyncadd.s32 $0xFFFF0000  }
0xfa: {  	[hbm4b:s20+s2] =	stream.linear.scatter [tilespmem:s21], [sflag:$0x3], $0x40, $0x38;
	[tilespmem:$0x10380] =	vst v63  }
0xfb: {  	_ =	swait.ge [sflag:s8], $0x40  }
0xfc: {  	p0 =	sne.s32 s7, $0x1;
	s21 =	rddreg [dreg:$0xb];
	[sflag:s8] =	ssyncset.done $0x0  }
.Ltmp0:
0xfd: {  	s0 =	rddreg [dreg:$0x11];
	[sflag:s8] =	ssyncadd.s32 $0xFFFFFFC0;
	(pc) =	sbr.rel @p0 .LBB2_1-.Ltmp0, $4  }
0xfe: {  	[hbm4b:s21+s2] =	stream.linear.scatter [tilespmem:s0], [sflag:$0x3], $0x40, $0x38;
	[tilespmem:$0x10380] =	vst v63  }
0xff: {  	_ =	swait.ge [sflag:s8], $0x40  }
0x100: {  	[sflag:s8] =	ssyncset.done $0x0  }
0x101: {  	s7 =	sadd.s32 $0xFFFFFFFF, s7;
	[sflag:s8] =	ssyncadd.s32 $0xFFFFFFC0  }
0x102: {  	_ =	sfence.sel $0x180000  }
0x103: {  	[bflag:$0x0] =	sbarrier.arrive $0xFFFF  }
0x104: {  	_ =	strace $0x90000047  }
0x105: {  	s0 =	stileid.u32;
	[bflag:$0x2] =	sbarrier.arrive $0xFFFF  }
0x106: {  	p0 =	sne.s32 s0, $0x0;
	s0 =	rddreg [dreg:$0x3]  }
0x107: {  	s0 =	sadd.s32 @!p0 $0x100000, s0  }
0x108: {  	[sflag:s0] =	ssyncadd.tile.s32 @!p0 $0x1;
	_ =	shalt  }
.Lfunc_end2:
_tile_overlayer_lowered:
.L_overlay_start_2:
0x109: {  	(tag) =	ssettag $0x2  }
0x10a: {  	s0 =	rddreg [dreg:$0x0];
	s2 =	stileid.u32  }
0x10b: {  	s1 =	rddreg [dreg:$0x1];
	p0 =	sne.s32 s2, $0x0  }
0x10c: {  	s3 =	rddreg [dreg:$0x2];
	[bflag:$0x3] =	sbarrier.arrive $0xFFFF;
	s2 =	simm.s32 @!p0 $0x1C03  }
0x10d: {  	[timem:s3], [sflag:s2] =	dma.local @!p0 [hbm:s0], s1  }
0x10e: {  	s0 =	simm.s32 @!p0 $0x3  }
0x10f: {  	_ =	swait.ge @!p0 [sflag:s0], s1  }
0x110: {  	s1 =	ssub.s32 @!p0 $0x0, s1;
	[sflag:s0] =	ssyncset.done @!p0 $0x0  }
0x111: {  	[sflag:s0] =	ssyncadd.s32 @!p0 s1  }
0x112: {  	[bflag:$0x3] =	sbarrier.arrive $0xFFFF  }
0x113: {  	_ =	shalt  }

// kernel: kernel.9.cloned.1.call-start
scs
__scs_entry_jumppad:
0x0: {  	(pc) =	sbr.rel $0x88, $3  }
0x1: {  	(tag) =	ssettag $0x0;
	lr =	simm.s32 $0x1  }
0x2: {  	[smem:$0x3F9C] =	sst lr;
	_ =	strace $0xD0000000  }
0x3: {  	_ = 	snop  }
0x4: {  	_ = 	snop  }
0x5: {  	_ = 	snop  }
0x6: {  	_ = 	snop  }
0x7: {  	_ = 	snop  }
__scs_overlays_trampoline_lowered:
0x8: {  	[smem:$0x3FAB] =	sst s0  }
0x9: {  	[smem:$0x3FAC] =	sst s1  }
0xa: {  	[smem:$0x3FAD] =	sst s2  }
0xb: {  	[smem:$0x3FAE] =	sst s3  }
0xc: {  	[smem:$0x3FAF] =	sst s4  }
0xd: {  	[smem:$0x3FB0] =	sst s5  }
0xe: {  	[smem:$0x3FB1] =	sst s6  }
0xf: {  	[smem:$0x3FB2] =	sst s7  }
0x10: {  	[smem:$0x3FB3] =	sst s8  }
0x11: {  	[smem:$0x3FB4] =	sst s9;
	s0 =	simm.s32 @!p0 $0x0  }
0x12: {  	s1 =	sld [smem:$0x3F9A];
	s0 =	simm.s32 @p0 $0x1  }
0x13: {  	[smem:$0x3FB5] =	sst s0;
	s0 =	simm.s32 @!p1 $0x0  }
0x14: {  	s2 =	sld [smem:$0x3F99];
	s0 =	simm.s32 @p1 $0x1  }
0x15: {  	[smem:$0x3FB6] =	sst s0;
	s0 =	simm.s32 @!p2 $0x0  }
0x16: {  	s3 =	sld [smem:$0x3FDB];
	s0 =	simm.s32 @p2 $0x1  }
0x17: {  	s4 =	simm.s32 $0x1BF5;
	[smem:$0x3FB8] =	sst s0  }
0x18: {  	s0 =	sld [smem:$0x3F9B];
	_ =	swait.ge [sflag:s4], $0x0  }
0x19: {  	s7 =	sld [smem:$0x3F9C]  }
0x1a: {  	s8 =	sadd.s32 $0xFFFFE003, lr  }
0x1b: {  	s9 =	sadd.s32 $0xFFFFFEF7, lr;
	s5 =	simm.s32 $0xFFFFFFFF;
	p2 =	slt.u32 s8, $0xFFFFF086  }
0x1c: {  	p1 =	slt.u32 s9, $0xF7A;
	s5 =	simm.s32 @!p2 $0x0  }
0x1d: {  	s5 =	simm.s32 @p1 $0x1;
	p0 =	seq.s32 s7, s2  }
0x1e: {  	s7 =	smul.u32 @!p0 $0xF7A, s2;
	p2 =	seq.s32 @!p0 s5, $0x0  }
0x1f: {  	s9 =	smul.u32 $0xF7A, s1;
	s8 =	simm.s32 @!p0 $0x1BF5;
	p2 =	por !p2, p0  }
0x20: {  	[sflag:s8] =	ssyncset.s32 @!p0 $0xFFFFF086;
	s6 =	sadd.s32 @!p0 s3, s7;
	s7 =	simm.s32 @!p0 $0x108  }
0x21: {  	s3 =	sadd.s32 s3, s9;
	s6 =	sadd.s32 @!p0 $0x88, s6;
	s7 =	simm.s32 @p2 $0x1082  }
0x22: {  	[simem:s7], [sflag:s8] =	dma.local @!p0 [hbm:s6], $0xF7A  }
0x23: {  	s9 =	sor.u32 $0xD0000000, s2;
	s6 =	simm.s32 $0x108;
	_ =	swait.ge @!p0 [sflag:s8], $0x0  }
0x24: {  	s3 =	sadd.s32 $0x88, s3;
	s6 =	simm.s32 @!p1 $0x1082;
	[sflag:s4] =	ssyncset.s32 $0xFFFFF086  }
0x25: {  	[simem:s6], [sflag:s4] =	dma.local [hbm:s3], $0xF7A  }
0x26: {  	[smem:$0x3F9C] =	sst s1;
	(tag) =	ssettag s2;
	_ =	strace s9  }
0x27: {  	s1 =	sld [smem:$0x3FAC]  }
0x28: {  	s2 =	sld [smem:$0x3FAD]  }
0x29: {  	s4 =	sld [smem:$0x3FAF]  }
0x2a: {  	p0 =	seq.s32 s5, $0x0;
	s5 =	sld [smem:$0x3FB0]  }
0x2b: {  	s6 =	sld [smem:$0x3FB1]  }
0x2c: {  	s7 =	sld [smem:$0x3FB2]  }
0x2d: {  	s3 =	simm.s32 $0x108;
	s8 =	sld [smem:$0x3FB3]  }
0x2e: {  	s3 =	simm.s32 @!p0 $0x1082;
	s9 =	sld [smem:$0x3FB4]  }
0x2f: {  	lr =	sadd.s32 s0, s3;
	s0 =	sld [smem:$0x3FAB]  }
0x30: {  	s3 =	sld [smem:$0x3FAE]  }
0x31: {  	[smem:$0x3FB7] =	sst s10  }
0x32: {  	s10 =	sld [smem:$0x3FB5];
	_ =	sdelay $0x3  }
0x33: {  	p0 =	seq.s32 s10, $0x1;
	s10 =	sld [smem:$0x3FB7];
	_ =	sdelay $0x3  }
0x34: {  	[smem:$0x3FB7] =	sst s10  }
0x35: {  	s10 =	sld [smem:$0x3FB6];
	_ =	sdelay $0x3  }
0x36: {  	p1 =	seq.s32 s10, $0x1;
	s10 =	sld [smem:$0x3FB7];
	_ =	sdelay $0x3  }
0x37: {  	[smem:$0x3FB7] =	sst s10  }
0x38: {  	s10 =	sld [smem:$0x3FB8]  }
0x39: {  	_ = 	snop;
	(pc) =	sbr.ind lr, $3  }
0x3a: {  	_ = 	snop  }
0x3b: {  	_ = 	snop  }
0x3c: {  	p2 =	seq.s32 s10, $0x1;
	s10 =	sld [smem:$0x3FB7]  }
0x3d: {  	_ =	shalt  }
0x3e: {  	_ =	shalt  }
0x3f: {  	_ =	shalt  }
0x40: {  	_ =	shalt  }
0x41: {  	_ =	shalt  }
0x42: {  	_ =	shalt  }
0x43: {  	_ =	shalt  }
0x44: {  	_ =	shalt  }
0x45: {  	_ =	shalt  }
0x46: {  	_ =	shalt  }
0x47: {  	_ =	shalt  }
0x48: {  	_ =	shalt  }
0x49: {  	_ =	shalt  }
0x4a: {  	_ =	shalt  }
0x4b: {  	_ =	shalt  }
0x4c: {  	_ =	shalt  }
0x4d: {  	_ =	shalt  }
0x4e: {  	_ =	shalt  }
0x4f: {  	_ =	shalt  }
0x50: {  	_ =	shalt  }
0x51: {  	_ =	shalt  }
0x52: {  	_ =	shalt  }
0x53: {  	_ =	shalt  }
0x54: {  	_ =	shalt  }
0x55: {  	_ =	shalt  }
0x56: {  	_ =	shalt  }
0x57: {  	_ =	shalt  }
0x58: {  	_ =	shalt  }
0x59: {  	_ =	shalt  }
0x5a: {  	_ =	shalt  }
0x5b: {  	_ =	shalt  }
0x5c: {  	_ =	shalt  }
0x5d: {  	_ =	shalt  }
0x5e: {  	_ =	shalt  }
0x5f: {  	_ =	shalt  }
0x60: {  	_ =	shalt  }
0x61: {  	_ =	shalt  }
0x62: {  	_ =	shalt  }
0x63: {  	_ =	shalt  }
0x64: {  	_ =	shalt  }
0x65: {  	_ =	shalt  }
0x66: {  	_ =	shalt  }
0x67: {  	_ =	shalt  }
0x68: {  	_ =	shalt  }
0x69: {  	_ =	shalt  }
0x6a: {  	_ =	shalt  }
0x6b: {  	_ =	shalt  }
0x6c: {  	_ =	shalt  }
0x6d: {  	_ =	shalt  }
0x6e: {  	_ =	shalt  }
0x6f: {  	_ =	shalt  }
0x70: {  	_ =	shalt  }
0x71: {  	_ =	shalt  }
0x72: {  	_ =	shalt  }
0x73: {  	_ =	shalt  }
0x74: {  	_ =	shalt  }
0x75: {  	_ =	shalt  }
0x76: {  	_ =	shalt  }
0x77: {  	_ =	shalt  }
0x78: {  	_ =	shalt  }
0x79: {  	_ =	shalt  }
0x7a: {  	_ =	shalt  }
0x7b: {  	_ =	shalt  }
0x7c: {  	_ =	shalt  }
0x7d: {  	_ =	shalt  }
0x7e: {  	_ =	shalt  }
0x7f: {  	_ =	shalt  }
0x80: {  	_ =	shalt  }
0x81: {  	_ =	shalt  }
0x82: {  	_ =	shalt  }
0x83: {  	_ =	shalt  }
0x84: {  	_ =	shalt  }
0x85: {  	_ =	shalt  }
0x86: {  	_ =	shalt  }
0x87: {  	_ =	shalt  }
.Lfunc_end0:
.L_simem_size_0:
called_computation.1_lowered:
.L_overlay_start_0:
0x88: {  	s2 =	sld [smem:$0x3FD9]  }
0x89: {  	s3 =	sld [smem:$0x3FFE];
	_ =	sdelay $0x1  }
0x8a: {  	s1 =	srdreg.scid  }
0x8b: {  	s0 =	sand.u32 $0x1, s1  }
0x8c: {  	s17 =	sshll.u32 s0, $0xA;
	s2 =	sadd.s32 s3, s2  }
0x8d: {  	s2 =	sadd.s32 s2, s17  }
0x8e: {  	[smem:$0x3FC3] =	sst s2  }
0x8f: {  	_ = 	snop  }
0x90: {  	s2 =	sld [smem:$0x3FD0];
	(tm) =	ssettm $0x1  }
0x91: {  	s18 =	sld [smem:$0x3FFB];
	_ =	sdelay $0x3  }
0x92: {  	_ =	strace s18  }
0x93: {  	s3 =	sld [smem:$0x3FFC];
	_ =	sdelay $0x3  }
0x94: {  	_ =	strace s3  }
0x95: {  	s3 =	sld [smem:$0x3FFD];
	_ =	sdelay $0x3  }
0x96: {  	_ =	strace s3  }
0x97: {  	_ =	strace $0x8FFFFFFF  }
0x98: {  	s19 =	sld [smem:$0x3FDB];
	_ =	sdelay $0x1  }
0x99: {  	s4 =	simm.s32 $_scs_section_size  }
0x9a: {  	s5 =	simm.s32 $_size__tile_overlayer_lowered;
	s6 =	simm.s32 $_tile_overlayer_lowered  }
0x9b: {  	s22 =	simm.s32 $0x1BFF;
	s21 =	sshll.u32 s6, $0x1;
	s3 =	sadd.s32 s4, s19  }
0x9c: {  	s7 =	simm.s32 $0x0;
	s20 =	sshll.u32 s5, $0x1;
	s5 =	sadd.s32 s21, s3  }
0x9d: {  	[timem:s7], [sflag:s22] =	dma.local [hbm:s5], s20  }
0x9e: {  	_ =	swait.ge [sflag:s22], s20  }
0x9f: {  	s4 =	ssub.s32 $0x0, s20;
	[sflag:s22] =	ssyncset.done $0x0  }
0xa0: {  	[sflag:s22] =	ssyncadd.s32 s4;
	_ =	sdelay $0x1  }
0xa1: {  	s23 =	simm.s32 $0x1B8B  }
0xa2: {  	_ =	swait.ge [sflag:s23], $0x1  }
0xa3: {  	[sflag:s23] =	ssyncset.done $0x0  }
0xa4: {  	s25 =	simm.s32 $0x1B8E;
	s24 =	sld [smem:$0x3FFE];
	[sflag:s23] =	ssyncadd.s32 $0xFFFFFFFF  }
0xa5: {  	s26 =	simm.s32 $execute0_lowered;
	[smem:$0x3FD2] =	sst s25  }
0xa6: {  	s5 =	sshll.u32 s26, $0x1;
	_ =	strace $0x80000049;
	[dreg:$0x1] =	wrdreg $0xFFFFFFFF  }
0xa7: {  	s28 =	simm.s32 $_size_execute0_lowered;
	s3 =	sadd.s32 s3, s5;
	[dreg:$0x0] =	wrdreg $0x0  }
0xa8: {  	s5 =	sshll.u32 s28, $0x1;
	[dreg:$0x2] =	wrdreg s3  }
0xa9: {  	[dreg:$0x3] =	wrdreg s5  }
0xaa: {  	[dreg:$0x4] =	wrdreg $0xC0  }
0xab: {  	_ =	task [dreg:s7], $0x5FFFF  }
0xac: {  	[dreg:$0x1] =	wrdreg $0xFFFFFFFF  }
0xad: {  	[dreg:$0x0] =	wrdreg $0x60  }
0xae: {  	[dreg:$0x2] =	wrdreg s24  }
0xaf: {  	[dreg:$0x3] =	wrdreg s2  }
0xb0: {  	[dreg:$0x4] =	wrdreg $0x9  }
0xb1: {  	_ =	task.clear_ibuf [dreg:s7], $0x5FFFF;
	_ =	strace $0x90000049  }
0xb2: {  	s29 =	simm.s32 $0x9;
	_ =	strace $0x8000004B  }
0xb3: {  	_ =	swait.ge [sflag:s29], $0x1  }
0xb4: {  	[sflag:s29] =	ssyncadd.s32 $0xFFFFFFFF  }
0xb5: {  	_ =	strace $0x9000004B  }
0xb6: {  	_ =	sfence  }
0xb7: {  	s30 =	sld [smem:$0x0];
	_ =	sdelay $0x2  }
0xb8: {  	s31 =	sshll.u32 s1, $0xD;
	s1 =	sshrl.u32 s1, $0x2  }
0xb9: {  	s3 =	sand.u32 $0x4000, s31;
	s1 =	sadd.s32 s1, s30  }
0xba: {  	s0 =	sor.u32 s3, s0;
	s1 =	sshll.u32 s1, $0x11  }
0xbb: {  	s0 =	sor.u32 s1, s0  }
0xbc: {  	s0 =	sadd.s32 $0x8F2B, s0  }
0xbd: {  	[sflag:s0] =	ssyncadd.remote.s32 $0x1  }
0xbe: {  	_ =	sfence.sel $0xFFFF  }
0xbf: {  	[dreg:$0x0] =	wrdreg $0xFFFFFFFF;
	(pc) =	sbr.abs _section_cstart, $3  }
0xc0: {  	[dreg:$0x1] =	wrdreg $0xFFFFFFFF  }
0xc1: {  	_ =	task.clear_ibuf [dreg:s7], $0x2FFFF;
	_ =	strace $0x9FFFFFFF  }
0xc2: {  	(tm) =	ssettm $0x7FFFFFFF  }
0xc3: {  	_ =	shalt  }
tec
execute0_lowered:
.L_overlay_start_1:
0x0: {  	(tag) =	ssettag $0x1  }
0x1: {  	s0 =	rddreg [dreg:$0x0]  }
0x2: {  	s1 =	rddreg [dreg:$0x1];
	s3 =	srdreg.scid  }
0x3: {  	s2 =	simm.s32 $0x0;
	s5 =	stileid.u32;
	s28 =	simm.s32 $0xC900  }
0x4: {  	s29 =	simm.s32 $0xE100;
	s30 =	simm.s32 $0xE900;
	s31 =	simm.s32 $0xF100  }
0x5: {  	s4 =	sand.u32 $0x1, s3;
	[smem:$0x7FF] =	sst s2;
	s10 =	sshll.u32 s5, $0x7  }
0x6: {  	s3 =	sadd.s32 $0x182E00, s0;
	s7 =	sadd.s32 $0x182A00, s0;
	s11 =	sshll.u32 s4, $0x6  }
0x7: {  	_ =	strace $0x8000004A;
	s4 =	ssub.s32 $0x2, s4;
	s5 =	sor.u32 s11, s10  }
0x8: {  	s9 =	sshrl.u32 s4, $0x1;
	s11 =	sadd.s32 $0x182C00, s0;
	s10 =	sadd.s32 $0x183100, s0  }
0x9: {  	s6 =	sshrl.u32 s5, $0x3;
	s4 =	ssub.s32 s4, s9;
	s9 =	sadd.s32 $0x183000, s0  }
0xa: {  	s17 =	sshll.u32 s5, $0x7;
	s18 =	sor.u32 $0x20, s5;
	s8 =	sadd.s32 s6, s0  }
0xb: {  	s13 =	sadd.s32 s7, s6;
	s6 =	sadd.s32 s11, s6;
	s19 =	sshrl.u32 s18, $0x3  }
0xc: {  	s24 =	sshll.u32 s18, $0x7;
	s26 =	smax.u32 s4, $0x1;
	[dreg:$0x5] =	wrdreg s13  }
0xd: {  	s18 =	simm.s32 $0x5;
	s4 =	simm.s32 $0x6;
	[dreg:$0x6] =	wrdreg s6  }
0xe: {  	s12 =	sadd.s32 $0x2600, s8;
	s8 =	sadd.s32 $0x2800, s8;
	[dreg:$0x11] =	wrdreg s26  }
0xf: {  	s13 =	sadd.s32 s7, s19;
	s26 =	simm.s32 $0xC100;
	[dreg:$0x3] =	wrdreg s12  }
0x10: {  	[dreg:$0x4] =	wrdreg s8;
	s12 =	sor.u32 $0x10, s5;
	s8 =	sadd.s32 $0x182F00, s0  }
0x11: {  	s0 =	sadd.s32 s1, s17;
	s5 =	sor.u32 $0x30, s5;
	[dreg:$0xa] =	wrdreg s13  }
0x12: {  	s17 =	simm.s32 $0x3;
	s14 =	sshrl.u32 s12, $0x3;
	[dreg:$0x9] =	wrdreg s0  }
0x13: {  	s12 =	sshll.u32 s12, $0x7;
	s20 =	sshrl.u32 s5, $0x3;
	s0 =	sadd.s32 s11, s19  }
0x14: {  	s5 =	sshll.u32 s5, $0x7;
	s15 =	sadd.s32 s7, s14;
	[dreg:$0xb] =	wrdreg s0  }
0x15: {  	s16 =	sadd.s32 s11, s14;
	s21 =	sadd.s32 s1, s12;
	[dreg:$0x7] =	wrdreg s15  }
0x16: {  	s22 =	sadd.s32 s7, s20;
	s23 =	sadd.s32 s11, s20;
	[dreg:$0x8] =	wrdreg s16  }
0x17: {  	s0 =	sadd.s32 s1, s24;
	s25 =	sadd.s32 s1, s5;
	[dreg:$0xc] =	wrdreg s21  }
0x18: {  	v2 =	vlaneseq.u32;
	s24 =	simm.s32 $0x10280;
	s1 =	simm.s32 $0x8100;
	[dreg:$0xd] =	wrdreg s22  }
0x19: {  	v0 =	vand.u32 $0x7, v2;
	v1 =	vshrl.u32 v2, $0x3;
	s7 =	simm.s32 $0xD100;
	s14 =	simm.s32 $0xD900;
	[dreg:$0xe] =	wrdreg s23  }
0x1a: {  	v63 =	vor.u32 $0x8, v2;
	[tilespmem:$0x1FFD0] =	vst v0;
	v62 =	vmul.u32 $0x8, v1;
	s11 =	simm.s32 $0x4;
	s12 =	simm.s32 $0x0;
	[dreg:$0xf] =	wrdreg s0  }
0x1b: {  	[tilespmem:$0x1FFF0] =	vst v63;
	[dreg:$0x10] =	wrdreg s25;
	s22 =	simm.s32 $0x10200;
	s23 =	simm.s32 $0x7  }
0x1c: {  	vm0 =	vmmov $0xffff;
	[tilespmem:$0x1FFE0] =	vst v62;
	s15 =	simm.s32 $0xF900;
	s0 =	simm.s32 $0x1;
	s16 =	simm.s32 $0x2  }
.LBB2_1:
0x1d: {  	s5 =	rddreg [dreg:$0x3]  }
0x1e: {  	[tilespmem:s22], [sflag:$0x7] =	stream.linear.gather [hbm4b:s5+s2], $0x40, $0x38;
	[tilespmem:$0x10300] =	vst v63  }
0x1f: {  	_ =	swait.ge [sflag:s23], $0x40  }
0x20: {  	[sflag:s23] =	ssyncset.done $0x0  }
0x21: {  	s6 =	rddreg [dreg:$0x4];
	[sflag:s23] =	ssyncadd.s32 $0xFFFFFFC0  }
0x22: {  	[tilespmem:s24], [sflag:$0x7] =	stream.linear.gather [hbm4b:s6+s2], $0x40, $0x38;
	[tilespmem:$0x10300] =	vst v63  }
0x23: {  	_ =	swait.ge [sflag:s23], $0x40  }
0x24: {  	[sflag:s23] =	ssyncset.done $0x0  }
0x25: {  	s6 =	simm.s32 $0x8000;
	s13 =	rddreg [dreg:$0x5];
	[sflag:s23] =	ssyncadd.s32 $0xFFFFFFC0  }
0x26: {  	[tilespmem:s6], [sflag:$0x7] =	stream.linear.gather [hbm4b:s13+s2], $0x10, $0x38;
	[tilespmem:$0x10300] =	vst v63  }
0x27: {  	_ =	swait.ge [sflag:s23], $0x10  }
0x28: {  	[sflag:s23] =	ssyncset.done $0x0  }
0x29: {  	s20 =	simm.s32 $0x8080;
	s19 =	rddreg [dreg:$0x6];
	[sflag:s23] =	ssyncadd.s32 $0xFFFFFFF0  }
0x2a: {  	[tilespmem:s20], [sflag:$0x7] =	stream.linear.gather [hbm4b:s19+s2], $0x10, $0x38;
	[tilespmem:$0x10300] =	vst v63  }
0x2b: {  	_ =	swait.ge [sflag:s23], $0x10  }
0x2c: {  	[sflag:s23] =	ssyncset.done $0x0  }
0x2d: {  	[sflag:s23] =	ssyncadd.s32 $0xFFFFFFF0  }
0x2e: {  	v3 =	vld [tilespmem:$0x8000];
	_ =	sdelay $0x2  }
0x2f: {  	v0 =	vld [tilespmem:$0x1FFD0];
	_ =	sdelay $0x1  }
0x30: {  	v1 =	vld [tilespmem:$0x1FFE0];
	v4 =	vshll.u32 v3, $0x3  }
0x31: {  	v3 =	vand.u32 $0x7, v3;
	v4 =	vand.u32 $0xFFFFFFC0, v4  }
0x32: {  	v3 =	vor.u32 v3, v4  }
0x33: {  	v4 =	vperm.xlane v3, v0;
	_ =	sdelay $0x1  }
0x34: {  	v4 =	vadd.s32 v1, v4  }
0x35: {  	v2 =	vld [tilespmem:$0x1FFF0];
	_ =	sdelay $0x3  }
0x36: {  	[tilespmem:s2], [sflag:$0x1] =	stream.indirect_vreg.gather [hbm4b:s3+s2], $0x80, v4, vm0, $0xb8;
	[tilespmem:$0x10300] =	vst v63  }
0x37: {  	s21 =	simm.s32 $0x800;
	v3 =	vperm.xlane v3, v2  }
0x38: {  	[tilespmem:s21], [sflag:$0x1] =	stream.indirect_vreg.gather [hbm4b:s8+s2], $0x80, v4, vm0, $0xb8;
	[tilespmem:$0x10300] =	vst v63  }
0x39: {  	s25 =	simm.s32 $0x1000;
	v3 =	vadd.s32 v1, v3  }
0x3a: {  	[tilespmem:s25], [sflag:$0x1] =	stream.indirect_vreg.gather [hbm4b:s9+s2], $0x80, v4, vm0, $0xb8;
	[tilespmem:$0x10300] =	vst v63  }
0x3b: {  	s6 =	simm.s32 $0x1800  }
0x3c: {  	[tilespmem:s6], [sflag:$0x1] =	stream.indirect_vreg.gather [hbm4b:s10+s2], $0x80, v4, vm0, $0xb8;
	[tilespmem:$0x10300] =	vst v63  }
0x3d: {  	s13 =	simm.s32 $0x2000  }
0x3e: {  	[tilespmem:s13], [sflag:$0x1] =	stream.indirect_vreg.gather [hbm4b:s3+s2], $0x80, v3, vm0, $0xb8;
	[tilespmem:$0x10300] =	vst v63  }
0x3f: {  	s19 =	simm.s32 $0x2800  }
0x40: {  	[tilespmem:s19], [sflag:$0x1] =	stream.indirect_vreg.gather [hbm4b:s8+s2], $0x80, v3, vm0, $0xb8;
	[tilespmem:$0x10300] =	vst v63  }
0x41: {  	s20 =	simm.s32 $0x3000  }
0x42: {  	[tilespmem:s20], [sflag:$0x1] =	stream.indirect_vreg.gather [hbm4b:s9+s2], $0x80, v3, vm0, $0xb8;
	[tilespmem:$0x10300] =	vst v63  }
0x43: {  	s21 =	simm.s32 $0x3800  }
0x44: {  	[tilespmem:s21], [sflag:$0x1] =	stream.indirect_vreg.gather [hbm4b:s10+s2], $0x80, v3, vm0, $0xb8;
	[tilespmem:$0x10300] =	vst v63  }
0x45: {  	v3 =	vld [tilespmem:$0x8080];
	_ =	sdelay $0x4  }
0x46: {  	v60 =	vshll.u32 v3, $0x3  }
0x47: {  	v3 =	vand.u32 $0x7, v3;
	v4 =	vand.u32 $0xFFFFFFC0, v60  }
0x48: {  	v3 =	vor.u32 v3, v4  }
0x49: {  	v4 =	vperm.xlane v3, v0;
	_ =	sdelay $0x1  }
0x4a: {  	v4 =	vadd.s32 v1, v4;
	_ =	sdelay $0x3  }
0x4b: {  	s25 =	simm.s32 $0x4000  }
0x4c: {  	[tilespmem:s25], [sflag:$0x2] =	stream.indirect_vreg.gather [hbm4b:s3+s2], $0x80, v4, vm0, $0xb8;
	[tilespmem:$0x10300] =	vst v63  }
0x4d: {  	s6 =	simm.s32 $0x4800;
	v3 =	vperm.xlane v3, v2  }
0x4e: {  	[tilespmem:s6], [sflag:$0x2] =	stream.indirect_vreg.gather [hbm4b:s8+s2], $0x80, v4, vm0, $0xb8;
	[tilespmem:$0x10300] =	vst v63  }
0x4f: {  	s13 =	simm.s32 $0x5000;
	v3 =	vadd.s32 v1, v3  }
0x50: {  	[tilespmem:s13], [sflag:$0x2] =	stream.indirect_vreg.gather [hbm4b:s9+s2], $0x80, v4, vm0, $0xb8;
	[tilespmem:$0x10300] =	vst v63  }
0x51: {  	s19 =	simm.s32 $0x5800  }
0x52: {  	[tilespmem:s19], [sflag:$0x2] =	stream.indirect_vreg.gather [hbm4b:s10+s2], $0x80, v4, vm0, $0xb8;
	[tilespmem:$0x10300] =	vst v63  }
0x53: {  	s20 =	simm.s32 $0x6000  }
0x54: {  	[tilespmem:s20], [sflag:$0x2] =	stream.indirect_vreg.gather [hbm4b:s3+s2], $0x80, v3, vm0, $0xb8;
	[tilespmem:$0x10300] =	vst v63  }
0x55: {  	s21 =	simm.s32 $0x6800  }
0x56: {  	[tilespmem:s21], [sflag:$0x2] =	stream.indirect_vreg.gather [hbm4b:s8+s2], $0x80, v3, vm0, $0xb8;
	[tilespmem:$0x10300] =	vst v63  }
0x57: {  	s25 =	simm.s32 $0x7000  }
0x58: {  	[tilespmem:s25], [sflag:$0x2] =	stream.indirect_vreg.gather [hbm4b:s9+s2], $0x80, v3, vm0, $0xb8;
	[tilespmem:$0x10300] =	vst v63  }
0x59: {  	s6 =	simm.s32 $0x7800  }
0x5a: {  	[tilespmem:s6], [sflag:$0x2] =	stream.indirect_vreg.gather [hbm4b:s10+s2], $0x80, v3, vm0, $0xb8;
	[tilespmem:$0x10300] =	vst v63  }
0x5b: {  	s13 =	rddreg [dreg:$0x7];
	s19 =	simm.s32 $0x10100  }
0x5c: {  	[tilespmem:s19], [sflag:$0x7] =	stream.linear.gather [hbm4b:s13+s2], $0x10, $0x38;
	[tilespmem:$0x10300] =	vst v63  }
0x5d: {  	_ =	swait.ge [sflag:s23], $0x10  }
0x5e: {  	[sflag:s23] =	ssyncset.done $0x0  }
0x5f: {  	s21 =	simm.s32 $0x10180;
	s20 =	rddreg [dreg:$0x8];
	[sflag:s23] =	ssyncadd.s32 $0xFFFFFFF0  }
0x60: {  	[tilespmem:s21], [sflag:$0x7] =	stream.linear.gather [hbm4b:s20+s2], $0x10, $0x38;
	[tilespmem:$0x10300] =	vst v63  }
0x61: {  	_ =	swait.ge [sflag:s23], $0x10  }
0x62: {  	[sflag:s23] =	ssyncset.done $0x0  }
0x63: {  	[sflag:s23] =	ssyncadd.s32 $0xFFFFFFF0  }
0x64: {  	v61 =	vld [tilespmem:$0x10100];
	_ =	sdelay $0x4  }
0x65: {  	v62 =	vshll.u32 v61, $0x3  }
0x66: {  	v3 =	vand.u32 $0x7, v61;
	v4 =	vand.u32 $0xFFFFFFC0, v62  }
0x67: {  	v3 =	vor.u32 v3, v4  }
0x68: {  	v4 =	vperm.xlane v3, v0;
	_ =	sdelay $0x1  }
0x69: {  	v4 =	vadd.s32 v1, v4;
	_ =	sdelay $0x4  }
0x6a: {  	[tilespmem:s1], [sflag:$0x4] =	stream.indirect_vreg.gather [hbm4b:s3+s2], $0x80, v4, vm0, $0xb8;
	[tilespmem:$0x10300] =	vst v63  }
0x6b: {  	s25 =	simm.s32 $0x8900;
	v3 =	vperm.xlane v3, v2  }
0x6c: {  	[tilespmem:s25], [sflag:$0x4] =	stream.indirect_vreg.gather [hbm4b:s8+s2], $0x80, v4, vm0, $0xb8;
	[tilespmem:$0x10300] =	vst v63  }
0x6d: {  	s6 =	simm.s32 $0x9100;
	v3 =	vadd.s32 v1, v3  }
0x6e: {  	[tilespmem:s6], [sflag:$0x4] =	stream.indirect_vreg.gather [hbm4b:s9+s2], $0x80, v4, vm0, $0xb8;
	[tilespmem:$0x10300] =	vst v63  }
0x6f: {  	s13 =	simm.s32 $0x9900  }
0x70: {  	[tilespmem:s13], [sflag:$0x4] =	stream.indirect_vreg.gather [hbm4b:s10+s2], $0x80, v4, vm0, $0xb8;
	[tilespmem:$0x10300] =	vst v63  }
0x71: {  	s19 =	simm.s32 $0xA100  }
0x72: {  	[tilespmem:s19], [sflag:$0x4] =	stream.indirect_vreg.gather [hbm4b:s3+s2], $0x80, v3, vm0, $0xb8;
	[tilespmem:$0x10300] =	vst v63  }
0x73: {  	s20 =	simm.s32 $0xA900  }
0x74: {  	[tilespmem:s20], [sflag:$0x4] =	stream.indirect_vreg.gather [hbm4b:s8+s2], $0x80, v3, vm0, $0xb8;
	[tilespmem:$0x10300] =	vst v63  }
0x75: {  	s21 =	simm.s32 $0xB100  }
0x76: {  	[tilespmem:s21], [sflag:$0x4] =	stream.indirect_vreg.gather [hbm4b:s9+s2], $0x80, v3, vm0, $0xb8;
	[tilespmem:$0x10300] =	vst v63  }
0x77: {  	s25 =	simm.s32 $0xB900  }
0x78: {  	[tilespmem:s25], [sflag:$0x4] =	stream.indirect_vreg.gather [hbm4b:s10+s2], $0x80, v3, vm0, $0xb8;
	[tilespmem:$0x10300] =	vst v63  }
0x79: {  	v3 =	vld [tilespmem:$0x10180];
	_ =	sdelay $0x4  }
0x7a: {  	v63 =	vshll.u32 v3, $0x3  }
0x7b: {  	v3 =	vand.u32 $0x7, v3;
	v4 =	vand.u32 $0xFFFFFFC0, v63  }
0x7c: {  	v3 =	vor.u32 v3, v4  }
0x7d: {  	v4 =	vperm.xlane v3, v0;
	_ =	sdelay $0x1  }
0x7e: {  	v4 =	vadd.s32 v1, v4;
	_ =	sdelay $0x4  }
0x7f: {  	[tilespmem:s26], [sflag:$0x5] =	stream.indirect_vreg.gather [hbm4b:s3+s2], $0x80, v4, vm0, $0xb8;
	[tilespmem:$0x10300] =	vst v63  }
0x80: {  	v3 =	vperm.xlane v3, v2  }
0x81: {  	[tilespmem:s28], [sflag:$0x5] =	stream.indirect_vreg.gather [hbm4b:s8+s2], $0x80, v4, vm0, $0xb8;
	[tilespmem:$0x10300] =	vst v63  }
0x82: {  	v3 =	vadd.s32 v1, v3  }
0x83: {  	[tilespmem:s7], [sflag:$0x5] =	stream.indirect_vreg.gather [hbm4b:s9+s2], $0x80, v4, vm0, $0xb8;
	[tilespmem:$0x10300] =	vst v63  }
0x84: {  	_ = 	snop  }
0x85: {  	[tilespmem:s14], [sflag:$0x5] =	stream.indirect_vreg.gather [hbm4b:s10+s2], $0x80, v4, vm0, $0xb8;
	[tilespmem:$0x10300] =	vst v63  }
0x86: {  	_ = 	snop  }
0x87: {  	[tilespmem:s29], [sflag:$0x5] =	stream.indirect_vreg.gather [hbm4b:s3+s2], $0x80, v3, vm0, $0xb8;
	[tilespmem:$0x10300] =	vst v63  }
0x88: {  	_ = 	snop  }
0x89: {  	[tilespmem:s30], [sflag:$0x5] =	stream.indirect_vreg.gather [hbm4b:s8+s2], $0x80, v3, vm0, $0xb8;
	[tilespmem:$0x10300] =	vst v63  }
0x8a: {  	_ = 	snop  }
0x8b: {  	[tilespmem:s31], [sflag:$0x5] =	stream.indirect_vreg.gather [hbm4b:s9+s2], $0x80, v3, vm0, $0xb8;
	[tilespmem:$0x10300] =	vst v63  }
0x8c: {  	_ = 	snop  }
0x8d: {  	[tilespmem:s15], [sflag:$0x5] =	stream.indirect_vreg.gather [hbm4b:s10+s2], $0x80, v3, vm0, $0xb8;
	[tilespmem:$0x10300] =	vst v63  }
0x8e: {  	_ =	swait.ge [sflag:s0], $0x4000  }
0x8f: {  	[sflag:s0] =	ssyncset.done $0x0  }
0x90: {  	[sflag:s0] =	ssyncadd.s32 $0xFFFFC000  }
0x91: {  	_ =	swait.ge [sflag:s16], $0x4000  }
0x92: {  	s5 =	simm.s32 $0x0;
	s19 =	simm.s32 $0x0;
	[sflag:s16] =	ssyncset.done $0x0  }
0x93: {  	s20 =	simm.s32 $0x0;
	s25 =	simm.s32 $0x0;
	[sflag:s16] =	ssyncadd.s32 $0xFFFFC000  }
.LBB2_2:
0x94: {  	s6 =	sand.u32 $0x2000, s19;
	s21 =	sand.u32 $0x380, s25  }
0x95: {  	s6 =	sor.u32 s21, s6  }
0x96: {  	v6 =	vld [tilespmem:s6+$0x0]  }
0x97: {  	v7 =	vld [tilespmem:s6+$0x4000]  }
0x98: {  	v10 =	vld [tilespmem:s6+$0x10]  }
0x99: {  	v11 =	vld [tilespmem:s6+$0x4010]  }
0x9a: {  	v14 =	vld [tilespmem:s6+$0x20]  }
0x9b: {  	v17 =	vld [tilespmem:s6+$0x4020]  }
0x9c: {  	v20 =	vld [tilespmem:s6+$0x30]  }
0x9d: {  	v21 =	vld [tilespmem:s6+$0x4030]  }
0x9e: {  	v26 =	vld [tilespmem:s6+$0x40]  }
0x9f: {  	v27 =	vld [tilespmem:s6+$0x4040]  }
0xa0: {  	v28 =	vld [tilespmem:s6+$0x50]  }
0xa1: {  	v29 =	vld [tilespmem:s6+$0x4050]  }
0xa2: {  	v30 =	vld [tilespmem:s6+$0x60]  }
0xa3: {  	v31 =	vld [tilespmem:s6+$0x4060]  }
0xa4: {  	v32 =	vld [tilespmem:s6+$0x70]  }
0xa5: {  	v33 =	vld [tilespmem:s6+$0x4070]  }
0xa6: {  	v34 =	vld [tilespmem:s6+$0x400]  }
0xa7: {  	v35 =	vld [tilespmem:s6+$0x4400]  }
0xa8: {  	v36 =	vld [tilespmem:s6+$0x410]  }
0xa9: {  	v37 =	vld [tilespmem:s6+$0x4410]  }
0xaa: {  	v38 =	vld [tilespmem:s6+$0x420]  }
0xab: {  	v39 =	vld [tilespmem:s6+$0x4420]  }
0xac: {  	v40 =	vld [tilespmem:s6+$0x430]  }
0xad: {  	v41 =	vld [tilespmem:s6+$0x4430]  }
0xae: {  	v42 =	vld [tilespmem:s6+$0x440]  }
0xaf: {  	v43 =	vld [tilespmem:s6+$0x4440]  }
0xb0: {  	v44 =	vld [tilespmem:s6+$0x450]  }
0xb1: {  	v45 =	vld [tilespmem:s6+$0x4450]  }
0xb2: {  	v46 =	vld [tilespmem:s6+$0x460]  }
0xb3: {  	v47 =	vld [tilespmem:s6+$0x4460]  }
0xb4: {  	v48 =	vld [tilespmem:s6+$0x470]  }
0xb5: {  	v49 =	vld [tilespmem:s6+$0x4470]  }
0xb6: {  	v50 =	vld [tilespmem:s6+$0x800]  }
0xb7: {  	v51 =	vld [tilespmem:s6+$0x4800]  }
0xb8: {  	v52 =	vld [tilespmem:s6+$0x810]  }
0xb9: {  	v53 =	vld [tilespmem:s6+$0x4810]  }
0xba: {  	v54 =	vld [tilespmem:s6+$0x820]  }
0xbb: {  	v55 =	vld [tilespmem:s6+$0x4820]  }
0xbc: {  	v56 =	vld [tilespmem:s6+$0x830]  }
0xbd: {  	v57 =	vld [tilespmem:s6+$0x4830]  }
0xbe: {  	v58 =	vld [tilespmem:s6+$0x840]  }
0xbf: {  	v59 =	vld [tilespmem:s6+$0x4840]  }
0xc0: {  	v60 =	vld [tilespmem:s6+$0x850]  }
0xc1: {  	v61 =	vld [tilespmem:s6+$0x4850]  }
0xc2: {  	v62 =	vld [tilespmem:s6+$0x860]  }
0xc3: {  	v63 =	vld [tilespmem:s6+$0x4860]  }
0xc4: {  	v5 =	vld [tilespmem:s6+$0x870]  }
0xc5: {  	v2 =	vld [tilespmem:s6+$0x4870]  }
0xc6: {  	v24 =	vld [tilespmem:s6+$0xC00]  }
0xc7: {  	v4 =	vmov s20;
	v25 =	vld [tilespmem:s6+$0x4C00]  }
0xc8: {  	v22 =	vld [tilespmem:s6+$0xC10]  }
0xc9: {  	v23 =	vld [tilespmem:s6+$0x4C10]  }
0xca: {  	v18 =	vld [tilespmem:s6+$0xC20]  }
0xcb: {  	v0 =	vld [tilespmem:s6+$0xC60]  }
0xcc: {  	v3 =	vld.idx.msk [tilespmem:v4+s22+$0x0], $0xffff  }
0xcd: {  	v4 =	vld.idx.msk [tilespmem:v4+s24+$0x0], $0xffff  }
0xce: {  	v19 =	vld [tilespmem:s6+$0x4C20]  }
0xcf: {  	v15 =	vld [tilespmem:s6+$0xC30]  }
0xd0: {  	v16 =	vld [tilespmem:s6+$0x4C30]  }
0xd1: {  	v12 =	vld [tilespmem:s6+$0xC40];
	v1 =	vmul.f32 v6, v3  }
0xd2: {  	v13 =	vld [tilespmem:s6+$0x4C40];
	[tilespmem:$0x1FFC0] =	vst v0;
	v0 =	vmul.f32 v7, v4;
	v10 =	vmul.f32 v10, v3  }
0xd3: {  	v8 =	vld [tilespmem:s6+$0xC50];
	v11 =	vmul.f32 v11, v4;
	v14 =	vmul.f32 v14, v3  }
0xd4: {  	v9 =	vld [tilespmem:s6+$0x4C50];
	v17 =	vmul.f32 v17, v4;
	v20 =	vmul.f32 v20, v3  }
0xd5: {  	v7 =	vld [tilespmem:s6+$0x4C60];
	v21 =	vmul.f32 v21, v4;
	v26 =	vmul.f32 v26, v3  }
0xd6: {  	v6 =	vld [tilespmem:s6+$0xC70];
	v27 =	vmul.f32 v27, v4;
	v34 =	vmul.f32 v34, v3  }
0xd7: {  	v35 =	vmul.f32 v35, v4;
	v38 =	vmul.f32 v38, v3;
	v1 =	vadd.f32 v0, v1;
	v0 =	vld [tilespmem:s6+$0x4C70]  }
0xd8: {  	v39 =	vmul.f32 v39, v4;
	v40 =	vmul.f32 v40, v3;
	v10 =	vadd.f32 v11, v10;
	v11 =	vld [tilespmem:s6+$0x1000]  }
0xd9: {  	v5 =	vmul.f32 v5, v3;
	v2 =	vmul.f32 v2, v4;
	[tilespmem:s6+$0x0] =	vst v1;
	v1 =	vadd.f32 v17, v14;
	v14 =	vld [tilespmem:s6+$0x5000]  }
0xda: {  	[tilespmem:s6+$0x10] =	vst v10;
	v10 =	vadd.f32 v21, v20;
	v21 =	vmul.f32 v28, v3;
	v28 =	vmul.f32 v29, v4;
	v17 =	vld [tilespmem:s6+$0x1010]  }
0xdb: {  	v52 =	vmul.f32 v52, v3;
	v2 =	vadd.f32 v2, v5;
	v20 =	vld [tilespmem:s6+$0x5010];
	v29 =	vmul.f32 v33, v4;
	[tilespmem:s6+$0x20] =	vst v1  }
0xdc: {  	v1 =	vadd.f32 v27, v26;
	v26 =	vmul.f32 v30, v3;
	[tilespmem:s6+$0x30] =	vst v10;
	v10 =	vadd.f32 v28, v21;
	v21 =	vld [tilespmem:s6+$0x1020]  }
0xdd: {  	v27 =	vmul.f32 v31, v4;
	v28 =	vmul.f32 v32, v3;
	v31 =	vld [tilespmem:s6+$0x1030]  }
0xde: {  	v24 =	vmul.f32 v24, v3;
	v25 =	vmul.f32 v25, v4;
	[tilespmem:s6+$0x870] =	vst v2;
	v32 =	vld [tilespmem:s6+$0x5030]  }
0xdf: {  	v18 =	vmul.f32 v18, v3;
	v33 =	vadd.f32 v27, v26;
	v26 =	vld [tilespmem:s6+$0x5020];
	[tilespmem:s6+$0x50] =	vst v10;
	v10 =	vadd.f32 v29, v28  }
0xe0: {  	[tilespmem:s6+$0x40] =	vst v1;
	v28 =	vmul.f32 v36, v3;
	v36 =	vmul.f32 v37, v4;
	v37 =	vadd.f32 v35, v34;
	v34 =	vld [tilespmem:s6+$0x5040]  }
0xe1: {  	v19 =	vmul.f32 v19, v4;
	v12 =	vmul.f32 v12, v3;
	v35 =	vld [tilespmem:s6+$0x1050];
	[tilespmem:s6+$0x60] =	vst v33  }
0xe2: {  	v13 =	vmul.f32 v13, v4;
	v27 =	vld [tilespmem:s6+$0x5420];
	v29 =	vadd.f32 v25, v24;
	[tilespmem:s6+$0x70] =	vst v10;
	v10 =	vadd.f32 v36, v28  }
0xe3: {  	v36 =	vmul.f32 v41, v4;
	v33 =	vld [tilespmem:s6+$0x1040];
	[tilespmem:s6+$0x400] =	vst v37;
	v37 =	vadd.f32 v39, v38;
	v38 =	vmul.f32 v42, v3  }
0xe4: {  	v39 =	vmul.f32 v43, v4;
	v41 =	vmul.f32 v45, v4;
	v28 =	vld [tilespmem:s6+$0x1420];
	[tilespmem:s6+$0xC00] =	vst v29  }
0xe5: {  	v43 =	vmul.f32 v46, v3;
	[tilespmem:s6+$0x410] =	vst v10;
	v10 =	vadd.f32 v36, v40;
	v40 =	vmul.f32 v44, v3;
	v36 =	vld [tilespmem:s6+$0x5050]  }
0xe6: {  	v46 =	vmul.f32 v48, v3;
	[tilespmem:s6+$0x420] =	vst v37;
	v42 =	vadd.f32 v39, v38;
	v44 =	vmul.f32 v47, v4;
	v37 =	vld [tilespmem:s6+$0x1060]  }
0xe7: {  	v47 =	vmul.f32 v49, v4;
	v49 =	vmul.f32 v50, v3;
	v38 =	vld [tilespmem:s6+$0x5060];
	[tilespmem:s6+$0x430] =	vst v10;
	v45 =	vadd.f32 v41, v40  }
0xe8: {  	v50 =	vmul.f32 v51, v4;
	v39 =	vld [tilespmem:s6+$0x1070];
	[tilespmem:s6+$0x440] =	vst v42;
	v48 =	vadd.f32 v44, v43;
	v44 =	vmul.f32 v53, v4  }
0xe9: {  	v51 =	vadd.f32 v47, v46;
	v46 =	vmul.f32 v54, v3;
	v47 =	vmul.f32 v55, v4;
	v40 =	vld [tilespmem:s6+$0x5070];
	[tilespmem:s6+$0x450] =	vst v45  }
0xea: {  	v41 =	vld [tilespmem:s6+$0x1400];
	v53 =	vmul.f32 v59, v4;
	v55 =	vmul.f32 v60, v3;
	[tilespmem:s6+$0x460] =	vst v48;
	v45 =	vadd.f32 v50, v49  }
0xeb: {  	v42 =	vld [tilespmem:s6+$0x5400];
	v59 =	vmul.f32 v63, v4;
	v63 =	vmul.f32 v23, v4;
	[tilespmem:s6+$0x470] =	vst v51;
	v48 =	vadd.f32 v44, v52  }
0xec: {  	v43 =	vld [tilespmem:s6+$0x1410];
	v49 =	vmul.f32 v56, v3;
	v50 =	vmul.f32 v57, v4;
	v51 =	vadd.f32 v47, v46;
	[tilespmem:s6+$0x800] =	vst v45  }
0xed: {  	v23 =	vld [tilespmem:s6+$0x5430];
	v25 =	vmul.f32 v33, v3;
	v52 =	vmul.f32 v58, v3;
	v47 =	vadd.f32 v19, v18;
	[tilespmem:s6+$0x810] =	vst v48  }
0xee: {  	v56 =	vmul.f32 v61, v4;
	v58 =	vmul.f32 v62, v3;
	v44 =	vld [tilespmem:s6+$0x5410];
	v54 =	vadd.f32 v50, v49;
	[tilespmem:s6+$0x820] =	vst v51  }
0xef: {  	v62 =	vmul.f32 v22, v3;
	v22 =	vld [tilespmem:s6+$0x1430];
	v46 =	vmul.f32 v16, v4;
	v57 =	vadd.f32 v53, v52;
	[tilespmem:s6+$0xC20] =	vst v47  }
0xf0: {  	v16 =	vld [tilespmem:s6+$0x5440];
	v33 =	vmul.f32 v37, v3;
	v60 =	vadd.f32 v56, v55;
	v45 =	vmul.f32 v15, v3;
	[tilespmem:s6+$0x830] =	vst v54  }
0xf1: {  	v18 =	vld [tilespmem:s6+$0x1810];
	v61 =	vadd.f32 v59, v58;
	v49 =	vmul.f32 v8, v3;
	v50 =	vmul.f32 v9, v4;
	[tilespmem:s6+$0x840] =	vst v57  }
0xf2: {  	v19 =	vld [tilespmem:s6+$0x5810];
	v30 =	vadd.f32 v63, v62;
	v56 =	vmul.f32 v11, v3;
	v58 =	vmul.f32 v17, v3;
	[tilespmem:s6+$0x850] =	vst v60  }
0xf3: {  	v15 =	vld [tilespmem:s6+$0x1440];
	v51 =	vadd.f32 v13, v12;
	v59 =	vmul.f32 v20, v4;
	v62 =	vmul.f32 v26, v4;
	[tilespmem:s6+$0x860] =	vst v61  }
0xf4: {  	v9 =	vld [tilespmem:s6+$0x1450];
	v20 =	vmul.f32 v31, v3;
	v26 =	vmul.f32 v34, v4;
	[tilespmem:s6+$0xC10] =	vst v30;
	v48 =	vadd.f32 v46, v45  }
0xf5: {  	v52 =	vld [tilespmem:$0x1FFC0];
	v31 =	vmul.f32 v36, v4;
	v34 =	vmul.f32 v38, v4;
	v53 =	vadd.f32 v50, v49;
	[tilespmem:s6+$0xC40] =	vst v51  }
0xf6: {  	v12 =	vld [tilespmem:s6+$0x5450];
	v36 =	vmul.f32 v39, v3;
	v37 =	vmul.f32 v40, v4;
	v63 =	vadd.f32 v59, v58;
	[tilespmem:s6+$0xC30] =	vst v48  }
0xf7: {  	v11 =	vld [tilespmem:s6+$0x1470];
	v61 =	vmul.f32 v21, v3;
	v21 =	vmul.f32 v32, v4;
	v32 =	vadd.f32 v26, v25;
	[tilespmem:s6+$0xC50] =	vst v53  }
0xf8: {  	v13 =	vld [tilespmem:s6+$0x5470];
	v39 =	vmul.f32 v41, v3;
	v40 =	vmul.f32 v42, v4;
	v38 =	vadd.f32 v34, v33;
	[tilespmem:s6+$0x1010] =	vst v63  }
0xf9: {  	v0 =	vmul.f32 v0, v4;
	v17 =	vld [tilespmem:s6+$0x5800];
	v54 =	vmul.f32 v6, v3;
	v42 =	vadd.f32 v37, v36;
	[tilespmem:s6+$0x1040] =	vst v32  }
0xfa: {  	v41 =	vld [tilespmem:s6+$0x5820];
	v57 =	vmul.f32 v14, v4;
	v47 =	vadd.f32 v40, v39;
	[tilespmem:s6+$0x1060] =	vst v38  }
0xfb: {  	v6 =	vld [tilespmem:s6+$0x1460];
	v0 =	vadd.f32 v0, v54;
	[tilespmem:s6+$0x1070] =	vst v42  }
0xfc: {  	v14 =	vld [tilespmem:s6+$0x1800];
	v60 =	vadd.f32 v57, v56;
	[tilespmem:s6+$0x1400] =	vst v47  }
0xfd: {  	v7 =	vmul.f32 v7, v4;
	v30 =	vmul.f32 v35, v3;
	v46 =	vld [tilespmem:s6+$0x1830];
	v24 =	vadd.f32 v62, v61;
	[tilespmem:s6+$0xC70] =	vst v0  }
0xfe: {  	v43 =	vmul.f32 v43, v3;
	v50 =	vld [tilespmem:s6+$0x5830];
	v45 =	vmul.f32 v44, v4;
	v29 =	vadd.f32 v21, v20;
	[tilespmem:s6+$0x1000] =	vst v60  }
0xff: {  	v49 =	vmul.f32 v27, v4;
	v58 =	vld [tilespmem:s6+$0x1850];
	v35 =	vadd.f32 v31, v30;
	v10 =	vmul.f32 v52, v3;
	[tilespmem:s6+$0x1020] =	vst v24  }
0x100: {  	v36 =	vld [tilespmem:s6+$0x5870];
	v53 =	vmul.f32 v23, v4;
	v51 =	vadd.f32 v45, v43;
	v52 =	vmul.f32 v22, v3;
	[tilespmem:s6+$0x1030] =	vst v29  }
0x101: {  	v40 =	vld [tilespmem:s6+$0x5840];
	v57 =	vmul.f32 v16, v4;
	v56 =	vmul.f32 v15, v3;
	[tilespmem:s6+$0x1050] =	vst v35;
	v55 =	vadd.f32 v7, v10  }
0x102: {  	v20 =	vld [tilespmem:s6+$0x1820];
	v26 =	vmul.f32 v11, v3;
	v27 =	vmul.f32 v13, v4;
	[tilespmem:s6+$0x1410] =	vst v51;
	v59 =	vadd.f32 v53, v52  }
0x103: {  	v62 =	vld [tilespmem:s6+$0x5850];
	v61 =	vmul.f32 v12, v4;
	v60 =	vmul.f32 v9, v3;
	v63 =	vadd.f32 v57, v56;
	[tilespmem:s6+$0xC60] =	vst v55  }
0x104: {  	v34 =	vmul.f32 v18, v3;
	v16 =	vld [tilespmem:s6+$0x1860];
	v35 =	vmul.f32 v19, v4;
	v33 =	vadd.f32 v27, v26;
	[tilespmem:s6+$0x1430] =	vst v59  }
0x105: {  	v48 =	vmul.f32 v28, v3;
	v28 =	vld [tilespmem:s6+$0x5860];
	v31 =	vmul.f32 v17, v4;
	v23 =	vadd.f32 v61, v60;
	[tilespmem:s6+$0x1440] =	vst v63  }
0x106: {  	v32 =	vld [tilespmem:s6+$0x1870];
	v39 =	vmul.f32 v41, v4;
	v30 =	vmul.f32 v14, v3;
	v41 =	vadd.f32 v35, v34;
	[tilespmem:s6+$0x1470] =	vst v33  }
0x107: {  	v10 =	vld [tilespmem:s6+$0x5460];
	v42 =	vmul.f32 v46, v3;
	v43 =	vmul.f32 v50, v4;
	v55 =	vadd.f32 v49, v48;
	[tilespmem:s6+$0x1450] =	vst v23  }
0x108: {  	v54 =	vld [tilespmem:s6+$0x1840];
	v37 =	vadd.f32 v31, v30;
	v38 =	vmul.f32 v20, v3;
	[tilespmem:s6+$0x1810] =	vst v41  }
0x109: {  	v45 =	vmul.f32 v58, v3;
	v46 =	vmul.f32 v62, v4;
	v47 =	vadd.f32 v43, v42;
	[tilespmem:s6+$0x1420] =	vst v55  }
0x10a: {  	v48 =	vmul.f32 v16, v3;
	v49 =	vmul.f32 v28, v4;
	[tilespmem:s6+$0x1800] =	vst v37;
	v44 =	vadd.f32 v39, v38  }
0x10b: {  	v52 =	vmul.f32 v36, v4;
	v51 =	vmul.f32 v32, v3;
	v50 =	vadd.f32 v46, v45;
	[tilespmem:s6+$0x1830] =	vst v47  }
0x10c: {  	v6 =	vmul.f32 v6, v3;
	v53 =	vadd.f32 v49, v48;
	v12 =	vmul.f32 v10, v4;
	[tilespmem:s6+$0x1820] =	vst v44  }
0x10d: {  	s13 =	sand.u32 $0x7, s5;
	v54 =	vmul.f32 v54, v3;
	v55 =	vmul.f32 v40, v4;
	v56 =	vadd.f32 v52, v51;
	[tilespmem:s6+$0x1850] =	vst v50  }
0x10e: {  	s21 =	sshll.u32 s13, $0x7;
	[tilespmem:s6+$0x1860] =	vst v53;
	v29 =	vadd.f32 v12, v6  }
0x10f: {  	s21 =	sadd.s32 s21, s19;
	v2 =	vadd.f32 v55, v54;
	[tilespmem:s6+$0x1870] =	vst v56  }
0x110: {  	s13 =	sor.u32 $0x1C00, s21;
	[tilespmem:s6+$0x1460] =	vst v29  }
0x111: {  	[tilespmem:s6+$0x1840] =	vst v2;
	v0 =	vld [tilespmem:s13+$0x0]  }
0x112: {  	v1 =	vld [tilespmem:s13+$0x4000];
	_ =	sdelay $0x4  }
0x113: {  	v0 =	vmul.f32 v0, v3;
	v1 =	vmul.f32 v1, v4;
	_ =	sdelay $0x1  }
0x114: {  	v0 =	vadd.f32 v1, v0;
	_ =	sdelay $0x1  }
0x115: {  	[tilespmem:s13+$0x0] =	vst v0;
	s13 =	sor.u32 $0x1C10, s21  }
0x116: {  	v0 =	vld [tilespmem:s13+$0x0]  }
0x117: {  	v57 =	vld [tilespmem:s13+$0x4000];
	_ =	sdelay $0x4  }
0x118: {  	v0 =	vmul.f32 v0, v3;
	v1 =	vmul.f32 v57, v4;
	_ =	sdelay $0x1  }
0x119: {  	v0 =	vadd.f32 v1, v0;
	_ =	sdelay $0x1  }
0x11a: {  	[tilespmem:s13+$0x0] =	vst v0;
	s13 =	sor.u32 $0x1C20, s21  }
0x11b: {  	v0 =	vld [tilespmem:s13+$0x0]  }
0x11c: {  	v58 =	vld [tilespmem:s13+$0x4000];
	_ =	sdelay $0x4  }
0x11d: {  	v0 =	vmul.f32 v0, v3;
	v1 =	vmul.f32 v58, v4;
	_ =	sdelay $0x1  }
0x11e: {  	v0 =	vadd.f32 v1, v0;
	_ =	sdelay $0x1  }
0x11f: {  	[tilespmem:s13+$0x0] =	vst v0;
	s13 =	sor.u32 $0x1C30, s21  }
0x120: {  	v0 =	vld [tilespmem:s13+$0x0]  }
0x121: {  	v59 =	vld [tilespmem:s13+$0x4000];
	_ =	sdelay $0x4  }
0x122: {  	v0 =	vmul.f32 v0, v3;
	v1 =	vmul.f32 v59, v4;
	_ =	sdelay $0x1  }
0x123: {  	v0 =	vadd.f32 v1, v0;
	_ =	sdelay $0x1  }
0x124: {  	[tilespmem:s13+$0x0] =	vst v0;
	s13 =	sor.u32 $0x1C40, s21  }
0x125: {  	v0 =	vld [tilespmem:s13+$0x0]  }
0x126: {  	v60 =	vld [tilespmem:s13+$0x4000];
	_ =	sdelay $0x4  }
0x127: {  	v0 =	vmul.f32 v0, v3;
	v1 =	vmul.f32 v60, v4;
	_ =	sdelay $0x1  }
0x128: {  	v0 =	vadd.f32 v1, v0;
	_ =	sdelay $0x1  }
0x129: {  	[tilespmem:s13+$0x0] =	vst v0;
	s13 =	sor.u32 $0x1C50, s21  }
0x12a: {  	v0 =	vld [tilespmem:s13+$0x0]  }
0x12b: {  	v61 =	vld [tilespmem:s13+$0x4000];
	_ =	sdelay $0x4  }
0x12c: {  	v0 =	vmul.f32 v0, v3;
	v1 =	vmul.f32 v61, v4;
	_ =	sdelay $0x1  }
0x12d: {  	v0 =	vadd.f32 v1, v0;
	_ =	sdelay $0x1  }
0x12e: {  	[tilespmem:s13+$0x0] =	vst v0;
	s13 =	sor.u32 $0x1C60, s21  }
0x12f: {  	v0 =	vld [tilespmem:s13+$0x0]  }
0x130: {  	v62 =	vld [tilespmem:s13+$0x4000];
	_ =	sdelay $0x4  }
0x131: {  	v0 =	vmul.f32 v0, v3;
	v1 =	vmul.f32 v62, v4;
	_ =	sdelay $0x1  }
0x132: {  	v0 =	vadd.f32 v1, v0;
	_ =	sdelay $0x1  }
0x133: {  	s21 =	sor.u32 $0x1C70, s21;
	[tilespmem:s13+$0x0] =	vst v0  }
0x134: {  	v0 =	vld [tilespmem:s21+$0x0]  }
0x135: {  	v63 =	vld [tilespmem:s21+$0x4000];
	_ =	sdelay $0x3  }
0x136: {  	p0 =	sne.s32 s20, $0xF  }
.Ltmp0:
0x137: {  	v0 =	vmul.f32 v0, v3;
	v1 =	vmul.f32 v63, v4;
	(pc) =	sbr.rel @p0 .LBB2_2-.Ltmp0, $4  }
0x138: {  	_ = 	snop  }
0x139: {  	v0 =	vadd.f32 v1, v0  }
0x13a: {  	s25 =	sadd.s32 $0x80, s25  }
0x13b: {  	s5 =	sadd.s32 $0x1, s5;
	s20 =	sadd.s32 $0x1, s20;
	s19 =	sadd.s32 $0x400, s19;
	[tilespmem:s21+$0x0] =	vst v0  }
0x13c: {  	s5 =	simm.s32 $0x0;
	s6 =	rddreg [dreg:$0x9]  }
0x13d: {  	[hbm4b:s6+s5] =	stream.linear.scatter [tilespmem:s5], [sflag:$0x3], $0x4000, $0x38;
	[tilespmem:$0x10300] =	vst v63  }
0x13e: {  	s20 =	rddreg [dreg:$0xa];
	s13 =	simm.s32 $0x8000  }
0x13f: {  	[tilespmem:s13], [sflag:$0x7] =	stream.linear.gather [hbm4b:s20+s5], $0x10, $0x38;
	[tilespmem:$0x10300] =	vst v63  }
0x140: {  	_ =	swait.ge [sflag:s23], $0x10  }
0x141: {  	[sflag:s23] =	ssyncset.done $0x0  }
0x142: {  	s25 =	simm.s32 $0x8080;
	s21 =	rddreg [dreg:$0xb];
	[sflag:s23] =	ssyncadd.s32 $0xFFFFFFF0  }
0x143: {  	[tilespmem:s25], [sflag:$0x7] =	stream.linear.gather [hbm4b:s21+s5], $0x10, $0x38;
	[tilespmem:$0x10300] =	vst v63  }
0x144: {  	_ =	swait.ge [sflag:s23], $0x10  }
0x145: {  	[sflag:s23] =	ssyncset.done $0x0  }
0x146: {  	[sflag:s23] =	ssyncadd.s32 $0xFFFFFFF0  }
0x147: {  	_ =	swait.ge [sflag:s17], $0x4000  }
0x148: {  	[sflag:s17] =	ssyncset.done $0x0  }
0x149: {  	[sflag:s17] =	ssyncadd.s32 $0xFFFFC000  }
0x14a: {  	v0 =	vld [tilespmem:$0x8000];
	_ =	sdelay $0x2  }
0x14b: {  	v2 =	vld [tilespmem:$0x1FFD0];
	_ =	sdelay $0x1  }
0x14c: {  	v3 =	vld [tilespmem:$0x1FFE0];
	v1 =	vshll.u32 v0, $0x3  }
0x14d: {  	v0 =	vand.u32 $0x7, v0;
	v1 =	vand.u32 $0xFFFFFFC0, v1  }
0x14e: {  	v0 =	vor.u32 v0, v1  }
0x14f: {  	v1 =	vperm.xlane v0, v2;
	_ =	sdelay $0x1  }
0x150: {  	v1 =	vadd.s32 v3, v1  }
0x151: {  	v4 =	vld [tilespmem:$0x1FFF0];
	_ =	sdelay $0x3  }
0x152: {  	[tilespmem:s5], [sflag:$0x1] =	stream.indirect_vreg.gather [hbm4b:s3+s5], $0x80, v1, vm0, $0xb8;
	[tilespmem:$0x10300] =	vst v63  }
0x153: {  	s13 =	simm.s32 $0x800;
	v0 =	vperm.xlane v0, v4  }
0x154: {  	[tilespmem:s13], [sflag:$0x1] =	stream.indirect_vreg.gather [hbm4b:s8+s5], $0x80, v1, vm0, $0xb8;
	[tilespmem:$0x10300] =	vst v63  }
0x155: {  	s19 =	simm.s32 $0x1000;
	v0 =	vadd.s32 v3, v0  }
0x156: {  	[tilespmem:s19], [sflag:$0x1] =	stream.indirect_vreg.gather [hbm4b:s9+s5], $0x80, v1, vm0, $0xb8;
	[tilespmem:$0x10300] =	vst v63  }
0x157: {  	s20 =	simm.s32 $0x1800  }
0x158: {  	[tilespmem:s20], [sflag:$0x1] =	stream.indirect_vreg.gather [hbm4b:s10+s5], $0x80, v1, vm0, $0xb8;
	[tilespmem:$0x10300] =	vst v63  }
0x159: {  	s21 =	simm.s32 $0x2000  }
0x15a: {  	[tilespmem:s21], [sflag:$0x1] =	stream.indirect_vreg.gather [hbm4b:s3+s5], $0x80, v0, vm0, $0xb8;
	[tilespmem:$0x10300] =	vst v63  }
0x15b: {  	s25 =	simm.s32 $0x2800  }
0x15c: {  	[tilespmem:s25], [sflag:$0x1] =	stream.indirect_vreg.gather [hbm4b:s8+s5], $0x80, v0, vm0, $0xb8;
	[tilespmem:$0x10300] =	vst v63  }
0x15d: {  	s13 =	simm.s32 $0x3000  }
0x15e: {  	[tilespmem:s13], [sflag:$0x1] =	stream.indirect_vreg.gather [hbm4b:s9+s5], $0x80, v0, vm0, $0xb8;
	[tilespmem:$0x10300] =	vst v63  }
0x15f: {  	s19 =	simm.s32 $0x3800  }
0x160: {  	[tilespmem:s19], [sflag:$0x1] =	stream.indirect_vreg.gather [hbm4b:s10+s5], $0x80, v0, vm0, $0xb8;
	[tilespmem:$0x10300] =	vst v63  }
0x161: {  	v0 =	vld [tilespmem:$0x8080];
	_ =	sdelay $0x4  }
0x162: {  	v63 =	vshll.u32 v0, $0x3  }
0x163: {  	v0 =	vand.u32 $0x7, v0;
	v1 =	vand.u32 $0xFFFFFFC0, v63  }
0x164: {  	v0 =	vor.u32 v0, v1  }
0x165: {  	v1 =	vperm.xlane v0, v2;
	_ =	sdelay $0x1  }
0x166: {  	v1 =	vadd.s32 v3, v1;
	_ =	sdelay $0x3  }
0x167: {  	s20 =	simm.s32 $0x4000  }
0x168: {  	[tilespmem:s20], [sflag:$0x2] =	stream.indirect_vreg.gather [hbm4b:s3+s5], $0x80, v1, vm0, $0xb8;
	[tilespmem:$0x10300] =	vst v63  }
0x169: {  	s21 =	simm.s32 $0x4800;
	v0 =	vperm.xlane v0, v4  }
0x16a: {  	[tilespmem:s21], [sflag:$0x2] =	stream.indirect_vreg.gather [hbm4b:s8+s5], $0x80, v1, vm0, $0xb8;
	[tilespmem:$0x10300] =	vst v63  }
0x16b: {  	s25 =	simm.s32 $0x5000;
	v0 =	vadd.s32 v3, v0  }
0x16c: {  	[tilespmem:s25], [sflag:$0x2] =	stream.indirect_vreg.gather [hbm4b:s9+s5], $0x80, v1, vm0, $0xb8;
	[tilespmem:$0x10300] =	vst v63  }
0x16d: {  	s13 =	simm.s32 $0x5800  }
0x16e: {  	[tilespmem:s13], [sflag:$0x2] =	stream.indirect_vreg.gather [hbm4b:s10+s5], $0x80, v1, vm0, $0xb8;
	[tilespmem:$0x10300] =	vst v63  }
0x16f: {  	s19 =	simm.s32 $0x6000  }
0x170: {  	[tilespmem:s19], [sflag:$0x2] =	stream.indirect_vreg.gather [hbm4b:s3+s5], $0x80, v0, vm0, $0xb8;
	[tilespmem:$0x10300] =	vst v63  }
0x171: {  	s20 =	simm.s32 $0x6800  }
0x172: {  	[tilespmem:s20], [sflag:$0x2] =	stream.indirect_vreg.gather [hbm4b:s8+s5], $0x80, v0, vm0, $0xb8;
	[tilespmem:$0x10300] =	vst v63  }
0x173: {  	s21 =	simm.s32 $0x7000  }
0x174: {  	[tilespmem:s21], [sflag:$0x2] =	stream.indirect_vreg.gather [hbm4b:s9+s5], $0x80, v0, vm0, $0xb8;
	[tilespmem:$0x10300] =	vst v63  }
0x175: {  	s25 =	simm.s32 $0x7800  }
0x176: {  	[tilespmem:s25], [sflag:$0x2] =	stream.indirect_vreg.gather [hbm4b:s10+s5], $0x80, v0, vm0, $0xb8;
	[tilespmem:$0x10300] =	vst v63  }
0x177: {  	_ =	swait.ge [sflag:s11], $0x4000  }
0x178: {  	[sflag:s11] =	ssyncset.done $0x0  }
0x179: {  	[sflag:s11] =	ssyncadd.s32 $0xFFFFC000  }
0x17a: {  	_ =	swait.ge [sflag:s18], $0x4000  }
0x17b: {  	s19 =	simm.s32 $0x10;
	[sflag:s18] =	ssyncset.done $0x0  }
0x17c: {  	s20 =	simm.s32 $0x0;
	s25 =	simm.s32 $0x0;
	[sflag:s18] =	ssyncadd.s32 $0xFFFFC000  }
.LBB2_4:
0x17d: {  	s6 =	sand.u32 $0x2000, s25;
	s13 =	sand.u32 $0x380, s20  }
0x17e: {  	s6 =	sor.u32 s13, s6  }
0x17f: {  	v1 =	vld [tilespmem:s6+$0xC100]  }
0x180: {  	v2 =	vld [tilespmem:s6+$0x8110]  }
0x181: {  	v6 =	vld [tilespmem:s6+$0xC110]  }
0x182: {  	v10 =	vld [tilespmem:s6+$0x8120]  }
0x183: {  	v11 =	vld [tilespmem:s6+$0xC120]  }
0x184: {  	v14 =	vld [tilespmem:s6+$0x8130]  }
0x185: {  	v17 =	vld [tilespmem:s6+$0xC130]  }
0x186: {  	v20 =	vld [tilespmem:s6+$0x8140]  }
0x187: {  	v21 =	vld [tilespmem:s6+$0xC140]  }
0x188: {  	v26 =	vld [tilespmem:s6+$0x8150]  }
0x189: {  	v27 =	vld [tilespmem:s6+$0xC150]  }
0x18a: {  	v28 =	vld [tilespmem:s6+$0x8160]  }
0x18b: {  	v29 =	vld [tilespmem:s6+$0xC160]  }
0x18c: {  	v30 =	vld [tilespmem:s6+$0x8170]  }
0x18d: {  	v31 =	vld [tilespmem:s6+$0xC170]  }
0x18e: {  	v32 =	vld [tilespmem:s6+$0x8500]  }
0x18f: {  	v33 =	vld [tilespmem:s6+$0xC500]  }
0x190: {  	v34 =	vld [tilespmem:s6+$0x8510]  }
0x191: {  	v35 =	vld [tilespmem:s6+$0xC510]  }
0x192: {  	v36 =	vld [tilespmem:s6+$0x8520]  }
0x193: {  	v37 =	vld [tilespmem:s6+$0xC520]  }
0x194: {  	v38 =	vld [tilespmem:s6+$0x8530]  }
0x195: {  	v39 =	vld [tilespmem:s6+$0xC530]  }
0x196: {  	v40 =	vld [tilespmem:s6+$0x8540]  }
0x197: {  	v41 =	vld [tilespmem:s6+$0xC540]  }
0x198: {  	v42 =	vld [tilespmem:s6+$0x8550]  }
0x199: {  	v43 =	vld [tilespmem:s6+$0xC550]  }
0x19a: {  	v44 =	vld [tilespmem:s6+$0x8560]  }
0x19b: {  	v45 =	vld [tilespmem:s6+$0xC560]  }
0x19c: {  	v46 =	vld [tilespmem:s6+$0x8570]  }
0x19d: {  	v47 =	vld [tilespmem:s6+$0xC570]  }
0x19e: {  	v48 =	vld [tilespmem:s6+$0x8900]  }
0x19f: {  	v49 =	vld [tilespmem:s6+$0xC900]  }
0x1a0: {  	v50 =	vld [tilespmem:s6+$0x8910]  }
0x1a1: {  	v51 =	vld [tilespmem:s6+$0xC910]  }
0x1a2: {  	v52 =	vld [tilespmem:s6+$0x8920]  }
0x1a3: {  	v53 =	vld [tilespmem:s6+$0xC920]  }
0x1a4: {  	v54 =	vld [tilespmem:s6+$0x8930]  }
0x1a5: {  	v55 =	vld [tilespmem:s6+$0xC930]  }
0x1a6: {  	v56 =	vld [tilespmem:s6+$0x8940]  }
0x1a7: {  	v57 =	vld [tilespmem:s6+$0xC940]  }
0x1a8: {  	v58 =	vld [tilespmem:s6+$0x8950]  }
0x1a9: {  	v59 =	vld [tilespmem:s6+$0xC950]  }
0x1aa: {  	v60 =	vld [tilespmem:s6+$0x8960]  }
0x1ab: {  	v61 =	vld [tilespmem:s6+$0xC960]  }
0x1ac: {  	v62 =	vld [tilespmem:s6+$0x8970]  }
0x1ad: {  	v63 =	vld [tilespmem:s6+$0xC970]  }
0x1ae: {  	v24 =	vld [tilespmem:s6+$0x8D00]  }
0x1af: {  	v25 =	vld [tilespmem:s6+$0xCD00]  }
0x1b0: {  	v22 =	vld [tilespmem:s6+$0x8D10]  }
0x1b1: {  	v0 =	vmov s19;
	v23 =	vld [tilespmem:s6+$0xCD10]  }
0x1b2: {  	v18 =	vld [tilespmem:s6+$0x8D20]  }
0x1b3: {  	v19 =	vld [tilespmem:s6+$0xCD20]  }
0x1b4: {  	v15 =	vld [tilespmem:s6+$0x8D30]  }
0x1b5: {  	v16 =	vld [tilespmem:s6+$0xCD30]  }
0x1b6: {  	v3 =	vld.idx.msk [tilespmem:v0+s22+$0x0], $0xffff  }
0x1b7: {  	v4 =	vld.idx.msk [tilespmem:v0+s24+$0x0], $0xffff  }
0x1b8: {  	v0 =	vld [tilespmem:s6+$0x8100]  }
0x1b9: {  	v5 =	vld [tilespmem:s6+$0x8D60]  }
0x1ba: {  	v12 =	vld [tilespmem:s6+$0x8D40]  }
0x1bb: {  	v13 =	vld [tilespmem:s6+$0xCD40]  }
0x1bc: {  	v8 =	vld [tilespmem:s6+$0x8D50]  }
0x1bd: {  	v9 =	vld [tilespmem:s6+$0xCD50];
	v0 =	vmul.f32 v0, v3;
	v1 =	vmul.f32 v1, v4  }
0x1be: {  	v7 =	vld [tilespmem:s6+$0xCD60];
	[tilespmem:$0x1FFA0] =	vst v5;
	v5 =	vmul.f32 v2, v3;
	v2 =	vmul.f32 v6, v4  }
0x1bf: {  	v6 =	vld [tilespmem:s6+$0x8D70];
	v17 =	vmul.f32 v17, v4;
	v0 =	vadd.f32 v1, v0  }
0x1c0: {  	v1 =	vmul.f32 v10, v3;
	v10 =	vld [tilespmem:s6+$0xCD70];
	v5 =	vadd.f32 v2, v5;
	v2 =	vmul.f32 v14, v3  }
0x1c1: {  	v11 =	vmul.f32 v11, v4;
	v14 =	vld [tilespmem:s6+$0xD100]  }
0x1c2: {  	v26 =	vmul.f32 v26, v3;
	v2 =	vadd.f32 v17, v2;
	v17 =	vld [tilespmem:s6+$0x9110]  }
0x1c3: {  	[tilespmem:s6+$0x8100] =	vst v0;
	v0 =	vadd.f32 v11, v1;
	v1 =	vmul.f32 v20, v3;
	v11 =	vmul.f32 v21, v4;
	v20 =	vld [tilespmem:s6+$0xD110]  }
0x1c4: {  	v27 =	vmul.f32 v27, v4;
	v30 =	vmul.f32 v30, v3;
	v21 =	vld [tilespmem:s6+$0x9120];
	[tilespmem:$0x1FFB0] =	vst v6  }
0x1c5: {  	v31 =	vmul.f32 v31, v4;
	v33 =	vmul.f32 v33, v4;
	v6 =	vld [tilespmem:s6+$0x9100];
	[tilespmem:s6+$0x8120] =	vst v0;
	v0 =	vadd.f32 v11, v1  }
0x1c6: {  	v1 =	vmul.f32 v28, v3;
	v11 =	vmul.f32 v29, v4;
	[tilespmem:s6+$0x8130] =	vst v2;
	v2 =	vadd.f32 v27, v26;
	v26 =	vld [tilespmem:s6+$0xD120]  }
0x1c7: {  	v42 =	vmul.f32 v42, v3;
	[tilespmem:s6+$0x8110] =	vst v5;
	v5 =	vmul.f32 v34, v3;
	v28 =	vld [tilespmem:s6+$0x9130]  }
0x1c8: {  	v34 =	vmul.f32 v37, v4;
	v29 =	vld [tilespmem:s6+$0xD130];
	[tilespmem:s6+$0x8140] =	vst v0;
	v0 =	vadd.f32 v11, v1;
	v1 =	vmul.f32 v32, v3  }
0x1c9: {  	v37 =	vmul.f32 v39, v4;
	[tilespmem:s6+$0x8150] =	vst v2;
	v2 =	vadd.f32 v31, v30;
	v32 =	vmul.f32 v35, v4;
	v30 =	vld [tilespmem:s6+$0x9140]  }
0x1ca: {  	v31 =	vld [tilespmem:s6+$0xD140];
	[tilespmem:s6+$0x8160] =	vst v0;
	v0 =	vadd.f32 v33, v1;
	v33 =	vmul.f32 v36, v3;
	v36 =	vmul.f32 v38, v3  }
0x1cb: {  	v39 =	vmul.f32 v40, v3;
	v40 =	vmul.f32 v41, v4;
	v11 =	vld [tilespmem:s6+$0xD550];
	[tilespmem:s6+$0x8170] =	vst v2;
	v35 =	vadd.f32 v32, v5  }
0x1cc: {  	v56 =	vmul.f32 v56, v3;
	v32 =	vld [tilespmem:s6+$0x9150];
	[tilespmem:s6+$0x8500] =	vst v0;
	v38 =	vadd.f32 v34, v33;
	v41 =	vadd.f32 v37, v36  }
0x1cd: {  	[tilespmem:s6+$0x8510] =	vst v35;
	v36 =	vmul.f32 v43, v4;
	v37 =	vadd.f32 v40, v39;
	v39 =	vmul.f32 v45, v4;
	v33 =	vld [tilespmem:s6+$0xD150]  }
0x1ce: {  	v34 =	vld [tilespmem:s6+$0x9160];
	v45 =	vmul.f32 v49, v4;
	[tilespmem:s6+$0x8520] =	vst v38;
	v38 =	vmul.f32 v44, v3  }
0x1cf: {  	v35 =	vld [tilespmem:s6+$0xD160];
	[tilespmem:s6+$0x8530] =	vst v41;
	v40 =	vadd.f32 v36, v42;
	v41 =	vmul.f32 v46, v3;
	v42 =	vmul.f32 v47, v4  }
0x1d0: {  	[tilespmem:s6+$0x8540] =	vst v37;
	v44 =	vmul.f32 v48, v3;
	v47 =	vmul.f32 v50, v3;
	v36 =	vld [tilespmem:s6+$0x9170];
	v43 =	vadd.f32 v39, v38  }
0x1d1: {  	v48 =	vmul.f32 v51, v4;
	v50 =	vmul.f32 v52, v3;
	v37 =	vld [tilespmem:s6+$0xD170];
	[tilespmem:s6+$0x8550] =	vst v40;
	v46 =	vadd.f32 v42, v41  }
0x1d2: {  	v51 =	vmul.f32 v53, v4;
	v53 =	vmul.f32 v54, v3;
	v49 =	vadd.f32 v45, v44;
	v38 =	vld [tilespmem:s6+$0x9500];
	[tilespmem:s6+$0x8560] =	vst v43  }
0x1d3: {  	v54 =	vmul.f32 v55, v4;
	v52 =	vadd.f32 v48, v47;
	v44 =	vmul.f32 v57, v4;
	v39 =	vld [tilespmem:s6+$0xD500];
	[tilespmem:s6+$0x8570] =	vst v46  }
0x1d4: {  	v55 =	vadd.f32 v51, v50;
	v47 =	vmul.f32 v59, v4;
	v40 =	vld [tilespmem:s6+$0x9510];
	v50 =	vmul.f32 v61, v4;
	[tilespmem:s6+$0x8900] =	vst v49  }
0x1d5: {  	v45 =	vadd.f32 v54, v53;
	v41 =	vld [tilespmem:s6+$0xD510];
	v53 =	vmul.f32 v63, v4;
	[tilespmem:s6+$0x8910] =	vst v52;
	v46 =	vmul.f32 v58, v3  }
0x1d6: {  	v42 =	vld [tilespmem:s6+$0x9520];
	v59 =	vmul.f32 v23, v4;
	[tilespmem:s6+$0x8920] =	vst v55;
	v48 =	vadd.f32 v44, v56;
	v49 =	vmul.f32 v60, v3  }
0x1d7: {  	v23 =	vld [tilespmem:s6+$0x9530];
	v61 =	vmul.f32 v18, v3;
	[tilespmem:s6+$0x8930] =	vst v45;
	v52 =	vmul.f32 v62, v3;
	v51 =	vadd.f32 v47, v46  }
0x1d8: {  	v18 =	vld [tilespmem:s6+$0xD530];
	v55 =	vmul.f32 v24, v3;
	v56 =	vmul.f32 v25, v4;
	[tilespmem:s6+$0x8940] =	vst v48;
	v54 =	vadd.f32 v50, v49  }
0x1d9: {  	v24 =	vld [tilespmem:s6+$0xD520];
	v58 =	vmul.f32 v22, v3;
	v62 =	vmul.f32 v19, v4;
	v57 =	vadd.f32 v53, v52;
	[tilespmem:s6+$0x8950] =	vst v51  }
0x1da: {  	v22 =	vmul.f32 v15, v3;
	v25 =	vmul.f32 v16, v4;
	v16 =	vld [tilespmem:s6+$0x9540];
	v60 =	vadd.f32 v56, v55;
	[tilespmem:s6+$0x8960] =	vst v54  }
0x1db: {  	v43 =	vmul.f32 v12, v3;
	v44 =	vmul.f32 v13, v4;
	v12 =	vld [tilespmem:s6+$0xD540];
	v63 =	vadd.f32 v59, v58;
	[tilespmem:s6+$0x8970] =	vst v57  }
0x1dc: {  	v13 =	vld [tilespmem:s6+$0x9570];
	v27 =	vadd.f32 v62, v61;
	v46 =	vmul.f32 v8, v3;
	v47 =	vmul.f32 v9, v4;
	[tilespmem:s6+$0x8D00] =	vst v60  }
0x1dd: {  	v15 =	vld [tilespmem:s6+$0x9900];
	v45 =	vadd.f32 v25, v22;
	v55 =	vmul.f32 v14, v4;
	v58 =	vmul.f32 v20, v4;
	[tilespmem:s6+$0x8D10] =	vst v63  }
0x1de: {  	v19 =	vld [tilespmem:s6+$0x9910];
	v48 =	vadd.f32 v44, v43;
	v22 =	vmul.f32 v30, v3;
	v25 =	vmul.f32 v31, v4;
	[tilespmem:s6+$0x8D20] =	vst v27  }
0x1df: {  	v9 =	vld [tilespmem:s6+$0x9550];
	v30 =	vmul.f32 v34, v3;
	v31 =	vmul.f32 v35, v4;
	[tilespmem:s6+$0x8D30] =	vst v45;
	v50 =	vadd.f32 v47, v46  }
0x1e0: {  	v49 =	vld [tilespmem:$0x1FFA0];
	v20 =	vmul.f32 v29, v4;
	[tilespmem:s6+$0x8D40] =	vst v48;
	v54 =	vmul.f32 v6, v3;
	v29 =	vadd.f32 v25, v22  }
0x1e1: {  	v52 =	vmul.f32 v10, v4;
	v10 =	vld [tilespmem:s6+$0x9560];
	v57 =	vmul.f32 v17, v3;
	v35 =	vadd.f32 v31, v30;
	[tilespmem:s6+$0x8D50] =	vst v50  }
0x1e2: {  	v61 =	vmul.f32 v26, v4;
	v14 =	vld [tilespmem:s6+$0xD570];
	v60 =	vmul.f32 v21, v3;
	v59 =	vadd.f32 v55, v54;
	[tilespmem:s6+$0x9140] =	vst v29  }
0x1e3: {  	v7 =	vmul.f32 v7, v4;
	v44 =	vld [tilespmem:s6+$0x9930];
	v63 =	vmul.f32 v28, v3;
	v62 =	vadd.f32 v58, v57;
	[tilespmem:s6+$0x9160] =	vst v35  }
0x1e4: {  	v51 =	vld [tilespmem:$0x1FFB0];
	v27 =	vmul.f32 v32, v3;
	v28 =	vmul.f32 v33, v4;
	v21 =	vadd.f32 v61, v60;
	[tilespmem:s6+$0x9100] =	vst v59  }
0x1e5: {  	v34 =	vmul.f32 v37, v4;
	v17 =	vld [tilespmem:s6+$0xD900];
	v33 =	vmul.f32 v36, v3;
	v26 =	vadd.f32 v20, v63;
	[tilespmem:s6+$0x9110] =	vst v62  }
0x1e6: {  	v37 =	vmul.f32 v39, v4;
	v36 =	vmul.f32 v38, v3;
	v38 =	vld [tilespmem:s6+$0xD920];
	v32 =	vadd.f32 v28, v27;
	[tilespmem:s6+$0x9120] =	vst v21  }
0x1e7: {  	v40 =	vmul.f32 v40, v3;
	v43 =	vmul.f32 v41, v4;
	v48 =	vld [tilespmem:s6+$0xD930];
	v39 =	vadd.f32 v34, v33;
	[tilespmem:s6+$0x9130] =	vst v26  }
0x1e8: {  	v31 =	vld [tilespmem:s6+$0x9970];
	v45 =	vadd.f32 v37, v36;
	v50 =	vmul.f32 v23, v3;
	v1 =	vmul.f32 v49, v3;
	[tilespmem:s6+$0x9150] =	vst v32  }
0x1e9: {  	v20 =	vld [tilespmem:s6+$0xD910];
	v23 =	vmul.f32 v13, v3;
	v49 =	vadd.f32 v43, v40;
	[tilespmem:s6+$0x9170] =	vst v39;
	v26 =	vmul.f32 v14, v4  }
0x1ea: {  	v46 =	vmul.f32 v42, v3;
	v55 =	vld [tilespmem:s6+$0x9950];
	[tilespmem:s6+$0x9500] =	vst v45;
	v5 =	vmul.f32 v51, v3;
	v53 =	vadd.f32 v7, v1  }
0x1eb: {  	v47 =	vmul.f32 v24, v4;
	v58 =	vmul.f32 v11, v4;
	v63 =	vld [tilespmem:s6+$0x9960];
	[tilespmem:s6+$0x9510] =	vst v49;
	v32 =	vadd.f32 v26, v23  }
0x1ec: {  	v27 =	vld [tilespmem:s6+$0xD960];
	v29 =	vmul.f32 v15, v3;
	v57 =	vmul.f32 v9, v3;
	v56 =	vadd.f32 v52, v5;
	[tilespmem:s6+$0x8D60] =	vst v53  }
0x1ed: {  	v35 =	vld [tilespmem:s6+$0xD970];
	v41 =	vmul.f32 v44, v3;
	v30 =	vmul.f32 v17, v4;
	v52 =	vadd.f32 v47, v46;
	[tilespmem:s6+$0x9570] =	vst v32  }
0x1ee: {  	v21 =	vld [tilespmem:s6+$0x9920];
	v42 =	vmul.f32 v48, v4;
	v53 =	vmul.f32 v16, v3;
	v16 =	vadd.f32 v58, v57;
	[tilespmem:s6+$0x8D70] =	vst v56  }
0x1ef: {  	v59 =	vld [tilespmem:s6+$0xD950];
	v51 =	vmul.f32 v18, v4;
	v36 =	vadd.f32 v30, v29;
	[tilespmem:s6+$0x9520] =	vst v52  }
0x1f0: {  	v54 =	vmul.f32 v12, v4;
	v39 =	vld [tilespmem:s6+$0xD940];
	v46 =	vadd.f32 v42, v41;
	[tilespmem:s6+$0x9550] =	vst v16  }
0x1f1: {  	v33 =	vmul.f32 v19, v3;
	v7 =	vld [tilespmem:s6+$0xD560];
	v34 =	vmul.f32 v20, v4;
	v56 =	vadd.f32 v51, v50;
	[tilespmem:s6+$0x9900] =	vst v36  }
0x1f2: {  	v18 =	vld [tilespmem:s6+$0x9940];
	v47 =	vmul.f32 v63, v3;
	v48 =	vmul.f32 v27, v4;
	v60 =	vadd.f32 v54, v53;
	[tilespmem:s6+$0x9930] =	vst v46  }
0x1f3: {  	v38 =	vmul.f32 v38, v4;
	v37 =	vmul.f32 v21, v3;
	v40 =	vadd.f32 v34, v33;
	[tilespmem:s6+$0x9530] =	vst v56  }
0x1f4: {  	v44 =	vmul.f32 v55, v3;
	v45 =	vmul.f32 v59, v4;
	v52 =	vadd.f32 v48, v47;
	[tilespmem:s6+$0x9540] =	vst v60  }
0x1f5: {  	v50 =	vmul.f32 v31, v3;
	v51 =	vmul.f32 v35, v4;
	v43 =	vadd.f32 v38, v37;
	[tilespmem:s6+$0x9910] =	vst v40  }
0x1f6: {  	v61 =	vmul.f32 v10, v3;
	v62 =	vmul.f32 v7, v4;
	v49 =	vadd.f32 v45, v44;
	[tilespmem:s6+$0x9960] =	vst v52  }
0x1f7: {  	s21 =	sand.u32 $0x7, s5;
	v54 =	vmul.f32 v39, v4;
	v53 =	vmul.f32 v18, v3;
	v55 =	vadd.f32 v51, v50;
	[tilespmem:s6+$0x9920] =	vst v43  }
0x1f8: {  	s13 =	sshll.u32 s21, $0x7;
	v28 =	vadd.f32 v62, v61;
	[tilespmem:s6+$0x9950] =	vst v49  }
0x1f9: {  	s13 =	sadd.s32 s13, s25;
	v56 =	vadd.f32 v54, v53;
	[tilespmem:s6+$0x9970] =	vst v55  }
0x1fa: {  	s21 =	sor.u32 $0x1C00, s13;
	[tilespmem:s6+$0x9560] =	vst v28  }
0x1fb: {  	[tilespmem:s6+$0x9940] =	vst v56;
	v0 =	vld [tilespmem:s21+$0x8100]  }
0x1fc: {  	v1 =	vld [tilespmem:s21+$0xC100];
	_ =	sdelay $0x4  }
0x1fd: {  	v0 =	vmul.f32 v0, v3;
	v1 =	vmul.f32 v1, v4;
	_ =	sdelay $0x1  }
0x1fe: {  	v0 =	vadd.f32 v1, v0;
	_ =	sdelay $0x1  }
0x1ff: {  	[tilespmem:s21+$0x8100] =	vst v0;
	s21 =	sor.u32 $0x1C10, s13  }
0x200: {  	v0 =	vld [tilespmem:s21+$0x8100]  }
0x201: {  	v57 =	vld [tilespmem:s21+$0xC100];
	_ =	sdelay $0x4  }
0x202: {  	v0 =	vmul.f32 v0, v3;
	v1 =	vmul.f32 v57, v4;
	_ =	sdelay $0x1  }
0x203: {  	v0 =	vadd.f32 v1, v0;
	_ =	sdelay $0x1  }
0x204: {  	[tilespmem:s21+$0x8100] =	vst v0;
	s21 =	sor.u32 $0x1C20, s13  }
0x205: {  	v0 =	vld [tilespmem:s21+$0x8100]  }
0x206: {  	v58 =	vld [tilespmem:s21+$0xC100];
	_ =	sdelay $0x4  }
0x207: {  	v0 =	vmul.f32 v0, v3;
	v1 =	vmul.f32 v58, v4;
	_ =	sdelay $0x1  }
0x208: {  	v0 =	vadd.f32 v1, v0;
	_ =	sdelay $0x1  }
0x209: {  	[tilespmem:s21+$0x8100] =	vst v0;
	s21 =	sor.u32 $0x1C30, s13  }
0x20a: {  	v0 =	vld [tilespmem:s21+$0x8100]  }
0x20b: {  	v59 =	vld [tilespmem:s21+$0xC100];
	_ =	sdelay $0x4  }
0x20c: {  	v0 =	vmul.f32 v0, v3;
	v1 =	vmul.f32 v59, v4;
	_ =	sdelay $0x1  }
0x20d: {  	v0 =	vadd.f32 v1, v0;
	_ =	sdelay $0x1  }
0x20e: {  	[tilespmem:s21+$0x8100] =	vst v0;
	s21 =	sor.u32 $0x1C40, s13  }
0x20f: {  	v0 =	vld [tilespmem:s21+$0x8100]  }
0x210: {  	v60 =	vld [tilespmem:s21+$0xC100];
	_ =	sdelay $0x4  }
0x211: {  	v0 =	vmul.f32 v0, v3;
	v1 =	vmul.f32 v60, v4;
	_ =	sdelay $0x1  }
0x212: {  	v0 =	vadd.f32 v1, v0;
	_ =	sdelay $0x1  }
0x213: {  	[tilespmem:s21+$0x8100] =	vst v0;
	s21 =	sor.u32 $0x1C50, s13  }
0x214: {  	v0 =	vld [tilespmem:s21+$0x8100]  }
0x215: {  	v61 =	vld [tilespmem:s21+$0xC100];
	_ =	sdelay $0x4  }
0x216: {  	v0 =	vmul.f32 v0, v3;
	v1 =	vmul.f32 v61, v4;
	_ =	sdelay $0x1  }
0x217: {  	v0 =	vadd.f32 v1, v0;
	_ =	sdelay $0x1  }
0x218: {  	[tilespmem:s21+$0x8100] =	vst v0;
	s21 =	sor.u32 $0x1C60, s13  }
0x219: {  	v0 =	vld [tilespmem:s21+$0x8100]  }
0x21a: {  	v62 =	vld [tilespmem:s21+$0xC100];
	_ =	sdelay $0x4  }
0x21b: {  	v0 =	vmul.f32 v0, v3;
	v1 =	vmul.f32 v62, v4;
	_ =	sdelay $0x1  }
0x21c: {  	v0 =	vadd.f32 v1, v0;
	_ =	sdelay $0x1  }
0x21d: {  	[tilespmem:s21+$0x8100] =	vst v0;
	s21 =	sor.u32 $0x1C70, s13  }
0x21e: {  	v0 =	vld [tilespmem:s21+$0x8100]  }
0x21f: {  	v63 =	vld [tilespmem:s21+$0xC100];
	_ =	sdelay $0x3  }
0x220: {  	p0 =	sne.s32 s19, $0x1F  }
.Ltmp1:
0x221: {  	v0 =	vmul.f32 v0, v3;
	v1 =	vmul.f32 v63, v4;
	(pc) =	sbr.rel @p0 .LBB2_4-.Ltmp1, $4  }
0x222: {  	_ = 	snop  }
0x223: {  	v0 =	vadd.f32 v1, v0  }
0x224: {  	s20 =	sadd.s32 $0x80, s20  }
0x225: {  	s5 =	sadd.s32 $0x1, s5;
	s19 =	sadd.s32 $0x1, s19;
	s25 =	sadd.s32 $0x400, s25;
	[tilespmem:s21+$0x8100] =	vst v0  }
0x226: {  	s5 =	simm.s32 $0x0;
	s6 =	rddreg [dreg:$0xc]  }
0x227: {  	[hbm4b:s6+s5] =	stream.linear.scatter [tilespmem:s1], [sflag:$0x6], $0x4000, $0x38;
	[tilespmem:$0x10300] =	vst v63  }
0x228: {  	s25 =	rddreg [dreg:$0xd];
	s13 =	simm.s32 $0x10100  }
0x229: {  	[tilespmem:s13], [sflag:$0x7] =	stream.linear.gather [hbm4b:s25+s5], $0x10, $0x38;
	[tilespmem:$0x10300] =	vst v63  }
0x22a: {  	_ =	swait.ge [sflag:s23], $0x10  }
0x22b: {  	[sflag:s23] =	ssyncset.done $0x0  }
0x22c: {  	s20 =	simm.s32 $0x10180;
	s19 =	rddreg [dreg:$0xe];
	[sflag:s23] =	ssyncadd.s32 $0xFFFFFFF0  }
0x22d: {  	[tilespmem:s20], [sflag:$0x7] =	stream.linear.gather [hbm4b:s19+s5], $0x10, $0x38;
	[tilespmem:$0x10300] =	vst v63  }
0x22e: {  	_ =	swait.ge [sflag:s23], $0x10  }
0x22f: {  	[sflag:s23] =	ssyncset.done $0x0  }
0x230: {  	[sflag:s23] =	ssyncadd.s32 $0xFFFFFFF0  }
0x231: {  	_ =	swait.ge [sflag:s4], $0x4000  }
0x232: {  	[sflag:s4] =	ssyncset.done $0x0  }
0x233: {  	[sflag:s4] =	ssyncadd.s32 $0xFFFFC000  }
0x234: {  	v0 =	vld [tilespmem:$0x10100];
	_ =	sdelay $0x2  }
0x235: {  	v2 =	vld [tilespmem:$0x1FFD0];
	_ =	sdelay $0x1  }
0x236: {  	v3 =	vld [tilespmem:$0x1FFE0];
	v1 =	vshll.u32 v0, $0x3  }
0x237: {  	v0 =	vand.u32 $0x7, v0;
	v1 =	vand.u32 $0xFFFFFFC0, v1  }
0x238: {  	v0 =	vor.u32 v0, v1  }
0x239: {  	v1 =	vperm.xlane v0, v2;
	_ =	sdelay $0x1  }
0x23a: {  	v1 =	vadd.s32 v3, v1  }
0x23b: {  	v4 =	vld [tilespmem:$0x1FFF0];
	_ =	sdelay $0x3  }
0x23c: {  	[tilespmem:s1], [sflag:$0x4] =	stream.indirect_vreg.gather [hbm4b:s3+s5], $0x80, v1, vm0, $0xb8;
	[tilespmem:$0x10300] =	vst v63  }
0x23d: {  	s21 =	simm.s32 $0x8900;
	v0 =	vperm.xlane v0, v4  }
0x23e: {  	[tilespmem:s21], [sflag:$0x4] =	stream.indirect_vreg.gather [hbm4b:s8+s5], $0x80, v1, vm0, $0xb8;
	[tilespmem:$0x10300] =	vst v63  }
0x23f: {  	s25 =	simm.s32 $0x9100;
	v0 =	vadd.s32 v3, v0  }
0x240: {  	[tilespmem:s25], [sflag:$0x4] =	stream.indirect_vreg.gather [hbm4b:s9+s5], $0x80, v1, vm0, $0xb8;
	[tilespmem:$0x10300] =	vst v63  }
0x241: {  	s13 =	simm.s32 $0x9900  }
0x242: {  	[tilespmem:s13], [sflag:$0x4] =	stream.indirect_vreg.gather [hbm4b:s10+s5], $0x80, v1, vm0, $0xb8;
	[tilespmem:$0x10300] =	vst v63  }
0x243: {  	s19 =	simm.s32 $0xA100  }
0x244: {  	[tilespmem:s19], [sflag:$0x4] =	stream.indirect_vreg.gather [hbm4b:s3+s5], $0x80, v0, vm0, $0xb8;
	[tilespmem:$0x10300] =	vst v63  }
0x245: {  	s20 =	simm.s32 $0xA900  }
0x246: {  	[tilespmem:s20], [sflag:$0x4] =	stream.indirect_vreg.gather [hbm4b:s8+s5], $0x80, v0, vm0, $0xb8;
	[tilespmem:$0x10300] =	vst v63  }
0x247: {  	s21 =	simm.s32 $0xB100  }
0x248: {  	[tilespmem:s21], [sflag:$0x4] =	stream.indirect_vreg.gather [hbm4b:s9+s5], $0x80, v0, vm0, $0xb8;
	[tilespmem:$0x10300] =	vst v63  }
0x249: {  	s25 =	simm.s32 $0xB900  }
0x24a: {  	[tilespmem:s25], [sflag:$0x4] =	stream.indirect_vreg.gather [hbm4b:s10+s5], $0x80, v0, vm0, $0xb8;
	[tilespmem:$0x10300] =	vst v63  }
0x24b: {  	v0 =	vld [tilespmem:$0x10180];
	_ =	sdelay $0x4  }
0x24c: {  	v63 =	vshll.u32 v0, $0x3  }
0x24d: {  	v0 =	vand.u32 $0x7, v0;
	v1 =	vand.u32 $0xFFFFFFC0, v63  }
0x24e: {  	v0 =	vor.u32 v0, v1  }
0x24f: {  	v1 =	vperm.xlane v0, v2;
	_ =	sdelay $0x1  }
0x250: {  	v1 =	vadd.s32 v3, v1;
	_ =	sdelay $0x4  }
0x251: {  	[tilespmem:s26], [sflag:$0x5] =	stream.indirect_vreg.gather [hbm4b:s3+s5], $0x80, v1, vm0, $0xb8;
	[tilespmem:$0x10300] =	vst v63  }
0x252: {  	v0 =	vperm.xlane v0, v4  }
0x253: {  	[tilespmem:s28], [sflag:$0x5] =	stream.indirect_vreg.gather [hbm4b:s8+s5], $0x80, v1, vm0, $0xb8;
	[tilespmem:$0x10300] =	vst v63  }
0x254: {  	v0 =	vadd.s32 v3, v0  }
0x255: {  	[tilespmem:s7], [sflag:$0x5] =	stream.indirect_vreg.gather [hbm4b:s9+s5], $0x80, v1, vm0, $0xb8;
	[tilespmem:$0x10300] =	vst v63  }
0x256: {  	_ = 	snop  }
0x257: {  	[tilespmem:s14], [sflag:$0x5] =	stream.indirect_vreg.gather [hbm4b:s10+s5], $0x80, v1, vm0, $0xb8;
	[tilespmem:$0x10300] =	vst v63  }
0x258: {  	_ = 	snop  }
0x259: {  	[tilespmem:s29], [sflag:$0x5] =	stream.indirect_vreg.gather [hbm4b:s3+s5], $0x80, v0, vm0, $0xb8;
	[tilespmem:$0x10300] =	vst v63  }
0x25a: {  	_ = 	snop  }
0x25b: {  	[tilespmem:s30], [sflag:$0x5] =	stream.indirect_vreg.gather [hbm4b:s8+s5], $0x80, v0, vm0, $0xb8;
	[tilespmem:$0x10300] =	vst v63  }
0x25c: {  	_ = 	snop  }
0x25d: {  	[tilespmem:s31], [sflag:$0x5] =	stream.indirect_vreg.gather [hbm4b:s9+s5], $0x80, v0, vm0, $0xb8;
	[tilespmem:$0x10300] =	vst v63  }
0x25e: {  	_ = 	snop  }
0x25f: {  	[tilespmem:s15], [sflag:$0x5] =	stream.indirect_vreg.gather [hbm4b:s10+s5], $0x80, v0, vm0, $0xb8;
	[tilespmem:$0x10300] =	vst v63  }
0x260: {  	_ =	swait.ge [sflag:s0], $0x4000  }
0x261: {  	[sflag:s0] =	ssyncset.done $0x0  }
0x262: {  	[sflag:s0] =	ssyncadd.s32 $0xFFFFC000  }
0x263: {  	_ =	swait.ge [sflag:s16], $0x4000  }
0x264: {  	s19 =	simm.s32 $0x20;
	[sflag:s16] =	ssyncset.done $0x0  }
0x265: {  	s20 =	simm.s32 $0x0;
	s25 =	simm.s32 $0x0;
	[sflag:s16] =	ssyncadd.s32 $0xFFFFC000  }
.LBB2_6:
0x266: {  	s6 =	sand.u32 $0x2000, s25;
	s13 =	sand.u32 $0x380, s20  }
0x267: {  	s6 =	sor.u32 s13, s6  }
0x268: {  	v1 =	vld [tilespmem:s6+$0x4000]  }
0x269: {  	v2 =	vld [tilespmem:s6+$0x10]  }
0x26a: {  	v6 =	vld [tilespmem:s6+$0x4010]  }
0x26b: {  	v10 =	vld [tilespmem:s6+$0x20]  }
0x26c: {  	v11 =	vld [tilespmem:s6+$0x4020]  }
0x26d: {  	v14 =	vld [tilespmem:s6+$0x30]  }
0x26e: {  	v17 =	vld [tilespmem:s6+$0x4030]  }
0x26f: {  	v20 =	vld [tilespmem:s6+$0x40]  }
0x270: {  	v21 =	vld [tilespmem:s6+$0x4040]  }
0x271: {  	v26 =	vld [tilespmem:s6+$0x50]  }
0x272: {  	v27 =	vld [tilespmem:s6+$0x4050]  }
0x273: {  	v28 =	vld [tilespmem:s6+$0x60]  }
0x274: {  	v29 =	vld [tilespmem:s6+$0x4060]  }
0x275: {  	v30 =	vld [tilespmem:s6+$0x70]  }
0x276: {  	v31 =	vld [tilespmem:s6+$0x4070]  }
0x277: {  	v32 =	vld [tilespmem:s6+$0x400]  }
0x278: {  	v33 =	vld [tilespmem:s6+$0x4400]  }
0x279: {  	v34 =	vld [tilespmem:s6+$0x410]  }
0x27a: {  	v35 =	vld [tilespmem:s6+$0x4410]  }
0x27b: {  	v36 =	vld [tilespmem:s6+$0x420]  }
0x27c: {  	v37 =	vld [tilespmem:s6+$0x4420]  }
0x27d: {  	v38 =	vld [tilespmem:s6+$0x430]  }
0x27e: {  	v39 =	vld [tilespmem:s6+$0x4430]  }
0x27f: {  	v40 =	vld [tilespmem:s6+$0x440]  }
0x280: {  	v41 =	vld [tilespmem:s6+$0x4440]  }
0x281: {  	v42 =	vld [tilespmem:s6+$0x450]  }
0x282: {  	v43 =	vld [tilespmem:s6+$0x4450]  }
0x283: {  	v44 =	vld [tilespmem:s6+$0x460]  }
0x284: {  	v45 =	vld [tilespmem:s6+$0x4460]  }
0x285: {  	v46 =	vld [tilespmem:s6+$0x470]  }
0x286: {  	v47 =	vld [tilespmem:s6+$0x4470]  }
0x287: {  	v48 =	vld [tilespmem:s6+$0x800]  }
0x288: {  	v49 =	vld [tilespmem:s6+$0x4800]  }
0x289: {  	v50 =	vld [tilespmem:s6+$0x810]  }
0x28a: {  	v51 =	vld [tilespmem:s6+$0x4810]  }
0x28b: {  	v52 =	vld [tilespmem:s6+$0x820]  }
0x28c: {  	v53 =	vld [tilespmem:s6+$0x4820]  }
0x28d: {  	v54 =	vld [tilespmem:s6+$0x830]  }
0x28e: {  	v55 =	vld [tilespmem:s6+$0x4830]  }
0x28f: {  	v56 =	vld [tilespmem:s6+$0x840]  }
0x290: {  	v57 =	vld [tilespmem:s6+$0x4840]  }
0x291: {  	v58 =	vld [tilespmem:s6+$0x850]  }
0x292: {  	v59 =	vld [tilespmem:s6+$0x4850]  }
0x293: {  	v60 =	vld [tilespmem:s6+$0x860]  }
0x294: {  	v61 =	vld [tilespmem:s6+$0x4860]  }
0x295: {  	v62 =	vld [tilespmem:s6+$0x870]  }
0x296: {  	v63 =	vld [tilespmem:s6+$0x4870]  }
0x297: {  	v24 =	vld [tilespmem:s6+$0xC00]  }
0x298: {  	v25 =	vld [tilespmem:s6+$0x4C00]  }
0x299: {  	v22 =	vld [tilespmem:s6+$0xC10]  }
0x29a: {  	v0 =	vmov s19;
	v23 =	vld [tilespmem:s6+$0x4C10]  }
0x29b: {  	v18 =	vld [tilespmem:s6+$0xC20]  }
0x29c: {  	v19 =	vld [tilespmem:s6+$0x4C20]  }
0x29d: {  	v15 =	vld [tilespmem:s6+$0xC30]  }
0x29e: {  	v16 =	vld [tilespmem:s6+$0x4C30]  }
0x29f: {  	v3 =	vld.idx.msk [tilespmem:v0+s22+$0x0], $0xffff  }
0x2a0: {  	v4 =	vld.idx.msk [tilespmem:v0+s24+$0x0], $0xffff  }
0x2a1: {  	v0 =	vld [tilespmem:s6+$0x0]  }
0x2a2: {  	v5 =	vld [tilespmem:s6+$0xC60]  }
0x2a3: {  	v12 =	vld [tilespmem:s6+$0xC40]  }
0x2a4: {  	v13 =	vld [tilespmem:s6+$0x4C40]  }
0x2a5: {  	v8 =	vld [tilespmem:s6+$0xC50]  }
0x2a6: {  	v9 =	vld [tilespmem:s6+$0x4C50];
	v0 =	vmul.f32 v0, v3;
	v1 =	vmul.f32 v1, v4  }
0x2a7: {  	v7 =	vld [tilespmem:s6+$0x4C60];
	[tilespmem:$0x1FF80] =	vst v5;
	v5 =	vmul.f32 v2, v3;
	v2 =	vmul.f32 v6, v4  }
0x2a8: {  	v6 =	vld [tilespmem:s6+$0xC70];
	v17 =	vmul.f32 v17, v4;
	v0 =	vadd.f32 v1, v0  }
0x2a9: {  	v1 =	vmul.f32 v10, v3;
	v10 =	vld [tilespmem:s6+$0x4C70];
	v5 =	vadd.f32 v2, v5;
	v2 =	vmul.f32 v14, v3  }
0x2aa: {  	v11 =	vmul.f32 v11, v4;
	v14 =	vld [tilespmem:s6+$0x5000]  }
0x2ab: {  	v26 =	vmul.f32 v26, v3;
	v2 =	vadd.f32 v17, v2;
	v17 =	vld [tilespmem:s6+$0x1010]  }
0x2ac: {  	[tilespmem:s6+$0x0] =	vst v0;
	v0 =	vadd.f32 v11, v1;
	v1 =	vmul.f32 v20, v3;
	v11 =	vmul.f32 v21, v4;
	v20 =	vld [tilespmem:s6+$0x5010]  }
0x2ad: {  	v27 =	vmul.f32 v27, v4;
	v30 =	vmul.f32 v30, v3;
	v21 =	vld [tilespmem:s6+$0x1020];
	[tilespmem:$0x1FF90] =	vst v6  }
0x2ae: {  	v31 =	vmul.f32 v31, v4;
	v33 =	vmul.f32 v33, v4;
	v6 =	vld [tilespmem:s6+$0x1000];
	[tilespmem:s6+$0x20] =	vst v0;
	v0 =	vadd.f32 v11, v1  }
0x2af: {  	v1 =	vmul.f32 v28, v3;
	v11 =	vmul.f32 v29, v4;
	[tilespmem:s6+$0x30] =	vst v2;
	v2 =	vadd.f32 v27, v26;
	v26 =	vld [tilespmem:s6+$0x5020]  }
0x2b0: {  	v42 =	vmul.f32 v42, v3;
	[tilespmem:s6+$0x10] =	vst v5;
	v5 =	vmul.f32 v34, v3;
	v28 =	vld [tilespmem:s6+$0x1030]  }
0x2b1: {  	v34 =	vmul.f32 v37, v4;
	v29 =	vld [tilespmem:s6+$0x5030];
	[tilespmem:s6+$0x40] =	vst v0;
	v0 =	vadd.f32 v11, v1;
	v1 =	vmul.f32 v32, v3  }
0x2b2: {  	v37 =	vmul.f32 v39, v4;
	[tilespmem:s6+$0x50] =	vst v2;
	v2 =	vadd.f32 v31, v30;
	v32 =	vmul.f32 v35, v4;
	v30 =	vld [tilespmem:s6+$0x1040]  }
0x2b3: {  	v31 =	vld [tilespmem:s6+$0x5040];
	[tilespmem:s6+$0x60] =	vst v0;
	v0 =	vadd.f32 v33, v1;
	v33 =	vmul.f32 v36, v3;
	v36 =	vmul.f32 v38, v3  }
0x2b4: {  	v39 =	vmul.f32 v40, v3;
	v40 =	vmul.f32 v41, v4;
	v11 =	vld [tilespmem:s6+$0x5450];
	[tilespmem:s6+$0x70] =	vst v2;
	v35 =	vadd.f32 v32, v5  }
0x2b5: {  	v56 =	vmul.f32 v56, v3;
	v32 =	vld [tilespmem:s6+$0x1050];
	[tilespmem:s6+$0x400] =	vst v0;
	v38 =	vadd.f32 v34, v33;
	v41 =	vadd.f32 v37, v36  }
0x2b6: {  	[tilespmem:s6+$0x410] =	vst v35;
	v36 =	vmul.f32 v43, v4;
	v37 =	vadd.f32 v40, v39;
	v39 =	vmul.f32 v45, v4;
	v33 =	vld [tilespmem:s6+$0x5050]  }
0x2b7: {  	v34 =	vld [tilespmem:s6+$0x1060];
	v45 =	vmul.f32 v49, v4;
	[tilespmem:s6+$0x420] =	vst v38;
	v38 =	vmul.f32 v44, v3  }
0x2b8: {  	v35 =	vld [tilespmem:s6+$0x5060];
	[tilespmem:s6+$0x430] =	vst v41;
	v40 =	vadd.f32 v36, v42;
	v41 =	vmul.f32 v46, v3;
	v42 =	vmul.f32 v47, v4  }
0x2b9: {  	[tilespmem:s6+$0x440] =	vst v37;
	v44 =	vmul.f32 v48, v3;
	v47 =	vmul.f32 v50, v3;
	v36 =	vld [tilespmem:s6+$0x1070];
	v43 =	vadd.f32 v39, v38  }
0x2ba: {  	v48 =	vmul.f32 v51, v4;
	v50 =	vmul.f32 v52, v3;
	v37 =	vld [tilespmem:s6+$0x5070];
	[tilespmem:s6+$0x450] =	vst v40;
	v46 =	vadd.f32 v42, v41  }
0x2bb: {  	v51 =	vmul.f32 v53, v4;
	v53 =	vmul.f32 v54, v3;
	v49 =	vadd.f32 v45, v44;
	v38 =	vld [tilespmem:s6+$0x1400];
	[tilespmem:s6+$0x460] =	vst v43  }
0x2bc: {  	v54 =	vmul.f32 v55, v4;
	v52 =	vadd.f32 v48, v47;
	v44 =	vmul.f32 v57, v4;
	v39 =	vld [tilespmem:s6+$0x5400];
	[tilespmem:s6+$0x470] =	vst v46  }
0x2bd: {  	v55 =	vadd.f32 v51, v50;
	v47 =	vmul.f32 v59, v4;
	v40 =	vld [tilespmem:s6+$0x1410];
	v50 =	vmul.f32 v61, v4;
	[tilespmem:s6+$0x800] =	vst v49  }
0x2be: {  	v45 =	vadd.f32 v54, v53;
	v41 =	vld [tilespmem:s6+$0x5410];
	v53 =	vmul.f32 v63, v4;
	[tilespmem:s6+$0x810] =	vst v52;
	v46 =	vmul.f32 v58, v3  }
0x2bf: {  	v42 =	vld [tilespmem:s6+$0x1420];
	v59 =	vmul.f32 v23, v4;
	[tilespmem:s6+$0x820] =	vst v55;
	v48 =	vadd.f32 v44, v56;
	v49 =	vmul.f32 v60, v3  }
0x2c0: {  	v23 =	vld [tilespmem:s6+$0x1430];
	v61 =	vmul.f32 v18, v3;
	[tilespmem:s6+$0x830] =	vst v45;
	v52 =	vmul.f32 v62, v3;
	v51 =	vadd.f32 v47, v46  }
0x2c1: {  	v18 =	vld [tilespmem:s6+$0x5430];
	v55 =	vmul.f32 v24, v3;
	v56 =	vmul.f32 v25, v4;
	[tilespmem:s6+$0x840] =	vst v48;
	v54 =	vadd.f32 v50, v49  }
0x2c2: {  	v24 =	vld [tilespmem:s6+$0x5420];
	v58 =	vmul.f32 v22, v3;
	v62 =	vmul.f32 v19, v4;
	v57 =	vadd.f32 v53, v52;
	[tilespmem:s6+$0x850] =	vst v51  }
0x2c3: {  	v22 =	vmul.f32 v15, v3;
	v25 =	vmul.f32 v16, v4;
	v16 =	vld [tilespmem:s6+$0x1440];
	v60 =	vadd.f32 v56, v55;
	[tilespmem:s6+$0x860] =	vst v54  }
0x2c4: {  	v43 =	vmul.f32 v12, v3;
	v44 =	vmul.f32 v13, v4;
	v12 =	vld [tilespmem:s6+$0x5440];
	v63 =	vadd.f32 v59, v58;
	[tilespmem:s6+$0x870] =	vst v57  }
0x2c5: {  	v13 =	vld [tilespmem:s6+$0x1470];
	v27 =	vadd.f32 v62, v61;
	v46 =	vmul.f32 v8, v3;
	v47 =	vmul.f32 v9, v4;
	[tilespmem:s6+$0xC00] =	vst v60  }
0x2c6: {  	v15 =	vld [tilespmem:s6+$0x1800];
	v45 =	vadd.f32 v25, v22;
	v55 =	vmul.f32 v14, v4;
	v58 =	vmul.f32 v20, v4;
	[tilespmem:s6+$0xC10] =	vst v63  }
0x2c7: {  	v19 =	vld [tilespmem:s6+$0x1810];
	v48 =	vadd.f32 v44, v43;
	v22 =	vmul.f32 v30, v3;
	v25 =	vmul.f32 v31, v4;
	[tilespmem:s6+$0xC20] =	vst v27  }
0x2c8: {  	v9 =	vld [tilespmem:s6+$0x1450];
	v30 =	vmul.f32 v34, v3;
	v31 =	vmul.f32 v35, v4;
	[tilespmem:s6+$0xC30] =	vst v45;
	v50 =	vadd.f32 v47, v46  }
0x2c9: {  	v49 =	vld [tilespmem:$0x1FF80];
	v20 =	vmul.f32 v29, v4;
	[tilespmem:s6+$0xC40] =	vst v48;
	v54 =	vmul.f32 v6, v3;
	v29 =	vadd.f32 v25, v22  }
0x2ca: {  	v52 =	vmul.f32 v10, v4;
	v10 =	vld [tilespmem:s6+$0x1460];
	v57 =	vmul.f32 v17, v3;
	v35 =	vadd.f32 v31, v30;
	[tilespmem:s6+$0xC50] =	vst v50  }
0x2cb: {  	v61 =	vmul.f32 v26, v4;
	v14 =	vld [tilespmem:s6+$0x5470];
	v60 =	vmul.f32 v21, v3;
	v59 =	vadd.f32 v55, v54;
	[tilespmem:s6+$0x1040] =	vst v29  }
0x2cc: {  	v7 =	vmul.f32 v7, v4;
	v44 =	vld [tilespmem:s6+$0x1830];
	v63 =	vmul.f32 v28, v3;
	v62 =	vadd.f32 v58, v57;
	[tilespmem:s6+$0x1060] =	vst v35  }
0x2cd: {  	v51 =	vld [tilespmem:$0x1FF90];
	v27 =	vmul.f32 v32, v3;
	v28 =	vmul.f32 v33, v4;
	v21 =	vadd.f32 v61, v60;
	[tilespmem:s6+$0x1000] =	vst v59  }
0x2ce: {  	v34 =	vmul.f32 v37, v4;
	v17 =	vld [tilespmem:s6+$0x5800];
	v33 =	vmul.f32 v36, v3;
	v26 =	vadd.f32 v20, v63;
	[tilespmem:s6+$0x1010] =	vst v62  }
0x2cf: {  	v37 =	vmul.f32 v39, v4;
	v36 =	vmul.f32 v38, v3;
	v38 =	vld [tilespmem:s6+$0x5820];
	v32 =	vadd.f32 v28, v27;
	[tilespmem:s6+$0x1020] =	vst v21  }
0x2d0: {  	v40 =	vmul.f32 v40, v3;
	v43 =	vmul.f32 v41, v4;
	v48 =	vld [tilespmem:s6+$0x5830];
	v39 =	vadd.f32 v34, v33;
	[tilespmem:s6+$0x1030] =	vst v26  }
0x2d1: {  	v31 =	vld [tilespmem:s6+$0x1870];
	v45 =	vadd.f32 v37, v36;
	v50 =	vmul.f32 v23, v3;
	v1 =	vmul.f32 v49, v3;
	[tilespmem:s6+$0x1050] =	vst v32  }
0x2d2: {  	v20 =	vld [tilespmem:s6+$0x5810];
	v23 =	vmul.f32 v13, v3;
	v49 =	vadd.f32 v43, v40;
	[tilespmem:s6+$0x1070] =	vst v39;
	v26 =	vmul.f32 v14, v4  }
0x2d3: {  	v46 =	vmul.f32 v42, v3;
	v55 =	vld [tilespmem:s6+$0x1850];
	[tilespmem:s6+$0x1400] =	vst v45;
	v5 =	vmul.f32 v51, v3;
	v53 =	vadd.f32 v7, v1  }
0x2d4: {  	v47 =	vmul.f32 v24, v4;
	v58 =	vmul.f32 v11, v4;
	v63 =	vld [tilespmem:s6+$0x1860];
	[tilespmem:s6+$0x1410] =	vst v49;
	v32 =	vadd.f32 v26, v23  }
0x2d5: {  	v27 =	vld [tilespmem:s6+$0x5860];
	v29 =	vmul.f32 v15, v3;
	v57 =	vmul.f32 v9, v3;
	v56 =	vadd.f32 v52, v5;
	[tilespmem:s6+$0xC60] =	vst v53  }
0x2d6: {  	v35 =	vld [tilespmem:s6+$0x5870];
	v41 =	vmul.f32 v44, v3;
	v30 =	vmul.f32 v17, v4;
	v52 =	vadd.f32 v47, v46;
	[tilespmem:s6+$0x1470] =	vst v32  }
0x2d7: {  	v21 =	vld [tilespmem:s6+$0x1820];
	v42 =	vmul.f32 v48, v4;
	v53 =	vmul.f32 v16, v3;
	v16 =	vadd.f32 v58, v57;
	[tilespmem:s6+$0xC70] =	vst v56  }
0x2d8: {  	v59 =	vld [tilespmem:s6+$0x5850];
	v51 =	vmul.f32 v18, v4;
	v36 =	vadd.f32 v30, v29;
	[tilespmem:s6+$0x1420] =	vst v52  }
0x2d9: {  	v54 =	vmul.f32 v12, v4;
	v39 =	vld [tilespmem:s6+$0x5840];
	v46 =	vadd.f32 v42, v41;
	[tilespmem:s6+$0x1450] =	vst v16  }
0x2da: {  	v33 =	vmul.f32 v19, v3;
	v7 =	vld [tilespmem:s6+$0x5460];
	v34 =	vmul.f32 v20, v4;
	v56 =	vadd.f32 v51, v50;
	[tilespmem:s6+$0x1800] =	vst v36  }
0x2db: {  	v18 =	vld [tilespmem:s6+$0x1840];
	v47 =	vmul.f32 v63, v3;
	v48 =	vmul.f32 v27, v4;
	v60 =	vadd.f32 v54, v53;
	[tilespmem:s6+$0x1830] =	vst v46  }
0x2dc: {  	v38 =	vmul.f32 v38, v4;
	v37 =	vmul.f32 v21, v3;
	v40 =	vadd.f32 v34, v33;
	[tilespmem:s6+$0x1430] =	vst v56  }
0x2dd: {  	v44 =	vmul.f32 v55, v3;
	v45 =	vmul.f32 v59, v4;
	v52 =	vadd.f32 v48, v47;
	[tilespmem:s6+$0x1440] =	vst v60  }
0x2de: {  	v50 =	vmul.f32 v31, v3;
	v51 =	vmul.f32 v35, v4;
	v43 =	vadd.f32 v38, v37;
	[tilespmem:s6+$0x1810] =	vst v40  }
0x2df: {  	v61 =	vmul.f32 v10, v3;
	v62 =	vmul.f32 v7, v4;
	v49 =	vadd.f32 v45, v44;
	[tilespmem:s6+$0x1860] =	vst v52  }
0x2e0: {  	s21 =	sand.u32 $0x7, s5;
	v54 =	vmul.f32 v39, v4;
	v53 =	vmul.f32 v18, v3;
	v55 =	vadd.f32 v51, v50;
	[tilespmem:s6+$0x1820] =	vst v43  }
0x2e1: {  	s13 =	sshll.u32 s21, $0x7;
	v28 =	vadd.f32 v62, v61;
	[tilespmem:s6+$0x1850] =	vst v49  }
0x2e2: {  	s13 =	sadd.s32 s13, s25;
	v56 =	vadd.f32 v54, v53;
	[tilespmem:s6+$0x1870] =	vst v55  }
0x2e3: {  	s21 =	sor.u32 $0x1C00, s13;
	[tilespmem:s6+$0x1460] =	vst v28  }
0x2e4: {  	[tilespmem:s6+$0x1840] =	vst v56;
	v0 =	vld [tilespmem:s21+$0x0]  }
0x2e5: {  	v1 =	vld [tilespmem:s21+$0x4000];
	_ =	sdelay $0x4  }
0x2e6: {  	v0 =	vmul.f32 v0, v3;
	v1 =	vmul.f32 v1, v4;
	_ =	sdelay $0x1  }
0x2e7: {  	v0 =	vadd.f32 v1, v0;
	_ =	sdelay $0x1  }
0x2e8: {  	[tilespmem:s21+$0x0] =	vst v0;
	s21 =	sor.u32 $0x1C10, s13  }
0x2e9: {  	v0 =	vld [tilespmem:s21+$0x0]  }
0x2ea: {  	v57 =	vld [tilespmem:s21+$0x4000];
	_ =	sdelay $0x4  }
0x2eb: {  	v0 =	vmul.f32 v0, v3;
	v1 =	vmul.f32 v57, v4;
	_ =	sdelay $0x1  }
0x2ec: {  	v0 =	vadd.f32 v1, v0;
	_ =	sdelay $0x1  }
0x2ed: {  	[tilespmem:s21+$0x0] =	vst v0;
	s21 =	sor.u32 $0x1C20, s13  }
0x2ee: {  	v0 =	vld [tilespmem:s21+$0x0]  }
0x2ef: {  	v58 =	vld [tilespmem:s21+$0x4000];
	_ =	sdelay $0x4  }
0x2f0: {  	v0 =	vmul.f32 v0, v3;
	v1 =	vmul.f32 v58, v4;
	_ =	sdelay $0x1  }
0x2f1: {  	v0 =	vadd.f32 v1, v0;
	_ =	sdelay $0x1  }
0x2f2: {  	[tilespmem:s21+$0x0] =	vst v0;
	s21 =	sor.u32 $0x1C30, s13  }
0x2f3: {  	v0 =	vld [tilespmem:s21+$0x0]  }
0x2f4: {  	v59 =	vld [tilespmem:s21+$0x4000];
	_ =	sdelay $0x4  }
0x2f5: {  	v0 =	vmul.f32 v0, v3;
	v1 =	vmul.f32 v59, v4;
	_ =	sdelay $0x1  }
0x2f6: {  	v0 =	vadd.f32 v1, v0;
	_ =	sdelay $0x1  }
0x2f7: {  	[tilespmem:s21+$0x0] =	vst v0;
	s21 =	sor.u32 $0x1C40, s13  }
0x2f8: {  	v0 =	vld [tilespmem:s21+$0x0]  }
0x2f9: {  	v60 =	vld [tilespmem:s21+$0x4000];
	_ =	sdelay $0x4  }
0x2fa: {  	v0 =	vmul.f32 v0, v3;
	v1 =	vmul.f32 v60, v4;
	_ =	sdelay $0x1  }
0x2fb: {  	v0 =	vadd.f32 v1, v0;
	_ =	sdelay $0x1  }
0x2fc: {  	[tilespmem:s21+$0x0] =	vst v0;
	s21 =	sor.u32 $0x1C50, s13  }
0x2fd: {  	v0 =	vld [tilespmem:s21+$0x0]  }
0x2fe: {  	v61 =	vld [tilespmem:s21+$0x4000];
	_ =	sdelay $0x4  }
0x2ff: {  	v0 =	vmul.f32 v0, v3;
	v1 =	vmul.f32 v61, v4;
	_ =	sdelay $0x1  }
0x300: {  	v0 =	vadd.f32 v1, v0;
	_ =	sdelay $0x1  }
0x301: {  	[tilespmem:s21+$0x0] =	vst v0;
	s21 =	sor.u32 $0x1C60, s13  }
0x302: {  	v0 =	vld [tilespmem:s21+$0x0]  }
0x303: {  	v62 =	vld [tilespmem:s21+$0x4000];
	_ =	sdelay $0x4  }
0x304: {  	v0 =	vmul.f32 v0, v3;
	v1 =	vmul.f32 v62, v4;
	_ =	sdelay $0x1  }
0x305: {  	v0 =	vadd.f32 v1, v0;
	_ =	sdelay $0x1  }
0x306: {  	[tilespmem:s21+$0x0] =	vst v0;
	s21 =	sor.u32 $0x1C70, s13  }
0x307: {  	v0 =	vld [tilespmem:s21+$0x0]  }
0x308: {  	v63 =	vld [tilespmem:s21+$0x4000];
	_ =	sdelay $0x3  }
0x309: {  	p0 =	sne.s32 s19, $0x2F  }
.Ltmp2:
0x30a: {  	v0 =	vmul.f32 v0, v3;
	v1 =	vmul.f32 v63, v4;
	(pc) =	sbr.rel @p0 .LBB2_6-.Ltmp2, $4  }
0x30b: {  	_ = 	snop  }
0x30c: {  	v0 =	vadd.f32 v1, v0  }
0x30d: {  	s20 =	sadd.s32 $0x80, s20  }
0x30e: {  	s5 =	sadd.s32 $0x1, s5;
	s19 =	sadd.s32 $0x1, s19;
	s25 =	sadd.s32 $0x400, s25;
	[tilespmem:s21+$0x0] =	vst v0  }
0x30f: {  	s5 =	simm.s32 $0x0;
	s6 =	rddreg [dreg:$0xf]  }
0x310: {  	[hbm4b:s6+s5] =	stream.linear.scatter [tilespmem:s5], [sflag:$0x3], $0x4000, $0x38;
	[tilespmem:$0x10300] =	vst v63  }
0x311: {  	_ =	swait.ge [sflag:s11], $0x4000  }
0x312: {  	[sflag:s11] =	ssyncset.done $0x0  }
0x313: {  	[sflag:s11] =	ssyncadd.s32 $0xFFFFC000  }
0x314: {  	_ =	swait.ge [sflag:s18], $0x4000  }
0x315: {  	s19 =	simm.s32 $0x30;
	[sflag:s18] =	ssyncset.done $0x0  }
0x316: {  	s25 =	simm.s32 $0x0;
	s20 =	simm.s32 $0x0;
	[sflag:s18] =	ssyncadd.s32 $0xFFFFC000  }
.LBB2_8:
0x317: {  	s6 =	sand.u32 $0x2000, s25;
	s13 =	sand.u32 $0x380, s20  }
0x318: {  	s6 =	sor.u32 s13, s6  }
0x319: {  	v1 =	vld [tilespmem:s6+$0xC100]  }
0x31a: {  	v2 =	vld [tilespmem:s6+$0x8110]  }
0x31b: {  	v6 =	vld [tilespmem:s6+$0xC110]  }
0x31c: {  	v10 =	vld [tilespmem:s6+$0x8120]  }
0x31d: {  	v11 =	vld [tilespmem:s6+$0xC120]  }
0x31e: {  	v14 =	vld [tilespmem:s6+$0x8130]  }
0x31f: {  	v17 =	vld [tilespmem:s6+$0xC130]  }
0x320: {  	v20 =	vld [tilespmem:s6+$0x8140]  }
0x321: {  	v21 =	vld [tilespmem:s6+$0xC140]  }
0x322: {  	v26 =	vld [tilespmem:s6+$0x8150]  }
0x323: {  	v27 =	vld [tilespmem:s6+$0xC150]  }
0x324: {  	v28 =	vld [tilespmem:s6+$0x8160]  }
0x325: {  	v29 =	vld [tilespmem:s6+$0xC160]  }
0x326: {  	v30 =	vld [tilespmem:s6+$0x8170]  }
0x327: {  	v31 =	vld [tilespmem:s6+$0xC170]  }
0x328: {  	v32 =	vld [tilespmem:s6+$0x8500]  }
0x329: {  	v33 =	vld [tilespmem:s6+$0xC500]  }
0x32a: {  	v34 =	vld [tilespmem:s6+$0x8510]  }
0x32b: {  	v35 =	vld [tilespmem:s6+$0xC510]  }
0x32c: {  	v36 =	vld [tilespmem:s6+$0x8520]  }
0x32d: {  	v37 =	vld [tilespmem:s6+$0xC520]  }
0x32e: {  	v38 =	vld [tilespmem:s6+$0x8530]  }
0x32f: {  	v39 =	vld [tilespmem:s6+$0xC530]  }
0x330: {  	v40 =	vld [tilespmem:s6+$0x8540]  }
0x331: {  	v41 =	vld [tilespmem:s6+$0xC540]  }
0x332: {  	v42 =	vld [tilespmem:s6+$0x8550]  }
0x333: {  	v43 =	vld [tilespmem:s6+$0xC550]  }
0x334: {  	v44 =	vld [tilespmem:s6+$0x8560]  }
0x335: {  	v45 =	vld [tilespmem:s6+$0xC560]  }
0x336: {  	v46 =	vld [tilespmem:s6+$0x8570]  }
0x337: {  	v47 =	vld [tilespmem:s6+$0xC570]  }
0x338: {  	v48 =	vld [tilespmem:s6+$0x8900]  }
0x339: {  	v49 =	vld [tilespmem:s6+$0xC900]  }
0x33a: {  	v50 =	vld [tilespmem:s6+$0x8910]  }
0x33b: {  	v51 =	vld [tilespmem:s6+$0xC910]  }
0x33c: {  	v52 =	vld [tilespmem:s6+$0x8920]  }
0x33d: {  	v53 =	vld [tilespmem:s6+$0xC920]  }
0x33e: {  	v54 =	vld [tilespmem:s6+$0x8930]  }
0x33f: {  	v55 =	vld [tilespmem:s6+$0xC930]  }
0x340: {  	v56 =	vld [tilespmem:s6+$0x8940]  }
0x341: {  	v57 =	vld [tilespmem:s6+$0xC940]  }
0x342: {  	v58 =	vld [tilespmem:s6+$0x8950]  }
0x343: {  	v59 =	vld [tilespmem:s6+$0xC950]  }
0x344: {  	v60 =	vld [tilespmem:s6+$0x8960]  }
0x345: {  	v61 =	vld [tilespmem:s6+$0xC960]  }
0x346: {  	v62 =	vld [tilespmem:s6+$0x8970]  }
0x347: {  	v63 =	vld [tilespmem:s6+$0xC970]  }
0x348: {  	v24 =	vld [tilespmem:s6+$0x8D00]  }
0x349: {  	v25 =	vld [tilespmem:s6+$0xCD00]  }
0x34a: {  	v22 =	vld [tilespmem:s6+$0x8D10]  }
0x34b: {  	v0 =	vmov s19;
	v23 =	vld [tilespmem:s6+$0xCD10]  }
0x34c: {  	v18 =	vld [tilespmem:s6+$0x8D20]  }
0x34d: {  	v19 =	vld [tilespmem:s6+$0xCD20]  }
0x34e: {  	v15 =	vld [tilespmem:s6+$0x8D30]  }
0x34f: {  	v16 =	vld [tilespmem:s6+$0xCD30]  }
0x350: {  	v3 =	vld.idx.msk [tilespmem:v0+s22+$0x0], $0xffff  }
0x351: {  	v4 =	vld.idx.msk [tilespmem:v0+s24+$0x0], $0xffff  }
0x352: {  	v0 =	vld [tilespmem:s6+$0x8100]  }
0x353: {  	v5 =	vld [tilespmem:s6+$0x8D60]  }
0x354: {  	v12 =	vld [tilespmem:s6+$0x8D40]  }
0x355: {  	v13 =	vld [tilespmem:s6+$0xCD40]  }
0x356: {  	v8 =	vld [tilespmem:s6+$0x8D50]  }
0x357: {  	v9 =	vld [tilespmem:s6+$0xCD50];
	v0 =	vmul.f32 v0, v3;
	v1 =	vmul.f32 v1, v4  }
0x358: {  	v7 =	vld [tilespmem:s6+$0xCD60];
	[tilespmem:$0x1FF60] =	vst v5;
	v5 =	vmul.f32 v2, v3;
	v2 =	vmul.f32 v6, v4  }
0x359: {  	v6 =	vld [tilespmem:s6+$0x8D70];
	v17 =	vmul.f32 v17, v4;
	v0 =	vadd.f32 v1, v0  }
0x35a: {  	v1 =	vmul.f32 v10, v3;
	v10 =	vld [tilespmem:s6+$0xCD70];
	v5 =	vadd.f32 v2, v5;
	v2 =	vmul.f32 v14, v3  }
0x35b: {  	v11 =	vmul.f32 v11, v4;
	v14 =	vld [tilespmem:s6+$0xD100]  }
0x35c: {  	v26 =	vmul.f32 v26, v3;
	v2 =	vadd.f32 v17, v2;
	v17 =	vld [tilespmem:s6+$0x9110]  }
0x35d: {  	[tilespmem:s6+$0x8100] =	vst v0;
	v0 =	vadd.f32 v11, v1;
	v1 =	vmul.f32 v20, v3;
	v11 =	vmul.f32 v21, v4;
	v20 =	vld [tilespmem:s6+$0xD110]  }
0x35e: {  	v27 =	vmul.f32 v27, v4;
	v30 =	vmul.f32 v30, v3;
	v21 =	vld [tilespmem:s6+$0x9120];
	[tilespmem:$0x1FF70] =	vst v6  }
0x35f: {  	v31 =	vmul.f32 v31, v4;
	v33 =	vmul.f32 v33, v4;
	v6 =	vld [tilespmem:s6+$0x9100];
	[tilespmem:s6+$0x8120] =	vst v0;
	v0 =	vadd.f32 v11, v1  }
0x360: {  	v1 =	vmul.f32 v28, v3;
	v11 =	vmul.f32 v29, v4;
	[tilespmem:s6+$0x8130] =	vst v2;
	v2 =	vadd.f32 v27, v26;
	v26 =	vld [tilespmem:s6+$0xD120]  }
0x361: {  	v42 =	vmul.f32 v42, v3;
	[tilespmem:s6+$0x8110] =	vst v5;
	v5 =	vmul.f32 v34, v3;
	v28 =	vld [tilespmem:s6+$0x9130]  }
0x362: {  	v34 =	vmul.f32 v37, v4;
	v29 =	vld [tilespmem:s6+$0xD130];
	[tilespmem:s6+$0x8140] =	vst v0;
	v0 =	vadd.f32 v11, v1;
	v1 =	vmul.f32 v32, v3  }
0x363: {  	v37 =	vmul.f32 v39, v4;
	[tilespmem:s6+$0x8150] =	vst v2;
	v2 =	vadd.f32 v31, v30;
	v32 =	vmul.f32 v35, v4;
	v30 =	vld [tilespmem:s6+$0x9140]  }
0x364: {  	v31 =	vld [tilespmem:s6+$0xD140];
	[tilespmem:s6+$0x8160] =	vst v0;
	v0 =	vadd.f32 v33, v1;
	v33 =	vmul.f32 v36, v3;
	v36 =	vmul.f32 v38, v3  }
0x365: {  	v39 =	vmul.f32 v40, v3;
	v40 =	vmul.f32 v41, v4;
	v11 =	vld [tilespmem:s6+$0xD550];
	[tilespmem:s6+$0x8170] =	vst v2;
	v35 =	vadd.f32 v32, v5  }
0x366: {  	v56 =	vmul.f32 v56, v3;
	v32 =	vld [tilespmem:s6+$0x9150];
	[tilespmem:s6+$0x8500] =	vst v0;
	v38 =	vadd.f32 v34, v33;
	v41 =	vadd.f32 v37, v36  }
0x367: {  	[tilespmem:s6+$0x8510] =	vst v35;
	v36 =	vmul.f32 v43, v4;
	v37 =	vadd.f32 v40, v39;
	v39 =	vmul.f32 v45, v4;
	v33 =	vld [tilespmem:s6+$0xD150]  }
0x368: {  	v34 =	vld [tilespmem:s6+$0x9160];
	v45 =	vmul.f32 v49, v4;
	[tilespmem:s6+$0x8520] =	vst v38;
	v38 =	vmul.f32 v44, v3  }
0x369: {  	v35 =	vld [tilespmem:s6+$0xD160];
	[tilespmem:s6+$0x8530] =	vst v41;
	v40 =	vadd.f32 v36, v42;
	v41 =	vmul.f32 v46, v3;
	v42 =	vmul.f32 v47, v4  }
0x36a: {  	[tilespmem:s6+$0x8540] =	vst v37;
	v44 =	vmul.f32 v48, v3;
	v47 =	vmul.f32 v50, v3;
	v36 =	vld [tilespmem:s6+$0x9170];
	v43 =	vadd.f32 v39, v38  }
0x36b: {  	v48 =	vmul.f32 v51, v4;
	v50 =	vmul.f32 v52, v3;
	v37 =	vld [tilespmem:s6+$0xD170];
	[tilespmem:s6+$0x8550] =	vst v40;
	v46 =	vadd.f32 v42, v41  }
0x36c: {  	v51 =	vmul.f32 v53, v4;
	v53 =	vmul.f32 v54, v3;
	v49 =	vadd.f32 v45, v44;
	v38 =	vld [tilespmem:s6+$0x9500];
	[tilespmem:s6+$0x8560] =	vst v43  }
0x36d: {  	v54 =	vmul.f32 v55, v4;
	v52 =	vadd.f32 v48, v47;
	v44 =	vmul.f32 v57, v4;
	v39 =	vld [tilespmem:s6+$0xD500];
	[tilespmem:s6+$0x8570] =	vst v46  }
0x36e: {  	v55 =	vadd.f32 v51, v50;
	v47 =	vmul.f32 v59, v4;
	v40 =	vld [tilespmem:s6+$0x9510];
	v50 =	vmul.f32 v61, v4;
	[tilespmem:s6+$0x8900] =	vst v49  }
0x36f: {  	v45 =	vadd.f32 v54, v53;
	v41 =	vld [tilespmem:s6+$0xD510];
	v53 =	vmul.f32 v63, v4;
	[tilespmem:s6+$0x8910] =	vst v52;
	v46 =	vmul.f32 v58, v3  }
0x370: {  	v42 =	vld [tilespmem:s6+$0x9520];
	v59 =	vmul.f32 v23, v4;
	[tilespmem:s6+$0x8920] =	vst v55;
	v48 =	vadd.f32 v44, v56;
	v49 =	vmul.f32 v60, v3  }
0x371: {  	v23 =	vld [tilespmem:s6+$0x9530];
	v61 =	vmul.f32 v18, v3;
	[tilespmem:s6+$0x8930] =	vst v45;
	v52 =	vmul.f32 v62, v3;
	v51 =	vadd.f32 v47, v46  }
0x372: {  	v18 =	vld [tilespmem:s6+$0xD530];
	v55 =	vmul.f32 v24, v3;
	v56 =	vmul.f32 v25, v4;
	[tilespmem:s6+$0x8940] =	vst v48;
	v54 =	vadd.f32 v50, v49  }
0x373: {  	v24 =	vld [tilespmem:s6+$0xD520];
	v58 =	vmul.f32 v22, v3;
	v62 =	vmul.f32 v19, v4;
	v57 =	vadd.f32 v53, v52;
	[tilespmem:s6+$0x8950] =	vst v51  }
0x374: {  	v22 =	vmul.f32 v15, v3;
	v25 =	vmul.f32 v16, v4;
	v16 =	vld [tilespmem:s6+$0x9540];
	v60 =	vadd.f32 v56, v55;
	[tilespmem:s6+$0x8960] =	vst v54  }
0x375: {  	v43 =	vmul.f32 v12, v3;
	v44 =	vmul.f32 v13, v4;
	v12 =	vld [tilespmem:s6+$0xD540];
	v63 =	vadd.f32 v59, v58;
	[tilespmem:s6+$0x8970] =	vst v57  }
0x376: {  	v13 =	vld [tilespmem:s6+$0x9570];
	v27 =	vadd.f32 v62, v61;
	v46 =	vmul.f32 v8, v3;
	v47 =	vmul.f32 v9, v4;
	[tilespmem:s6+$0x8D00] =	vst v60  }
0x377: {  	v15 =	vld [tilespmem:s6+$0x9900];
	v45 =	vadd.f32 v25, v22;
	v55 =	vmul.f32 v14, v4;
	v58 =	vmul.f32 v20, v4;
	[tilespmem:s6+$0x8D10] =	vst v63  }
0x378: {  	v19 =	vld [tilespmem:s6+$0x9910];
	v48 =	vadd.f32 v44, v43;
	v22 =	vmul.f32 v30, v3;
	v25 =	vmul.f32 v31, v4;
	[tilespmem:s6+$0x8D20] =	vst v27  }
0x379: {  	v9 =	vld [tilespmem:s6+$0x9550];
	v30 =	vmul.f32 v34, v3;
	v31 =	vmul.f32 v35, v4;
	[tilespmem:s6+$0x8D30] =	vst v45;
	v50 =	vadd.f32 v47, v46  }
0x37a: {  	v49 =	vld [tilespmem:$0x1FF60];
	v20 =	vmul.f32 v29, v4;
	[tilespmem:s6+$0x8D40] =	vst v48;
	v54 =	vmul.f32 v6, v3;
	v29 =	vadd.f32 v25, v22  }
0x37b: {  	v52 =	vmul.f32 v10, v4;
	v10 =	vld [tilespmem:s6+$0x9560];
	v57 =	vmul.f32 v17, v3;
	v35 =	vadd.f32 v31, v30;
	[tilespmem:s6+$0x8D50] =	vst v50  }
0x37c: {  	v61 =	vmul.f32 v26, v4;
	v14 =	vld [tilespmem:s6+$0xD570];
	v60 =	vmul.f32 v21, v3;
	v59 =	vadd.f32 v55, v54;
	[tilespmem:s6+$0x9140] =	vst v29  }
0x37d: {  	v7 =	vmul.f32 v7, v4;
	v44 =	vld [tilespmem:s6+$0x9930];
	v63 =	vmul.f32 v28, v3;
	v62 =	vadd.f32 v58, v57;
	[tilespmem:s6+$0x9160] =	vst v35  }
0x37e: {  	v51 =	vld [tilespmem:$0x1FF70];
	v27 =	vmul.f32 v32, v3;
	v28 =	vmul.f32 v33, v4;
	v21 =	vadd.f32 v61, v60;
	[tilespmem:s6+$0x9100] =	vst v59  }
0x37f: {  	v34 =	vmul.f32 v37, v4;
	v17 =	vld [tilespmem:s6+$0xD900];
	v33 =	vmul.f32 v36, v3;
	v26 =	vadd.f32 v20, v63;
	[tilespmem:s6+$0x9110] =	vst v62  }
0x380: {  	v37 =	vmul.f32 v39, v4;
	v36 =	vmul.f32 v38, v3;
	v38 =	vld [tilespmem:s6+$0xD920];
	v32 =	vadd.f32 v28, v27;
	[tilespmem:s6+$0x9120] =	vst v21  }
0x381: {  	v40 =	vmul.f32 v40, v3;
	v43 =	vmul.f32 v41, v4;
	v48 =	vld [tilespmem:s6+$0xD930];
	v39 =	vadd.f32 v34, v33;
	[tilespmem:s6+$0x9130] =	vst v26  }
0x382: {  	v31 =	vld [tilespmem:s6+$0x9970];
	v45 =	vadd.f32 v37, v36;
	v50 =	vmul.f32 v23, v3;
	v1 =	vmul.f32 v49, v3;
	[tilespmem:s6+$0x9150] =	vst v32  }
0x383: {  	v20 =	vld [tilespmem:s6+$0xD910];
	v23 =	vmul.f32 v13, v3;
	v49 =	vadd.f32 v43, v40;
	[tilespmem:s6+$0x9170] =	vst v39;
	v26 =	vmul.f32 v14, v4  }
0x384: {  	v46 =	vmul.f32 v42, v3;
	v55 =	vld [tilespmem:s6+$0x9950];
	[tilespmem:s6+$0x9500] =	vst v45;
	v5 =	vmul.f32 v51, v3;
	v53 =	vadd.f32 v7, v1  }
0x385: {  	v47 =	vmul.f32 v24, v4;
	v58 =	vmul.f32 v11, v4;
	v63 =	vld [tilespmem:s6+$0x9960];
	[tilespmem:s6+$0x9510] =	vst v49;
	v32 =	vadd.f32 v26, v23  }
0x386: {  	v27 =	vld [tilespmem:s6+$0xD960];
	v29 =	vmul.f32 v15, v3;
	v57 =	vmul.f32 v9, v3;
	v56 =	vadd.f32 v52, v5;
	[tilespmem:s6+$0x8D60] =	vst v53  }
0x387: {  	v35 =	vld [tilespmem:s6+$0xD970];
	v41 =	vmul.f32 v44, v3;
	v30 =	vmul.f32 v17, v4;
	v52 =	vadd.f32 v47, v46;
	[tilespmem:s6+$0x9570] =	vst v32  }
0x388: {  	v21 =	vld [tilespmem:s6+$0x9920];
	v42 =	vmul.f32 v48, v4;
	v53 =	vmul.f32 v16, v3;
	v16 =	vadd.f32 v58, v57;
	[tilespmem:s6+$0x8D70] =	vst v56  }
0x389: {  	v59 =	vld [tilespmem:s6+$0xD950];
	v51 =	vmul.f32 v18, v4;
	v36 =	vadd.f32 v30, v29;
	[tilespmem:s6+$0x9520] =	vst v52  }
0x38a: {  	v54 =	vmul.f32 v12, v4;
	v39 =	vld [tilespmem:s6+$0xD940];
	v46 =	vadd.f32 v42, v41;
	[tilespmem:s6+$0x9550] =	vst v16  }
0x38b: {  	v33 =	vmul.f32 v19, v3;
	v7 =	vld [tilespmem:s6+$0xD560];
	v34 =	vmul.f32 v20, v4;
	v56 =	vadd.f32 v51, v50;
	[tilespmem:s6+$0x9900] =	vst v36  }
0x38c: {  	v18 =	vld [tilespmem:s6+$0x9940];
	v47 =	vmul.f32 v63, v3;
	v48 =	vmul.f32 v27, v4;
	v60 =	vadd.f32 v54, v53;
	[tilespmem:s6+$0x9930] =	vst v46  }
0x38d: {  	v38 =	vmul.f32 v38, v4;
	v37 =	vmul.f32 v21, v3;
	v40 =	vadd.f32 v34, v33;
	[tilespmem:s6+$0x9530] =	vst v56  }
0x38e: {  	v44 =	vmul.f32 v55, v3;
	v45 =	vmul.f32 v59, v4;
	v52 =	vadd.f32 v48, v47;
	[tilespmem:s6+$0x9540] =	vst v60  }
0x38f: {  	v50 =	vmul.f32 v31, v3;
	v51 =	vmul.f32 v35, v4;
	v43 =	vadd.f32 v38, v37;
	[tilespmem:s6+$0x9910] =	vst v40  }
0x390: {  	v61 =	vmul.f32 v10, v3;
	v62 =	vmul.f32 v7, v4;
	v49 =	vadd.f32 v45, v44;
	[tilespmem:s6+$0x9960] =	vst v52  }
0x391: {  	s21 =	sand.u32 $0x7, s5;
	v54 =	vmul.f32 v39, v4;
	v53 =	vmul.f32 v18, v3;
	v55 =	vadd.f32 v51, v50;
	[tilespmem:s6+$0x9920] =	vst v43  }
0x392: {  	s13 =	sshll.u32 s21, $0x7;
	v28 =	vadd.f32 v62, v61;
	[tilespmem:s6+$0x9950] =	vst v49  }
0x393: {  	s13 =	sadd.s32 s13, s25;
	v56 =	vadd.f32 v54, v53;
	[tilespmem:s6+$0x9970] =	vst v55  }
0x394: {  	s21 =	sor.u32 $0x1C00, s13;
	[tilespmem:s6+$0x9560] =	vst v28  }
0x395: {  	[tilespmem:s6+$0x9940] =	vst v56;
	v0 =	vld [tilespmem:s21+$0x8100]  }
0x396: {  	v1 =	vld [tilespmem:s21+$0xC100];
	_ =	sdelay $0x4  }
0x397: {  	v0 =	vmul.f32 v0, v3;
	v1 =	vmul.f32 v1, v4;
	_ =	sdelay $0x1  }
0x398: {  	v0 =	vadd.f32 v1, v0;
	_ =	sdelay $0x1  }
0x399: {  	[tilespmem:s21+$0x8100] =	vst v0;
	s21 =	sor.u32 $0x1C10, s13  }
0x39a: {  	v0 =	vld [tilespmem:s21+$0x8100]  }
0x39b: {  	v57 =	vld [tilespmem:s21+$0xC100];
	_ =	sdelay $0x4  }
0x39c: {  	v0 =	vmul.f32 v0, v3;
	v1 =	vmul.f32 v57, v4;
	_ =	sdelay $0x1  }
0x39d: {  	v0 =	vadd.f32 v1, v0;
	_ =	sdelay $0x1  }
0x39e: {  	[tilespmem:s21+$0x8100] =	vst v0;
	s21 =	sor.u32 $0x1C20, s13  }
0x39f: {  	v0 =	vld [tilespmem:s21+$0x8100]  }
0x3a0: {  	v58 =	vld [tilespmem:s21+$0xC100];
	_ =	sdelay $0x4  }
0x3a1: {  	v0 =	vmul.f32 v0, v3;
	v1 =	vmul.f32 v58, v4;
	_ =	sdelay $0x1  }
0x3a2: {  	v0 =	vadd.f32 v1, v0;
	_ =	sdelay $0x1  }
0x3a3: {  	[tilespmem:s21+$0x8100] =	vst v0;
	s21 =	sor.u32 $0x1C30, s13  }
0x3a4: {  	v0 =	vld [tilespmem:s21+$0x8100]  }
0x3a5: {  	v59 =	vld [tilespmem:s21+$0xC100];
	_ =	sdelay $0x4  }
0x3a6: {  	v0 =	vmul.f32 v0, v3;
	v1 =	vmul.f32 v59, v4;
	_ =	sdelay $0x1  }
0x3a7: {  	v0 =	vadd.f32 v1, v0;
	_ =	sdelay $0x1  }
0x3a8: {  	[tilespmem:s21+$0x8100] =	vst v0;
	s21 =	sor.u32 $0x1C40, s13  }
0x3a9: {  	v0 =	vld [tilespmem:s21+$0x8100]  }
0x3aa: {  	v60 =	vld [tilespmem:s21+$0xC100];
	_ =	sdelay $0x4  }
0x3ab: {  	v0 =	vmul.f32 v0, v3;
	v1 =	vmul.f32 v60, v4;
	_ =	sdelay $0x1  }
0x3ac: {  	v0 =	vadd.f32 v1, v0;
	_ =	sdelay $0x1  }
0x3ad: {  	[tilespmem:s21+$0x8100] =	vst v0;
	s21 =	sor.u32 $0x1C50, s13  }
0x3ae: {  	v0 =	vld [tilespmem:s21+$0x8100]  }
0x3af: {  	v61 =	vld [tilespmem:s21+$0xC100];
	_ =	sdelay $0x4  }
0x3b0: {  	v0 =	vmul.f32 v0, v3;
	v1 =	vmul.f32 v61, v4;
	_ =	sdelay $0x1  }
0x3b1: {  	v0 =	vadd.f32 v1, v0;
	_ =	sdelay $0x1  }
0x3b2: {  	[tilespmem:s21+$0x8100] =	vst v0;
	s21 =	sor.u32 $0x1C60, s13  }
0x3b3: {  	v0 =	vld [tilespmem:s21+$0x8100]  }
0x3b4: {  	v62 =	vld [tilespmem:s21+$0xC100];
	_ =	sdelay $0x4  }
0x3b5: {  	v0 =	vmul.f32 v0, v3;
	v1 =	vmul.f32 v62, v4;
	_ =	sdelay $0x1  }
0x3b6: {  	v0 =	vadd.f32 v1, v0;
	_ =	sdelay $0x1  }
0x3b7: {  	[tilespmem:s21+$0x8100] =	vst v0;
	s21 =	sor.u32 $0x1C70, s13  }
0x3b8: {  	v0 =	vld [tilespmem:s21+$0x8100]  }
0x3b9: {  	v63 =	vld [tilespmem:s21+$0xC100];
	_ =	sdelay $0x3  }
0x3ba: {  	p0 =	sne.s32 s19, $0x3F  }
.Ltmp3:
0x3bb: {  	v0 =	vmul.f32 v0, v3;
	v1 =	vmul.f32 v63, v4;
	(pc) =	sbr.rel @p0 .LBB2_8-.Ltmp3, $4  }
0x3bc: {  	_ = 	snop  }
0x3bd: {  	v0 =	vadd.f32 v1, v0  }
0x3be: {  	s20 =	sadd.s32 $0x80, s20  }
0x3bf: {  	s5 =	sadd.s32 $0x1, s5;
	s19 =	sadd.s32 $0x1, s19;
	s25 =	sadd.s32 $0x400, s25;
	[tilespmem:s21+$0x8100] =	vst v0  }
0x3c0: {  	s5 =	rddreg [dreg:$0x10]  }
0x3c1: {  	[hbm4b:s5+s2] =	stream.linear.scatter [tilespmem:s1], [sflag:$0x6], $0x4000, $0x38;
	[tilespmem:$0x10300] =	vst v63  }
0x3c2: {  	_ =	swait.ge [sflag:s17], $0x4000  }
0x3c3: {  	[sflag:s17] =	ssyncset.done $0x0  }
0x3c4: {  	[sflag:s17] =	ssyncadd.s32 $0xFFFFC000  }
0x3c5: {  	_ =	swait.ge [sflag:s4], $0x4000  }
0x3c6: {  	s12 =	sadd.s32 $0x1, s12;
	s25 =	rddreg [dreg:$0x11]  }
0x3c7: {  	p0 =	sne.s32 s12, s25  }
.Ltmp4:
0x3c8: {  	_ = 	snop;
	(pc) =	sbr.rel @p0 .LBB2_1-.Ltmp4, $3  }
0x3c9: {  	_ =	sdelay $0x1  }
0x3ca: {  	[sflag:s4] =	ssyncset.done $0x0  }
0x3cb: {  	[sflag:s4] =	ssyncadd.s32 $0xFFFFC000  }
0x3cc: {  	_ =	sfence.sel $0x180000  }
0x3cd: {  	[bflag:$0x0] =	sbarrier.arrive $0xFFFF  }
0x3ce: {  	_ =	strace $0x9000004A  }
0x3cf: {  	s0 =	stileid.u32;
	[bflag:$0x2] =	sbarrier.arrive $0xFFFF  }
0x3d0: {  	p0 =	sne.s32 s0, $0x0;
	s0 =	rddreg [dreg:$0x2]  }
0x3d1: {  	s0 =	sadd.s32 @!p0 $0x100000, s0  }
0x3d2: {  	[sflag:s0] =	ssyncadd.tile.s32 @!p0 $0x1;
	_ =	shalt  }
.Lfunc_end2:
_tile_overlayer_lowered:
.L_overlay_start_2:
0x3d3: {  	(tag) =	ssettag $0x2  }
0x3d4: {  	s0 =	rddreg [dreg:$0x0];
	s2 =	stileid.u32  }
0x3d5: {  	s1 =	rddreg [dreg:$0x1];
	p0 =	sne.s32 s2, $0x0  }
0x3d6: {  	s3 =	rddreg [dreg:$0x2];
	[bflag:$0x3] =	sbarrier.arrive $0xFFFF;
	s2 =	simm.s32 @!p0 $0x1C07  }
0x3d7: {  	[timem:s3], [sflag:s2] =	dma.local @!p0 [hbm:s0], s1  }
0x3d8: {  	s0 =	simm.s32 @!p0 $0x7  }
0x3d9: {  	_ =	swait.ge @!p0 [sflag:s0], s1  }
0x3da: {  	s1 =	ssub.s32 @!p0 $0x0, s1;
	[sflag:s0] =	ssyncset.done @!p0 $0x0  }
0x3db: {  	[sflag:s0] =	ssyncadd.s32 @!p0 s1  }
0x3dc: {  	[bflag:$0x3] =	sbarrier.arrive $0xFFFF  }
0x3dd: {  	_ =	shalt  }

</sc_bundles>
